<compile_context>
chip_gen: v7x
topology: tpu7x:2x2x1
jax: 0.10.2.dev20260603
libtpu: 0.0.44.dev20260713+nightly
codegen_flags: <defaults>
</compile_context>

<pallas_src>
import functools

import jax
import jax.numpy as jnp
from jax import lax
from jax.experimental import pallas as pl
from jax.experimental.pallas import tpu as pltpu
from jax.experimental.pallas import tpu_sc as plsc

V = 100000
D = 32
B = 16384
NT = 10
NC = 2
NS = 16
NW = NC * NS
BPW = B // NW
CL = 128
CH = BPW // CL
NBUF = 8

_mesh = plsc.VectorSubcoreMesh(core_axis_name="c", subcore_axis_name="s")


@functools.partial(
    pl.kernel,
    out_type=jax.ShapeDtypeStruct((B, NT * D), jnp.float32),
    mesh=_mesh,
    compiler_params=pltpu.CompilerParams(use_tc_tiling_on_sc=False),
    scratch_types=(
        [pltpu.VMEM((NT, CH, CL), jnp.int32),
         pltpu.VMEM((NBUF, CL, D), jnp.float32)]
        + [pltpu.SemaphoreType.DMA] * (2 * NBUF)
    ),
)
def _emb_lookup(xr_hbm, t0, t1, t2, t3, t4, t5, t6, t7, t8, t9, out_hbm,
                idx_v, rows_v, *sems):
    wid = lax.axis_index("s") * NC + lax.axis_index("c")
    base = wid * BPW
    pltpu.sync_copy(xr_hbm.at[wid], idx_v)

    tables = [t0, t1, t2, t3, t4, t5, t6, t7, t8, t9]
    gsems = sems[:NBUF]
    ssems = sems[NBUF:]
    chunks = [(i, c) for i in range(NT) for c in range(CH)]
    n = len(chunks)
    gh = [None] * n
    sh = [None] * n

    def start_gather(k):
        i, c = chunks[k]
        b = k % NBUF
        gh[k] = pltpu.async_copy(
            tables[i].at[idx_v.at[i, c]], rows_v.at[b], gsems[b])

    for k in range(min(NBUF, n)):
        start_gather(k)
    for k in range(n):
        i, c = chunks[k]
        b = k % NBUF
        gh[k].wait()
        sh[k] = pltpu.async_copy(
            rows_v.at[b],
            out_hbm.at[pl.ds(base + c * CL, CL), pl.ds(i * D, D)],
            ssems[b])
        if k + NBUF < n:
            sh[k].wait()
            start_gather(k + NBUF)
    for k in range(max(0, n - NBUF), n):
        sh[k].wait()


def kernel(x, W_count, W_fans, W_stars, W_hot, W_more, W_profile, W_cute,
           W_list, W_writer, W_photos):
    xr = (x.astype(jnp.int32).T
          .reshape(NT, NW, CH, CL)
          .transpose(1, 0, 2, 3))
    return _emb_lookup(xr, W_count, W_fans, W_stars, W_hot, W_more,
                       W_profile, W_cute, W_list, W_writer, W_photos)

# --- scband reference (transcript-rebuilt; emitter-appended) ---
"""Pipeline reference for scband-yelp-user-28999619183241 (READ-ONLY COPY).

The authoritative reference and input builder live on the scoring server;
editing this copy changes nothing except your own understanding.
"""

import jax, jax.numpy as jnp
import numpy as np

V = 100000
D = 32
B = 16384
TABLE_NAMES = ["W_count", "W_fans", "W_stars", "W_hot", "W_more", "W_profile", "W_cute", "W_list", "W_writer", "W_photos"]


def setup_inputs(seed: int = 0) -> dict:
    key = jax.random.key(seed)
    ks = jax.random.split(key, len(TABLE_NAMES) + 1)
    inp = {"x": jax.random.randint(ks[0], (B, 10), 0, V, dtype=jnp.int64) if jax.config.jax_enable_x64 else jax.random.randint(ks[0], (B, 10), 0, V, dtype=jnp.int32)}
    for i, name in enumerate(TABLE_NAMES):
        inp[name] = jax.random.normal(ks[i + 1], (V, D), dtype=jnp.float32) * 0.05
    return inp


def reference(x, W_count, W_fans, W_stars, W_hot, W_more, W_profile, W_cute, W_list, W_writer, W_photos):
    tables = [W_count, W_fans, W_stars, W_hot, W_more, W_profile, W_cute, W_list, W_writer, W_photos]
    embs = [jnp.take(W, x[:, i], axis=0) for i, W in enumerate(tables)]
    return jnp.concatenate(embs, axis=1)


if False:  # reference __main__ guard neutralized (emitter)
    out = reference(**setup_inputs())
    print(out.shape)

if __name__ == "__main__":
    import jax
    _d = setup_inputs()
    print(jax.jit(kernel)(*tuple(_d.values())))

</pallas_src>

<mosaic_0001>
#map = affine_map<(d0, d1) -> (0, 0, 0, 0)>
#map1 = affine_map<(d0, d1) -> (0, 0)>
module attributes {stable_mosaic.version = 14 : i64} {
  func.func @_emb_lookup(%arg0: i32, %arg1: i32, %arg2: memref<32x10x4x128xi32, #tpu.memory_space<hbm>>, %arg3: memref<100000x32xf32, #tpu.memory_space<hbm>>, %arg4: memref<100000x32xf32, #tpu.memory_space<hbm>>, %arg5: memref<100000x32xf32, #tpu.memory_space<hbm>>, %arg6: memref<100000x32xf32, #tpu.memory_space<hbm>>, %arg7: memref<100000x32xf32, #tpu.memory_space<hbm>>, %arg8: memref<100000x32xf32, #tpu.memory_space<hbm>>, %arg9: memref<100000x32xf32, #tpu.memory_space<hbm>>, %arg10: memref<100000x32xf32, #tpu.memory_space<hbm>>, %arg11: memref<100000x32xf32, #tpu.memory_space<hbm>>, %arg12: memref<100000x32xf32, #tpu.memory_space<hbm>>, %arg13: memref<16384x320xf32, #tpu.memory_space<hbm>>, %arg14: memref<10x4x128xi32, #tpu.memory_space<vmem>>, %arg15: memref<8x128x32xf32, #tpu.memory_space<vmem>>, %arg16: memref<!tpu.dma_semaphore, #tpu.memory_space<semaphore_mem>>, %arg17: memref<!tpu.dma_semaphore, #tpu.memory_space<semaphore_mem>>, %arg18: memref<!tpu.dma_semaphore, #tpu.memory_space<semaphore_mem>>, %arg19: memref<!tpu.dma_semaphore, #tpu.memory_space<semaphore_mem>>, %arg20: memref<!tpu.dma_semaphore, #tpu.memory_space<semaphore_mem>>, %arg21: memref<!tpu.dma_semaphore, #tpu.memory_space<semaphore_mem>>, %arg22: memref<!tpu.dma_semaphore, #tpu.memory_space<semaphore_mem>>, %arg23: memref<!tpu.dma_semaphore, #tpu.memory_space<semaphore_mem>>, %arg24: memref<!tpu.dma_semaphore, #tpu.memory_space<semaphore_mem>>, %arg25: memref<!tpu.dma_semaphore, #tpu.memory_space<semaphore_mem>>, %arg26: memref<!tpu.dma_semaphore, #tpu.memory_space<semaphore_mem>>, %arg27: memref<!tpu.dma_semaphore, #tpu.memory_space<semaphore_mem>>, %arg28: memref<!tpu.dma_semaphore, #tpu.memory_space<semaphore_mem>>, %arg29: memref<!tpu.dma_semaphore, #tpu.memory_space<semaphore_mem>>, %arg30: memref<!tpu.dma_semaphore, #tpu.memory_space<semaphore_mem>>, %arg31: memref<!tpu.dma_semaphore, #tpu.memory_space<semaphore_mem>>) attributes {dimension_semantics = [#tpu.dimension_semantics<core_parallel>, #tpu.dimension_semantics<subcore_parallel>], iteration_bounds = array<i64: 2, 16>, scalar_prefetch = 0 : i64, scratch_operands = 18 : i64, tpu.core_type = #tpu.core_type<sc_vector_subcore>, window_params = [{transform_indices = #map}, {transform_indices = #map1}, {transform_indices = #map1}, {transform_indices = #map1}, {transform_indices = #map1}, {transform_indices = #map1}, {transform_indices = #map1}, {transform_indices = #map1}, {transform_indices = #map1}, {transform_indices = #map1}, {transform_indices = #map1}, {transform_indices = #map1}]} {
    %mul3A = arith.constant 2 : i32
    %mul3A_0 = arith.muli %arg1, %mul3A : i32
    %add3A = arith.addi %mul3A_0, %arg0 : i32
    %mul3A_1 = arith.constant 512 : i32
    %mul3A_2 = arith.muli %add3A, %mul3A_1 : i32
    "tpu.region"() ({
      %run_scoped3A = tpu.sem_alloc : memref<!tpu.dma_semaphore, #tpu.memory_space<semaphore_mem>>
      %dma_start3A_2161 = arith.constant 0 : i32
      %dma_start3A_2162 = arith.constant 0 : i32
      %dma_start3A_2163 = arith.constant 0 : i32
      %dma_start3A_2164 = tpu.memref_slice %arg2[%add3A, %dma_start3A_2161, %dma_start3A_2162, %dma_start3A_2163] : memref<32x10x4x128xi32, #tpu.memory_space<hbm>> -> memref<1x10x4x128xi32, #tpu.memory_space<hbm>>
      %dma_start3A_2165 = tpu.memref_squeeze %dma_start3A_2164 : memref<1x10x4x128xi32, #tpu.memory_space<hbm>> -> memref<10x4x128xi32, #tpu.memory_space<hbm>>
      %dma_start3A_2166 = arith.constant 0 : i32
      %dma_start3A_2167 = arith.constant 0 : i32
      %dma_start3A_2168 = arith.constant 0 : i32
      %dma_start3A_2169 = tpu.memref_slice %arg2[%add3A, %dma_start3A_2166, %dma_start3A_2167, %dma_start3A_2168] : memref<32x10x4x128xi32, #tpu.memory_space<hbm>> -> memref<1x10x4x128xi32, #tpu.memory_space<hbm>>
      %dma_start3A_2170 = tpu.memref_squeeze %dma_start3A_2169 : memref<1x10x4x128xi32, #tpu.memory_space<hbm>> -> memref<10x4x128xi32, #tpu.memory_space<hbm>>
      tpu.enqueue_dma source(%dma_start3A_2170 : memref<10x4x128xi32, #tpu.memory_space<hbm>>) target(%arg14 : memref<10x4x128xi32, #tpu.memory_space<vmem>>) target_semaphore(%run_scoped3A : memref<!tpu.dma_semaphore, #tpu.memory_space<semaphore_mem>>)
      %dma_wait3A_2171 = arith.constant 0 : i32
      %dma_wait3A_2172 = arith.constant 0 : i32
      %dma_wait3A_2173 = arith.constant 0 : i32
      %dma_wait3A_2174 = tpu.memref_slice %arg2[%add3A, %dma_wait3A_2171, %dma_wait3A_2172, %dma_wait3A_2173] : memref<32x10x4x128xi32, #tpu.memory_space<hbm>> -> memref<1x10x4x128xi32, #tpu.memory_space<hbm>>
      %dma_wait3A_2175 = tpu.memref_squeeze %dma_wait3A_2174 : memref<1x10x4x128xi32, #tpu.memory_space<hbm>> -> memref<10x4x128xi32, #tpu.memory_space<hbm>>
      %dma_wait3A_2176 = arith.constant 0 : i32
      %dma_wait3A_2177 = arith.constant 0 : i32
      %dma_wait3A_2178 = arith.constant 0 : i32
      %dma_wait3A_2179 = tpu.memref_slice %arg2[%add3A, %dma_wait3A_2176, %dma_wait3A_2177, %dma_wait3A_2178] : memref<32x10x4x128xi32, #tpu.memory_space<hbm>> -> memref<1x10x4x128xi32, #tpu.memory_space<hbm>>
      %dma_wait3A_2180 = tpu.memref_squeeze %dma_wait3A_2179 : memref<1x10x4x128xi32, #tpu.memory_space<hbm>> -> memref<10x4x128xi32, #tpu.memory_space<hbm>>
      tpu.wait_dma2 semaphore(%run_scoped3A : memref<!tpu.dma_semaphore, #tpu.memory_space<semaphore_mem>>) src(%dma_wait3A_2180 : memref<10x4x128xi32, #tpu.memory_space<hbm>>) dst(%arg14 : memref<10x4x128xi32, #tpu.memory_space<vmem>>)
      tpu.yield
    }) : () -> ()
    %dma_start3A = arith.constant 0 : i32
    %dma_start3A_3 = arith.constant 0 : i32
    %dma_start3A_4 = arith.constant 0 : i32
    %dma_start3A_5 = arith.constant 0 : i32
    %dma_start3A_6 = arith.constant 0 : i32
    %dma_start3A_7 = tpu.memref_slice %arg15[%dma_start3A_4, %dma_start3A_5, %dma_start3A_6] : memref<8x128x32xf32, #tpu.memory_space<vmem>> -> memref<1x128x32xf32, #tpu.memory_space<vmem>>
    %dma_start3A_8 = tpu.memref_squeeze %dma_start3A_7 : memref<1x128x32xf32, #tpu.memory_space<vmem>> -> memref<128x32xf32, #tpu.memory_space<vmem>>
    %dma_start3A_9 = arith.constant 0 : i32
    %dma_start3A_10 = tpu.memref_slice %arg14[%dma_start3A, %dma_start3A_3, %dma_start3A_9] : memref<10x4x128xi32, #tpu.memory_space<vmem>> -> memref<1x1x128xi32, #tpu.memory_space<vmem>>
    %dma_start3A_11 = tpu.memref_squeeze %dma_start3A_10 : memref<1x1x128xi32, #tpu.memory_space<vmem>> -> memref<128xi32, #tpu.memory_space<vmem>>
    %dma_start3A_12 = arith.constant 0 : i32
    %dma_start3A_13 = arith.constant 0 : i32
    %dma_start3A_14 = tpu.memref_slice %arg3[%dma_start3A_12, %dma_start3A_13] : memref<100000x32xf32, #tpu.memory_space<hbm>> -> memref<100000x32xf32, #tpu.memory_space<hbm>>
    tpu.enqueue_indirect_dma source(%dma_start3A_14 : memref<100000x32xf32, #tpu.memory_space<hbm>>) target(%dma_start3A_8 : memref<128x32xf32, #tpu.memory_space<vmem>>) offsets(%dma_start3A_11 : memref<128xi32, #tpu.memory_space<vmem>>) semaphore(%arg16 : memref<!tpu.dma_semaphore, #tpu.memory_space<semaphore_mem>>)
    %dma_start3A_15 = arith.constant 0 : i32
    %dma_start3A_16 = arith.constant 1 : i32
    %dma_start3A_17 = arith.constant 1 : i32
    %dma_start3A_18 = arith.constant 0 : i32
    %dma_start3A_19 = arith.constant 0 : i32
    %dma_start3A_20 = tpu.memref_slice %arg15[%dma_start3A_17, %dma_start3A_18, %dma_start3A_19] : memref<8x128x32xf32, #tpu.memory_space<vmem>> -> memref<1x128x32xf32, #tpu.memory_space<vmem>>
    %dma_start3A_21 = tpu.memref_squeeze %dma_start3A_20 : memref<1x128x32xf32, #tpu.memory_space<vmem>> -> memref<128x32xf32, #tpu.memory_space<vmem>>
    %dma_start3A_22 = arith.constant 0 : i32
    %dma_start3A_23 = tpu.memref_slice %arg14[%dma_start3A_15, %dma_start3A_16, %dma_start3A_22] : memref<10x4x128xi32, #tpu.memory_space<vmem>> -> memref<1x1x128xi32, #tpu.memory_space<vmem>>
    %dma_start3A_24 = tpu.memref_squeeze %dma_start3A_23 : memref<1x1x128xi32, #tpu.memory_space<vmem>> -> memref<128xi32, #tpu.memory_space<vmem>>
    %dma_start3A_25 = arith.constant 0 : i32
    %dma_start3A_26 = arith.constant 0 : i32
    %dma_start3A_27 = tpu.memref_slice %arg3[%dma_start3A_25, %dma_start3A_26] : memref<100000x32xf32, #tpu.memory_space<hbm>> -> memref<100000x32xf32, #tpu.memory_space<hbm>>
    tpu.enqueue_indirect_dma source(%dma_start3A_27 : memref<100000x32xf32, #tpu.memory_space<hbm>>) target(%dma_start3A_21 : memref<128x32xf32, #tpu.memory_space<vmem>>) offsets(%dma_start3A_24 : memref<128xi32, #tpu.memory_space<vmem>>) semaphore(%arg17 : memref<!tpu.dma_semaphore, #tpu.memory_space<semaphore_mem>>)
    %dma_start3A_28 = arith.constant 0 : i32
    %dma_start3A_29 = arith.constant 2 : i32
    %dma_start3A_30 = arith.constant 2 : i32
    %dma_start3A_31 = arith.constant 0 : i32
    %dma_start3A_32 = arith.constant 0 : i32
    %dma_start3A_33 = tpu.memref_slice %arg15[%dma_start3A_30, %dma_start3A_31, %dma_start3A_32] : memref<8x128x32xf32, #tpu.memory_space<vmem>> -> memref<1x128x32xf32, #tpu.memory_space<vmem>>
    %dma_start3A_34 = tpu.memref_squeeze %dma_start3A_33 : memref<1x128x32xf32, #tpu.memory_space<vmem>> -> memref<128x32xf32, #tpu.memory_space<vmem>>
    %dma_start3A_35 = arith.constant 0 : i32
    %dma_start3A_36 = tpu.memref_slice %arg14[%dma_start3A_28, %dma_start3A_29, %dma_start3A_35] : memref<10x4x128xi32, #tpu.memory_space<vmem>> -> memref<1x1x128xi32, #tpu.memory_space<vmem>>
    %dma_start3A_37 = tpu.memref_squeeze %dma_start3A_36 : memref<1x1x128xi32, #tpu.memory_space<vmem>> -> memref<128xi32, #tpu.memory_space<vmem>>
    %dma_start3A_38 = arith.constant 0 : i32
    %dma_start3A_39 = arith.constant 0 : i32
    %dma_start3A_40 = tpu.memref_slice %arg3[%dma_start3A_38, %dma_start3A_39] : memref<100000x32xf32, #tpu.memory_space<hbm>> -> memref<100000x32xf32, #tpu.memory_space<hbm>>
    tpu.enqueue_indirect_dma source(%dma_start3A_40 : memref<100000x32xf32, #tpu.memory_space<hbm>>) target(%dma_start3A_34 : memref<128x32xf32, #tpu.memory_space<vmem>>) offsets(%dma_start3A_37 : memref<128xi32, #tpu.memory_space<vmem>>) semaphore(%arg18 : memref<!tpu.dma_semaphore, #tpu.memory_space<semaphore_mem>>)
    %dma_start3A_41 = arith.constant 0 : i32
    %dma_start3A_42 = arith.constant 3 : i32
    %dma_start3A_43 = arith.constant 3 : i32
    %dma_start3A_44 = arith.constant 0 : i32
    %dma_start3A_45 = arith.constant 0 : i32
    %dma_start3A_46 = tpu.memref_slice %arg15[%dma_start3A_43, %dma_start3A_44, %dma_start3A_45] : memref<8x128x32xf32, #tpu.memory_space<vmem>> -> memref<1x128x32xf32, #tpu.memory_space<vmem>>
    %dma_start3A_47 = tpu.memref_squeeze %dma_start3A_46 : memref<1x128x32xf32, #tpu.memory_space<vmem>> -> memref<128x32xf32, #tpu.memory_space<vmem>>
    %dma_start3A_48 = arith.constant 0 : i32
    %dma_start3A_49 = tpu.memref_slice %arg14[%dma_start3A_41, %dma_start3A_42, %dma_start3A_48] : memref<10x4x128xi32, #tpu.memory_space<vmem>> -> memref<1x1x128xi32, #tpu.memory_space<vmem>>
    %dma_start3A_50 = tpu.memref_squeeze %dma_start3A_49 : memref<1x1x128xi32, #tpu.memory_space<vmem>> -> memref<128xi32, #tpu.memory_space<vmem>>
    %dma_start3A_51 = arith.constant 0 : i32
    %dma_start3A_52 = arith.constant 0 : i32
    %dma_start3A_53 = tpu.memref_slice %arg3[%dma_start3A_51, %dma_start3A_52] : memref<100000x32xf32, #tpu.memory_space<hbm>> -> memref<100000x32xf32, #tpu.memory_space<hbm>>
    tpu.enqueue_indirect_dma source(%dma_start3A_53 : memref<100000x32xf32, #tpu.memory_space<hbm>>) target(%dma_start3A_47 : memref<128x32xf32, #tpu.memory_space<vmem>>) offsets(%dma_start3A_50 : memref<128xi32, #tpu.memory_space<vmem>>) semaphore(%arg19 : memref<!tpu.dma_semaphore, #tpu.memory_space<semaphore_mem>>)
    %dma_start3A_54 = arith.constant 1 : i32
    %dma_start3A_55 = arith.constant 0 : i32
    %dma_start3A_56 = arith.constant 4 : i32
    %dma_start3A_57 = arith.constant 0 : i32
    %dma_start3A_58 = arith.constant 0 : i32
    %dma_start3A_59 = tpu.memref_slice %arg15[%dma_start3A_56, %dma_start3A_57, %dma_start3A_58] : memref<8x128x32xf32, #tpu.memory_space<vmem>> -> memref<1x128x32xf32, #tpu.memory_space<vmem>>
    %dma_start3A_60 = tpu.memref_squeeze %dma_start3A_59 : memref<1x128x32xf32, #tpu.memory_space<vmem>> -> memref<128x32xf32, #tpu.memory_space<vmem>>
    %dma_start3A_61 = arith.constant 0 : i32
    %dma_start3A_62 = tpu.memref_slice %arg14[%dma_start3A_54, %dma_start3A_55, %dma_start3A_61] : memref<10x4x128xi32, #tpu.memory_space<vmem>> -> memref<1x1x128xi32, #tpu.memory_space<vmem>>
    %dma_start3A_63 = tpu.memref_squeeze %dma_start3A_62 : memref<1x1x128xi32, #tpu.memory_space<vmem>> -> memref<128xi32, #tpu.memory_space<vmem>>
    %dma_start3A_64 = arith.constant 0 : i32
    %dma_start3A_65 = arith.constant 0 : i32
    %dma_start3A_66 = tpu.memref_slice %arg4[%dma_start3A_64, %dma_start3A_65] : memref<100000x32xf32, #tpu.memory_space<hbm>> -> memref<100000x32xf32, #tpu.memory_space<hbm>>
    tpu.enqueue_indirect_dma source(%dma_start3A_66 : memref<100000x32xf32, #tpu.memory_space<hbm>>) target(%dma_start3A_60 : memref<128x32xf32, #tpu.memory_space<vmem>>) offsets(%dma_start3A_63 : memref<128xi32, #tpu.memory_space<vmem>>) semaphore(%arg20 : memref<!tpu.dma_semaphore, #tpu.memory_space<semaphore_mem>>)
    %dma_start3A_67 = arith.constant 1 : i32
    %dma_start3A_68 = arith.constant 1 : i32
    %dma_start3A_69 = arith.constant 5 : i32
    %dma_start3A_70 = arith.constant 0 : i32
    %dma_start3A_71 = arith.constant 0 : i32
    %dma_start3A_72 = tpu.memref_slice %arg15[%dma_start3A_69, %dma_start3A_70, %dma_start3A_71] : memref<8x128x32xf32, #tpu.memory_space<vmem>> -> memref<1x128x32xf32, #tpu.memory_space<vmem>>
    %dma_start3A_73 = tpu.memref_squeeze %dma_start3A_72 : memref<1x128x32xf32, #tpu.memory_space<vmem>> -> memref<128x32xf32, #tpu.memory_space<vmem>>
    %dma_start3A_74 = arith.constant 0 : i32
    %dma_start3A_75 = tpu.memref_slice %arg14[%dma_start3A_67, %dma_start3A_68, %dma_start3A_74] : memref<10x4x128xi32, #tpu.memory_space<vmem>> -> memref<1x1x128xi32, #tpu.memory_space<vmem>>
    %dma_start3A_76 = tpu.memref_squeeze %dma_start3A_75 : memref<1x1x128xi32, #tpu.memory_space<vmem>> -> memref<128xi32, #tpu.memory_space<vmem>>
    %dma_start3A_77 = arith.constant 0 : i32
    %dma_start3A_78 = arith.constant 0 : i32
    %dma_start3A_79 = tpu.memref_slice %arg4[%dma_start3A_77, %dma_start3A_78] : memref<100000x32xf32, #tpu.memory_space<hbm>> -> memref<100000x32xf32, #tpu.memory_space<hbm>>
    tpu.enqueue_indirect_dma source(%dma_start3A_79 : memref<100000x32xf32, #tpu.memory_space<hbm>>) target(%dma_start3A_73 : memref<128x32xf32, #tpu.memory_space<vmem>>) offsets(%dma_start3A_76 : memref<128xi32, #tpu.memory_space<vmem>>) semaphore(%arg21 : memref<!tpu.dma_semaphore, #tpu.memory_space<semaphore_mem>>)
    %dma_start3A_80 = arith.constant 1 : i32
    %dma_start3A_81 = arith.constant 2 : i32
    %dma_start3A_82 = arith.constant 6 : i32
    %dma_start3A_83 = arith.constant 0 : i32
    %dma_start3A_84 = arith.constant 0 : i32
    %dma_start3A_85 = tpu.memref_slice %arg15[%dma_start3A_82, %dma_start3A_83, %dma_start3A_84] : memref<8x128x32xf32, #tpu.memory_space<vmem>> -> memref<1x128x32xf32, #tpu.memory_space<vmem>>
    %dma_start3A_86 = tpu.memref_squeeze %dma_start3A_85 : memref<1x128x32xf32, #tpu.memory_space<vmem>> -> memref<128x32xf32, #tpu.memory_space<vmem>>
    %dma_start3A_87 = arith.constant 0 : i32
    %dma_start3A_88 = tpu.memref_slice %arg14[%dma_start3A_80, %dma_start3A_81, %dma_start3A_87] : memref<10x4x128xi32, #tpu.memory_space<vmem>> -> memref<1x1x128xi32, #tpu.memory_space<vmem>>
    %dma_start3A_89 = tpu.memref_squeeze %dma_start3A_88 : memref<1x1x128xi32, #tpu.memory_space<vmem>> -> memref<128xi32, #tpu.memory_space<vmem>>
    %dma_start3A_90 = arith.constant 0 : i32
    %dma_start3A_91 = arith.constant 0 : i32
    %dma_start3A_92 = tpu.memref_slice %arg4[%dma_start3A_90, %dma_start3A_91] : memref<100000x32xf32, #tpu.memory_space<hbm>> -> memref<100000x32xf32, #tpu.memory_space<hbm>>
    tpu.enqueue_indirect_dma source(%dma_start3A_92 : memref<100000x32xf32, #tpu.memory_space<hbm>>) target(%dma_start3A_86 : memref<128x32xf32, #tpu.memory_space<vmem>>) offsets(%dma_start3A_89 : memref<128xi32, #tpu.memory_space<vmem>>) semaphore(%arg22 : memref<!tpu.dma_semaphore, #tpu.memory_space<semaphore_mem>>)
    %dma_start3A_93 = arith.constant 1 : i32
    %dma_start3A_94 = arith.constant 3 : i32
    %dma_start3A_95 = arith.constant 7 : i32
    %dma_start3A_96 = arith.constant 0 : i32
    %dma_start3A_97 = arith.constant 0 : i32
    %dma_start3A_98 = tpu.memref_slice %arg15[%dma_start3A_95, %dma_start3A_96, %dma_start3A_97] : memref<8x128x32xf32, #tpu.memory_space<vmem>> -> memref<1x128x32xf32, #tpu.memory_space<vmem>>
    %dma_start3A_99 = tpu.memref_squeeze %dma_start3A_98 : memref<1x128x32xf32, #tpu.memory_space<vmem>> -> memref<128x32xf32, #tpu.memory_space<vmem>>
    %dma_start3A_100 = arith.constant 0 : i32
    %dma_start3A_101 = tpu.memref_slice %arg14[%dma_start3A_93, %dma_start3A_94, %dma_start3A_100] : memref<10x4x128xi32, #tpu.memory_space<vmem>> -> memref<1x1x128xi32, #tpu.memory_space<vmem>>
    %dma_start3A_102 = tpu.memref_squeeze %dma_start3A_101 : memref<1x1x128xi32, #tpu.memory_space<vmem>> -> memref<128xi32, #tpu.memory_space<vmem>>
    %dma_start3A_103 = arith.constant 0 : i32
    %dma_start3A_104 = arith.constant 0 : i32
    %dma_start3A_105 = tpu.memref_slice %arg4[%dma_start3A_103, %dma_start3A_104] : memref<100000x32xf32, #tpu.memory_space<hbm>> -> memref<100000x32xf32, #tpu.memory_space<hbm>>
    tpu.enqueue_indirect_dma source(%dma_start3A_105 : memref<100000x32xf32, #tpu.memory_space<hbm>>) target(%dma_start3A_99 : memref<128x32xf32, #tpu.memory_space<vmem>>) offsets(%dma_start3A_102 : memref<128xi32, #tpu.memory_space<vmem>>) semaphore(%arg23 : memref<!tpu.dma_semaphore, #tpu.memory_space<semaphore_mem>>)
    %dma_wait3A = arith.constant 0 : i32
    %dma_wait3A_106 = arith.constant 0 : i32
    %dma_wait3A_107 = arith.constant 0 : i32
    %dma_wait3A_108 = arith.constant 0 : i32
    %dma_wait3A_109 = arith.constant 0 : i32
    %dma_wait3A_110 = tpu.memref_slice %arg15[%dma_wait3A_107, %dma_wait3A_108, %dma_wait3A_109] : memref<8x128x32xf32, #tpu.memory_space<vmem>> -> memref<1x128x32xf32, #tpu.memory_space<vmem>>
    %dma_wait3A_111 = tpu.memref_squeeze %dma_wait3A_110 : memref<1x128x32xf32, #tpu.memory_space<vmem>> -> memref<128x32xf32, #tpu.memory_space<vmem>>
    %dma_wait3A_112 = arith.constant 0 : i32
    %dma_wait3A_113 = tpu.memref_slice %arg14[%dma_wait3A, %dma_wait3A_106, %dma_wait3A_112] : memref<10x4x128xi32, #tpu.memory_space<vmem>> -> memref<1x1x128xi32, #tpu.memory_space<vmem>>
    %dma_wait3A_114 = tpu.memref_squeeze %dma_wait3A_113 : memref<1x1x128xi32, #tpu.memory_space<vmem>> -> memref<128xi32, #tpu.memory_space<vmem>>
    %dma_wait3A_115 = arith.constant 0 : i32
    %dma_wait3A_116 = arith.constant 0 : i32
    %dma_wait3A_117 = tpu.memref_slice %arg3[%dma_wait3A_115, %dma_wait3A_116] : memref<100000x32xf32, #tpu.memory_space<hbm>> -> memref<100000x32xf32, #tpu.memory_space<hbm>>
    tpu.wait_indirect_dma semaphore(%arg16 : memref<!tpu.dma_semaphore, #tpu.memory_space<semaphore_mem>>) src(%dma_wait3A_117 : memref<100000x32xf32, #tpu.memory_space<hbm>>) dst(%dma_wait3A_111 : memref<128x32xf32, #tpu.memory_space<vmem>>)
    %add3A_118 = arith.constant 0 : i32
    %add3A_119 = arith.addi %mul3A_2, %add3A_118 : i32
    %dma_start3A_120 = arith.constant 0 : i32
    %dma_start3A_121 = arith.constant 0 : i32
    %dma_start3A_122 = arith.constant 0 : i32
    %dma_start3A_123 = tpu.memref_slice %arg15[%dma_start3A_120, %dma_start3A_121, %dma_start3A_122] : memref<8x128x32xf32, #tpu.memory_space<vmem>> -> memref<1x128x32xf32, #tpu.memory_space<vmem>>
    %dma_start3A_124 = tpu.memref_squeeze %dma_start3A_123 : memref<1x128x32xf32, #tpu.memory_space<vmem>> -> memref<128x32xf32, #tpu.memory_space<vmem>>
    %dma_start3A_125 = arith.constant 0 : i32
    %dma_start3A_126 = tpu.memref_slice %arg13[%add3A_119, %dma_start3A_125] : memref<16384x320xf32, #tpu.memory_space<hbm>> -> memref<128x32xf32, #tpu.memory_space<hbm>>
    %dma_start3A_127 = arith.constant 0 : i32
    %dma_start3A_128 = tpu.memref_slice %arg13[%add3A_119, %dma_start3A_127] : memref<16384x320xf32, #tpu.memory_space<hbm>> -> memref<128x32xf32, #tpu.memory_space<hbm>>
    %dma_start3A_129 = arith.constant 0 : i32
    %dma_start3A_130 = arith.constant 0 : i32
    %dma_start3A_131 = tpu.memref_slice %arg15[%dma_start3A_120, %dma_start3A_129, %dma_start3A_130] : memref<8x128x32xf32, #tpu.memory_space<vmem>> -> memref<1x128x32xf32, #tpu.memory_space<vmem>>
    %dma_start3A_132 = tpu.memref_squeeze %dma_start3A_131 : memref<1x128x32xf32, #tpu.memory_space<vmem>> -> memref<128x32xf32, #tpu.memory_space<vmem>>
    tpu.enqueue_dma source(%dma_start3A_132 : memref<128x32xf32, #tpu.memory_space<vmem>>) target(%dma_start3A_128 : memref<128x32xf32, #tpu.memory_space<hbm>>) target_semaphore(%arg24 : memref<!tpu.dma_semaphore, #tpu.memory_space<semaphore_mem>>)
    %dma_wait3A_133 = arith.constant 0 : i32
    %dma_wait3A_134 = arith.constant 0 : i32
    %dma_wait3A_135 = arith.constant 0 : i32
    %dma_wait3A_136 = tpu.memref_slice %arg15[%dma_wait3A_133, %dma_wait3A_134, %dma_wait3A_135] : memref<8x128x32xf32, #tpu.memory_space<vmem>> -> memref<1x128x32xf32, #tpu.memory_space<vmem>>
    %dma_wait3A_137 = tpu.memref_squeeze %dma_wait3A_136 : memref<1x128x32xf32, #tpu.memory_space<vmem>> -> memref<128x32xf32, #tpu.memory_space<vmem>>
    %dma_wait3A_138 = arith.constant 0 : i32
    %dma_wait3A_139 = tpu.memref_slice %arg13[%add3A_119, %dma_wait3A_138] : memref<16384x320xf32, #tpu.memory_space<hbm>> -> memref<128x32xf32, #tpu.memory_space<hbm>>
    %dma_wait3A_140 = arith.constant 0 : i32
    %dma_wait3A_141 = tpu.memref_slice %arg13[%add3A_119, %dma_wait3A_140] : memref<16384x320xf32, #tpu.memory_space<hbm>> -> memref<128x32xf32, #tpu.memory_space<hbm>>
    %dma_wait3A_142 = arith.constant 0 : i32
    %dma_wait3A_143 = arith.constant 0 : i32
    %dma_wait3A_144 = tpu.memref_slice %arg15[%dma_wait3A_133, %dma_wait3A_142, %dma_wait3A_143] : memref<8x128x32xf32, #tpu.memory_space<vmem>> -> memref<1x128x32xf32, #tpu.memory_space<vmem>>
    %dma_wait3A_145 = tpu.memref_squeeze %dma_wait3A_144 : memref<1x128x32xf32, #tpu.memory_space<vmem>> -> memref<128x32xf32, #tpu.memory_space<vmem>>
    tpu.wait_dma2 semaphore(%arg24 : memref<!tpu.dma_semaphore, #tpu.memory_space<semaphore_mem>>) src(%dma_wait3A_145 : memref<128x32xf32, #tpu.memory_space<vmem>>) dst(%dma_wait3A_141 : memref<128x32xf32, #tpu.memory_space<hbm>>)
    %dma_start3A_146 = arith.constant 2 : i32
    %dma_start3A_147 = arith.constant 0 : i32
    %dma_start3A_148 = arith.constant 0 : i32
    %dma_start3A_149 = arith.constant 0 : i32
    %dma_start3A_150 = arith.constant 0 : i32
    %dma_start3A_151 = tpu.memref_slice %arg15[%dma_start3A_148, %dma_start3A_149, %dma_start3A_150] : memref<8x128x32xf32, #tpu.memory_space<vmem>> -> memref<1x128x32xf32, #tpu.memory_space<vmem>>
    %dma_start3A_152 = tpu.memref_squeeze %dma_start3A_151 : memref<1x128x32xf32, #tpu.memory_space<vmem>> -> memref<128x32xf32, #tpu.memory_space<vmem>>
    %dma_start3A_153 = arith.constant 0 : i32
    %dma_start3A_154 = tpu.memref_slice %arg14[%dma_start3A_146, %dma_start3A_147, %dma_start3A_153] : memref<10x4x128xi32, #tpu.memory_space<vmem>> -> memref<1x1x128xi32, #tpu.memory_space<vmem>>
    %dma_start3A_155 = tpu.memref_squeeze %dma_start3A_154 : memref<1x1x128xi32, #tpu.memory_space<vmem>> -> memref<128xi32, #tpu.memory_space<vmem>>
    %dma_start3A_156 = arith.constant 0 : i32
    %dma_start3A_157 = arith.constant 0 : i32
    %dma_start3A_158 = tpu.memref_slice %arg5[%dma_start3A_156, %dma_start3A_157] : memref<100000x32xf32, #tpu.memory_space<hbm>> -> memref<100000x32xf32, #tpu.memory_space<hbm>>
    tpu.enqueue_indirect_dma source(%dma_start3A_158 : memref<100000x32xf32, #tpu.memory_space<hbm>>) target(%dma_start3A_152 : memref<128x32xf32, #tpu.memory_space<vmem>>) offsets(%dma_start3A_155 : memref<128xi32, #tpu.memory_space<vmem>>) semaphore(%arg16 : memref<!tpu.dma_semaphore, #tpu.memory_space<semaphore_mem>>)
    %dma_wait3A_159 = arith.constant 0 : i32
    %dma_wait3A_160 = arith.constant 1 : i32
    %dma_wait3A_161 = arith.constant 1 : i32
    %dma_wait3A_162 = arith.constant 0 : i32
    %dma_wait3A_163 = arith.constant 0 : i32
    %dma_wait3A_164 = tpu.memref_slice %arg15[%dma_wait3A_161, %dma_wait3A_162, %dma_wait3A_163] : memref<8x128x32xf32, #tpu.memory_space<vmem>> -> memref<1x128x32xf32, #tpu.memory_space<vmem>>
    %dma_wait3A_165 = tpu.memref_squeeze %dma_wait3A_164 : memref<1x128x32xf32, #tpu.memory_space<vmem>> -> memref<128x32xf32, #tpu.memory_space<vmem>>
    %dma_wait3A_166 = arith.constant 0 : i32
    %dma_wait3A_167 = tpu.memref_slice %arg14[%dma_wait3A_159, %dma_wait3A_160, %dma_wait3A_166] : memref<10x4x128xi32, #tpu.memory_space<vmem>> -> memref<1x1x128xi32, #tpu.memory_space<vmem>>
    %dma_wait3A_168 = tpu.memref_squeeze %dma_wait3A_167 : memref<1x1x128xi32, #tpu.memory_space<vmem>> -> memref<128xi32, #tpu.memory_space<vmem>>
    %dma_wait3A_169 = arith.constant 0 : i32
    %dma_wait3A_170 = arith.constant 0 : i32
    %dma_wait3A_171 = tpu.memref_slice %arg3[%dma_wait3A_169, %dma_wait3A_170] : memref<100000x32xf32, #tpu.memory_space<hbm>> -> memref<100000x32xf32, #tpu.memory_space<hbm>>
    tpu.wait_indirect_dma semaphore(%arg17 : memref<!tpu.dma_semaphore, #tpu.memory_space<semaphore_mem>>) src(%dma_wait3A_171 : memref<100000x32xf32, #tpu.memory_space<hbm>>) dst(%dma_wait3A_165 : memref<128x32xf32, #tpu.memory_space<vmem>>)
    %add3A_172 = arith.constant 128 : i32
    %add3A_173 = arith.addi %mul3A_2, %add3A_172 : i32
    %dma_start3A_174 = arith.constant 1 : i32
    %dma_start3A_175 = arith.constant 0 : i32
    %dma_start3A_176 = arith.constant 0 : i32
    %dma_start3A_177 = tpu.memref_slice %arg15[%dma_start3A_174, %dma_start3A_175, %dma_start3A_176] : memref<8x128x32xf32, #tpu.memory_space<vmem>> -> memref<1x128x32xf32, #tpu.memory_space<vmem>>
    %dma_start3A_178 = tpu.memref_squeeze %dma_start3A_177 : memref<1x128x32xf32, #tpu.memory_space<vmem>> -> memref<128x32xf32, #tpu.memory_space<vmem>>
    %dma_start3A_179 = arith.constant 0 : i32
    %dma_start3A_180 = tpu.memref_slice %arg13[%add3A_173, %dma_start3A_179] : memref<16384x320xf32, #tpu.memory_space<hbm>> -> memref<128x32xf32, #tpu.memory_space<hbm>>
    %dma_start3A_181 = arith.constant 0 : i32
    %dma_start3A_182 = tpu.memref_slice %arg13[%add3A_173, %dma_start3A_181] : memref<16384x320xf32, #tpu.memory_space<hbm>> -> memref<128x32xf32, #tpu.memory_space<hbm>>
    %dma_start3A_183 = arith.constant 0 : i32
    %dma_start3A_184 = arith.constant 0 : i32
    %dma_start3A_185 = tpu.memref_slice %arg15[%dma_start3A_174, %dma_start3A_183, %dma_start3A_184] : memref<8x128x32xf32, #tpu.memory_space<vmem>> -> memref<1x128x32xf32, #tpu.memory_space<vmem>>
    %dma_start3A_186 = tpu.memref_squeeze %dma_start3A_185 : memref<1x128x32xf32, #tpu.memory_space<vmem>> -> memref<128x32xf32, #tpu.memory_space<vmem>>
    tpu.enqueue_dma source(%dma_start3A_186 : memref<128x32xf32, #tpu.memory_space<vmem>>) target(%dma_start3A_182 : memref<128x32xf32, #tpu.memory_space<hbm>>) target_semaphore(%arg25 : memref<!tpu.dma_semaphore, #tpu.memory_space<semaphore_mem>>)
    %dma_wait3A_187 = arith.constant 1 : i32
    %dma_wait3A_188 = arith.constant 0 : i32
    %dma_wait3A_189 = arith.constant 0 : i32
    %dma_wait3A_190 = tpu.memref_slice %arg15[%dma_wait3A_187, %dma_wait3A_188, %dma_wait3A_189] : memref<8x128x32xf32, #tpu.memory_space<vmem>> -> memref<1x128x32xf32, #tpu.memory_space<vmem>>
    %dma_wait3A_191 = tpu.memref_squeeze %dma_wait3A_190 : memref<1x128x32xf32, #tpu.memory_space<vmem>> -> memref<128x32xf32, #tpu.memory_space<vmem>>
    %dma_wait3A_192 = arith.constant 0 : i32
    %dma_wait3A_193 = tpu.memref_slice %arg13[%add3A_173, %dma_wait3A_192] : memref<16384x320xf32, #tpu.memory_space<hbm>> -> memref<128x32xf32, #tpu.memory_space<hbm>>
    %dma_wait3A_194 = arith.constant 0 : i32
    %dma_wait3A_195 = tpu.memref_slice %arg13[%add3A_173, %dma_wait3A_194] : memref<16384x320xf32, #tpu.memory_space<hbm>> -> memref<128x32xf32, #tpu.memory_space<hbm>>
    %dma_wait3A_196 = arith.constant 0 : i32
    %dma_wait3A_197 = arith.constant 0 : i32
    %dma_wait3A_198 = tpu.memref_slice %arg15[%dma_wait3A_187, %dma_wait3A_196, %dma_wait3A_197] : memref<8x128x32xf32, #tpu.memory_space<vmem>> -> memref<1x128x32xf32, #tpu.memory_space<vmem>>
    %dma_wait3A_199 = tpu.memref_squeeze %dma_wait3A_198 : memref<1x128x32xf32, #tpu.memory_space<vmem>> -> memref<128x32xf32, #tpu.memory_space<vmem>>
    tpu.wait_dma2 semaphore(%arg25 : memref<!tpu.dma_semaphore, #tpu.memory_space<semaphore_mem>>) src(%dma_wait3A_199 : memref<128x32xf32, #tpu.memory_space<vmem>>) dst(%dma_wait3A_195 : memref<128x32xf32, #tpu.memory_space<hbm>>)
    %dma_start3A_200 = arith.constant 2 : i32
    %dma_start3A_201 = arith.constant 1 : i32
    %dma_start3A_202 = arith.constant 1 : i32
    %dma_start3A_203 = arith.constant 0 : i32
    %dma_start3A_204 = arith.constant 0 : i32
    %dma_start3A_205 = tpu.memref_slice %arg15[%dma_start3A_202, %dma_start3A_203, %dma_start3A_204] : memref<8x128x32xf32, #tpu.memory_space<vmem>> -> memref<1x128x32xf32, #tpu.memory_space<vmem>>
    %dma_start3A_206 = tpu.memref_squeeze %dma_start3A_205 : memref<1x128x32xf32, #tpu.memory_space<vmem>> -> memref<128x32xf32, #tpu.memory_space<vmem>>
    %dma_start3A_207 = arith.constant 0 : i32
    %dma_start3A_208 = tpu.memref_slice %arg14[%dma_start3A_200, %dma_start3A_201, %dma_start3A_207] : memref<10x4x128xi32, #tpu.memory_space<vmem>> -> memref<1x1x128xi32, #tpu.memory_space<vmem>>
    %dma_start3A_209 = tpu.memref_squeeze %dma_start3A_208 : memref<1x1x128xi32, #tpu.memory_space<vmem>> -> memref<128xi32, #tpu.memory_space<vmem>>
    %dma_start3A_210 = arith.constant 0 : i32
    %dma_start3A_211 = arith.constant 0 : i32
    %dma_start3A_212 = tpu.memref_slice %arg5[%dma_start3A_210, %dma_start3A_211] : memref<100000x32xf32, #tpu.memory_space<hbm>> -> memref<100000x32xf32, #tpu.memory_space<hbm>>
    tpu.enqueue_indirect_dma source(%dma_start3A_212 : memref<100000x32xf32, #tpu.memory_space<hbm>>) target(%dma_start3A_206 : memref<128x32xf32, #tpu.memory_space<vmem>>) offsets(%dma_start3A_209 : memref<128xi32, #tpu.memory_space<vmem>>) semaphore(%arg17 : memref<!tpu.dma_semaphore, #tpu.memory_space<semaphore_mem>>)
    %dma_wait3A_213 = arith.constant 0 : i32
    %dma_wait3A_214 = arith.constant 2 : i32
    %dma_wait3A_215 = arith.constant 2 : i32
    %dma_wait3A_216 = arith.constant 0 : i32
    %dma_wait3A_217 = arith.constant 0 : i32
    %dma_wait3A_218 = tpu.memref_slice %arg15[%dma_wait3A_215, %dma_wait3A_216, %dma_wait3A_217] : memref<8x128x32xf32, #tpu.memory_space<vmem>> -> memref<1x128x32xf32, #tpu.memory_space<vmem>>
    %dma_wait3A_219 = tpu.memref_squeeze %dma_wait3A_218 : memref<1x128x32xf32, #tpu.memory_space<vmem>> -> memref<128x32xf32, #tpu.memory_space<vmem>>
    %dma_wait3A_220 = arith.constant 0 : i32
    %dma_wait3A_221 = tpu.memref_slice %arg14[%dma_wait3A_213, %dma_wait3A_214, %dma_wait3A_220] : memref<10x4x128xi32, #tpu.memory_space<vmem>> -> memref<1x1x128xi32, #tpu.memory_space<vmem>>
    %dma_wait3A_222 = tpu.memref_squeeze %dma_wait3A_221 : memref<1x1x128xi32, #tpu.memory_space<vmem>> -> memref<128xi32, #tpu.memory_space<vmem>>
    %dma_wait3A_223 = arith.constant 0 : i32
    %dma_wait3A_224 = arith.constant 0 : i32
    %dma_wait3A_225 = tpu.memref_slice %arg3[%dma_wait3A_223, %dma_wait3A_224] : memref<100000x32xf32, #tpu.memory_space<hbm>> -> memref<100000x32xf32, #tpu.memory_space<hbm>>
    tpu.wait_indirect_dma semaphore(%arg18 : memref<!tpu.dma_semaphore, #tpu.memory_space<semaphore_mem>>) src(%dma_wait3A_225 : memref<100000x32xf32, #tpu.memory_space<hbm>>) dst(%dma_wait3A_219 : memref<128x32xf32, #tpu.memory_space<vmem>>)
    %add3A_226 = arith.constant 256 : i32
    %add3A_227 = arith.addi %mul3A_2, %add3A_226 : i32
    %dma_start3A_228 = arith.constant 2 : i32
    %dma_start3A_229 = arith.constant 0 : i32
    %dma_start3A_230 = arith.constant 0 : i32
    %dma_start3A_231 = tpu.memref_slice %arg15[%dma_start3A_228, %dma_start3A_229, %dma_start3A_230] : memref<8x128x32xf32, #tpu.memory_space<vmem>> -> memref<1x128x32xf32, #tpu.memory_space<vmem>>
    %dma_start3A_232 = tpu.memref_squeeze %dma_start3A_231 : memref<1x128x32xf32, #tpu.memory_space<vmem>> -> memref<128x32xf32, #tpu.memory_space<vmem>>
    %dma_start3A_233 = arith.constant 0 : i32
    %dma_start3A_234 = tpu.memref_slice %arg13[%add3A_227, %dma_start3A_233] : memref<16384x320xf32, #tpu.memory_space<hbm>> -> memref<128x32xf32, #tpu.memory_space<hbm>>
    %dma_start3A_235 = arith.constant 0 : i32
    %dma_start3A_236 = tpu.memref_slice %arg13[%add3A_227, %dma_start3A_235] : memref<16384x320xf32, #tpu.memory_space<hbm>> -> memref<128x32xf32, #tpu.memory_space<hbm>>
    %dma_start3A_237 = arith.constant 0 : i32
    %dma_start3A_238 = arith.constant 0 : i32
    %dma_start3A_239 = tpu.memref_slice %arg15[%dma_start3A_228, %dma_start3A_237, %dma_start3A_238] : memref<8x128x32xf32, #tpu.memory_space<vmem>> -> memref<1x128x32xf32, #tpu.memory_space<vmem>>
    %dma_start3A_240 = tpu.memref_squeeze %dma_start3A_239 : memref<1x128x32xf32, #tpu.memory_space<vmem>> -> memref<128x32xf32, #tpu.memory_space<vmem>>
    tpu.enqueue_dma source(%dma_start3A_240 : memref<128x32xf32, #tpu.memory_space<vmem>>) target(%dma_start3A_236 : memref<128x32xf32, #tpu.memory_space<hbm>>) target_semaphore(%arg26 : memref<!tpu.dma_semaphore, #tpu.memory_space<semaphore_mem>>)
    %dma_wait3A_241 = arith.constant 2 : i32
    %dma_wait3A_242 = arith.constant 0 : i32
    %dma_wait3A_243 = arith.constant 0 : i32
    %dma_wait3A_244 = tpu.memref_slice %arg15[%dma_wait3A_241, %dma_wait3A_242, %dma_wait3A_243] : memref<8x128x32xf32, #tpu.memory_space<vmem>> -> memref<1x128x32xf32, #tpu.memory_space<vmem>>
    %dma_wait3A_245 = tpu.memref_squeeze %dma_wait3A_244 : memref<1x128x32xf32, #tpu.memory_space<vmem>> -> memref<128x32xf32, #tpu.memory_space<vmem>>
    %dma_wait3A_246 = arith.constant 0 : i32
    %dma_wait3A_247 = tpu.memref_slice %arg13[%add3A_227, %dma_wait3A_246] : memref<16384x320xf32, #tpu.memory_space<hbm>> -> memref<128x32xf32, #tpu.memory_space<hbm>>
    %dma_wait3A_248 = arith.constant 0 : i32
    %dma_wait3A_249 = tpu.memref_slice %arg13[%add3A_227, %dma_wait3A_248] : memref<16384x320xf32, #tpu.memory_space<hbm>> -> memref<128x32xf32, #tpu.memory_space<hbm>>
    %dma_wait3A_250 = arith.constant 0 : i32
    %dma_wait3A_251 = arith.constant 0 : i32
    %dma_wait3A_252 = tpu.memref_slice %arg15[%dma_wait3A_241, %dma_wait3A_250, %dma_wait3A_251] : memref<8x128x32xf32, #tpu.memory_space<vmem>> -> memref<1x128x32xf32, #tpu.memory_space<vmem>>
    %dma_wait3A_253 = tpu.memref_squeeze %dma_wait3A_252 : memref<1x128x32xf32, #tpu.memory_space<vmem>> -> memref<128x32xf32, #tpu.memory_space<vmem>>
    tpu.wait_dma2 semaphore(%arg26 : memref<!tpu.dma_semaphore, #tpu.memory_space<semaphore_mem>>) src(%dma_wait3A_253 : memref<128x32xf32, #tpu.memory_space<vmem>>) dst(%dma_wait3A_249 : memref<128x32xf32, #tpu.memory_space<hbm>>)
    %dma_start3A_254 = arith.constant 2 : i32
    %dma_start3A_255 = arith.constant 2 : i32
    %dma_start3A_256 = arith.constant 2 : i32
    %dma_start3A_257 = arith.constant 0 : i32
    %dma_start3A_258 = arith.constant 0 : i32
    %dma_start3A_259 = tpu.memref_slice %arg15[%dma_start3A_256, %dma_start3A_257, %dma_start3A_258] : memref<8x128x32xf32, #tpu.memory_space<vmem>> -> memref<1x128x32xf32, #tpu.memory_space<vmem>>
    %dma_start3A_260 = tpu.memref_squeeze %dma_start3A_259 : memref<1x128x32xf32, #tpu.memory_space<vmem>> -> memref<128x32xf32, #tpu.memory_space<vmem>>
    %dma_start3A_261 = arith.constant 0 : i32
    %dma_start3A_262 = tpu.memref_slice %arg14[%dma_start3A_254, %dma_start3A_255, %dma_start3A_261] : memref<10x4x128xi32, #tpu.memory_space<vmem>> -> memref<1x1x128xi32, #tpu.memory_space<vmem>>
    %dma_start3A_263 = tpu.memref_squeeze %dma_start3A_262 : memref<1x1x128xi32, #tpu.memory_space<vmem>> -> memref<128xi32, #tpu.memory_space<vmem>>
    %dma_start3A_264 = arith.constant 0 : i32
    %dma_start3A_265 = arith.constant 0 : i32
    %dma_start3A_266 = tpu.memref_slice %arg5[%dma_start3A_264, %dma_start3A_265] : memref<100000x32xf32, #tpu.memory_space<hbm>> -> memref<100000x32xf32, #tpu.memory_space<hbm>>
    tpu.enqueue_indirect_dma source(%dma_start3A_266 : memref<100000x32xf32, #tpu.memory_space<hbm>>) target(%dma_start3A_260 : memref<128x32xf32, #tpu.memory_space<vmem>>) offsets(%dma_start3A_263 : memref<128xi32, #tpu.memory_space<vmem>>) semaphore(%arg18 : memref<!tpu.dma_semaphore, #tpu.memory_space<semaphore_mem>>)
    %dma_wait3A_267 = arith.constant 0 : i32
    %dma_wait3A_268 = arith.constant 3 : i32
    %dma_wait3A_269 = arith.constant 3 : i32
    %dma_wait3A_270 = arith.constant 0 : i32
    %dma_wait3A_271 = arith.constant 0 : i32
    %dma_wait3A_272 = tpu.memref_slice %arg15[%dma_wait3A_269, %dma_wait3A_270, %dma_wait3A_271] : memref<8x128x32xf32, #tpu.memory_space<vmem>> -> memref<1x128x32xf32, #tpu.memory_space<vmem>>
    %dma_wait3A_273 = tpu.memref_squeeze %dma_wait3A_272 : memref<1x128x32xf32, #tpu.memory_space<vmem>> -> memref<128x32xf32, #tpu.memory_space<vmem>>
    %dma_wait3A_274 = arith.constant 0 : i32
    %dma_wait3A_275 = tpu.memref_slice %arg14[%dma_wait3A_267, %dma_wait3A_268, %dma_wait3A_274] : memref<10x4x128xi32, #tpu.memory_space<vmem>> -> memref<1x1x128xi32, #tpu.memory_space<vmem>>
    %dma_wait3A_276 = tpu.memref_squeeze %dma_wait3A_275 : memref<1x1x128xi32, #tpu.memory_space<vmem>> -> memref<128xi32, #tpu.memory_space<vmem>>
    %dma_wait3A_277 = arith.constant 0 : i32
    %dma_wait3A_278 = arith.constant 0 : i32
    %dma_wait3A_279 = tpu.memref_slice %arg3[%dma_wait3A_277, %dma_wait3A_278] : memref<100000x32xf32, #tpu.memory_space<hbm>> -> memref<100000x32xf32, #tpu.memory_space<hbm>>
    tpu.wait_indirect_dma semaphore(%arg19 : memref<!tpu.dma_semaphore, #tpu.memory_space<semaphore_mem>>) src(%dma_wait3A_279 : memref<100000x32xf32, #tpu.memory_space<hbm>>) dst(%dma_wait3A_273 : memref<128x32xf32, #tpu.memory_space<vmem>>)
    %add3A_280 = arith.constant 384 : i32
    %add3A_281 = arith.addi %mul3A_2, %add3A_280 : i32
    %dma_start3A_282 = arith.constant 3 : i32
    %dma_start3A_283 = arith.constant 0 : i32
    %dma_start3A_284 = arith.constant 0 : i32
    %dma_start3A_285 = tpu.memref_slice %arg15[%dma_start3A_282, %dma_start3A_283, %dma_start3A_284] : memref<8x128x32xf32, #tpu.memory_space<vmem>> -> memref<1x128x32xf32, #tpu.memory_space<vmem>>
    %dma_start3A_286 = tpu.memref_squeeze %dma_start3A_285 : memref<1x128x32xf32, #tpu.memory_space<vmem>> -> memref<128x32xf32, #tpu.memory_space<vmem>>
    %dma_start3A_287 = arith.constant 0 : i32
    %dma_start3A_288 = tpu.memref_slice %arg13[%add3A_281, %dma_start3A_287] : memref<16384x320xf32, #tpu.memory_space<hbm>> -> memref<128x32xf32, #tpu.memory_space<hbm>>
    %dma_start3A_289 = arith.constant 0 : i32
    %dma_start3A_290 = tpu.memref_slice %arg13[%add3A_281, %dma_start3A_289] : memref<16384x320xf32, #tpu.memory_space<hbm>> -> memref<128x32xf32, #tpu.memory_space<hbm>>
    %dma_start3A_291 = arith.constant 0 : i32
    %dma_start3A_292 = arith.constant 0 : i32
    %dma_start3A_293 = tpu.memref_slice %arg15[%dma_start3A_282, %dma_start3A_291, %dma_start3A_292] : memref<8x128x32xf32, #tpu.memory_space<vmem>> -> memref<1x128x32xf32, #tpu.memory_space<vmem>>
    %dma_start3A_294 = tpu.memref_squeeze %dma_start3A_293 : memref<1x128x32xf32, #tpu.memory_space<vmem>> -> memref<128x32xf32, #tpu.memory_space<vmem>>
    tpu.enqueue_dma source(%dma_start3A_294 : memref<128x32xf32, #tpu.memory_space<vmem>>) target(%dma_start3A_290 : memref<128x32xf32, #tpu.memory_space<hbm>>) target_semaphore(%arg27 : memref<!tpu.dma_semaphore, #tpu.memory_space<semaphore_mem>>)
    %dma_wait3A_295 = arith.constant 3 : i32
    %dma_wait3A_296 = arith.constant 0 : i32
    %dma_wait3A_297 = arith.constant 0 : i32
    %dma_wait3A_298 = tpu.memref_slice %arg15[%dma_wait3A_295, %dma_wait3A_296, %dma_wait3A_297] : memref<8x128x32xf32, #tpu.memory_space<vmem>> -> memref<1x128x32xf32, #tpu.memory_space<vmem>>
    %dma_wait3A_299 = tpu.memref_squeeze %dma_wait3A_298 : memref<1x128x32xf32, #tpu.memory_space<vmem>> -> memref<128x32xf32, #tpu.memory_space<vmem>>
    %dma_wait3A_300 = arith.constant 0 : i32
    %dma_wait3A_301 = tpu.memref_slice %arg13[%add3A_281, %dma_wait3A_300] : memref<16384x320xf32, #tpu.memory_space<hbm>> -> memref<128x32xf32, #tpu.memory_space<hbm>>
    %dma_wait3A_302 = arith.constant 0 : i32
    %dma_wait3A_303 = tpu.memref_slice %arg13[%add3A_281, %dma_wait3A_302] : memref<16384x320xf32, #tpu.memory_space<hbm>> -> memref<128x32xf32, #tpu.memory_space<hbm>>
    %dma_wait3A_304 = arith.constant 0 : i32
    %dma_wait3A_305 = arith.constant 0 : i32
    %dma_wait3A_306 = tpu.memref_slice %arg15[%dma_wait3A_295, %dma_wait3A_304, %dma_wait3A_305] : memref<8x128x32xf32, #tpu.memory_space<vmem>> -> memref<1x128x32xf32, #tpu.memory_space<vmem>>
    %dma_wait3A_307 = tpu.memref_squeeze %dma_wait3A_306 : memref<1x128x32xf32, #tpu.memory_space<vmem>> -> memref<128x32xf32, #tpu.memory_space<vmem>>
    tpu.wait_dma2 semaphore(%arg27 : memref<!tpu.dma_semaphore, #tpu.memory_space<semaphore_mem>>) src(%dma_wait3A_307 : memref<128x32xf32, #tpu.memory_space<vmem>>) dst(%dma_wait3A_303 : memref<128x32xf32, #tpu.memory_space<hbm>>)
    %dma_start3A_308 = arith.constant 2 : i32
    %dma_start3A_309 = arith.constant 3 : i32
    %dma_start3A_310 = arith.constant 3 : i32
    %dma_start3A_311 = arith.constant 0 : i32
    %dma_start3A_312 = arith.constant 0 : i32
    %dma_start3A_313 = tpu.memref_slice %arg15[%dma_start3A_310, %dma_start3A_311, %dma_start3A_312] : memref<8x128x32xf32, #tpu.memory_space<vmem>> -> memref<1x128x32xf32, #tpu.memory_space<vmem>>
    %dma_start3A_314 = tpu.memref_squeeze %dma_start3A_313 : memref<1x128x32xf32, #tpu.memory_space<vmem>> -> memref<128x32xf32, #tpu.memory_space<vmem>>
    %dma_start3A_315 = arith.constant 0 : i32
    %dma_start3A_316 = tpu.memref_slice %arg14[%dma_start3A_308, %dma_start3A_309, %dma_start3A_315] : memref<10x4x128xi32, #tpu.memory_space<vmem>> -> memref<1x1x128xi32, #tpu.memory_space<vmem>>
    %dma_start3A_317 = tpu.memref_squeeze %dma_start3A_316 : memref<1x1x128xi32, #tpu.memory_space<vmem>> -> memref<128xi32, #tpu.memory_space<vmem>>
    %dma_start3A_318 = arith.constant 0 : i32
    %dma_start3A_319 = arith.constant 0 : i32
    %dma_start3A_320 = tpu.memref_slice %arg5[%dma_start3A_318, %dma_start3A_319] : memref<100000x32xf32, #tpu.memory_space<hbm>> -> memref<100000x32xf32, #tpu.memory_space<hbm>>
    tpu.enqueue_indirect_dma source(%dma_start3A_320 : memref<100000x32xf32, #tpu.memory_space<hbm>>) target(%dma_start3A_314 : memref<128x32xf32, #tpu.memory_space<vmem>>) offsets(%dma_start3A_317 : memref<128xi32, #tpu.memory_space<vmem>>) semaphore(%arg19 : memref<!tpu.dma_semaphore, #tpu.memory_space<semaphore_mem>>)
    %dma_wait3A_321 = arith.constant 1 : i32
    %dma_wait3A_322 = arith.constant 0 : i32
    %dma_wait3A_323 = arith.constant 4 : i32
    %dma_wait3A_324 = arith.constant 0 : i32
    %dma_wait3A_325 = arith.constant 0 : i32
    %dma_wait3A_326 = tpu.memref_slice %arg15[%dma_wait3A_323, %dma_wait3A_324, %dma_wait3A_325] : memref<8x128x32xf32, #tpu.memory_space<vmem>> -> memref<1x128x32xf32, #tpu.memory_space<vmem>>
    %dma_wait3A_327 = tpu.memref_squeeze %dma_wait3A_326 : memref<1x128x32xf32, #tpu.memory_space<vmem>> -> memref<128x32xf32, #tpu.memory_space<vmem>>
    %dma_wait3A_328 = arith.constant 0 : i32
    %dma_wait3A_329 = tpu.memref_slice %arg14[%dma_wait3A_321, %dma_wait3A_322, %dma_wait3A_328] : memref<10x4x128xi32, #tpu.memory_space<vmem>> -> memref<1x1x128xi32, #tpu.memory_space<vmem>>
    %dma_wait3A_330 = tpu.memref_squeeze %dma_wait3A_329 : memref<1x1x128xi32, #tpu.memory_space<vmem>> -> memref<128xi32, #tpu.memory_space<vmem>>
    %dma_wait3A_331 = arith.constant 0 : i32
    %dma_wait3A_332 = arith.constant 0 : i32
    %dma_wait3A_333 = tpu.memref_slice %arg4[%dma_wait3A_331, %dma_wait3A_332] : memref<100000x32xf32, #tpu.memory_space<hbm>> -> memref<100000x32xf32, #tpu.memory_space<hbm>>
    tpu.wait_indirect_dma semaphore(%arg20 : memref<!tpu.dma_semaphore, #tpu.memory_space<semaphore_mem>>) src(%dma_wait3A_333 : memref<100000x32xf32, #tpu.memory_space<hbm>>) dst(%dma_wait3A_327 : memref<128x32xf32, #tpu.memory_space<vmem>>)
    %add3A_334 = arith.constant 0 : i32
    %add3A_335 = arith.addi %mul3A_2, %add3A_334 : i32
    %dma_start3A_336 = arith.constant 4 : i32
    %dma_start3A_337 = arith.constant 0 : i32
    %dma_start3A_338 = arith.constant 0 : i32
    %dma_start3A_339 = tpu.memref_slice %arg15[%dma_start3A_336, %dma_start3A_337, %dma_start3A_338] : memref<8x128x32xf32, #tpu.memory_space<vmem>> -> memref<1x128x32xf32, #tpu.memory_space<vmem>>
    %dma_start3A_340 = tpu.memref_squeeze %dma_start3A_339 : memref<1x128x32xf32, #tpu.memory_space<vmem>> -> memref<128x32xf32, #tpu.memory_space<vmem>>
    %dma_start3A_341 = arith.constant 32 : i32
    %dma_start3A_342 = tpu.memref_slice %arg13[%add3A_335, %dma_start3A_341] : memref<16384x320xf32, #tpu.memory_space<hbm>> -> memref<128x32xf32, #tpu.memory_space<hbm>>
    %dma_start3A_343 = arith.constant 32 : i32
    %dma_start3A_344 = tpu.memref_slice %arg13[%add3A_335, %dma_start3A_343] : memref<16384x320xf32, #tpu.memory_space<hbm>> -> memref<128x32xf32, #tpu.memory_space<hbm>>
    %dma_start3A_345 = arith.constant 0 : i32
    %dma_start3A_346 = arith.constant 0 : i32
    %dma_start3A_347 = tpu.memref_slice %arg15[%dma_start3A_336, %dma_start3A_345, %dma_start3A_346] : memref<8x128x32xf32, #tpu.memory_space<vmem>> -> memref<1x128x32xf32, #tpu.memory_space<vmem>>
    %dma_start3A_348 = tpu.memref_squeeze %dma_start3A_347 : memref<1x128x32xf32, #tpu.memory_space<vmem>> -> memref<128x32xf32, #tpu.memory_space<vmem>>
    tpu.enqueue_dma source(%dma_start3A_348 : memref<128x32xf32, #tpu.memory_space<vmem>>) target(%dma_start3A_344 : memref<128x32xf32, #tpu.memory_space<hbm>>) target_semaphore(%arg28 : memref<!tpu.dma_semaphore, #tpu.memory_space<semaphore_mem>>)
    %dma_wait3A_349 = arith.constant 4 : i32
    %dma_wait3A_350 = arith.constant 0 : i32
    %dma_wait3A_351 = arith.constant 0 : i32
    %dma_wait3A_352 = tpu.memref_slice %arg15[%dma_wait3A_349, %dma_wait3A_350, %dma_wait3A_351] : memref<8x128x32xf32, #tpu.memory_space<vmem>> -> memref<1x128x32xf32, #tpu.memory_space<vmem>>
    %dma_wait3A_353 = tpu.memref_squeeze %dma_wait3A_352 : memref<1x128x32xf32, #tpu.memory_space<vmem>> -> memref<128x32xf32, #tpu.memory_space<vmem>>
    %dma_wait3A_354 = arith.constant 32 : i32
    %dma_wait3A_355 = tpu.memref_slice %arg13[%add3A_335, %dma_wait3A_354] : memref<16384x320xf32, #tpu.memory_space<hbm>> -> memref<128x32xf32, #tpu.memory_space<hbm>>
    %dma_wait3A_356 = arith.constant 32 : i32
    %dma_wait3A_357 = tpu.memref_slice %arg13[%add3A_335, %dma_wait3A_356] : memref<16384x320xf32, #tpu.memory_space<hbm>> -> memref<128x32xf32, #tpu.memory_space<hbm>>
    %dma_wait3A_358 = arith.constant 0 : i32
    %dma_wait3A_359 = arith.constant 0 : i32
    %dma_wait3A_360 = tpu.memref_slice %arg15[%dma_wait3A_349, %dma_wait3A_358, %dma_wait3A_359] : memref<8x128x32xf32, #tpu.memory_space<vmem>> -> memref<1x128x32xf32, #tpu.memory_space<vmem>>
    %dma_wait3A_361 = tpu.memref_squeeze %dma_wait3A_360 : memref<1x128x32xf32, #tpu.memory_space<vmem>> -> memref<128x32xf32, #tpu.memory_space<vmem>>
    tpu.wait_dma2 semaphore(%arg28 : memref<!tpu.dma_semaphore, #tpu.memory_space<semaphore_mem>>) src(%dma_wait3A_361 : memref<128x32xf32, #tpu.memory_space<vmem>>) dst(%dma_wait3A_357 : memref<128x32xf32, #tpu.memory_space<hbm>>)
    %dma_start3A_362 = arith.constant 3 : i32
    %dma_start3A_363 = arith.constant 0 : i32
    %dma_start3A_364 = arith.constant 4 : i32
    %dma_start3A_365 = arith.constant 0 : i32
    %dma_start3A_366 = arith.constant 0 : i32
    %dma_start3A_367 = tpu.memref_slice %arg15[%dma_start3A_364, %dma_start3A_365, %dma_start3A_366] : memref<8x128x32xf32, #tpu.memory_space<vmem>> -> memref<1x128x32xf32, #tpu.memory_space<vmem>>
    %dma_start3A_368 = tpu.memref_squeeze %dma_start3A_367 : memref<1x128x32xf32, #tpu.memory_space<vmem>> -> memref<128x32xf32, #tpu.memory_space<vmem>>
    %dma_start3A_369 = arith.constant 0 : i32
    %dma_start3A_370 = tpu.memref_slice %arg14[%dma_start3A_362, %dma_start3A_363, %dma_start3A_369] : memref<10x4x128xi32, #tpu.memory_space<vmem>> -> memref<1x1x128xi32, #tpu.memory_space<vmem>>
    %dma_start3A_371 = tpu.memref_squeeze %dma_start3A_370 : memref<1x1x128xi32, #tpu.memory_space<vmem>> -> memref<128xi32, #tpu.memory_space<vmem>>
    %dma_start3A_372 = arith.constant 0 : i32
    %dma_start3A_373 = arith.constant 0 : i32
    %dma_start3A_374 = tpu.memref_slice %arg6[%dma_start3A_372, %dma_start3A_373] : memref<100000x32xf32, #tpu.memory_space<hbm>> -> memref<100000x32xf32, #tpu.memory_space<hbm>>
    tpu.enqueue_indirect_dma source(%dma_start3A_374 : memref<100000x32xf32, #tpu.memory_space<hbm>>) target(%dma_start3A_368 : memref<128x32xf32, #tpu.memory_space<vmem>>) offsets(%dma_start3A_371 : memref<128xi32, #tpu.memory_space<vmem>>) semaphore(%arg20 : memref<!tpu.dma_semaphore, #tpu.memory_space<semaphore_mem>>)
    %dma_wait3A_375 = arith.constant 1 : i32
    %dma_wait3A_376 = arith.constant 1 : i32
    %dma_wait3A_377 = arith.constant 5 : i32
    %dma_wait3A_378 = arith.constant 0 : i32
    %dma_wait3A_379 = arith.constant 0 : i32
    %dma_wait3A_380 = tpu.memref_slice %arg15[%dma_wait3A_377, %dma_wait3A_378, %dma_wait3A_379] : memref<8x128x32xf32, #tpu.memory_space<vmem>> -> memref<1x128x32xf32, #tpu.memory_space<vmem>>
    %dma_wait3A_381 = tpu.memref_squeeze %dma_wait3A_380 : memref<1x128x32xf32, #tpu.memory_space<vmem>> -> memref<128x32xf32, #tpu.memory_space<vmem>>
    %dma_wait3A_382 = arith.constant 0 : i32
    %dma_wait3A_383 = tpu.memref_slice %arg14[%dma_wait3A_375, %dma_wait3A_376, %dma_wait3A_382] : memref<10x4x128xi32, #tpu.memory_space<vmem>> -> memref<1x1x128xi32, #tpu.memory_space<vmem>>
    %dma_wait3A_384 = tpu.memref_squeeze %dma_wait3A_383 : memref<1x1x128xi32, #tpu.memory_space<vmem>> -> memref<128xi32, #tpu.memory_space<vmem>>
    %dma_wait3A_385 = arith.constant 0 : i32
    %dma_wait3A_386 = arith.constant 0 : i32
    %dma_wait3A_387 = tpu.memref_slice %arg4[%dma_wait3A_385, %dma_wait3A_386] : memref<100000x32xf32, #tpu.memory_space<hbm>> -> memref<100000x32xf32, #tpu.memory_space<hbm>>
    tpu.wait_indirect_dma semaphore(%arg21 : memref<!tpu.dma_semaphore, #tpu.memory_space<semaphore_mem>>) src(%dma_wait3A_387 : memref<100000x32xf32, #tpu.memory_space<hbm>>) dst(%dma_wait3A_381 : memref<128x32xf32, #tpu.memory_space<vmem>>)
    %add3A_388 = arith.constant 128 : i32
    %add3A_389 = arith.addi %mul3A_2, %add3A_388 : i32
    %dma_start3A_390 = arith.constant 5 : i32
    %dma_start3A_391 = arith.constant 0 : i32
    %dma_start3A_392 = arith.constant 0 : i32
    %dma_start3A_393 = tpu.memref_slice %arg15[%dma_start3A_390, %dma_start3A_391, %dma_start3A_392] : memref<8x128x32xf32, #tpu.memory_space<vmem>> -> memref<1x128x32xf32, #tpu.memory_space<vmem>>
    %dma_start3A_394 = tpu.memref_squeeze %dma_start3A_393 : memref<1x128x32xf32, #tpu.memory_space<vmem>> -> memref<128x32xf32, #tpu.memory_space<vmem>>
    %dma_start3A_395 = arith.constant 32 : i32
    %dma_start3A_396 = tpu.memref_slice %arg13[%add3A_389, %dma_start3A_395] : memref<16384x320xf32, #tpu.memory_space<hbm>> -> memref<128x32xf32, #tpu.memory_space<hbm>>
    %dma_start3A_397 = arith.constant 32 : i32
    %dma_start3A_398 = tpu.memref_slice %arg13[%add3A_389, %dma_start3A_397] : memref<16384x320xf32, #tpu.memory_space<hbm>> -> memref<128x32xf32, #tpu.memory_space<hbm>>
    %dma_start3A_399 = arith.constant 0 : i32
    %dma_start3A_400 = arith.constant 0 : i32
    %dma_start3A_401 = tpu.memref_slice %arg15[%dma_start3A_390, %dma_start3A_399, %dma_start3A_400] : memref<8x128x32xf32, #tpu.memory_space<vmem>> -> memref<1x128x32xf32, #tpu.memory_space<vmem>>
    %dma_start3A_402 = tpu.memref_squeeze %dma_start3A_401 : memref<1x128x32xf32, #tpu.memory_space<vmem>> -> memref<128x32xf32, #tpu.memory_space<vmem>>
    tpu.enqueue_dma source(%dma_start3A_402 : memref<128x32xf32, #tpu.memory_space<vmem>>) target(%dma_start3A_398 : memref<128x32xf32, #tpu.memory_space<hbm>>) target_semaphore(%arg29 : memref<!tpu.dma_semaphore, #tpu.memory_space<semaphore_mem>>)
    %dma_wait3A_403 = arith.constant 5 : i32
    %dma_wait3A_404 = arith.constant 0 : i32
    %dma_wait3A_405 = arith.constant 0 : i32
    %dma_wait3A_406 = tpu.memref_slice %arg15[%dma_wait3A_403, %dma_wait3A_404, %dma_wait3A_405] : memref<8x128x32xf32, #tpu.memory_space<vmem>> -> memref<1x128x32xf32, #tpu.memory_space<vmem>>
    %dma_wait3A_407 = tpu.memref_squeeze %dma_wait3A_406 : memref<1x128x32xf32, #tpu.memory_space<vmem>> -> memref<128x32xf32, #tpu.memory_space<vmem>>
    %dma_wait3A_408 = arith.constant 32 : i32
    %dma_wait3A_409 = tpu.memref_slice %arg13[%add3A_389, %dma_wait3A_408] : memref<16384x320xf32, #tpu.memory_space<hbm>> -> memref<128x32xf32, #tpu.memory_space<hbm>>
    %dma_wait3A_410 = arith.constant 32 : i32
    %dma_wait3A_411 = tpu.memref_slice %arg13[%add3A_389, %dma_wait3A_410] : memref<16384x320xf32, #tpu.memory_space<hbm>> -> memref<128x32xf32, #tpu.memory_space<hbm>>
    %dma_wait3A_412 = arith.constant 0 : i32
    %dma_wait3A_413 = arith.constant 0 : i32
    %dma_wait3A_414 = tpu.memref_slice %arg15[%dma_wait3A_403, %dma_wait3A_412, %dma_wait3A_413] : memref<8x128x32xf32, #tpu.memory_space<vmem>> -> memref<1x128x32xf32, #tpu.memory_space<vmem>>
    %dma_wait3A_415 = tpu.memref_squeeze %dma_wait3A_414 : memref<1x128x32xf32, #tpu.memory_space<vmem>> -> memref<128x32xf32, #tpu.memory_space<vmem>>
    tpu.wait_dma2 semaphore(%arg29 : memref<!tpu.dma_semaphore, #tpu.memory_space<semaphore_mem>>) src(%dma_wait3A_415 : memref<128x32xf32, #tpu.memory_space<vmem>>) dst(%dma_wait3A_411 : memref<128x32xf32, #tpu.memory_space<hbm>>)
    %dma_start3A_416 = arith.constant 3 : i32
    %dma_start3A_417 = arith.constant 1 : i32
    %dma_start3A_418 = arith.constant 5 : i32
    %dma_start3A_419 = arith.constant 0 : i32
    %dma_start3A_420 = arith.constant 0 : i32
    %dma_start3A_421 = tpu.memref_slice %arg15[%dma_start3A_418, %dma_start3A_419, %dma_start3A_420] : memref<8x128x32xf32, #tpu.memory_space<vmem>> -> memref<1x128x32xf32, #tpu.memory_space<vmem>>
    %dma_start3A_422 = tpu.memref_squeeze %dma_start3A_421 : memref<1x128x32xf32, #tpu.memory_space<vmem>> -> memref<128x32xf32, #tpu.memory_space<vmem>>
    %dma_start3A_423 = arith.constant 0 : i32
    %dma_start3A_424 = tpu.memref_slice %arg14[%dma_start3A_416, %dma_start3A_417, %dma_start3A_423] : memref<10x4x128xi32, #tpu.memory_space<vmem>> -> memref<1x1x128xi32, #tpu.memory_space<vmem>>
    %dma_start3A_425 = tpu.memref_squeeze %dma_start3A_424 : memref<1x1x128xi32, #tpu.memory_space<vmem>> -> memref<128xi32, #tpu.memory_space<vmem>>
    %dma_start3A_426 = arith.constant 0 : i32
    %dma_start3A_427 = arith.constant 0 : i32
    %dma_start3A_428 = tpu.memref_slice %arg6[%dma_start3A_426, %dma_start3A_427] : memref<100000x32xf32, #tpu.memory_space<hbm>> -> memref<100000x32xf32, #tpu.memory_space<hbm>>
    tpu.enqueue_indirect_dma source(%dma_start3A_428 : memref<100000x32xf32, #tpu.memory_space<hbm>>) target(%dma_start3A_422 : memref<128x32xf32, #tpu.memory_space<vmem>>) offsets(%dma_start3A_425 : memref<128xi32, #tpu.memory_space<vmem>>) semaphore(%arg21 : memref<!tpu.dma_semaphore, #tpu.memory_space<semaphore_mem>>)
    %dma_wait3A_429 = arith.constant 1 : i32
    %dma_wait3A_430 = arith.constant 2 : i32
    %dma_wait3A_431 = arith.constant 6 : i32
    %dma_wait3A_432 = arith.constant 0 : i32
    %dma_wait3A_433 = arith.constant 0 : i32
    %dma_wait3A_434 = tpu.memref_slice %arg15[%dma_wait3A_431, %dma_wait3A_432, %dma_wait3A_433] : memref<8x128x32xf32, #tpu.memory_space<vmem>> -> memref<1x128x32xf32, #tpu.memory_space<vmem>>
    %dma_wait3A_435 = tpu.memref_squeeze %dma_wait3A_434 : memref<1x128x32xf32, #tpu.memory_space<vmem>> -> memref<128x32xf32, #tpu.memory_space<vmem>>
    %dma_wait3A_436 = arith.constant 0 : i32
    %dma_wait3A_437 = tpu.memref_slice %arg14[%dma_wait3A_429, %dma_wait3A_430, %dma_wait3A_436] : memref<10x4x128xi32, #tpu.memory_space<vmem>> -> memref<1x1x128xi32, #tpu.memory_space<vmem>>
    %dma_wait3A_438 = tpu.memref_squeeze %dma_wait3A_437 : memref<1x1x128xi32, #tpu.memory_space<vmem>> -> memref<128xi32, #tpu.memory_space<vmem>>
    %dma_wait3A_439 = arith.constant 0 : i32
    %dma_wait3A_440 = arith.constant 0 : i32
    %dma_wait3A_441 = tpu.memref_slice %arg4[%dma_wait3A_439, %dma_wait3A_440] : memref<100000x32xf32, #tpu.memory_space<hbm>> -> memref<100000x32xf32, #tpu.memory_space<hbm>>
    tpu.wait_indirect_dma semaphore(%arg22 : memref<!tpu.dma_semaphore, #tpu.memory_space<semaphore_mem>>) src(%dma_wait3A_441 : memref<100000x32xf32, #tpu.memory_space<hbm>>) dst(%dma_wait3A_435 : memref<128x32xf32, #tpu.memory_space<vmem>>)
    %add3A_442 = arith.constant 256 : i32
    %add3A_443 = arith.addi %mul3A_2, %add3A_442 : i32
    %dma_start3A_444 = arith.constant 6 : i32
    %dma_start3A_445 = arith.constant 0 : i32
    %dma_start3A_446 = arith.constant 0 : i32
    %dma_start3A_447 = tpu.memref_slice %arg15[%dma_start3A_444, %dma_start3A_445, %dma_start3A_446] : memref<8x128x32xf32, #tpu.memory_space<vmem>> -> memref<1x128x32xf32, #tpu.memory_space<vmem>>
    %dma_start3A_448 = tpu.memref_squeeze %dma_start3A_447 : memref<1x128x32xf32, #tpu.memory_space<vmem>> -> memref<128x32xf32, #tpu.memory_space<vmem>>
    %dma_start3A_449 = arith.constant 32 : i32
    %dma_start3A_450 = tpu.memref_slice %arg13[%add3A_443, %dma_start3A_449] : memref<16384x320xf32, #tpu.memory_space<hbm>> -> memref<128x32xf32, #tpu.memory_space<hbm>>
    %dma_start3A_451 = arith.constant 32 : i32
    %dma_start3A_452 = tpu.memref_slice %arg13[%add3A_443, %dma_start3A_451] : memref<16384x320xf32, #tpu.memory_space<hbm>> -> memref<128x32xf32, #tpu.memory_space<hbm>>
    %dma_start3A_453 = arith.constant 0 : i32
    %dma_start3A_454 = arith.constant 0 : i32
    %dma_start3A_455 = tpu.memref_slice %arg15[%dma_start3A_444, %dma_start3A_453, %dma_start3A_454] : memref<8x128x32xf32, #tpu.memory_space<vmem>> -> memref<1x128x32xf32, #tpu.memory_space<vmem>>
    %dma_start3A_456 = tpu.memref_squeeze %dma_start3A_455 : memref<1x128x32xf32, #tpu.memory_space<vmem>> -> memref<128x32xf32, #tpu.memory_space<vmem>>
    tpu.enqueue_dma source(%dma_start3A_456 : memref<128x32xf32, #tpu.memory_space<vmem>>) target(%dma_start3A_452 : memref<128x32xf32, #tpu.memory_space<hbm>>) target_semaphore(%arg30 : memref<!tpu.dma_semaphore, #tpu.memory_space<semaphore_mem>>)
    %dma_wait3A_457 = arith.constant 6 : i32
    %dma_wait3A_458 = arith.constant 0 : i32
    %dma_wait3A_459 = arith.constant 0 : i32
    %dma_wait3A_460 = tpu.memref_slice %arg15[%dma_wait3A_457, %dma_wait3A_458, %dma_wait3A_459] : memref<8x128x32xf32, #tpu.memory_space<vmem>> -> memref<1x128x32xf32, #tpu.memory_space<vmem>>
    %dma_wait3A_461 = tpu.memref_squeeze %dma_wait3A_460 : memref<1x128x32xf32, #tpu.memory_space<vmem>> -> memref<128x32xf32, #tpu.memory_space<vmem>>
    %dma_wait3A_462 = arith.constant 32 : i32
    %dma_wait3A_463 = tpu.memref_slice %arg13[%add3A_443, %dma_wait3A_462] : memref<16384x320xf32, #tpu.memory_space<hbm>> -> memref<128x32xf32, #tpu.memory_space<hbm>>
    %dma_wait3A_464 = arith.constant 32 : i32
    %dma_wait3A_465 = tpu.memref_slice %arg13[%add3A_443, %dma_wait3A_464] : memref<16384x320xf32, #tpu.memory_space<hbm>> -> memref<128x32xf32, #tpu.memory_space<hbm>>
    %dma_wait3A_466 = arith.constant 0 : i32
    %dma_wait3A_467 = arith.constant 0 : i32
    %dma_wait3A_468 = tpu.memref_slice %arg15[%dma_wait3A_457, %dma_wait3A_466, %dma_wait3A_467] : memref<8x128x32xf32, #tpu.memory_space<vmem>> -> memref<1x128x32xf32, #tpu.memory_space<vmem>>
    %dma_wait3A_469 = tpu.memref_squeeze %dma_wait3A_468 : memref<1x128x32xf32, #tpu.memory_space<vmem>> -> memref<128x32xf32, #tpu.memory_space<vmem>>
    tpu.wait_dma2 semaphore(%arg30 : memref<!tpu.dma_semaphore, #tpu.memory_space<semaphore_mem>>) src(%dma_wait3A_469 : memref<128x32xf32, #tpu.memory_space<vmem>>) dst(%dma_wait3A_465 : memref<128x32xf32, #tpu.memory_space<hbm>>)
    %dma_start3A_470 = arith.constant 3 : i32
    %dma_start3A_471 = arith.constant 2 : i32
    %dma_start3A_472 = arith.constant 6 : i32
    %dma_start3A_473 = arith.constant 0 : i32
    %dma_start3A_474 = arith.constant 0 : i32
    %dma_start3A_475 = tpu.memref_slice %arg15[%dma_start3A_472, %dma_start3A_473, %dma_start3A_474] : memref<8x128x32xf32, #tpu.memory_space<vmem>> -> memref<1x128x32xf32, #tpu.memory_space<vmem>>
    %dma_start3A_476 = tpu.memref_squeeze %dma_start3A_475 : memref<1x128x32xf32, #tpu.memory_space<vmem>> -> memref<128x32xf32, #tpu.memory_space<vmem>>
    %dma_start3A_477 = arith.constant 0 : i32
    %dma_start3A_478 = tpu.memref_slice %arg14[%dma_start3A_470, %dma_start3A_471, %dma_start3A_477] : memref<10x4x128xi32, #tpu.memory_space<vmem>> -> memref<1x1x128xi32, #tpu.memory_space<vmem>>
    %dma_start3A_479 = tpu.memref_squeeze %dma_start3A_478 : memref<1x1x128xi32, #tpu.memory_space<vmem>> -> memref<128xi32, #tpu.memory_space<vmem>>
    %dma_start3A_480 = arith.constant 0 : i32
    %dma_start3A_481 = arith.constant 0 : i32
    %dma_start3A_482 = tpu.memref_slice %arg6[%dma_start3A_480, %dma_start3A_481] : memref<100000x32xf32, #tpu.memory_space<hbm>> -> memref<100000x32xf32, #tpu.memory_space<hbm>>
    tpu.enqueue_indirect_dma source(%dma_start3A_482 : memref<100000x32xf32, #tpu.memory_space<hbm>>) target(%dma_start3A_476 : memref<128x32xf32, #tpu.memory_space<vmem>>) offsets(%dma_start3A_479 : memref<128xi32, #tpu.memory_space<vmem>>) semaphore(%arg22 : memref<!tpu.dma_semaphore, #tpu.memory_space<semaphore_mem>>)
    %dma_wait3A_483 = arith.constant 1 : i32
    %dma_wait3A_484 = arith.constant 3 : i32
    %dma_wait3A_485 = arith.constant 7 : i32
    %dma_wait3A_486 = arith.constant 0 : i32
    %dma_wait3A_487 = arith.constant 0 : i32
    %dma_wait3A_488 = tpu.memref_slice %arg15[%dma_wait3A_485, %dma_wait3A_486, %dma_wait3A_487] : memref<8x128x32xf32, #tpu.memory_space<vmem>> -> memref<1x128x32xf32, #tpu.memory_space<vmem>>
    %dma_wait3A_489 = tpu.memref_squeeze %dma_wait3A_488 : memref<1x128x32xf32, #tpu.memory_space<vmem>> -> memref<128x32xf32, #tpu.memory_space<vmem>>
    %dma_wait3A_490 = arith.constant 0 : i32
    %dma_wait3A_491 = tpu.memref_slice %arg14[%dma_wait3A_483, %dma_wait3A_484, %dma_wait3A_490] : memref<10x4x128xi32, #tpu.memory_space<vmem>> -> memref<1x1x128xi32, #tpu.memory_space<vmem>>
    %dma_wait3A_492 = tpu.memref_squeeze %dma_wait3A_491 : memref<1x1x128xi32, #tpu.memory_space<vmem>> -> memref<128xi32, #tpu.memory_space<vmem>>
    %dma_wait3A_493 = arith.constant 0 : i32
    %dma_wait3A_494 = arith.constant 0 : i32
    %dma_wait3A_495 = tpu.memref_slice %arg4[%dma_wait3A_493, %dma_wait3A_494] : memref<100000x32xf32, #tpu.memory_space<hbm>> -> memref<100000x32xf32, #tpu.memory_space<hbm>>
    tpu.wait_indirect_dma semaphore(%arg23 : memref<!tpu.dma_semaphore, #tpu.memory_space<semaphore_mem>>) src(%dma_wait3A_495 : memref<100000x32xf32, #tpu.memory_space<hbm>>) dst(%dma_wait3A_489 : memref<128x32xf32, #tpu.memory_space<vmem>>)
    %add3A_496 = arith.constant 384 : i32
    %add3A_497 = arith.addi %mul3A_2, %add3A_496 : i32
    %dma_start3A_498 = arith.constant 7 : i32
    %dma_start3A_499 = arith.constant 0 : i32
    %dma_start3A_500 = arith.constant 0 : i32
    %dma_start3A_501 = tpu.memref_slice %arg15[%dma_start3A_498, %dma_start3A_499, %dma_start3A_500] : memref<8x128x32xf32, #tpu.memory_space<vmem>> -> memref<1x128x32xf32, #tpu.memory_space<vmem>>
    %dma_start3A_502 = tpu.memref_squeeze %dma_start3A_501 : memref<1x128x32xf32, #tpu.memory_space<vmem>> -> memref<128x32xf32, #tpu.memory_space<vmem>>
    %dma_start3A_503 = arith.constant 32 : i32
    %dma_start3A_504 = tpu.memref_slice %arg13[%add3A_497, %dma_start3A_503] : memref<16384x320xf32, #tpu.memory_space<hbm>> -> memref<128x32xf32, #tpu.memory_space<hbm>>
    %dma_start3A_505 = arith.constant 32 : i32
    %dma_start3A_506 = tpu.memref_slice %arg13[%add3A_497, %dma_start3A_505] : memref<16384x320xf32, #tpu.memory_space<hbm>> -> memref<128x32xf32, #tpu.memory_space<hbm>>
    %dma_start3A_507 = arith.constant 0 : i32
    %dma_start3A_508 = arith.constant 0 : i32
    %dma_start3A_509 = tpu.memref_slice %arg15[%dma_start3A_498, %dma_start3A_507, %dma_start3A_508] : memref<8x128x32xf32, #tpu.memory_space<vmem>> -> memref<1x128x32xf32, #tpu.memory_space<vmem>>
    %dma_start3A_510 = tpu.memref_squeeze %dma_start3A_509 : memref<1x128x32xf32, #tpu.memory_space<vmem>> -> memref<128x32xf32, #tpu.memory_space<vmem>>
    tpu.enqueue_dma source(%dma_start3A_510 : memref<128x32xf32, #tpu.memory_space<vmem>>) target(%dma_start3A_506 : memref<128x32xf32, #tpu.memory_space<hbm>>) target_semaphore(%arg31 : memref<!tpu.dma_semaphore, #tpu.memory_space<semaphore_mem>>)
    %dma_wait3A_511 = arith.constant 7 : i32
    %dma_wait3A_512 = arith.constant 0 : i32
    %dma_wait3A_513 = arith.constant 0 : i32
    %dma_wait3A_514 = tpu.memref_slice %arg15[%dma_wait3A_511, %dma_wait3A_512, %dma_wait3A_513] : memref<8x128x32xf32, #tpu.memory_space<vmem>> -> memref<1x128x32xf32, #tpu.memory_space<vmem>>
    %dma_wait3A_515 = tpu.memref_squeeze %dma_wait3A_514 : memref<1x128x32xf32, #tpu.memory_space<vmem>> -> memref<128x32xf32, #tpu.memory_space<vmem>>
    %dma_wait3A_516 = arith.constant 32 : i32
    %dma_wait3A_517 = tpu.memref_slice %arg13[%add3A_497, %dma_wait3A_516] : memref<16384x320xf32, #tpu.memory_space<hbm>> -> memref<128x32xf32, #tpu.memory_space<hbm>>
    %dma_wait3A_518 = arith.constant 32 : i32
    %dma_wait3A_519 = tpu.memref_slice %arg13[%add3A_497, %dma_wait3A_518] : memref<16384x320xf32, #tpu.memory_space<hbm>> -> memref<128x32xf32, #tpu.memory_space<hbm>>
    %dma_wait3A_520 = arith.constant 0 : i32
    %dma_wait3A_521 = arith.constant 0 : i32
    %dma_wait3A_522 = tpu.memref_slice %arg15[%dma_wait3A_511, %dma_wait3A_520, %dma_wait3A_521] : memref<8x128x32xf32, #tpu.memory_space<vmem>> -> memref<1x128x32xf32, #tpu.memory_space<vmem>>
    %dma_wait3A_523 = tpu.memref_squeeze %dma_wait3A_522 : memref<1x128x32xf32, #tpu.memory_space<vmem>> -> memref<128x32xf32, #tpu.memory_space<vmem>>
    tpu.wait_dma2 semaphore(%arg31 : memref<!tpu.dma_semaphore, #tpu.memory_space<semaphore_mem>>) src(%dma_wait3A_523 : memref<128x32xf32, #tpu.memory_space<vmem>>) dst(%dma_wait3A_519 : memref<128x32xf32, #tpu.memory_space<hbm>>)
    %dma_start3A_524 = arith.constant 3 : i32
    %dma_start3A_525 = arith.constant 3 : i32
    %dma_start3A_526 = arith.constant 7 : i32
    %dma_start3A_527 = arith.constant 0 : i32
    %dma_start3A_528 = arith.constant 0 : i32
    %dma_start3A_529 = tpu.memref_slice %arg15[%dma_start3A_526, %dma_start3A_527, %dma_start3A_528] : memref<8x128x32xf32, #tpu.memory_space<vmem>> -> memref<1x128x32xf32, #tpu.memory_space<vmem>>
    %dma_start3A_530 = tpu.memref_squeeze %dma_start3A_529 : memref<1x128x32xf32, #tpu.memory_space<vmem>> -> memref<128x32xf32, #tpu.memory_space<vmem>>
    %dma_start3A_531 = arith.constant 0 : i32
    %dma_start3A_532 = tpu.memref_slice %arg14[%dma_start3A_524, %dma_start3A_525, %dma_start3A_531] : memref<10x4x128xi32, #tpu.memory_space<vmem>> -> memref<1x1x128xi32, #tpu.memory_space<vmem>>
    %dma_start3A_533 = tpu.memref_squeeze %dma_start3A_532 : memref<1x1x128xi32, #tpu.memory_space<vmem>> -> memref<128xi32, #tpu.memory_space<vmem>>
    %dma_start3A_534 = arith.constant 0 : i32
    %dma_start3A_535 = arith.constant 0 : i32
    %dma_start3A_536 = tpu.memref_slice %arg6[%dma_start3A_534, %dma_start3A_535] : memref<100000x32xf32, #tpu.memory_space<hbm>> -> memref<100000x32xf32, #tpu.memory_space<hbm>>
    tpu.enqueue_indirect_dma source(%dma_start3A_536 : memref<100000x32xf32, #tpu.memory_space<hbm>>) target(%dma_start3A_530 : memref<128x32xf32, #tpu.memory_space<vmem>>) offsets(%dma_start3A_533 : memref<128xi32, #tpu.memory_space<vmem>>) semaphore(%arg23 : memref<!tpu.dma_semaphore, #tpu.memory_space<semaphore_mem>>)
    %dma_wait3A_537 = arith.constant 2 : i32
    %dma_wait3A_538 = arith.constant 0 : i32
    %dma_wait3A_539 = arith.constant 0 : i32
    %dma_wait3A_540 = arith.constant 0 : i32
    %dma_wait3A_541 = arith.constant 0 : i32
    %dma_wait3A_542 = tpu.memref_slice %arg15[%dma_wait3A_539, %dma_wait3A_540, %dma_wait3A_541] : memref<8x128x32xf32, #tpu.memory_space<vmem>> -> memref<1x128x32xf32, #tpu.memory_space<vmem>>
    %dma_wait3A_543 = tpu.memref_squeeze %dma_wait3A_542 : memref<1x128x32xf32, #tpu.memory_space<vmem>> -> memref<128x32xf32, #tpu.memory_space<vmem>>
    %dma_wait3A_544 = arith.constant 0 : i32
    %dma_wait3A_545 = tpu.memref_slice %arg14[%dma_wait3A_537, %dma_wait3A_538, %dma_wait3A_544] : memref<10x4x128xi32, #tpu.memory_space<vmem>> -> memref<1x1x128xi32, #tpu.memory_space<vmem>>
    %dma_wait3A_546 = tpu.memref_squeeze %dma_wait3A_545 : memref<1x1x128xi32, #tpu.memory_space<vmem>> -> memref<128xi32, #tpu.memory_space<vmem>>
    %dma_wait3A_547 = arith.constant 0 : i32
    %dma_wait3A_548 = arith.constant 0 : i32
    %dma_wait3A_549 = tpu.memref_slice %arg5[%dma_wait3A_547, %dma_wait3A_548] : memref<100000x32xf32, #tpu.memory_space<hbm>> -> memref<100000x32xf32, #tpu.memory_space<hbm>>
    tpu.wait_indirect_dma semaphore(%arg16 : memref<!tpu.dma_semaphore, #tpu.memory_space<semaphore_mem>>) src(%dma_wait3A_549 : memref<100000x32xf32, #tpu.memory_space<hbm>>) dst(%dma_wait3A_543 : memref<128x32xf32, #tpu.memory_space<vmem>>)
    %add3A_550 = arith.constant 0 : i32
    %add3A_551 = arith.addi %mul3A_2, %add3A_550 : i32
    %dma_start3A_552 = arith.constant 0 : i32
    %dma_start3A_553 = arith.constant 0 : i32
    %dma_start3A_554 = arith.constant 0 : i32
    %dma_start3A_555 = tpu.memref_slice %arg15[%dma_start3A_552, %dma_start3A_553, %dma_start3A_554] : memref<8x128x32xf32, #tpu.memory_space<vmem>> -> memref<1x128x32xf32, #tpu.memory_space<vmem>>
    %dma_start3A_556 = tpu.memref_squeeze %dma_start3A_555 : memref<1x128x32xf32, #tpu.memory_space<vmem>> -> memref<128x32xf32, #tpu.memory_space<vmem>>
    %dma_start3A_557 = arith.constant 64 : i32
    %dma_start3A_558 = tpu.memref_slice %arg13[%add3A_551, %dma_start3A_557] : memref<16384x320xf32, #tpu.memory_space<hbm>> -> memref<128x32xf32, #tpu.memory_space<hbm>>
    %dma_start3A_559 = arith.constant 64 : i32
    %dma_start3A_560 = tpu.memref_slice %arg13[%add3A_551, %dma_start3A_559] : memref<16384x320xf32, #tpu.memory_space<hbm>> -> memref<128x32xf32, #tpu.memory_space<hbm>>
    %dma_start3A_561 = arith.constant 0 : i32
    %dma_start3A_562 = arith.constant 0 : i32
    %dma_start3A_563 = tpu.memref_slice %arg15[%dma_start3A_552, %dma_start3A_561, %dma_start3A_562] : memref<8x128x32xf32, #tpu.memory_space<vmem>> -> memref<1x128x32xf32, #tpu.memory_space<vmem>>
    %dma_start3A_564 = tpu.memref_squeeze %dma_start3A_563 : memref<1x128x32xf32, #tpu.memory_space<vmem>> -> memref<128x32xf32, #tpu.memory_space<vmem>>
    tpu.enqueue_dma source(%dma_start3A_564 : memref<128x32xf32, #tpu.memory_space<vmem>>) target(%dma_start3A_560 : memref<128x32xf32, #tpu.memory_space<hbm>>) target_semaphore(%arg24 : memref<!tpu.dma_semaphore, #tpu.memory_space<semaphore_mem>>)
    %dma_wait3A_565 = arith.constant 0 : i32
    %dma_wait3A_566 = arith.constant 0 : i32
    %dma_wait3A_567 = arith.constant 0 : i32
    %dma_wait3A_568 = tpu.memref_slice %arg15[%dma_wait3A_565, %dma_wait3A_566, %dma_wait3A_567] : memref<8x128x32xf32, #tpu.memory_space<vmem>> -> memref<1x128x32xf32, #tpu.memory_space<vmem>>
    %dma_wait3A_569 = tpu.memref_squeeze %dma_wait3A_568 : memref<1x128x32xf32, #tpu.memory_space<vmem>> -> memref<128x32xf32, #tpu.memory_space<vmem>>
    %dma_wait3A_570 = arith.constant 64 : i32
    %dma_wait3A_571 = tpu.memref_slice %arg13[%add3A_551, %dma_wait3A_570] : memref<16384x320xf32, #tpu.memory_space<hbm>> -> memref<128x32xf32, #tpu.memory_space<hbm>>
    %dma_wait3A_572 = arith.constant 64 : i32
    %dma_wait3A_573 = tpu.memref_slice %arg13[%add3A_551, %dma_wait3A_572] : memref<16384x320xf32, #tpu.memory_space<hbm>> -> memref<128x32xf32, #tpu.memory_space<hbm>>
    %dma_wait3A_574 = arith.constant 0 : i32
    %dma_wait3A_575 = arith.constant 0 : i32
    %dma_wait3A_576 = tpu.memref_slice %arg15[%dma_wait3A_565, %dma_wait3A_574, %dma_wait3A_575] : memref<8x128x32xf32, #tpu.memory_space<vmem>> -> memref<1x128x32xf32, #tpu.memory_space<vmem>>
    %dma_wait3A_577 = tpu.memref_squeeze %dma_wait3A_576 : memref<1x128x32xf32, #tpu.memory_space<vmem>> -> memref<128x32xf32, #tpu.memory_space<vmem>>
    tpu.wait_dma2 semaphore(%arg24 : memref<!tpu.dma_semaphore, #tpu.memory_space<semaphore_mem>>) src(%dma_wait3A_577 : memref<128x32xf32, #tpu.memory_space<vmem>>) dst(%dma_wait3A_573 : memref<128x32xf32, #tpu.memory_space<hbm>>)
    %dma_start3A_578 = arith.constant 4 : i32
    %dma_start3A_579 = arith.constant 0 : i32
    %dma_start3A_580 = arith.constant 0 : i32
    %dma_start3A_581 = arith.constant 0 : i32
    %dma_start3A_582 = arith.constant 0 : i32
    %dma_start3A_583 = tpu.memref_slice %arg15[%dma_start3A_580, %dma_start3A_581, %dma_start3A_582] : memref<8x128x32xf32, #tpu.memory_space<vmem>> -> memref<1x128x32xf32, #tpu.memory_space<vmem>>
    %dma_start3A_584 = tpu.memref_squeeze %dma_start3A_583 : memref<1x128x32xf32, #tpu.memory_space<vmem>> -> memref<128x32xf32, #tpu.memory_space<vmem>>
    %dma_start3A_585 = arith.constant 0 : i32
    %dma_start3A_586 = tpu.memref_slice %arg14[%dma_start3A_578, %dma_start3A_579, %dma_start3A_585] : memref<10x4x128xi32, #tpu.memory_space<vmem>> -> memref<1x1x128xi32, #tpu.memory_space<vmem>>
    %dma_start3A_587 = tpu.memref_squeeze %dma_start3A_586 : memref<1x1x128xi32, #tpu.memory_space<vmem>> -> memref<128xi32, #tpu.memory_space<vmem>>
    %dma_start3A_588 = arith.constant 0 : i32
    %dma_start3A_589 = arith.constant 0 : i32
    %dma_start3A_590 = tpu.memref_slice %arg7[%dma_start3A_588, %dma_start3A_589] : memref<100000x32xf32, #tpu.memory_space<hbm>> -> memref<100000x32xf32, #tpu.memory_space<hbm>>
    tpu.enqueue_indirect_dma source(%dma_start3A_590 : memref<100000x32xf32, #tpu.memory_space<hbm>>) target(%dma_start3A_584 : memref<128x32xf32, #tpu.memory_space<vmem>>) offsets(%dma_start3A_587 : memref<128xi32, #tpu.memory_space<vmem>>) semaphore(%arg16 : memref<!tpu.dma_semaphore, #tpu.memory_space<semaphore_mem>>)
    %dma_wait3A_591 = arith.constant 2 : i32
    %dma_wait3A_592 = arith.constant 1 : i32
    %dma_wait3A_593 = arith.constant 1 : i32
    %dma_wait3A_594 = arith.constant 0 : i32
    %dma_wait3A_595 = arith.constant 0 : i32
    %dma_wait3A_596 = tpu.memref_slice %arg15[%dma_wait3A_593, %dma_wait3A_594, %dma_wait3A_595] : memref<8x128x32xf32, #tpu.memory_space<vmem>> -> memref<1x128x32xf32, #tpu.memory_space<vmem>>
    %dma_wait3A_597 = tpu.memref_squeeze %dma_wait3A_596 : memref<1x128x32xf32, #tpu.memory_space<vmem>> -> memref<128x32xf32, #tpu.memory_space<vmem>>
    %dma_wait3A_598 = arith.constant 0 : i32
    %dma_wait3A_599 = tpu.memref_slice %arg14[%dma_wait3A_591, %dma_wait3A_592, %dma_wait3A_598] : memref<10x4x128xi32, #tpu.memory_space<vmem>> -> memref<1x1x128xi32, #tpu.memory_space<vmem>>
    %dma_wait3A_600 = tpu.memref_squeeze %dma_wait3A_599 : memref<1x1x128xi32, #tpu.memory_space<vmem>> -> memref<128xi32, #tpu.memory_space<vmem>>
    %dma_wait3A_601 = arith.constant 0 : i32
    %dma_wait3A_602 = arith.constant 0 : i32
    %dma_wait3A_603 = tpu.memref_slice %arg5[%dma_wait3A_601, %dma_wait3A_602] : memref<100000x32xf32, #tpu.memory_space<hbm>> -> memref<100000x32xf32, #tpu.memory_space<hbm>>
    tpu.wait_indirect_dma semaphore(%arg17 : memref<!tpu.dma_semaphore, #tpu.memory_space<semaphore_mem>>) src(%dma_wait3A_603 : memref<100000x32xf32, #tpu.memory_space<hbm>>) dst(%dma_wait3A_597 : memref<128x32xf32, #tpu.memory_space<vmem>>)
    %add3A_604 = arith.constant 128 : i32
    %add3A_605 = arith.addi %mul3A_2, %add3A_604 : i32
    %dma_start3A_606 = arith.constant 1 : i32
    %dma_start3A_607 = arith.constant 0 : i32
    %dma_start3A_608 = arith.constant 0 : i32
    %dma_start3A_609 = tpu.memref_slice %arg15[%dma_start3A_606, %dma_start3A_607, %dma_start3A_608] : memref<8x128x32xf32, #tpu.memory_space<vmem>> -> memref<1x128x32xf32, #tpu.memory_space<vmem>>
    %dma_start3A_610 = tpu.memref_squeeze %dma_start3A_609 : memref<1x128x32xf32, #tpu.memory_space<vmem>> -> memref<128x32xf32, #tpu.memory_space<vmem>>
    %dma_start3A_611 = arith.constant 64 : i32
    %dma_start3A_612 = tpu.memref_slice %arg13[%add3A_605, %dma_start3A_611] : memref<16384x320xf32, #tpu.memory_space<hbm>> -> memref<128x32xf32, #tpu.memory_space<hbm>>
    %dma_start3A_613 = arith.constant 64 : i32
    %dma_start3A_614 = tpu.memref_slice %arg13[%add3A_605, %dma_start3A_613] : memref<16384x320xf32, #tpu.memory_space<hbm>> -> memref<128x32xf32, #tpu.memory_space<hbm>>
    %dma_start3A_615 = arith.constant 0 : i32
    %dma_start3A_616 = arith.constant 0 : i32
    %dma_start3A_617 = tpu.memref_slice %arg15[%dma_start3A_606, %dma_start3A_615, %dma_start3A_616] : memref<8x128x32xf32, #tpu.memory_space<vmem>> -> memref<1x128x32xf32, #tpu.memory_space<vmem>>
    %dma_start3A_618 = tpu.memref_squeeze %dma_start3A_617 : memref<1x128x32xf32, #tpu.memory_space<vmem>> -> memref<128x32xf32, #tpu.memory_space<vmem>>
    tpu.enqueue_dma source(%dma_start3A_618 : memref<128x32xf32, #tpu.memory_space<vmem>>) target(%dma_start3A_614 : memref<128x32xf32, #tpu.memory_space<hbm>>) target_semaphore(%arg25 : memref<!tpu.dma_semaphore, #tpu.memory_space<semaphore_mem>>)
    %dma_wait3A_619 = arith.constant 1 : i32
    %dma_wait3A_620 = arith.constant 0 : i32
    %dma_wait3A_621 = arith.constant 0 : i32
    %dma_wait3A_622 = tpu.memref_slice %arg15[%dma_wait3A_619, %dma_wait3A_620, %dma_wait3A_621] : memref<8x128x32xf32, #tpu.memory_space<vmem>> -> memref<1x128x32xf32, #tpu.memory_space<vmem>>
    %dma_wait3A_623 = tpu.memref_squeeze %dma_wait3A_622 : memref<1x128x32xf32, #tpu.memory_space<vmem>> -> memref<128x32xf32, #tpu.memory_space<vmem>>
    %dma_wait3A_624 = arith.constant 64 : i32
    %dma_wait3A_625 = tpu.memref_slice %arg13[%add3A_605, %dma_wait3A_624] : memref<16384x320xf32, #tpu.memory_space<hbm>> -> memref<128x32xf32, #tpu.memory_space<hbm>>
    %dma_wait3A_626 = arith.constant 64 : i32
    %dma_wait3A_627 = tpu.memref_slice %arg13[%add3A_605, %dma_wait3A_626] : memref<16384x320xf32, #tpu.memory_space<hbm>> -> memref<128x32xf32, #tpu.memory_space<hbm>>
    %dma_wait3A_628 = arith.constant 0 : i32
    %dma_wait3A_629 = arith.constant 0 : i32
    %dma_wait3A_630 = tpu.memref_slice %arg15[%dma_wait3A_619, %dma_wait3A_628, %dma_wait3A_629] : memref<8x128x32xf32, #tpu.memory_space<vmem>> -> memref<1x128x32xf32, #tpu.memory_space<vmem>>
    %dma_wait3A_631 = tpu.memref_squeeze %dma_wait3A_630 : memref<1x128x32xf32, #tpu.memory_space<vmem>> -> memref<128x32xf32, #tpu.memory_space<vmem>>
    tpu.wait_dma2 semaphore(%arg25 : memref<!tpu.dma_semaphore, #tpu.memory_space<semaphore_mem>>) src(%dma_wait3A_631 : memref<128x32xf32, #tpu.memory_space<vmem>>) dst(%dma_wait3A_627 : memref<128x32xf32, #tpu.memory_space<hbm>>)
    %dma_start3A_632 = arith.constant 4 : i32
    %dma_start3A_633 = arith.constant 1 : i32
    %dma_start3A_634 = arith.constant 1 : i32
    %dma_start3A_635 = arith.constant 0 : i32
    %dma_start3A_636 = arith.constant 0 : i32
    %dma_start3A_637 = tpu.memref_slice %arg15[%dma_start3A_634, %dma_start3A_635, %dma_start3A_636] : memref<8x128x32xf32, #tpu.memory_space<vmem>> -> memref<1x128x32xf32, #tpu.memory_space<vmem>>
    %dma_start3A_638 = tpu.memref_squeeze %dma_start3A_637 : memref<1x128x32xf32, #tpu.memory_space<vmem>> -> memref<128x32xf32, #tpu.memory_space<vmem>>
    %dma_start3A_639 = arith.constant 0 : i32
    %dma_start3A_640 = tpu.memref_slice %arg14[%dma_start3A_632, %dma_start3A_633, %dma_start3A_639] : memref<10x4x128xi32, #tpu.memory_space<vmem>> -> memref<1x1x128xi32, #tpu.memory_space<vmem>>
    %dma_start3A_641 = tpu.memref_squeeze %dma_start3A_640 : memref<1x1x128xi32, #tpu.memory_space<vmem>> -> memref<128xi32, #tpu.memory_space<vmem>>
    %dma_start3A_642 = arith.constant 0 : i32
    %dma_start3A_643 = arith.constant 0 : i32
    %dma_start3A_644 = tpu.memref_slice %arg7[%dma_start3A_642, %dma_start3A_643] : memref<100000x32xf32, #tpu.memory_space<hbm>> -> memref<100000x32xf32, #tpu.memory_space<hbm>>
    tpu.enqueue_indirect_dma source(%dma_start3A_644 : memref<100000x32xf32, #tpu.memory_space<hbm>>) target(%dma_start3A_638 : memref<128x32xf32, #tpu.memory_space<vmem>>) offsets(%dma_start3A_641 : memref<128xi32, #tpu.memory_space<vmem>>) semaphore(%arg17 : memref<!tpu.dma_semaphore, #tpu.memory_space<semaphore_mem>>)
    %dma_wait3A_645 = arith.constant 2 : i32
    %dma_wait3A_646 = arith.constant 2 : i32
    %dma_wait3A_647 = arith.constant 2 : i32
    %dma_wait3A_648 = arith.constant 0 : i32
    %dma_wait3A_649 = arith.constant 0 : i32
    %dma_wait3A_650 = tpu.memref_slice %arg15[%dma_wait3A_647, %dma_wait3A_648, %dma_wait3A_649] : memref<8x128x32xf32, #tpu.memory_space<vmem>> -> memref<1x128x32xf32, #tpu.memory_space<vmem>>
    %dma_wait3A_651 = tpu.memref_squeeze %dma_wait3A_650 : memref<1x128x32xf32, #tpu.memory_space<vmem>> -> memref<128x32xf32, #tpu.memory_space<vmem>>
    %dma_wait3A_652 = arith.constant 0 : i32
    %dma_wait3A_653 = tpu.memref_slice %arg14[%dma_wait3A_645, %dma_wait3A_646, %dma_wait3A_652] : memref<10x4x128xi32, #tpu.memory_space<vmem>> -> memref<1x1x128xi32, #tpu.memory_space<vmem>>
    %dma_wait3A_654 = tpu.memref_squeeze %dma_wait3A_653 : memref<1x1x128xi32, #tpu.memory_space<vmem>> -> memref<128xi32, #tpu.memory_space<vmem>>
    %dma_wait3A_655 = arith.constant 0 : i32
    %dma_wait3A_656 = arith.constant 0 : i32
    %dma_wait3A_657 = tpu.memref_slice %arg5[%dma_wait3A_655, %dma_wait3A_656] : memref<100000x32xf32, #tpu.memory_space<hbm>> -> memref<100000x32xf32, #tpu.memory_space<hbm>>
    tpu.wait_indirect_dma semaphore(%arg18 : memref<!tpu.dma_semaphore, #tpu.memory_space<semaphore_mem>>) src(%dma_wait3A_657 : memref<100000x32xf32, #tpu.memory_space<hbm>>) dst(%dma_wait3A_651 : memref<128x32xf32, #tpu.memory_space<vmem>>)
    %add3A_658 = arith.constant 256 : i32
    %add3A_659 = arith.addi %mul3A_2, %add3A_658 : i32
    %dma_start3A_660 = arith.constant 2 : i32
    %dma_start3A_661 = arith.constant 0 : i32
    %dma_start3A_662 = arith.constant 0 : i32
    %dma_start3A_663 = tpu.memref_slice %arg15[%dma_start3A_660, %dma_start3A_661, %dma_start3A_662] : memref<8x128x32xf32, #tpu.memory_space<vmem>> -> memref<1x128x32xf32, #tpu.memory_space<vmem>>
    %dma_start3A_664 = tpu.memref_squeeze %dma_start3A_663 : memref<1x128x32xf32, #tpu.memory_space<vmem>> -> memref<128x32xf32, #tpu.memory_space<vmem>>
    %dma_start3A_665 = arith.constant 64 : i32
    %dma_start3A_666 = tpu.memref_slice %arg13[%add3A_659, %dma_start3A_665] : memref<16384x320xf32, #tpu.memory_space<hbm>> -> memref<128x32xf32, #tpu.memory_space<hbm>>
    %dma_start3A_667 = arith.constant 64 : i32
    %dma_start3A_668 = tpu.memref_slice %arg13[%add3A_659, %dma_start3A_667] : memref<16384x320xf32, #tpu.memory_space<hbm>> -> memref<128x32xf32, #tpu.memory_space<hbm>>
    %dma_start3A_669 = arith.constant 0 : i32
    %dma_start3A_670 = arith.constant 0 : i32
    %dma_start3A_671 = tpu.memref_slice %arg15[%dma_start3A_660, %dma_start3A_669, %dma_start3A_670] : memref<8x128x32xf32, #tpu.memory_space<vmem>> -> memref<1x128x32xf32, #tpu.memory_space<vmem>>
    %dma_start3A_672 = tpu.memref_squeeze %dma_start3A_671 : memref<1x128x32xf32, #tpu.memory_space<vmem>> -> memref<128x32xf32, #tpu.memory_space<vmem>>
    tpu.enqueue_dma source(%dma_start3A_672 : memref<128x32xf32, #tpu.memory_space<vmem>>) target(%dma_start3A_668 : memref<128x32xf32, #tpu.memory_space<hbm>>) target_semaphore(%arg26 : memref<!tpu.dma_semaphore, #tpu.memory_space<semaphore_mem>>)
    %dma_wait3A_673 = arith.constant 2 : i32
    %dma_wait3A_674 = arith.constant 0 : i32
    %dma_wait3A_675 = arith.constant 0 : i32
    %dma_wait3A_676 = tpu.memref_slice %arg15[%dma_wait3A_673, %dma_wait3A_674, %dma_wait3A_675] : memref<8x128x32xf32, #tpu.memory_space<vmem>> -> memref<1x128x32xf32, #tpu.memory_space<vmem>>
    %dma_wait3A_677 = tpu.memref_squeeze %dma_wait3A_676 : memref<1x128x32xf32, #tpu.memory_space<vmem>> -> memref<128x32xf32, #tpu.memory_space<vmem>>
    %dma_wait3A_678 = arith.constant 64 : i32
    %dma_wait3A_679 = tpu.memref_slice %arg13[%add3A_659, %dma_wait3A_678] : memref<16384x320xf32, #tpu.memory_space<hbm>> -> memref<128x32xf32, #tpu.memory_space<hbm>>
    %dma_wait3A_680 = arith.constant 64 : i32
    %dma_wait3A_681 = tpu.memref_slice %arg13[%add3A_659, %dma_wait3A_680] : memref<16384x320xf32, #tpu.memory_space<hbm>> -> memref<128x32xf32, #tpu.memory_space<hbm>>
    %dma_wait3A_682 = arith.constant 0 : i32
    %dma_wait3A_683 = arith.constant 0 : i32
    %dma_wait3A_684 = tpu.memref_slice %arg15[%dma_wait3A_673, %dma_wait3A_682, %dma_wait3A_683] : memref<8x128x32xf32, #tpu.memory_space<vmem>> -> memref<1x128x32xf32, #tpu.memory_space<vmem>>
    %dma_wait3A_685 = tpu.memref_squeeze %dma_wait3A_684 : memref<1x128x32xf32, #tpu.memory_space<vmem>> -> memref<128x32xf32, #tpu.memory_space<vmem>>
    tpu.wait_dma2 semaphore(%arg26 : memref<!tpu.dma_semaphore, #tpu.memory_space<semaphore_mem>>) src(%dma_wait3A_685 : memref<128x32xf32, #tpu.memory_space<vmem>>) dst(%dma_wait3A_681 : memref<128x32xf32, #tpu.memory_space<hbm>>)
    %dma_start3A_686 = arith.constant 4 : i32
    %dma_start3A_687 = arith.constant 2 : i32
    %dma_start3A_688 = arith.constant 2 : i32
    %dma_start3A_689 = arith.constant 0 : i32
    %dma_start3A_690 = arith.constant 0 : i32
    %dma_start3A_691 = tpu.memref_slice %arg15[%dma_start3A_688, %dma_start3A_689, %dma_start3A_690] : memref<8x128x32xf32, #tpu.memory_space<vmem>> -> memref<1x128x32xf32, #tpu.memory_space<vmem>>
    %dma_start3A_692 = tpu.memref_squeeze %dma_start3A_691 : memref<1x128x32xf32, #tpu.memory_space<vmem>> -> memref<128x32xf32, #tpu.memory_space<vmem>>
    %dma_start3A_693 = arith.constant 0 : i32
    %dma_start3A_694 = tpu.memref_slice %arg14[%dma_start3A_686, %dma_start3A_687, %dma_start3A_693] : memref<10x4x128xi32, #tpu.memory_space<vmem>> -> memref<1x1x128xi32, #tpu.memory_space<vmem>>
    %dma_start3A_695 = tpu.memref_squeeze %dma_start3A_694 : memref<1x1x128xi32, #tpu.memory_space<vmem>> -> memref<128xi32, #tpu.memory_space<vmem>>
    %dma_start3A_696 = arith.constant 0 : i32
    %dma_start3A_697 = arith.constant 0 : i32
    %dma_start3A_698 = tpu.memref_slice %arg7[%dma_start3A_696, %dma_start3A_697] : memref<100000x32xf32, #tpu.memory_space<hbm>> -> memref<100000x32xf32, #tpu.memory_space<hbm>>
    tpu.enqueue_indirect_dma source(%dma_start3A_698 : memref<100000x32xf32, #tpu.memory_space<hbm>>) target(%dma_start3A_692 : memref<128x32xf32, #tpu.memory_space<vmem>>) offsets(%dma_start3A_695 : memref<128xi32, #tpu.memory_space<vmem>>) semaphore(%arg18 : memref<!tpu.dma_semaphore, #tpu.memory_space<semaphore_mem>>)
    %dma_wait3A_699 = arith.constant 2 : i32
    %dma_wait3A_700 = arith.constant 3 : i32
    %dma_wait3A_701 = arith.constant 3 : i32
    %dma_wait3A_702 = arith.constant 0 : i32
    %dma_wait3A_703 = arith.constant 0 : i32
    %dma_wait3A_704 = tpu.memref_slice %arg15[%dma_wait3A_701, %dma_wait3A_702, %dma_wait3A_703] : memref<8x128x32xf32, #tpu.memory_space<vmem>> -> memref<1x128x32xf32, #tpu.memory_space<vmem>>
    %dma_wait3A_705 = tpu.memref_squeeze %dma_wait3A_704 : memref<1x128x32xf32, #tpu.memory_space<vmem>> -> memref<128x32xf32, #tpu.memory_space<vmem>>
    %dma_wait3A_706 = arith.constant 0 : i32
    %dma_wait3A_707 = tpu.memref_slice %arg14[%dma_wait3A_699, %dma_wait3A_700, %dma_wait3A_706] : memref<10x4x128xi32, #tpu.memory_space<vmem>> -> memref<1x1x128xi32, #tpu.memory_space<vmem>>
    %dma_wait3A_708 = tpu.memref_squeeze %dma_wait3A_707 : memref<1x1x128xi32, #tpu.memory_space<vmem>> -> memref<128xi32, #tpu.memory_space<vmem>>
    %dma_wait3A_709 = arith.constant 0 : i32
    %dma_wait3A_710 = arith.constant 0 : i32
    %dma_wait3A_711 = tpu.memref_slice %arg5[%dma_wait3A_709, %dma_wait3A_710] : memref<100000x32xf32, #tpu.memory_space<hbm>> -> memref<100000x32xf32, #tpu.memory_space<hbm>>
    tpu.wait_indirect_dma semaphore(%arg19 : memref<!tpu.dma_semaphore, #tpu.memory_space<semaphore_mem>>) src(%dma_wait3A_711 : memref<100000x32xf32, #tpu.memory_space<hbm>>) dst(%dma_wait3A_705 : memref<128x32xf32, #tpu.memory_space<vmem>>)
    %add3A_712 = arith.constant 384 : i32
    %add3A_713 = arith.addi %mul3A_2, %add3A_712 : i32
    %dma_start3A_714 = arith.constant 3 : i32
    %dma_start3A_715 = arith.constant 0 : i32
    %dma_start3A_716 = arith.constant 0 : i32
    %dma_start3A_717 = tpu.memref_slice %arg15[%dma_start3A_714, %dma_start3A_715, %dma_start3A_716] : memref<8x128x32xf32, #tpu.memory_space<vmem>> -> memref<1x128x32xf32, #tpu.memory_space<vmem>>
    %dma_start3A_718 = tpu.memref_squeeze %dma_start3A_717 : memref<1x128x32xf32, #tpu.memory_space<vmem>> -> memref<128x32xf32, #tpu.memory_space<vmem>>
    %dma_start3A_719 = arith.constant 64 : i32
    %dma_start3A_720 = tpu.memref_slice %arg13[%add3A_713, %dma_start3A_719] : memref<16384x320xf32, #tpu.memory_space<hbm>> -> memref<128x32xf32, #tpu.memory_space<hbm>>
    %dma_start3A_721 = arith.constant 64 : i32
    %dma_start3A_722 = tpu.memref_slice %arg13[%add3A_713, %dma_start3A_721] : memref<16384x320xf32, #tpu.memory_space<hbm>> -> memref<128x32xf32, #tpu.memory_space<hbm>>
    %dma_start3A_723 = arith.constant 0 : i32
    %dma_start3A_724 = arith.constant 0 : i32
    %dma_start3A_725 = tpu.memref_slice %arg15[%dma_start3A_714, %dma_start3A_723, %dma_start3A_724] : memref<8x128x32xf32, #tpu.memory_space<vmem>> -> memref<1x128x32xf32, #tpu.memory_space<vmem>>
    %dma_start3A_726 = tpu.memref_squeeze %dma_start3A_725 : memref<1x128x32xf32, #tpu.memory_space<vmem>> -> memref<128x32xf32, #tpu.memory_space<vmem>>
    tpu.enqueue_dma source(%dma_start3A_726 : memref<128x32xf32, #tpu.memory_space<vmem>>) target(%dma_start3A_722 : memref<128x32xf32, #tpu.memory_space<hbm>>) target_semaphore(%arg27 : memref<!tpu.dma_semaphore, #tpu.memory_space<semaphore_mem>>)
    %dma_wait3A_727 = arith.constant 3 : i32
    %dma_wait3A_728 = arith.constant 0 : i32
    %dma_wait3A_729 = arith.constant 0 : i32
    %dma_wait3A_730 = tpu.memref_slice %arg15[%dma_wait3A_727, %dma_wait3A_728, %dma_wait3A_729] : memref<8x128x32xf32, #tpu.memory_space<vmem>> -> memref<1x128x32xf32, #tpu.memory_space<vmem>>
    %dma_wait3A_731 = tpu.memref_squeeze %dma_wait3A_730 : memref<1x128x32xf32, #tpu.memory_space<vmem>> -> memref<128x32xf32, #tpu.memory_space<vmem>>
    %dma_wait3A_732 = arith.constant 64 : i32
    %dma_wait3A_733 = tpu.memref_slice %arg13[%add3A_713, %dma_wait3A_732] : memref<16384x320xf32, #tpu.memory_space<hbm>> -> memref<128x32xf32, #tpu.memory_space<hbm>>
    %dma_wait3A_734 = arith.constant 64 : i32
    %dma_wait3A_735 = tpu.memref_slice %arg13[%add3A_713, %dma_wait3A_734] : memref<16384x320xf32, #tpu.memory_space<hbm>> -> memref<128x32xf32, #tpu.memory_space<hbm>>
    %dma_wait3A_736 = arith.constant 0 : i32
    %dma_wait3A_737 = arith.constant 0 : i32
    %dma_wait3A_738 = tpu.memref_slice %arg15[%dma_wait3A_727, %dma_wait3A_736, %dma_wait3A_737] : memref<8x128x32xf32, #tpu.memory_space<vmem>> -> memref<1x128x32xf32, #tpu.memory_space<vmem>>
    %dma_wait3A_739 = tpu.memref_squeeze %dma_wait3A_738 : memref<1x128x32xf32, #tpu.memory_space<vmem>> -> memref<128x32xf32, #tpu.memory_space<vmem>>
    tpu.wait_dma2 semaphore(%arg27 : memref<!tpu.dma_semaphore, #tpu.memory_space<semaphore_mem>>) src(%dma_wait3A_739 : memref<128x32xf32, #tpu.memory_space<vmem>>) dst(%dma_wait3A_735 : memref<128x32xf32, #tpu.memory_space<hbm>>)
    %dma_start3A_740 = arith.constant 4 : i32
    %dma_start3A_741 = arith.constant 3 : i32
    %dma_start3A_742 = arith.constant 3 : i32
    %dma_start3A_743 = arith.constant 0 : i32
    %dma_start3A_744 = arith.constant 0 : i32
    %dma_start3A_745 = tpu.memref_slice %arg15[%dma_start3A_742, %dma_start3A_743, %dma_start3A_744] : memref<8x128x32xf32, #tpu.memory_space<vmem>> -> memref<1x128x32xf32, #tpu.memory_space<vmem>>
    %dma_start3A_746 = tpu.memref_squeeze %dma_start3A_745 : memref<1x128x32xf32, #tpu.memory_space<vmem>> -> memref<128x32xf32, #tpu.memory_space<vmem>>
    %dma_start3A_747 = arith.constant 0 : i32
    %dma_start3A_748 = tpu.memref_slice %arg14[%dma_start3A_740, %dma_start3A_741, %dma_start3A_747] : memref<10x4x128xi32, #tpu.memory_space<vmem>> -> memref<1x1x128xi32, #tpu.memory_space<vmem>>
    %dma_start3A_749 = tpu.memref_squeeze %dma_start3A_748 : memref<1x1x128xi32, #tpu.memory_space<vmem>> -> memref<128xi32, #tpu.memory_space<vmem>>
    %dma_start3A_750 = arith.constant 0 : i32
    %dma_start3A_751 = arith.constant 0 : i32
    %dma_start3A_752 = tpu.memref_slice %arg7[%dma_start3A_750, %dma_start3A_751] : memref<100000x32xf32, #tpu.memory_space<hbm>> -> memref<100000x32xf32, #tpu.memory_space<hbm>>
    tpu.enqueue_indirect_dma source(%dma_start3A_752 : memref<100000x32xf32, #tpu.memory_space<hbm>>) target(%dma_start3A_746 : memref<128x32xf32, #tpu.memory_space<vmem>>) offsets(%dma_start3A_749 : memref<128xi32, #tpu.memory_space<vmem>>) semaphore(%arg19 : memref<!tpu.dma_semaphore, #tpu.memory_space<semaphore_mem>>)
    %dma_wait3A_753 = arith.constant 3 : i32
    %dma_wait3A_754 = arith.constant 0 : i32
    %dma_wait3A_755 = arith.constant 4 : i32
    %dma_wait3A_756 = arith.constant 0 : i32
    %dma_wait3A_757 = arith.constant 0 : i32
    %dma_wait3A_758 = tpu.memref_slice %arg15[%dma_wait3A_755, %dma_wait3A_756, %dma_wait3A_757] : memref<8x128x32xf32, #tpu.memory_space<vmem>> -> memref<1x128x32xf32, #tpu.memory_space<vmem>>
    %dma_wait3A_759 = tpu.memref_squeeze %dma_wait3A_758 : memref<1x128x32xf32, #tpu.memory_space<vmem>> -> memref<128x32xf32, #tpu.memory_space<vmem>>
    %dma_wait3A_760 = arith.constant 0 : i32
    %dma_wait3A_761 = tpu.memref_slice %arg14[%dma_wait3A_753, %dma_wait3A_754, %dma_wait3A_760] : memref<10x4x128xi32, #tpu.memory_space<vmem>> -> memref<1x1x128xi32, #tpu.memory_space<vmem>>
    %dma_wait3A_762 = tpu.memref_squeeze %dma_wait3A_761 : memref<1x1x128xi32, #tpu.memory_space<vmem>> -> memref<128xi32, #tpu.memory_space<vmem>>
    %dma_wait3A_763 = arith.constant 0 : i32
    %dma_wait3A_764 = arith.constant 0 : i32
    %dma_wait3A_765 = tpu.memref_slice %arg6[%dma_wait3A_763, %dma_wait3A_764] : memref<100000x32xf32, #tpu.memory_space<hbm>> -> memref<100000x32xf32, #tpu.memory_space<hbm>>
    tpu.wait_indirect_dma semaphore(%arg20 : memref<!tpu.dma_semaphore, #tpu.memory_space<semaphore_mem>>) src(%dma_wait3A_765 : memref<100000x32xf32, #tpu.memory_space<hbm>>) dst(%dma_wait3A_759 : memref<128x32xf32, #tpu.memory_space<vmem>>)
    %add3A_766 = arith.constant 0 : i32
    %add3A_767 = arith.addi %mul3A_2, %add3A_766 : i32
    %dma_start3A_768 = arith.constant 4 : i32
    %dma_start3A_769 = arith.constant 0 : i32
    %dma_start3A_770 = arith.constant 0 : i32
    %dma_start3A_771 = tpu.memref_slice %arg15[%dma_start3A_768, %dma_start3A_769, %dma_start3A_770] : memref<8x128x32xf32, #tpu.memory_space<vmem>> -> memref<1x128x32xf32, #tpu.memory_space<vmem>>
    %dma_start3A_772 = tpu.memref_squeeze %dma_start3A_771 : memref<1x128x32xf32, #tpu.memory_space<vmem>> -> memref<128x32xf32, #tpu.memory_space<vmem>>
    %dma_start3A_773 = arith.constant 96 : i32
    %dma_start3A_774 = tpu.memref_slice %arg13[%add3A_767, %dma_start3A_773] : memref<16384x320xf32, #tpu.memory_space<hbm>> -> memref<128x32xf32, #tpu.memory_space<hbm>>
    %dma_start3A_775 = arith.constant 96 : i32
    %dma_start3A_776 = tpu.memref_slice %arg13[%add3A_767, %dma_start3A_775] : memref<16384x320xf32, #tpu.memory_space<hbm>> -> memref<128x32xf32, #tpu.memory_space<hbm>>
    %dma_start3A_777 = arith.constant 0 : i32
    %dma_start3A_778 = arith.constant 0 : i32
    %dma_start3A_779 = tpu.memref_slice %arg15[%dma_start3A_768, %dma_start3A_777, %dma_start3A_778] : memref<8x128x32xf32, #tpu.memory_space<vmem>> -> memref<1x128x32xf32, #tpu.memory_space<vmem>>
    %dma_start3A_780 = tpu.memref_squeeze %dma_start3A_779 : memref<1x128x32xf32, #tpu.memory_space<vmem>> -> memref<128x32xf32, #tpu.memory_space<vmem>>
    tpu.enqueue_dma source(%dma_start3A_780 : memref<128x32xf32, #tpu.memory_space<vmem>>) target(%dma_start3A_776 : memref<128x32xf32, #tpu.memory_space<hbm>>) target_semaphore(%arg28 : memref<!tpu.dma_semaphore, #tpu.memory_space<semaphore_mem>>)
    %dma_wait3A_781 = arith.constant 4 : i32
    %dma_wait3A_782 = arith.constant 0 : i32
    %dma_wait3A_783 = arith.constant 0 : i32
    %dma_wait3A_784 = tpu.memref_slice %arg15[%dma_wait3A_781, %dma_wait3A_782, %dma_wait3A_783] : memref<8x128x32xf32, #tpu.memory_space<vmem>> -> memref<1x128x32xf32, #tpu.memory_space<vmem>>
    %dma_wait3A_785 = tpu.memref_squeeze %dma_wait3A_784 : memref<1x128x32xf32, #tpu.memory_space<vmem>> -> memref<128x32xf32, #tpu.memory_space<vmem>>
    %dma_wait3A_786 = arith.constant 96 : i32
    %dma_wait3A_787 = tpu.memref_slice %arg13[%add3A_767, %dma_wait3A_786] : memref<16384x320xf32, #tpu.memory_space<hbm>> -> memref<128x32xf32, #tpu.memory_space<hbm>>
    %dma_wait3A_788 = arith.constant 96 : i32
    %dma_wait3A_789 = tpu.memref_slice %arg13[%add3A_767, %dma_wait3A_788] : memref<16384x320xf32, #tpu.memory_space<hbm>> -> memref<128x32xf32, #tpu.memory_space<hbm>>
    %dma_wait3A_790 = arith.constant 0 : i32
    %dma_wait3A_791 = arith.constant 0 : i32
    %dma_wait3A_792 = tpu.memref_slice %arg15[%dma_wait3A_781, %dma_wait3A_790, %dma_wait3A_791] : memref<8x128x32xf32, #tpu.memory_space<vmem>> -> memref<1x128x32xf32, #tpu.memory_space<vmem>>
    %dma_wait3A_793 = tpu.memref_squeeze %dma_wait3A_792 : memref<1x128x32xf32, #tpu.memory_space<vmem>> -> memref<128x32xf32, #tpu.memory_space<vmem>>
    tpu.wait_dma2 semaphore(%arg28 : memref<!tpu.dma_semaphore, #tpu.memory_space<semaphore_mem>>) src(%dma_wait3A_793 : memref<128x32xf32, #tpu.memory_space<vmem>>) dst(%dma_wait3A_789 : memref<128x32xf32, #tpu.memory_space<hbm>>)
    %dma_start3A_794 = arith.constant 5 : i32
    %dma_start3A_795 = arith.constant 0 : i32
    %dma_start3A_796 = arith.constant 4 : i32
    %dma_start3A_797 = arith.constant 0 : i32
    %dma_start3A_798 = arith.constant 0 : i32
    %dma_start3A_799 = tpu.memref_slice %arg15[%dma_start3A_796, %dma_start3A_797, %dma_start3A_798] : memref<8x128x32xf32, #tpu.memory_space<vmem>> -> memref<1x128x32xf32, #tpu.memory_space<vmem>>
    %dma_start3A_800 = tpu.memref_squeeze %dma_start3A_799 : memref<1x128x32xf32, #tpu.memory_space<vmem>> -> memref<128x32xf32, #tpu.memory_space<vmem>>
    %dma_start3A_801 = arith.constant 0 : i32
    %dma_start3A_802 = tpu.memref_slice %arg14[%dma_start3A_794, %dma_start3A_795, %dma_start3A_801] : memref<10x4x128xi32, #tpu.memory_space<vmem>> -> memref<1x1x128xi32, #tpu.memory_space<vmem>>
    %dma_start3A_803 = tpu.memref_squeeze %dma_start3A_802 : memref<1x1x128xi32, #tpu.memory_space<vmem>> -> memref<128xi32, #tpu.memory_space<vmem>>
    %dma_start3A_804 = arith.constant 0 : i32
    %dma_start3A_805 = arith.constant 0 : i32
    %dma_start3A_806 = tpu.memref_slice %arg8[%dma_start3A_804, %dma_start3A_805] : memref<100000x32xf32, #tpu.memory_space<hbm>> -> memref<100000x32xf32, #tpu.memory_space<hbm>>
    tpu.enqueue_indirect_dma source(%dma_start3A_806 : memref<100000x32xf32, #tpu.memory_space<hbm>>) target(%dma_start3A_800 : memref<128x32xf32, #tpu.memory_space<vmem>>) offsets(%dma_start3A_803 : memref<128xi32, #tpu.memory_space<vmem>>) semaphore(%arg20 : memref<!tpu.dma_semaphore, #tpu.memory_space<semaphore_mem>>)
    %dma_wait3A_807 = arith.constant 3 : i32
    %dma_wait3A_808 = arith.constant 1 : i32
    %dma_wait3A_809 = arith.constant 5 : i32
    %dma_wait3A_810 = arith.constant 0 : i32
    %dma_wait3A_811 = arith.constant 0 : i32
    %dma_wait3A_812 = tpu.memref_slice %arg15[%dma_wait3A_809, %dma_wait3A_810, %dma_wait3A_811] : memref<8x128x32xf32, #tpu.memory_space<vmem>> -> memref<1x128x32xf32, #tpu.memory_space<vmem>>
    %dma_wait3A_813 = tpu.memref_squeeze %dma_wait3A_812 : memref<1x128x32xf32, #tpu.memory_space<vmem>> -> memref<128x32xf32, #tpu.memory_space<vmem>>
    %dma_wait3A_814 = arith.constant 0 : i32
    %dma_wait3A_815 = tpu.memref_slice %arg14[%dma_wait3A_807, %dma_wait3A_808, %dma_wait3A_814] : memref<10x4x128xi32, #tpu.memory_space<vmem>> -> memref<1x1x128xi32, #tpu.memory_space<vmem>>
    %dma_wait3A_816 = tpu.memref_squeeze %dma_wait3A_815 : memref<1x1x128xi32, #tpu.memory_space<vmem>> -> memref<128xi32, #tpu.memory_space<vmem>>
    %dma_wait3A_817 = arith.constant 0 : i32
    %dma_wait3A_818 = arith.constant 0 : i32
    %dma_wait3A_819 = tpu.memref_slice %arg6[%dma_wait3A_817, %dma_wait3A_818] : memref<100000x32xf32, #tpu.memory_space<hbm>> -> memref<100000x32xf32, #tpu.memory_space<hbm>>
    tpu.wait_indirect_dma semaphore(%arg21 : memref<!tpu.dma_semaphore, #tpu.memory_space<semaphore_mem>>) src(%dma_wait3A_819 : memref<100000x32xf32, #tpu.memory_space<hbm>>) dst(%dma_wait3A_813 : memref<128x32xf32, #tpu.memory_space<vmem>>)
    %add3A_820 = arith.constant 128 : i32
    %add3A_821 = arith.addi %mul3A_2, %add3A_820 : i32
    %dma_start3A_822 = arith.constant 5 : i32
    %dma_start3A_823 = arith.constant 0 : i32
    %dma_start3A_824 = arith.constant 0 : i32
    %dma_start3A_825 = tpu.memref_slice %arg15[%dma_start3A_822, %dma_start3A_823, %dma_start3A_824] : memref<8x128x32xf32, #tpu.memory_space<vmem>> -> memref<1x128x32xf32, #tpu.memory_space<vmem>>
    %dma_start3A_826 = tpu.memref_squeeze %dma_start3A_825 : memref<1x128x32xf32, #tpu.memory_space<vmem>> -> memref<128x32xf32, #tpu.memory_space<vmem>>
    %dma_start3A_827 = arith.constant 96 : i32
    %dma_start3A_828 = tpu.memref_slice %arg13[%add3A_821, %dma_start3A_827] : memref<16384x320xf32, #tpu.memory_space<hbm>> -> memref<128x32xf32, #tpu.memory_space<hbm>>
    %dma_start3A_829 = arith.constant 96 : i32
    %dma_start3A_830 = tpu.memref_slice %arg13[%add3A_821, %dma_start3A_829] : memref<16384x320xf32, #tpu.memory_space<hbm>> -> memref<128x32xf32, #tpu.memory_space<hbm>>
    %dma_start3A_831 = arith.constant 0 : i32
    %dma_start3A_832 = arith.constant 0 : i32
    %dma_start3A_833 = tpu.memref_slice %arg15[%dma_start3A_822, %dma_start3A_831, %dma_start3A_832] : memref<8x128x32xf32, #tpu.memory_space<vmem>> -> memref<1x128x32xf32, #tpu.memory_space<vmem>>
    %dma_start3A_834 = tpu.memref_squeeze %dma_start3A_833 : memref<1x128x32xf32, #tpu.memory_space<vmem>> -> memref<128x32xf32, #tpu.memory_space<vmem>>
    tpu.enqueue_dma source(%dma_start3A_834 : memref<128x32xf32, #tpu.memory_space<vmem>>) target(%dma_start3A_830 : memref<128x32xf32, #tpu.memory_space<hbm>>) target_semaphore(%arg29 : memref<!tpu.dma_semaphore, #tpu.memory_space<semaphore_mem>>)
    %dma_wait3A_835 = arith.constant 5 : i32
    %dma_wait3A_836 = arith.constant 0 : i32
    %dma_wait3A_837 = arith.constant 0 : i32
    %dma_wait3A_838 = tpu.memref_slice %arg15[%dma_wait3A_835, %dma_wait3A_836, %dma_wait3A_837] : memref<8x128x32xf32, #tpu.memory_space<vmem>> -> memref<1x128x32xf32, #tpu.memory_space<vmem>>
    %dma_wait3A_839 = tpu.memref_squeeze %dma_wait3A_838 : memref<1x128x32xf32, #tpu.memory_space<vmem>> -> memref<128x32xf32, #tpu.memory_space<vmem>>
    %dma_wait3A_840 = arith.constant 96 : i32
    %dma_wait3A_841 = tpu.memref_slice %arg13[%add3A_821, %dma_wait3A_840] : memref<16384x320xf32, #tpu.memory_space<hbm>> -> memref<128x32xf32, #tpu.memory_space<hbm>>
    %dma_wait3A_842 = arith.constant 96 : i32
    %dma_wait3A_843 = tpu.memref_slice %arg13[%add3A_821, %dma_wait3A_842] : memref<16384x320xf32, #tpu.memory_space<hbm>> -> memref<128x32xf32, #tpu.memory_space<hbm>>
    %dma_wait3A_844 = arith.constant 0 : i32
    %dma_wait3A_845 = arith.constant 0 : i32
    %dma_wait3A_846 = tpu.memref_slice %arg15[%dma_wait3A_835, %dma_wait3A_844, %dma_wait3A_845] : memref<8x128x32xf32, #tpu.memory_space<vmem>> -> memref<1x128x32xf32, #tpu.memory_space<vmem>>
    %dma_wait3A_847 = tpu.memref_squeeze %dma_wait3A_846 : memref<1x128x32xf32, #tpu.memory_space<vmem>> -> memref<128x32xf32, #tpu.memory_space<vmem>>
    tpu.wait_dma2 semaphore(%arg29 : memref<!tpu.dma_semaphore, #tpu.memory_space<semaphore_mem>>) src(%dma_wait3A_847 : memref<128x32xf32, #tpu.memory_space<vmem>>) dst(%dma_wait3A_843 : memref<128x32xf32, #tpu.memory_space<hbm>>)
    %dma_start3A_848 = arith.constant 5 : i32
    %dma_start3A_849 = arith.constant 1 : i32
    %dma_start3A_850 = arith.constant 5 : i32
    %dma_start3A_851 = arith.constant 0 : i32
    %dma_start3A_852 = arith.constant 0 : i32
    %dma_start3A_853 = tpu.memref_slice %arg15[%dma_start3A_850, %dma_start3A_851, %dma_start3A_852] : memref<8x128x32xf32, #tpu.memory_space<vmem>> -> memref<1x128x32xf32, #tpu.memory_space<vmem>>
    %dma_start3A_854 = tpu.memref_squeeze %dma_start3A_853 : memref<1x128x32xf32, #tpu.memory_space<vmem>> -> memref<128x32xf32, #tpu.memory_space<vmem>>
    %dma_start3A_855 = arith.constant 0 : i32
    %dma_start3A_856 = tpu.memref_slice %arg14[%dma_start3A_848, %dma_start3A_849, %dma_start3A_855] : memref<10x4x128xi32, #tpu.memory_space<vmem>> -> memref<1x1x128xi32, #tpu.memory_space<vmem>>
    %dma_start3A_857 = tpu.memref_squeeze %dma_start3A_856 : memref<1x1x128xi32, #tpu.memory_space<vmem>> -> memref<128xi32, #tpu.memory_space<vmem>>
    %dma_start3A_858 = arith.constant 0 : i32
    %dma_start3A_859 = arith.constant 0 : i32
    %dma_start3A_860 = tpu.memref_slice %arg8[%dma_start3A_858, %dma_start3A_859] : memref<100000x32xf32, #tpu.memory_space<hbm>> -> memref<100000x32xf32, #tpu.memory_space<hbm>>
    tpu.enqueue_indirect_dma source(%dma_start3A_860 : memref<100000x32xf32, #tpu.memory_space<hbm>>) target(%dma_start3A_854 : memref<128x32xf32, #tpu.memory_space<vmem>>) offsets(%dma_start3A_857 : memref<128xi32, #tpu.memory_space<vmem>>) semaphore(%arg21 : memref<!tpu.dma_semaphore, #tpu.memory_space<semaphore_mem>>)
    %dma_wait3A_861 = arith.constant 3 : i32
    %dma_wait3A_862 = arith.constant 2 : i32
    %dma_wait3A_863 = arith.constant 6 : i32
    %dma_wait3A_864 = arith.constant 0 : i32
    %dma_wait3A_865 = arith.constant 0 : i32
    %dma_wait3A_866 = tpu.memref_slice %arg15[%dma_wait3A_863, %dma_wait3A_864, %dma_wait3A_865] : memref<8x128x32xf32, #tpu.memory_space<vmem>> -> memref<1x128x32xf32, #tpu.memory_space<vmem>>
    %dma_wait3A_867 = tpu.memref_squeeze %dma_wait3A_866 : memref<1x128x32xf32, #tpu.memory_space<vmem>> -> memref<128x32xf32, #tpu.memory_space<vmem>>
    %dma_wait3A_868 = arith.constant 0 : i32
    %dma_wait3A_869 = tpu.memref_slice %arg14[%dma_wait3A_861, %dma_wait3A_862, %dma_wait3A_868] : memref<10x4x128xi32, #tpu.memory_space<vmem>> -> memref<1x1x128xi32, #tpu.memory_space<vmem>>
    %dma_wait3A_870 = tpu.memref_squeeze %dma_wait3A_869 : memref<1x1x128xi32, #tpu.memory_space<vmem>> -> memref<128xi32, #tpu.memory_space<vmem>>
    %dma_wait3A_871 = arith.constant 0 : i32
    %dma_wait3A_872 = arith.constant 0 : i32
    %dma_wait3A_873 = tpu.memref_slice %arg6[%dma_wait3A_871, %dma_wait3A_872] : memref<100000x32xf32, #tpu.memory_space<hbm>> -> memref<100000x32xf32, #tpu.memory_space<hbm>>
    tpu.wait_indirect_dma semaphore(%arg22 : memref<!tpu.dma_semaphore, #tpu.memory_space<semaphore_mem>>) src(%dma_wait3A_873 : memref<100000x32xf32, #tpu.memory_space<hbm>>) dst(%dma_wait3A_867 : memref<128x32xf32, #tpu.memory_space<vmem>>)
    %add3A_874 = arith.constant 256 : i32
    %add3A_875 = arith.addi %mul3A_2, %add3A_874 : i32
    %dma_start3A_876 = arith.constant 6 : i32
    %dma_start3A_877 = arith.constant 0 : i32
    %dma_start3A_878 = arith.constant 0 : i32
    %dma_start3A_879 = tpu.memref_slice %arg15[%dma_start3A_876, %dma_start3A_877, %dma_start3A_878] : memref<8x128x32xf32, #tpu.memory_space<vmem>> -> memref<1x128x32xf32, #tpu.memory_space<vmem>>
    %dma_start3A_880 = tpu.memref_squeeze %dma_start3A_879 : memref<1x128x32xf32, #tpu.memory_space<vmem>> -> memref<128x32xf32, #tpu.memory_space<vmem>>
    %dma_start3A_881 = arith.constant 96 : i32
    %dma_start3A_882 = tpu.memref_slice %arg13[%add3A_875, %dma_start3A_881] : memref<16384x320xf32, #tpu.memory_space<hbm>> -> memref<128x32xf32, #tpu.memory_space<hbm>>
    %dma_start3A_883 = arith.constant 96 : i32
    %dma_start3A_884 = tpu.memref_slice %arg13[%add3A_875, %dma_start3A_883] : memref<16384x320xf32, #tpu.memory_space<hbm>> -> memref<128x32xf32, #tpu.memory_space<hbm>>
    %dma_start3A_885 = arith.constant 0 : i32
    %dma_start3A_886 = arith.constant 0 : i32
    %dma_start3A_887 = tpu.memref_slice %arg15[%dma_start3A_876, %dma_start3A_885, %dma_start3A_886] : memref<8x128x32xf32, #tpu.memory_space<vmem>> -> memref<1x128x32xf32, #tpu.memory_space<vmem>>
    %dma_start3A_888 = tpu.memref_squeeze %dma_start3A_887 : memref<1x128x32xf32, #tpu.memory_space<vmem>> -> memref<128x32xf32, #tpu.memory_space<vmem>>
    tpu.enqueue_dma source(%dma_start3A_888 : memref<128x32xf32, #tpu.memory_space<vmem>>) target(%dma_start3A_884 : memref<128x32xf32, #tpu.memory_space<hbm>>) target_semaphore(%arg30 : memref<!tpu.dma_semaphore, #tpu.memory_space<semaphore_mem>>)
    %dma_wait3A_889 = arith.constant 6 : i32
    %dma_wait3A_890 = arith.constant 0 : i32
    %dma_wait3A_891 = arith.constant 0 : i32
    %dma_wait3A_892 = tpu.memref_slice %arg15[%dma_wait3A_889, %dma_wait3A_890, %dma_wait3A_891] : memref<8x128x32xf32, #tpu.memory_space<vmem>> -> memref<1x128x32xf32, #tpu.memory_space<vmem>>
    %dma_wait3A_893 = tpu.memref_squeeze %dma_wait3A_892 : memref<1x128x32xf32, #tpu.memory_space<vmem>> -> memref<128x32xf32, #tpu.memory_space<vmem>>
    %dma_wait3A_894 = arith.constant 96 : i32
    %dma_wait3A_895 = tpu.memref_slice %arg13[%add3A_875, %dma_wait3A_894] : memref<16384x320xf32, #tpu.memory_space<hbm>> -> memref<128x32xf32, #tpu.memory_space<hbm>>
    %dma_wait3A_896 = arith.constant 96 : i32
    %dma_wait3A_897 = tpu.memref_slice %arg13[%add3A_875, %dma_wait3A_896] : memref<16384x320xf32, #tpu.memory_space<hbm>> -> memref<128x32xf32, #tpu.memory_space<hbm>>
    %dma_wait3A_898 = arith.constant 0 : i32
    %dma_wait3A_899 = arith.constant 0 : i32
    %dma_wait3A_900 = tpu.memref_slice %arg15[%dma_wait3A_889, %dma_wait3A_898, %dma_wait3A_899] : memref<8x128x32xf32, #tpu.memory_space<vmem>> -> memref<1x128x32xf32, #tpu.memory_space<vmem>>
    %dma_wait3A_901 = tpu.memref_squeeze %dma_wait3A_900 : memref<1x128x32xf32, #tpu.memory_space<vmem>> -> memref<128x32xf32, #tpu.memory_space<vmem>>
    tpu.wait_dma2 semaphore(%arg30 : memref<!tpu.dma_semaphore, #tpu.memory_space<semaphore_mem>>) src(%dma_wait3A_901 : memref<128x32xf32, #tpu.memory_space<vmem>>) dst(%dma_wait3A_897 : memref<128x32xf32, #tpu.memory_space<hbm>>)
    %dma_start3A_902 = arith.constant 5 : i32
    %dma_start3A_903 = arith.constant 2 : i32
    %dma_start3A_904 = arith.constant 6 : i32
    %dma_start3A_905 = arith.constant 0 : i32
    %dma_start3A_906 = arith.constant 0 : i32
    %dma_start3A_907 = tpu.memref_slice %arg15[%dma_start3A_904, %dma_start3A_905, %dma_start3A_906] : memref<8x128x32xf32, #tpu.memory_space<vmem>> -> memref<1x128x32xf32, #tpu.memory_space<vmem>>
    %dma_start3A_908 = tpu.memref_squeeze %dma_start3A_907 : memref<1x128x32xf32, #tpu.memory_space<vmem>> -> memref<128x32xf32, #tpu.memory_space<vmem>>
    %dma_start3A_909 = arith.constant 0 : i32
    %dma_start3A_910 = tpu.memref_slice %arg14[%dma_start3A_902, %dma_start3A_903, %dma_start3A_909] : memref<10x4x128xi32, #tpu.memory_space<vmem>> -> memref<1x1x128xi32, #tpu.memory_space<vmem>>
    %dma_start3A_911 = tpu.memref_squeeze %dma_start3A_910 : memref<1x1x128xi32, #tpu.memory_space<vmem>> -> memref<128xi32, #tpu.memory_space<vmem>>
    %dma_start3A_912 = arith.constant 0 : i32
    %dma_start3A_913 = arith.constant 0 : i32
    %dma_start3A_914 = tpu.memref_slice %arg8[%dma_start3A_912, %dma_start3A_913] : memref<100000x32xf32, #tpu.memory_space<hbm>> -> memref<100000x32xf32, #tpu.memory_space<hbm>>
    tpu.enqueue_indirect_dma source(%dma_start3A_914 : memref<100000x32xf32, #tpu.memory_space<hbm>>) target(%dma_start3A_908 : memref<128x32xf32, #tpu.memory_space<vmem>>) offsets(%dma_start3A_911 : memref<128xi32, #tpu.memory_space<vmem>>) semaphore(%arg22 : memref<!tpu.dma_semaphore, #tpu.memory_space<semaphore_mem>>)
    %dma_wait3A_915 = arith.constant 3 : i32
    %dma_wait3A_916 = arith.constant 3 : i32
    %dma_wait3A_917 = arith.constant 7 : i32
    %dma_wait3A_918 = arith.constant 0 : i32
    %dma_wait3A_919 = arith.constant 0 : i32
    %dma_wait3A_920 = tpu.memref_slice %arg15[%dma_wait3A_917, %dma_wait3A_918, %dma_wait3A_919] : memref<8x128x32xf32, #tpu.memory_space<vmem>> -> memref<1x128x32xf32, #tpu.memory_space<vmem>>
    %dma_wait3A_921 = tpu.memref_squeeze %dma_wait3A_920 : memref<1x128x32xf32, #tpu.memory_space<vmem>> -> memref<128x32xf32, #tpu.memory_space<vmem>>
    %dma_wait3A_922 = arith.constant 0 : i32
    %dma_wait3A_923 = tpu.memref_slice %arg14[%dma_wait3A_915, %dma_wait3A_916, %dma_wait3A_922] : memref<10x4x128xi32, #tpu.memory_space<vmem>> -> memref<1x1x128xi32, #tpu.memory_space<vmem>>
    %dma_wait3A_924 = tpu.memref_squeeze %dma_wait3A_923 : memref<1x1x128xi32, #tpu.memory_space<vmem>> -> memref<128xi32, #tpu.memory_space<vmem>>
    %dma_wait3A_925 = arith.constant 0 : i32
    %dma_wait3A_926 = arith.constant 0 : i32
    %dma_wait3A_927 = tpu.memref_slice %arg6[%dma_wait3A_925, %dma_wait3A_926] : memref<100000x32xf32, #tpu.memory_space<hbm>> -> memref<100000x32xf32, #tpu.memory_space<hbm>>
    tpu.wait_indirect_dma semaphore(%arg23 : memref<!tpu.dma_semaphore, #tpu.memory_space<semaphore_mem>>) src(%dma_wait3A_927 : memref<100000x32xf32, #tpu.memory_space<hbm>>) dst(%dma_wait3A_921 : memref<128x32xf32, #tpu.memory_space<vmem>>)
    %add3A_928 = arith.constant 384 : i32
    %add3A_929 = arith.addi %mul3A_2, %add3A_928 : i32
    %dma_start3A_930 = arith.constant 7 : i32
    %dma_start3A_931 = arith.constant 0 : i32
    %dma_start3A_932 = arith.constant 0 : i32
    %dma_start3A_933 = tpu.memref_slice %arg15[%dma_start3A_930, %dma_start3A_931, %dma_start3A_932] : memref<8x128x32xf32, #tpu.memory_space<vmem>> -> memref<1x128x32xf32, #tpu.memory_space<vmem>>
    %dma_start3A_934 = tpu.memref_squeeze %dma_start3A_933 : memref<1x128x32xf32, #tpu.memory_space<vmem>> -> memref<128x32xf32, #tpu.memory_space<vmem>>
    %dma_start3A_935 = arith.constant 96 : i32
    %dma_start3A_936 = tpu.memref_slice %arg13[%add3A_929, %dma_start3A_935] : memref<16384x320xf32, #tpu.memory_space<hbm>> -> memref<128x32xf32, #tpu.memory_space<hbm>>
    %dma_start3A_937 = arith.constant 96 : i32
    %dma_start3A_938 = tpu.memref_slice %arg13[%add3A_929, %dma_start3A_937] : memref<16384x320xf32, #tpu.memory_space<hbm>> -> memref<128x32xf32, #tpu.memory_space<hbm>>
    %dma_start3A_939 = arith.constant 0 : i32
    %dma_start3A_940 = arith.constant 0 : i32
    %dma_start3A_941 = tpu.memref_slice %arg15[%dma_start3A_930, %dma_start3A_939, %dma_start3A_940] : memref<8x128x32xf32, #tpu.memory_space<vmem>> -> memref<1x128x32xf32, #tpu.memory_space<vmem>>
    %dma_start3A_942 = tpu.memref_squeeze %dma_start3A_941 : memref<1x128x32xf32, #tpu.memory_space<vmem>> -> memref<128x32xf32, #tpu.memory_space<vmem>>
    tpu.enqueue_dma source(%dma_start3A_942 : memref<128x32xf32, #tpu.memory_space<vmem>>) target(%dma_start3A_938 : memref<128x32xf32, #tpu.memory_space<hbm>>) target_semaphore(%arg31 : memref<!tpu.dma_semaphore, #tpu.memory_space<semaphore_mem>>)
    %dma_wait3A_943 = arith.constant 7 : i32
    %dma_wait3A_944 = arith.constant 0 : i32
    %dma_wait3A_945 = arith.constant 0 : i32
    %dma_wait3A_946 = tpu.memref_slice %arg15[%dma_wait3A_943, %dma_wait3A_944, %dma_wait3A_945] : memref<8x128x32xf32, #tpu.memory_space<vmem>> -> memref<1x128x32xf32, #tpu.memory_space<vmem>>
    %dma_wait3A_947 = tpu.memref_squeeze %dma_wait3A_946 : memref<1x128x32xf32, #tpu.memory_space<vmem>> -> memref<128x32xf32, #tpu.memory_space<vmem>>
    %dma_wait3A_948 = arith.constant 96 : i32
    %dma_wait3A_949 = tpu.memref_slice %arg13[%add3A_929, %dma_wait3A_948] : memref<16384x320xf32, #tpu.memory_space<hbm>> -> memref<128x32xf32, #tpu.memory_space<hbm>>
    %dma_wait3A_950 = arith.constant 96 : i32
    %dma_wait3A_951 = tpu.memref_slice %arg13[%add3A_929, %dma_wait3A_950] : memref<16384x320xf32, #tpu.memory_space<hbm>> -> memref<128x32xf32, #tpu.memory_space<hbm>>
    %dma_wait3A_952 = arith.constant 0 : i32
    %dma_wait3A_953 = arith.constant 0 : i32
    %dma_wait3A_954 = tpu.memref_slice %arg15[%dma_wait3A_943, %dma_wait3A_952, %dma_wait3A_953] : memref<8x128x32xf32, #tpu.memory_space<vmem>> -> memref<1x128x32xf32, #tpu.memory_space<vmem>>
    %dma_wait3A_955 = tpu.memref_squeeze %dma_wait3A_954 : memref<1x128x32xf32, #tpu.memory_space<vmem>> -> memref<128x32xf32, #tpu.memory_space<vmem>>
    tpu.wait_dma2 semaphore(%arg31 : memref<!tpu.dma_semaphore, #tpu.memory_space<semaphore_mem>>) src(%dma_wait3A_955 : memref<128x32xf32, #tpu.memory_space<vmem>>) dst(%dma_wait3A_951 : memref<128x32xf32, #tpu.memory_space<hbm>>)
    %dma_start3A_956 = arith.constant 5 : i32
    %dma_start3A_957 = arith.constant 3 : i32
    %dma_start3A_958 = arith.constant 7 : i32
    %dma_start3A_959 = arith.constant 0 : i32
    %dma_start3A_960 = arith.constant 0 : i32
    %dma_start3A_961 = tpu.memref_slice %arg15[%dma_start3A_958, %dma_start3A_959, %dma_start3A_960] : memref<8x128x32xf32, #tpu.memory_space<vmem>> -> memref<1x128x32xf32, #tpu.memory_space<vmem>>
    %dma_start3A_962 = tpu.memref_squeeze %dma_start3A_961 : memref<1x128x32xf32, #tpu.memory_space<vmem>> -> memref<128x32xf32, #tpu.memory_space<vmem>>
    %dma_start3A_963 = arith.constant 0 : i32
    %dma_start3A_964 = tpu.memref_slice %arg14[%dma_start3A_956, %dma_start3A_957, %dma_start3A_963] : memref<10x4x128xi32, #tpu.memory_space<vmem>> -> memref<1x1x128xi32, #tpu.memory_space<vmem>>
    %dma_start3A_965 = tpu.memref_squeeze %dma_start3A_964 : memref<1x1x128xi32, #tpu.memory_space<vmem>> -> memref<128xi32, #tpu.memory_space<vmem>>
    %dma_start3A_966 = arith.constant 0 : i32
    %dma_start3A_967 = arith.constant 0 : i32
    %dma_start3A_968 = tpu.memref_slice %arg8[%dma_start3A_966, %dma_start3A_967] : memref<100000x32xf32, #tpu.memory_space<hbm>> -> memref<100000x32xf32, #tpu.memory_space<hbm>>
    tpu.enqueue_indirect_dma source(%dma_start3A_968 : memref<100000x32xf32, #tpu.memory_space<hbm>>) target(%dma_start3A_962 : memref<128x32xf32, #tpu.memory_space<vmem>>) offsets(%dma_start3A_965 : memref<128xi32, #tpu.memory_space<vmem>>) semaphore(%arg23 : memref<!tpu.dma_semaphore, #tpu.memory_space<semaphore_mem>>)
    %dma_wait3A_969 = arith.constant 4 : i32
    %dma_wait3A_970 = arith.constant 0 : i32
    %dma_wait3A_971 = arith.constant 0 : i32
    %dma_wait3A_972 = arith.constant 0 : i32
    %dma_wait3A_973 = arith.constant 0 : i32
    %dma_wait3A_974 = tpu.memref_slice %arg15[%dma_wait3A_971, %dma_wait3A_972, %dma_wait3A_973] : memref<8x128x32xf32, #tpu.memory_space<vmem>> -> memref<1x128x32xf32, #tpu.memory_space<vmem>>
    %dma_wait3A_975 = tpu.memref_squeeze %dma_wait3A_974 : memref<1x128x32xf32, #tpu.memory_space<vmem>> -> memref<128x32xf32, #tpu.memory_space<vmem>>
    %dma_wait3A_976 = arith.constant 0 : i32
    %dma_wait3A_977 = tpu.memref_slice %arg14[%dma_wait3A_969, %dma_wait3A_970, %dma_wait3A_976] : memref<10x4x128xi32, #tpu.memory_space<vmem>> -> memref<1x1x128xi32, #tpu.memory_space<vmem>>
    %dma_wait3A_978 = tpu.memref_squeeze %dma_wait3A_977 : memref<1x1x128xi32, #tpu.memory_space<vmem>> -> memref<128xi32, #tpu.memory_space<vmem>>
    %dma_wait3A_979 = arith.constant 0 : i32
    %dma_wait3A_980 = arith.constant 0 : i32
    %dma_wait3A_981 = tpu.memref_slice %arg7[%dma_wait3A_979, %dma_wait3A_980] : memref<100000x32xf32, #tpu.memory_space<hbm>> -> memref<100000x32xf32, #tpu.memory_space<hbm>>
    tpu.wait_indirect_dma semaphore(%arg16 : memref<!tpu.dma_semaphore, #tpu.memory_space<semaphore_mem>>) src(%dma_wait3A_981 : memref<100000x32xf32, #tpu.memory_space<hbm>>) dst(%dma_wait3A_975 : memref<128x32xf32, #tpu.memory_space<vmem>>)
    %add3A_982 = arith.constant 0 : i32
    %add3A_983 = arith.addi %mul3A_2, %add3A_982 : i32
    %dma_start3A_984 = arith.constant 0 : i32
    %dma_start3A_985 = arith.constant 0 : i32
    %dma_start3A_986 = arith.constant 0 : i32
    %dma_start3A_987 = tpu.memref_slice %arg15[%dma_start3A_984, %dma_start3A_985, %dma_start3A_986] : memref<8x128x32xf32, #tpu.memory_space<vmem>> -> memref<1x128x32xf32, #tpu.memory_space<vmem>>
    %dma_start3A_988 = tpu.memref_squeeze %dma_start3A_987 : memref<1x128x32xf32, #tpu.memory_space<vmem>> -> memref<128x32xf32, #tpu.memory_space<vmem>>
    %dma_start3A_989 = arith.constant 128 : i32
    %dma_start3A_990 = tpu.memref_slice %arg13[%add3A_983, %dma_start3A_989] : memref<16384x320xf32, #tpu.memory_space<hbm>> -> memref<128x32xf32, #tpu.memory_space<hbm>>
    %dma_start3A_991 = arith.constant 128 : i32
    %dma_start3A_992 = tpu.memref_slice %arg13[%add3A_983, %dma_start3A_991] : memref<16384x320xf32, #tpu.memory_space<hbm>> -> memref<128x32xf32, #tpu.memory_space<hbm>>
    %dma_start3A_993 = arith.constant 0 : i32
    %dma_start3A_994 = arith.constant 0 : i32
    %dma_start3A_995 = tpu.memref_slice %arg15[%dma_start3A_984, %dma_start3A_993, %dma_start3A_994] : memref<8x128x32xf32, #tpu.memory_space<vmem>> -> memref<1x128x32xf32, #tpu.memory_space<vmem>>
    %dma_start3A_996 = tpu.memref_squeeze %dma_start3A_995 : memref<1x128x32xf32, #tpu.memory_space<vmem>> -> memref<128x32xf32, #tpu.memory_space<vmem>>
    tpu.enqueue_dma source(%dma_start3A_996 : memref<128x32xf32, #tpu.memory_space<vmem>>) target(%dma_start3A_992 : memref<128x32xf32, #tpu.memory_space<hbm>>) target_semaphore(%arg24 : memref<!tpu.dma_semaphore, #tpu.memory_space<semaphore_mem>>)
    %dma_wait3A_997 = arith.constant 0 : i32
    %dma_wait3A_998 = arith.constant 0 : i32
    %dma_wait3A_999 = arith.constant 0 : i32
    %dma_wait3A_1000 = tpu.memref_slice %arg15[%dma_wait3A_997, %dma_wait3A_998, %dma_wait3A_999] : memref<8x128x32xf32, #tpu.memory_space<vmem>> -> memref<1x128x32xf32, #tpu.memory_space<vmem>>
    %dma_wait3A_1001 = tpu.memref_squeeze %dma_wait3A_1000 : memref<1x128x32xf32, #tpu.memory_space<vmem>> -> memref<128x32xf32, #tpu.memory_space<vmem>>
    %dma_wait3A_1002 = arith.constant 128 : i32
    %dma_wait3A_1003 = tpu.memref_slice %arg13[%add3A_983, %dma_wait3A_1002] : memref<16384x320xf32, #tpu.memory_space<hbm>> -> memref<128x32xf32, #tpu.memory_space<hbm>>
    %dma_wait3A_1004 = arith.constant 128 : i32
    %dma_wait3A_1005 = tpu.memref_slice %arg13[%add3A_983, %dma_wait3A_1004] : memref<16384x320xf32, #tpu.memory_space<hbm>> -> memref<128x32xf32, #tpu.memory_space<hbm>>
    %dma_wait3A_1006 = arith.constant 0 : i32
    %dma_wait3A_1007 = arith.constant 0 : i32
    %dma_wait3A_1008 = tpu.memref_slice %arg15[%dma_wait3A_997, %dma_wait3A_1006, %dma_wait3A_1007] : memref<8x128x32xf32, #tpu.memory_space<vmem>> -> memref<1x128x32xf32, #tpu.memory_space<vmem>>
    %dma_wait3A_1009 = tpu.memref_squeeze %dma_wait3A_1008 : memref<1x128x32xf32, #tpu.memory_space<vmem>> -> memref<128x32xf32, #tpu.memory_space<vmem>>
    tpu.wait_dma2 semaphore(%arg24 : memref<!tpu.dma_semaphore, #tpu.memory_space<semaphore_mem>>) src(%dma_wait3A_1009 : memref<128x32xf32, #tpu.memory_space<vmem>>) dst(%dma_wait3A_1005 : memref<128x32xf32, #tpu.memory_space<hbm>>)
    %dma_start3A_1010 = arith.constant 6 : i32
    %dma_start3A_1011 = arith.constant 0 : i32
    %dma_start3A_1012 = arith.constant 0 : i32
    %dma_start3A_1013 = arith.constant 0 : i32
    %dma_start3A_1014 = arith.constant 0 : i32
    %dma_start3A_1015 = tpu.memref_slice %arg15[%dma_start3A_1012, %dma_start3A_1013, %dma_start3A_1014] : memref<8x128x32xf32, #tpu.memory_space<vmem>> -> memref<1x128x32xf32, #tpu.memory_space<vmem>>
    %dma_start3A_1016 = tpu.memref_squeeze %dma_start3A_1015 : memref<1x128x32xf32, #tpu.memory_space<vmem>> -> memref<128x32xf32, #tpu.memory_space<vmem>>
    %dma_start3A_1017 = arith.constant 0 : i32
    %dma_start3A_1018 = tpu.memref_slice %arg14[%dma_start3A_1010, %dma_start3A_1011, %dma_start3A_1017] : memref<10x4x128xi32, #tpu.memory_space<vmem>> -> memref<1x1x128xi32, #tpu.memory_space<vmem>>
    %dma_start3A_1019 = tpu.memref_squeeze %dma_start3A_1018 : memref<1x1x128xi32, #tpu.memory_space<vmem>> -> memref<128xi32, #tpu.memory_space<vmem>>
    %dma_start3A_1020 = arith.constant 0 : i32
    %dma_start3A_1021 = arith.constant 0 : i32
    %dma_start3A_1022 = tpu.memref_slice %arg9[%dma_start3A_1020, %dma_start3A_1021] : memref<100000x32xf32, #tpu.memory_space<hbm>> -> memref<100000x32xf32, #tpu.memory_space<hbm>>
    tpu.enqueue_indirect_dma source(%dma_start3A_1022 : memref<100000x32xf32, #tpu.memory_space<hbm>>) target(%dma_start3A_1016 : memref<128x32xf32, #tpu.memory_space<vmem>>) offsets(%dma_start3A_1019 : memref<128xi32, #tpu.memory_space<vmem>>) semaphore(%arg16 : memref<!tpu.dma_semaphore, #tpu.memory_space<semaphore_mem>>)
    %dma_wait3A_1023 = arith.constant 4 : i32
    %dma_wait3A_1024 = arith.constant 1 : i32
    %dma_wait3A_1025 = arith.constant 1 : i32
    %dma_wait3A_1026 = arith.constant 0 : i32
    %dma_wait3A_1027 = arith.constant 0 : i32
    %dma_wait3A_1028 = tpu.memref_slice %arg15[%dma_wait3A_1025, %dma_wait3A_1026, %dma_wait3A_1027] : memref<8x128x32xf32, #tpu.memory_space<vmem>> -> memref<1x128x32xf32, #tpu.memory_space<vmem>>
    %dma_wait3A_1029 = tpu.memref_squeeze %dma_wait3A_1028 : memref<1x128x32xf32, #tpu.memory_space<vmem>> -> memref<128x32xf32, #tpu.memory_space<vmem>>
    %dma_wait3A_1030 = arith.constant 0 : i32
    %dma_wait3A_1031 = tpu.memref_slice %arg14[%dma_wait3A_1023, %dma_wait3A_1024, %dma_wait3A_1030] : memref<10x4x128xi32, #tpu.memory_space<vmem>> -> memref<1x1x128xi32, #tpu.memory_space<vmem>>
    %dma_wait3A_1032 = tpu.memref_squeeze %dma_wait3A_1031 : memref<1x1x128xi32, #tpu.memory_space<vmem>> -> memref<128xi32, #tpu.memory_space<vmem>>
    %dma_wait3A_1033 = arith.constant 0 : i32
    %dma_wait3A_1034 = arith.constant 0 : i32
    %dma_wait3A_1035 = tpu.memref_slice %arg7[%dma_wait3A_1033, %dma_wait3A_1034] : memref<100000x32xf32, #tpu.memory_space<hbm>> -> memref<100000x32xf32, #tpu.memory_space<hbm>>
    tpu.wait_indirect_dma semaphore(%arg17 : memref<!tpu.dma_semaphore, #tpu.memory_space<semaphore_mem>>) src(%dma_wait3A_1035 : memref<100000x32xf32, #tpu.memory_space<hbm>>) dst(%dma_wait3A_1029 : memref<128x32xf32, #tpu.memory_space<vmem>>)
    %add3A_1036 = arith.constant 128 : i32
    %add3A_1037 = arith.addi %mul3A_2, %add3A_1036 : i32
    %dma_start3A_1038 = arith.constant 1 : i32
    %dma_start3A_1039 = arith.constant 0 : i32
    %dma_start3A_1040 = arith.constant 0 : i32
    %dma_start3A_1041 = tpu.memref_slice %arg15[%dma_start3A_1038, %dma_start3A_1039, %dma_start3A_1040] : memref<8x128x32xf32, #tpu.memory_space<vmem>> -> memref<1x128x32xf32, #tpu.memory_space<vmem>>
    %dma_start3A_1042 = tpu.memref_squeeze %dma_start3A_1041 : memref<1x128x32xf32, #tpu.memory_space<vmem>> -> memref<128x32xf32, #tpu.memory_space<vmem>>
    %dma_start3A_1043 = arith.constant 128 : i32
    %dma_start3A_1044 = tpu.memref_slice %arg13[%add3A_1037, %dma_start3A_1043] : memref<16384x320xf32, #tpu.memory_space<hbm>> -> memref<128x32xf32, #tpu.memory_space<hbm>>
    %dma_start3A_1045 = arith.constant 128 : i32
    %dma_start3A_1046 = tpu.memref_slice %arg13[%add3A_1037, %dma_start3A_1045] : memref<16384x320xf32, #tpu.memory_space<hbm>> -> memref<128x32xf32, #tpu.memory_space<hbm>>
    %dma_start3A_1047 = arith.constant 0 : i32
    %dma_start3A_1048 = arith.constant 0 : i32
    %dma_start3A_1049 = tpu.memref_slice %arg15[%dma_start3A_1038, %dma_start3A_1047, %dma_start3A_1048] : memref<8x128x32xf32, #tpu.memory_space<vmem>> -> memref<1x128x32xf32, #tpu.memory_space<vmem>>
    %dma_start3A_1050 = tpu.memref_squeeze %dma_start3A_1049 : memref<1x128x32xf32, #tpu.memory_space<vmem>> -> memref<128x32xf32, #tpu.memory_space<vmem>>
    tpu.enqueue_dma source(%dma_start3A_1050 : memref<128x32xf32, #tpu.memory_space<vmem>>) target(%dma_start3A_1046 : memref<128x32xf32, #tpu.memory_space<hbm>>) target_semaphore(%arg25 : memref<!tpu.dma_semaphore, #tpu.memory_space<semaphore_mem>>)
    %dma_wait3A_1051 = arith.constant 1 : i32
    %dma_wait3A_1052 = arith.constant 0 : i32
    %dma_wait3A_1053 = arith.constant 0 : i32
    %dma_wait3A_1054 = tpu.memref_slice %arg15[%dma_wait3A_1051, %dma_wait3A_1052, %dma_wait3A_1053] : memref<8x128x32xf32, #tpu.memory_space<vmem>> -> memref<1x128x32xf32, #tpu.memory_space<vmem>>
    %dma_wait3A_1055 = tpu.memref_squeeze %dma_wait3A_1054 : memref<1x128x32xf32, #tpu.memory_space<vmem>> -> memref<128x32xf32, #tpu.memory_space<vmem>>
    %dma_wait3A_1056 = arith.constant 128 : i32
    %dma_wait3A_1057 = tpu.memref_slice %arg13[%add3A_1037, %dma_wait3A_1056] : memref<16384x320xf32, #tpu.memory_space<hbm>> -> memref<128x32xf32, #tpu.memory_space<hbm>>
    %dma_wait3A_1058 = arith.constant 128 : i32
    %dma_wait3A_1059 = tpu.memref_slice %arg13[%add3A_1037, %dma_wait3A_1058] : memref<16384x320xf32, #tpu.memory_space<hbm>> -> memref<128x32xf32, #tpu.memory_space<hbm>>
    %dma_wait3A_1060 = arith.constant 0 : i32
    %dma_wait3A_1061 = arith.constant 0 : i32
    %dma_wait3A_1062 = tpu.memref_slice %arg15[%dma_wait3A_1051, %dma_wait3A_1060, %dma_wait3A_1061] : memref<8x128x32xf32, #tpu.memory_space<vmem>> -> memref<1x128x32xf32, #tpu.memory_space<vmem>>
    %dma_wait3A_1063 = tpu.memref_squeeze %dma_wait3A_1062 : memref<1x128x32xf32, #tpu.memory_space<vmem>> -> memref<128x32xf32, #tpu.memory_space<vmem>>
    tpu.wait_dma2 semaphore(%arg25 : memref<!tpu.dma_semaphore, #tpu.memory_space<semaphore_mem>>) src(%dma_wait3A_1063 : memref<128x32xf32, #tpu.memory_space<vmem>>) dst(%dma_wait3A_1059 : memref<128x32xf32, #tpu.memory_space<hbm>>)
    %dma_start3A_1064 = arith.constant 6 : i32
    %dma_start3A_1065 = arith.constant 1 : i32
    %dma_start3A_1066 = arith.constant 1 : i32
    %dma_start3A_1067 = arith.constant 0 : i32
    %dma_start3A_1068 = arith.constant 0 : i32
    %dma_start3A_1069 = tpu.memref_slice %arg15[%dma_start3A_1066, %dma_start3A_1067, %dma_start3A_1068] : memref<8x128x32xf32, #tpu.memory_space<vmem>> -> memref<1x128x32xf32, #tpu.memory_space<vmem>>
    %dma_start3A_1070 = tpu.memref_squeeze %dma_start3A_1069 : memref<1x128x32xf32, #tpu.memory_space<vmem>> -> memref<128x32xf32, #tpu.memory_space<vmem>>
    %dma_start3A_1071 = arith.constant 0 : i32
    %dma_start3A_1072 = tpu.memref_slice %arg14[%dma_start3A_1064, %dma_start3A_1065, %dma_start3A_1071] : memref<10x4x128xi32, #tpu.memory_space<vmem>> -> memref<1x1x128xi32, #tpu.memory_space<vmem>>
    %dma_start3A_1073 = tpu.memref_squeeze %dma_start3A_1072 : memref<1x1x128xi32, #tpu.memory_space<vmem>> -> memref<128xi32, #tpu.memory_space<vmem>>
    %dma_start3A_1074 = arith.constant 0 : i32
    %dma_start3A_1075 = arith.constant 0 : i32
    %dma_start3A_1076 = tpu.memref_slice %arg9[%dma_start3A_1074, %dma_start3A_1075] : memref<100000x32xf32, #tpu.memory_space<hbm>> -> memref<100000x32xf32, #tpu.memory_space<hbm>>
    tpu.enqueue_indirect_dma source(%dma_start3A_1076 : memref<100000x32xf32, #tpu.memory_space<hbm>>) target(%dma_start3A_1070 : memref<128x32xf32, #tpu.memory_space<vmem>>) offsets(%dma_start3A_1073 : memref<128xi32, #tpu.memory_space<vmem>>) semaphore(%arg17 : memref<!tpu.dma_semaphore, #tpu.memory_space<semaphore_mem>>)
    %dma_wait3A_1077 = arith.constant 4 : i32
    %dma_wait3A_1078 = arith.constant 2 : i32
    %dma_wait3A_1079 = arith.constant 2 : i32
    %dma_wait3A_1080 = arith.constant 0 : i32
    %dma_wait3A_1081 = arith.constant 0 : i32
    %dma_wait3A_1082 = tpu.memref_slice %arg15[%dma_wait3A_1079, %dma_wait3A_1080, %dma_wait3A_1081] : memref<8x128x32xf32, #tpu.memory_space<vmem>> -> memref<1x128x32xf32, #tpu.memory_space<vmem>>
    %dma_wait3A_1083 = tpu.memref_squeeze %dma_wait3A_1082 : memref<1x128x32xf32, #tpu.memory_space<vmem>> -> memref<128x32xf32, #tpu.memory_space<vmem>>
    %dma_wait3A_1084 = arith.constant 0 : i32
    %dma_wait3A_1085 = tpu.memref_slice %arg14[%dma_wait3A_1077, %dma_wait3A_1078, %dma_wait3A_1084] : memref<10x4x128xi32, #tpu.memory_space<vmem>> -> memref<1x1x128xi32, #tpu.memory_space<vmem>>
    %dma_wait3A_1086 = tpu.memref_squeeze %dma_wait3A_1085 : memref<1x1x128xi32, #tpu.memory_space<vmem>> -> memref<128xi32, #tpu.memory_space<vmem>>
    %dma_wait3A_1087 = arith.constant 0 : i32
    %dma_wait3A_1088 = arith.constant 0 : i32
    %dma_wait3A_1089 = tpu.memref_slice %arg7[%dma_wait3A_1087, %dma_wait3A_1088] : memref<100000x32xf32, #tpu.memory_space<hbm>> -> memref<100000x32xf32, #tpu.memory_space<hbm>>
    tpu.wait_indirect_dma semaphore(%arg18 : memref<!tpu.dma_semaphore, #tpu.memory_space<semaphore_mem>>) src(%dma_wait3A_1089 : memref<100000x32xf32, #tpu.memory_space<hbm>>) dst(%dma_wait3A_1083 : memref<128x32xf32, #tpu.memory_space<vmem>>)
    %add3A_1090 = arith.constant 256 : i32
    %add3A_1091 = arith.addi %mul3A_2, %add3A_1090 : i32
    %dma_start3A_1092 = arith.constant 2 : i32
    %dma_start3A_1093 = arith.constant 0 : i32
    %dma_start3A_1094 = arith.constant 0 : i32
    %dma_start3A_1095 = tpu.memref_slice %arg15[%dma_start3A_1092, %dma_start3A_1093, %dma_start3A_1094] : memref<8x128x32xf32, #tpu.memory_space<vmem>> -> memref<1x128x32xf32, #tpu.memory_space<vmem>>
    %dma_start3A_1096 = tpu.memref_squeeze %dma_start3A_1095 : memref<1x128x32xf32, #tpu.memory_space<vmem>> -> memref<128x32xf32, #tpu.memory_space<vmem>>
    %dma_start3A_1097 = arith.constant 128 : i32
    %dma_start3A_1098 = tpu.memref_slice %arg13[%add3A_1091, %dma_start3A_1097] : memref<16384x320xf32, #tpu.memory_space<hbm>> -> memref<128x32xf32, #tpu.memory_space<hbm>>
    %dma_start3A_1099 = arith.constant 128 : i32
    %dma_start3A_1100 = tpu.memref_slice %arg13[%add3A_1091, %dma_start3A_1099] : memref<16384x320xf32, #tpu.memory_space<hbm>> -> memref<128x32xf32, #tpu.memory_space<hbm>>
    %dma_start3A_1101 = arith.constant 0 : i32
    %dma_start3A_1102 = arith.constant 0 : i32
    %dma_start3A_1103 = tpu.memref_slice %arg15[%dma_start3A_1092, %dma_start3A_1101, %dma_start3A_1102] : memref<8x128x32xf32, #tpu.memory_space<vmem>> -> memref<1x128x32xf32, #tpu.memory_space<vmem>>
    %dma_start3A_1104 = tpu.memref_squeeze %dma_start3A_1103 : memref<1x128x32xf32, #tpu.memory_space<vmem>> -> memref<128x32xf32, #tpu.memory_space<vmem>>
    tpu.enqueue_dma source(%dma_start3A_1104 : memref<128x32xf32, #tpu.memory_space<vmem>>) target(%dma_start3A_1100 : memref<128x32xf32, #tpu.memory_space<hbm>>) target_semaphore(%arg26 : memref<!tpu.dma_semaphore, #tpu.memory_space<semaphore_mem>>)
    %dma_wait3A_1105 = arith.constant 2 : i32
    %dma_wait3A_1106 = arith.constant 0 : i32
    %dma_wait3A_1107 = arith.constant 0 : i32
    %dma_wait3A_1108 = tpu.memref_slice %arg15[%dma_wait3A_1105, %dma_wait3A_1106, %dma_wait3A_1107] : memref<8x128x32xf32, #tpu.memory_space<vmem>> -> memref<1x128x32xf32, #tpu.memory_space<vmem>>
    %dma_wait3A_1109 = tpu.memref_squeeze %dma_wait3A_1108 : memref<1x128x32xf32, #tpu.memory_space<vmem>> -> memref<128x32xf32, #tpu.memory_space<vmem>>
    %dma_wait3A_1110 = arith.constant 128 : i32
    %dma_wait3A_1111 = tpu.memref_slice %arg13[%add3A_1091, %dma_wait3A_1110] : memref<16384x320xf32, #tpu.memory_space<hbm>> -> memref<128x32xf32, #tpu.memory_space<hbm>>
    %dma_wait3A_1112 = arith.constant 128 : i32
    %dma_wait3A_1113 = tpu.memref_slice %arg13[%add3A_1091, %dma_wait3A_1112] : memref<16384x320xf32, #tpu.memory_space<hbm>> -> memref<128x32xf32, #tpu.memory_space<hbm>>
    %dma_wait3A_1114 = arith.constant 0 : i32
    %dma_wait3A_1115 = arith.constant 0 : i32
    %dma_wait3A_1116 = tpu.memref_slice %arg15[%dma_wait3A_1105, %dma_wait3A_1114, %dma_wait3A_1115] : memref<8x128x32xf32, #tpu.memory_space<vmem>> -> memref<1x128x32xf32, #tpu.memory_space<vmem>>
    %dma_wait3A_1117 = tpu.memref_squeeze %dma_wait3A_1116 : memref<1x128x32xf32, #tpu.memory_space<vmem>> -> memref<128x32xf32, #tpu.memory_space<vmem>>
    tpu.wait_dma2 semaphore(%arg26 : memref<!tpu.dma_semaphore, #tpu.memory_space<semaphore_mem>>) src(%dma_wait3A_1117 : memref<128x32xf32, #tpu.memory_space<vmem>>) dst(%dma_wait3A_1113 : memref<128x32xf32, #tpu.memory_space<hbm>>)
    %dma_start3A_1118 = arith.constant 6 : i32
    %dma_start3A_1119 = arith.constant 2 : i32
    %dma_start3A_1120 = arith.constant 2 : i32
    %dma_start3A_1121 = arith.constant 0 : i32
    %dma_start3A_1122 = arith.constant 0 : i32
    %dma_start3A_1123 = tpu.memref_slice %arg15[%dma_start3A_1120, %dma_start3A_1121, %dma_start3A_1122] : memref<8x128x32xf32, #tpu.memory_space<vmem>> -> memref<1x128x32xf32, #tpu.memory_space<vmem>>
    %dma_start3A_1124 = tpu.memref_squeeze %dma_start3A_1123 : memref<1x128x32xf32, #tpu.memory_space<vmem>> -> memref<128x32xf32, #tpu.memory_space<vmem>>
    %dma_start3A_1125 = arith.constant 0 : i32
    %dma_start3A_1126 = tpu.memref_slice %arg14[%dma_start3A_1118, %dma_start3A_1119, %dma_start3A_1125] : memref<10x4x128xi32, #tpu.memory_space<vmem>> -> memref<1x1x128xi32, #tpu.memory_space<vmem>>
    %dma_start3A_1127 = tpu.memref_squeeze %dma_start3A_1126 : memref<1x1x128xi32, #tpu.memory_space<vmem>> -> memref<128xi32, #tpu.memory_space<vmem>>
    %dma_start3A_1128 = arith.constant 0 : i32
    %dma_start3A_1129 = arith.constant 0 : i32
    %dma_start3A_1130 = tpu.memref_slice %arg9[%dma_start3A_1128, %dma_start3A_1129] : memref<100000x32xf32, #tpu.memory_space<hbm>> -> memref<100000x32xf32, #tpu.memory_space<hbm>>
    tpu.enqueue_indirect_dma source(%dma_start3A_1130 : memref<100000x32xf32, #tpu.memory_space<hbm>>) target(%dma_start3A_1124 : memref<128x32xf32, #tpu.memory_space<vmem>>) offsets(%dma_start3A_1127 : memref<128xi32, #tpu.memory_space<vmem>>) semaphore(%arg18 : memref<!tpu.dma_semaphore, #tpu.memory_space<semaphore_mem>>)
    %dma_wait3A_1131 = arith.constant 4 : i32
    %dma_wait3A_1132 = arith.constant 3 : i32
    %dma_wait3A_1133 = arith.constant 3 : i32
    %dma_wait3A_1134 = arith.constant 0 : i32
    %dma_wait3A_1135 = arith.constant 0 : i32
    %dma_wait3A_1136 = tpu.memref_slice %arg15[%dma_wait3A_1133, %dma_wait3A_1134, %dma_wait3A_1135] : memref<8x128x32xf32, #tpu.memory_space<vmem>> -> memref<1x128x32xf32, #tpu.memory_space<vmem>>
    %dma_wait3A_1137 = tpu.memref_squeeze %dma_wait3A_1136 : memref<1x128x32xf32, #tpu.memory_space<vmem>> -> memref<128x32xf32, #tpu.memory_space<vmem>>
    %dma_wait3A_1138 = arith.constant 0 : i32
    %dma_wait3A_1139 = tpu.memref_slice %arg14[%dma_wait3A_1131, %dma_wait3A_1132, %dma_wait3A_1138] : memref<10x4x128xi32, #tpu.memory_space<vmem>> -> memref<1x1x128xi32, #tpu.memory_space<vmem>>
    %dma_wait3A_1140 = tpu.memref_squeeze %dma_wait3A_1139 : memref<1x1x128xi32, #tpu.memory_space<vmem>> -> memref<128xi32, #tpu.memory_space<vmem>>
    %dma_wait3A_1141 = arith.constant 0 : i32
    %dma_wait3A_1142 = arith.constant 0 : i32
    %dma_wait3A_1143 = tpu.memref_slice %arg7[%dma_wait3A_1141, %dma_wait3A_1142] : memref<100000x32xf32, #tpu.memory_space<hbm>> -> memref<100000x32xf32, #tpu.memory_space<hbm>>
    tpu.wait_indirect_dma semaphore(%arg19 : memref<!tpu.dma_semaphore, #tpu.memory_space<semaphore_mem>>) src(%dma_wait3A_1143 : memref<100000x32xf32, #tpu.memory_space<hbm>>) dst(%dma_wait3A_1137 : memref<128x32xf32, #tpu.memory_space<vmem>>)
    %add3A_1144 = arith.constant 384 : i32
    %add3A_1145 = arith.addi %mul3A_2, %add3A_1144 : i32
    %dma_start3A_1146 = arith.constant 3 : i32
    %dma_start3A_1147 = arith.constant 0 : i32
    %dma_start3A_1148 = arith.constant 0 : i32
    %dma_start3A_1149 = tpu.memref_slice %arg15[%dma_start3A_1146, %dma_start3A_1147, %dma_start3A_1148] : memref<8x128x32xf32, #tpu.memory_space<vmem>> -> memref<1x128x32xf32, #tpu.memory_space<vmem>>
    %dma_start3A_1150 = tpu.memref_squeeze %dma_start3A_1149 : memref<1x128x32xf32, #tpu.memory_space<vmem>> -> memref<128x32xf32, #tpu.memory_space<vmem>>
    %dma_start3A_1151 = arith.constant 128 : i32
    %dma_start3A_1152 = tpu.memref_slice %arg13[%add3A_1145, %dma_start3A_1151] : memref<16384x320xf32, #tpu.memory_space<hbm>> -> memref<128x32xf32, #tpu.memory_space<hbm>>
    %dma_start3A_1153 = arith.constant 128 : i32
    %dma_start3A_1154 = tpu.memref_slice %arg13[%add3A_1145, %dma_start3A_1153] : memref<16384x320xf32, #tpu.memory_space<hbm>> -> memref<128x32xf32, #tpu.memory_space<hbm>>
    %dma_start3A_1155 = arith.constant 0 : i32
    %dma_start3A_1156 = arith.constant 0 : i32
    %dma_start3A_1157 = tpu.memref_slice %arg15[%dma_start3A_1146, %dma_start3A_1155, %dma_start3A_1156] : memref<8x128x32xf32, #tpu.memory_space<vmem>> -> memref<1x128x32xf32, #tpu.memory_space<vmem>>
    %dma_start3A_1158 = tpu.memref_squeeze %dma_start3A_1157 : memref<1x128x32xf32, #tpu.memory_space<vmem>> -> memref<128x32xf32, #tpu.memory_space<vmem>>
    tpu.enqueue_dma source(%dma_start3A_1158 : memref<128x32xf32, #tpu.memory_space<vmem>>) target(%dma_start3A_1154 : memref<128x32xf32, #tpu.memory_space<hbm>>) target_semaphore(%arg27 : memref<!tpu.dma_semaphore, #tpu.memory_space<semaphore_mem>>)
    %dma_wait3A_1159 = arith.constant 3 : i32
    %dma_wait3A_1160 = arith.constant 0 : i32
    %dma_wait3A_1161 = arith.constant 0 : i32
    %dma_wait3A_1162 = tpu.memref_slice %arg15[%dma_wait3A_1159, %dma_wait3A_1160, %dma_wait3A_1161] : memref<8x128x32xf32, #tpu.memory_space<vmem>> -> memref<1x128x32xf32, #tpu.memory_space<vmem>>
    %dma_wait3A_1163 = tpu.memref_squeeze %dma_wait3A_1162 : memref<1x128x32xf32, #tpu.memory_space<vmem>> -> memref<128x32xf32, #tpu.memory_space<vmem>>
    %dma_wait3A_1164 = arith.constant 128 : i32
    %dma_wait3A_1165 = tpu.memref_slice %arg13[%add3A_1145, %dma_wait3A_1164] : memref<16384x320xf32, #tpu.memory_space<hbm>> -> memref<128x32xf32, #tpu.memory_space<hbm>>
    %dma_wait3A_1166 = arith.constant 128 : i32
    %dma_wait3A_1167 = tpu.memref_slice %arg13[%add3A_1145, %dma_wait3A_1166] : memref<16384x320xf32, #tpu.memory_space<hbm>> -> memref<128x32xf32, #tpu.memory_space<hbm>>
    %dma_wait3A_1168 = arith.constant 0 : i32
    %dma_wait3A_1169 = arith.constant 0 : i32
    %dma_wait3A_1170 = tpu.memref_slice %arg15[%dma_wait3A_1159, %dma_wait3A_1168, %dma_wait3A_1169] : memref<8x128x32xf32, #tpu.memory_space<vmem>> -> memref<1x128x32xf32, #tpu.memory_space<vmem>>
    %dma_wait3A_1171 = tpu.memref_squeeze %dma_wait3A_1170 : memref<1x128x32xf32, #tpu.memory_space<vmem>> -> memref<128x32xf32, #tpu.memory_space<vmem>>
    tpu.wait_dma2 semaphore(%arg27 : memref<!tpu.dma_semaphore, #tpu.memory_space<semaphore_mem>>) src(%dma_wait3A_1171 : memref<128x32xf32, #tpu.memory_space<vmem>>) dst(%dma_wait3A_1167 : memref<128x32xf32, #tpu.memory_space<hbm>>)
    %dma_start3A_1172 = arith.constant 6 : i32
    %dma_start3A_1173 = arith.constant 3 : i32
    %dma_start3A_1174 = arith.constant 3 : i32
    %dma_start3A_1175 = arith.constant 0 : i32
    %dma_start3A_1176 = arith.constant 0 : i32
    %dma_start3A_1177 = tpu.memref_slice %arg15[%dma_start3A_1174, %dma_start3A_1175, %dma_start3A_1176] : memref<8x128x32xf32, #tpu.memory_space<vmem>> -> memref<1x128x32xf32, #tpu.memory_space<vmem>>
    %dma_start3A_1178 = tpu.memref_squeeze %dma_start3A_1177 : memref<1x128x32xf32, #tpu.memory_space<vmem>> -> memref<128x32xf32, #tpu.memory_space<vmem>>
    %dma_start3A_1179 = arith.constant 0 : i32
    %dma_start3A_1180 = tpu.memref_slice %arg14[%dma_start3A_1172, %dma_start3A_1173, %dma_start3A_1179] : memref<10x4x128xi32, #tpu.memory_space<vmem>> -> memref<1x1x128xi32, #tpu.memory_space<vmem>>
    %dma_start3A_1181 = tpu.memref_squeeze %dma_start3A_1180 : memref<1x1x128xi32, #tpu.memory_space<vmem>> -> memref<128xi32, #tpu.memory_space<vmem>>
    %dma_start3A_1182 = arith.constant 0 : i32
    %dma_start3A_1183 = arith.constant 0 : i32
    %dma_start3A_1184 = tpu.memref_slice %arg9[%dma_start3A_1182, %dma_start3A_1183] : memref<100000x32xf32, #tpu.memory_space<hbm>> -> memref<100000x32xf32, #tpu.memory_space<hbm>>
    tpu.enqueue_indirect_dma source(%dma_start3A_1184 : memref<100000x32xf32, #tpu.memory_space<hbm>>) target(%dma_start3A_1178 : memref<128x32xf32, #tpu.memory_space<vmem>>) offsets(%dma_start3A_1181 : memref<128xi32, #tpu.memory_space<vmem>>) semaphore(%arg19 : memref<!tpu.dma_semaphore, #tpu.memory_space<semaphore_mem>>)
    %dma_wait3A_1185 = arith.constant 5 : i32
    %dma_wait3A_1186 = arith.constant 0 : i32
    %dma_wait3A_1187 = arith.constant 4 : i32
    %dma_wait3A_1188 = arith.constant 0 : i32
    %dma_wait3A_1189 = arith.constant 0 : i32
    %dma_wait3A_1190 = tpu.memref_slice %arg15[%dma_wait3A_1187, %dma_wait3A_1188, %dma_wait3A_1189] : memref<8x128x32xf32, #tpu.memory_space<vmem>> -> memref<1x128x32xf32, #tpu.memory_space<vmem>>
    %dma_wait3A_1191 = tpu.memref_squeeze %dma_wait3A_1190 : memref<1x128x32xf32, #tpu.memory_space<vmem>> -> memref<128x32xf32, #tpu.memory_space<vmem>>
    %dma_wait3A_1192 = arith.constant 0 : i32
    %dma_wait3A_1193 = tpu.memref_slice %arg14[%dma_wait3A_1185, %dma_wait3A_1186, %dma_wait3A_1192] : memref<10x4x128xi32, #tpu.memory_space<vmem>> -> memref<1x1x128xi32, #tpu.memory_space<vmem>>
    %dma_wait3A_1194 = tpu.memref_squeeze %dma_wait3A_1193 : memref<1x1x128xi32, #tpu.memory_space<vmem>> -> memref<128xi32, #tpu.memory_space<vmem>>
    %dma_wait3A_1195 = arith.constant 0 : i32
    %dma_wait3A_1196 = arith.constant 0 : i32
    %dma_wait3A_1197 = tpu.memref_slice %arg8[%dma_wait3A_1195, %dma_wait3A_1196] : memref<100000x32xf32, #tpu.memory_space<hbm>> -> memref<100000x32xf32, #tpu.memory_space<hbm>>
    tpu.wait_indirect_dma semaphore(%arg20 : memref<!tpu.dma_semaphore, #tpu.memory_space<semaphore_mem>>) src(%dma_wait3A_1197 : memref<100000x32xf32, #tpu.memory_space<hbm>>) dst(%dma_wait3A_1191 : memref<128x32xf32, #tpu.memory_space<vmem>>)
    %add3A_1198 = arith.constant 0 : i32
    %add3A_1199 = arith.addi %mul3A_2, %add3A_1198 : i32
    %dma_start3A_1200 = arith.constant 4 : i32
    %dma_start3A_1201 = arith.constant 0 : i32
    %dma_start3A_1202 = arith.constant 0 : i32
    %dma_start3A_1203 = tpu.memref_slice %arg15[%dma_start3A_1200, %dma_start3A_1201, %dma_start3A_1202] : memref<8x128x32xf32, #tpu.memory_space<vmem>> -> memref<1x128x32xf32, #tpu.memory_space<vmem>>
    %dma_start3A_1204 = tpu.memref_squeeze %dma_start3A_1203 : memref<1x128x32xf32, #tpu.memory_space<vmem>> -> memref<128x32xf32, #tpu.memory_space<vmem>>
    %dma_start3A_1205 = arith.constant 160 : i32
    %dma_start3A_1206 = tpu.memref_slice %arg13[%add3A_1199, %dma_start3A_1205] : memref<16384x320xf32, #tpu.memory_space<hbm>> -> memref<128x32xf32, #tpu.memory_space<hbm>>
    %dma_start3A_1207 = arith.constant 160 : i32
    %dma_start3A_1208 = tpu.memref_slice %arg13[%add3A_1199, %dma_start3A_1207] : memref<16384x320xf32, #tpu.memory_space<hbm>> -> memref<128x32xf32, #tpu.memory_space<hbm>>
    %dma_start3A_1209 = arith.constant 0 : i32
    %dma_start3A_1210 = arith.constant 0 : i32
    %dma_start3A_1211 = tpu.memref_slice %arg15[%dma_start3A_1200, %dma_start3A_1209, %dma_start3A_1210] : memref<8x128x32xf32, #tpu.memory_space<vmem>> -> memref<1x128x32xf32, #tpu.memory_space<vmem>>
    %dma_start3A_1212 = tpu.memref_squeeze %dma_start3A_1211 : memref<1x128x32xf32, #tpu.memory_space<vmem>> -> memref<128x32xf32, #tpu.memory_space<vmem>>
    tpu.enqueue_dma source(%dma_start3A_1212 : memref<128x32xf32, #tpu.memory_space<vmem>>) target(%dma_start3A_1208 : memref<128x32xf32, #tpu.memory_space<hbm>>) target_semaphore(%arg28 : memref<!tpu.dma_semaphore, #tpu.memory_space<semaphore_mem>>)
    %dma_wait3A_1213 = arith.constant 4 : i32
    %dma_wait3A_1214 = arith.constant 0 : i32
    %dma_wait3A_1215 = arith.constant 0 : i32
    %dma_wait3A_1216 = tpu.memref_slice %arg15[%dma_wait3A_1213, %dma_wait3A_1214, %dma_wait3A_1215] : memref<8x128x32xf32, #tpu.memory_space<vmem>> -> memref<1x128x32xf32, #tpu.memory_space<vmem>>
    %dma_wait3A_1217 = tpu.memref_squeeze %dma_wait3A_1216 : memref<1x128x32xf32, #tpu.memory_space<vmem>> -> memref<128x32xf32, #tpu.memory_space<vmem>>
    %dma_wait3A_1218 = arith.constant 160 : i32
    %dma_wait3A_1219 = tpu.memref_slice %arg13[%add3A_1199, %dma_wait3A_1218] : memref<16384x320xf32, #tpu.memory_space<hbm>> -> memref<128x32xf32, #tpu.memory_space<hbm>>
    %dma_wait3A_1220 = arith.constant 160 : i32
    %dma_wait3A_1221 = tpu.memref_slice %arg13[%add3A_1199, %dma_wait3A_1220] : memref<16384x320xf32, #tpu.memory_space<hbm>> -> memref<128x32xf32, #tpu.memory_space<hbm>>
    %dma_wait3A_1222 = arith.constant 0 : i32
    %dma_wait3A_1223 = arith.constant 0 : i32
    %dma_wait3A_1224 = tpu.memref_slice %arg15[%dma_wait3A_1213, %dma_wait3A_1222, %dma_wait3A_1223] : memref<8x128x32xf32, #tpu.memory_space<vmem>> -> memref<1x128x32xf32, #tpu.memory_space<vmem>>
    %dma_wait3A_1225 = tpu.memref_squeeze %dma_wait3A_1224 : memref<1x128x32xf32, #tpu.memory_space<vmem>> -> memref<128x32xf32, #tpu.memory_space<vmem>>
    tpu.wait_dma2 semaphore(%arg28 : memref<!tpu.dma_semaphore, #tpu.memory_space<semaphore_mem>>) src(%dma_wait3A_1225 : memref<128x32xf32, #tpu.memory_space<vmem>>) dst(%dma_wait3A_1221 : memref<128x32xf32, #tpu.memory_space<hbm>>)
    %dma_start3A_1226 = arith.constant 7 : i32
    %dma_start3A_1227 = arith.constant 0 : i32
    %dma_start3A_1228 = arith.constant 4 : i32
    %dma_start3A_1229 = arith.constant 0 : i32
    %dma_start3A_1230 = arith.constant 0 : i32
    %dma_start3A_1231 = tpu.memref_slice %arg15[%dma_start3A_1228, %dma_start3A_1229, %dma_start3A_1230] : memref<8x128x32xf32, #tpu.memory_space<vmem>> -> memref<1x128x32xf32, #tpu.memory_space<vmem>>
    %dma_start3A_1232 = tpu.memref_squeeze %dma_start3A_1231 : memref<1x128x32xf32, #tpu.memory_space<vmem>> -> memref<128x32xf32, #tpu.memory_space<vmem>>
    %dma_start3A_1233 = arith.constant 0 : i32
    %dma_start3A_1234 = tpu.memref_slice %arg14[%dma_start3A_1226, %dma_start3A_1227, %dma_start3A_1233] : memref<10x4x128xi32, #tpu.memory_space<vmem>> -> memref<1x1x128xi32, #tpu.memory_space<vmem>>
    %dma_start3A_1235 = tpu.memref_squeeze %dma_start3A_1234 : memref<1x1x128xi32, #tpu.memory_space<vmem>> -> memref<128xi32, #tpu.memory_space<vmem>>
    %dma_start3A_1236 = arith.constant 0 : i32
    %dma_start3A_1237 = arith.constant 0 : i32
    %dma_start3A_1238 = tpu.memref_slice %arg10[%dma_start3A_1236, %dma_start3A_1237] : memref<100000x32xf32, #tpu.memory_space<hbm>> -> memref<100000x32xf32, #tpu.memory_space<hbm>>
    tpu.enqueue_indirect_dma source(%dma_start3A_1238 : memref<100000x32xf32, #tpu.memory_space<hbm>>) target(%dma_start3A_1232 : memref<128x32xf32, #tpu.memory_space<vmem>>) offsets(%dma_start3A_1235 : memref<128xi32, #tpu.memory_space<vmem>>) semaphore(%arg20 : memref<!tpu.dma_semaphore, #tpu.memory_space<semaphore_mem>>)
    %dma_wait3A_1239 = arith.constant 5 : i32
    %dma_wait3A_1240 = arith.constant 1 : i32
    %dma_wait3A_1241 = arith.constant 5 : i32
    %dma_wait3A_1242 = arith.constant 0 : i32
    %dma_wait3A_1243 = arith.constant 0 : i32
    %dma_wait3A_1244 = tpu.memref_slice %arg15[%dma_wait3A_1241, %dma_wait3A_1242, %dma_wait3A_1243] : memref<8x128x32xf32, #tpu.memory_space<vmem>> -> memref<1x128x32xf32, #tpu.memory_space<vmem>>
    %dma_wait3A_1245 = tpu.memref_squeeze %dma_wait3A_1244 : memref<1x128x32xf32, #tpu.memory_space<vmem>> -> memref<128x32xf32, #tpu.memory_space<vmem>>
    %dma_wait3A_1246 = arith.constant 0 : i32
    %dma_wait3A_1247 = tpu.memref_slice %arg14[%dma_wait3A_1239, %dma_wait3A_1240, %dma_wait3A_1246] : memref<10x4x128xi32, #tpu.memory_space<vmem>> -> memref<1x1x128xi32, #tpu.memory_space<vmem>>
    %dma_wait3A_1248 = tpu.memref_squeeze %dma_wait3A_1247 : memref<1x1x128xi32, #tpu.memory_space<vmem>> -> memref<128xi32, #tpu.memory_space<vmem>>
    %dma_wait3A_1249 = arith.constant 0 : i32
    %dma_wait3A_1250 = arith.constant 0 : i32
    %dma_wait3A_1251 = tpu.memref_slice %arg8[%dma_wait3A_1249, %dma_wait3A_1250] : memref<100000x32xf32, #tpu.memory_space<hbm>> -> memref<100000x32xf32, #tpu.memory_space<hbm>>
    tpu.wait_indirect_dma semaphore(%arg21 : memref<!tpu.dma_semaphore, #tpu.memory_space<semaphore_mem>>) src(%dma_wait3A_1251 : memref<100000x32xf32, #tpu.memory_space<hbm>>) dst(%dma_wait3A_1245 : memref<128x32xf32, #tpu.memory_space<vmem>>)
    %add3A_1252 = arith.constant 128 : i32
    %add3A_1253 = arith.addi %mul3A_2, %add3A_1252 : i32
    %dma_start3A_1254 = arith.constant 5 : i32
    %dma_start3A_1255 = arith.constant 0 : i32
    %dma_start3A_1256 = arith.constant 0 : i32
    %dma_start3A_1257 = tpu.memref_slice %arg15[%dma_start3A_1254, %dma_start3A_1255, %dma_start3A_1256] : memref<8x128x32xf32, #tpu.memory_space<vmem>> -> memref<1x128x32xf32, #tpu.memory_space<vmem>>
    %dma_start3A_1258 = tpu.memref_squeeze %dma_start3A_1257 : memref<1x128x32xf32, #tpu.memory_space<vmem>> -> memref<128x32xf32, #tpu.memory_space<vmem>>
    %dma_start3A_1259 = arith.constant 160 : i32
    %dma_start3A_1260 = tpu.memref_slice %arg13[%add3A_1253, %dma_start3A_1259] : memref<16384x320xf32, #tpu.memory_space<hbm>> -> memref<128x32xf32, #tpu.memory_space<hbm>>
    %dma_start3A_1261 = arith.constant 160 : i32
    %dma_start3A_1262 = tpu.memref_slice %arg13[%add3A_1253, %dma_start3A_1261] : memref<16384x320xf32, #tpu.memory_space<hbm>> -> memref<128x32xf32, #tpu.memory_space<hbm>>
    %dma_start3A_1263 = arith.constant 0 : i32
    %dma_start3A_1264 = arith.constant 0 : i32
    %dma_start3A_1265 = tpu.memref_slice %arg15[%dma_start3A_1254, %dma_start3A_1263, %dma_start3A_1264] : memref<8x128x32xf32, #tpu.memory_space<vmem>> -> memref<1x128x32xf32, #tpu.memory_space<vmem>>
    %dma_start3A_1266 = tpu.memref_squeeze %dma_start3A_1265 : memref<1x128x32xf32, #tpu.memory_space<vmem>> -> memref<128x32xf32, #tpu.memory_space<vmem>>
    tpu.enqueue_dma source(%dma_start3A_1266 : memref<128x32xf32, #tpu.memory_space<vmem>>) target(%dma_start3A_1262 : memref<128x32xf32, #tpu.memory_space<hbm>>) target_semaphore(%arg29 : memref<!tpu.dma_semaphore, #tpu.memory_space<semaphore_mem>>)
    %dma_wait3A_1267 = arith.constant 5 : i32
    %dma_wait3A_1268 = arith.constant 0 : i32
    %dma_wait3A_1269 = arith.constant 0 : i32
    %dma_wait3A_1270 = tpu.memref_slice %arg15[%dma_wait3A_1267, %dma_wait3A_1268, %dma_wait3A_1269] : memref<8x128x32xf32, #tpu.memory_space<vmem>> -> memref<1x128x32xf32, #tpu.memory_space<vmem>>
    %dma_wait3A_1271 = tpu.memref_squeeze %dma_wait3A_1270 : memref<1x128x32xf32, #tpu.memory_space<vmem>> -> memref<128x32xf32, #tpu.memory_space<vmem>>
    %dma_wait3A_1272 = arith.constant 160 : i32
    %dma_wait3A_1273 = tpu.memref_slice %arg13[%add3A_1253, %dma_wait3A_1272] : memref<16384x320xf32, #tpu.memory_space<hbm>> -> memref<128x32xf32, #tpu.memory_space<hbm>>
    %dma_wait3A_1274 = arith.constant 160 : i32
    %dma_wait3A_1275 = tpu.memref_slice %arg13[%add3A_1253, %dma_wait3A_1274] : memref<16384x320xf32, #tpu.memory_space<hbm>> -> memref<128x32xf32, #tpu.memory_space<hbm>>
    %dma_wait3A_1276 = arith.constant 0 : i32
    %dma_wait3A_1277 = arith.constant 0 : i32
    %dma_wait3A_1278 = tpu.memref_slice %arg15[%dma_wait3A_1267, %dma_wait3A_1276, %dma_wait3A_1277] : memref<8x128x32xf32, #tpu.memory_space<vmem>> -> memref<1x128x32xf32, #tpu.memory_space<vmem>>
    %dma_wait3A_1279 = tpu.memref_squeeze %dma_wait3A_1278 : memref<1x128x32xf32, #tpu.memory_space<vmem>> -> memref<128x32xf32, #tpu.memory_space<vmem>>
    tpu.wait_dma2 semaphore(%arg29 : memref<!tpu.dma_semaphore, #tpu.memory_space<semaphore_mem>>) src(%dma_wait3A_1279 : memref<128x32xf32, #tpu.memory_space<vmem>>) dst(%dma_wait3A_1275 : memref<128x32xf32, #tpu.memory_space<hbm>>)
    %dma_start3A_1280 = arith.constant 7 : i32
    %dma_start3A_1281 = arith.constant 1 : i32
    %dma_start3A_1282 = arith.constant 5 : i32
    %dma_start3A_1283 = arith.constant 0 : i32
    %dma_start3A_1284 = arith.constant 0 : i32
    %dma_start3A_1285 = tpu.memref_slice %arg15[%dma_start3A_1282, %dma_start3A_1283, %dma_start3A_1284] : memref<8x128x32xf32, #tpu.memory_space<vmem>> -> memref<1x128x32xf32, #tpu.memory_space<vmem>>
    %dma_start3A_1286 = tpu.memref_squeeze %dma_start3A_1285 : memref<1x128x32xf32, #tpu.memory_space<vmem>> -> memref<128x32xf32, #tpu.memory_space<vmem>>
    %dma_start3A_1287 = arith.constant 0 : i32
    %dma_start3A_1288 = tpu.memref_slice %arg14[%dma_start3A_1280, %dma_start3A_1281, %dma_start3A_1287] : memref<10x4x128xi32, #tpu.memory_space<vmem>> -> memref<1x1x128xi32, #tpu.memory_space<vmem>>
    %dma_start3A_1289 = tpu.memref_squeeze %dma_start3A_1288 : memref<1x1x128xi32, #tpu.memory_space<vmem>> -> memref<128xi32, #tpu.memory_space<vmem>>
    %dma_start3A_1290 = arith.constant 0 : i32
    %dma_start3A_1291 = arith.constant 0 : i32
    %dma_start3A_1292 = tpu.memref_slice %arg10[%dma_start3A_1290, %dma_start3A_1291] : memref<100000x32xf32, #tpu.memory_space<hbm>> -> memref<100000x32xf32, #tpu.memory_space<hbm>>
    tpu.enqueue_indirect_dma source(%dma_start3A_1292 : memref<100000x32xf32, #tpu.memory_space<hbm>>) target(%dma_start3A_1286 : memref<128x32xf32, #tpu.memory_space<vmem>>) offsets(%dma_start3A_1289 : memref<128xi32, #tpu.memory_space<vmem>>) semaphore(%arg21 : memref<!tpu.dma_semaphore, #tpu.memory_space<semaphore_mem>>)
    %dma_wait3A_1293 = arith.constant 5 : i32
    %dma_wait3A_1294 = arith.constant 2 : i32
    %dma_wait3A_1295 = arith.constant 6 : i32
    %dma_wait3A_1296 = arith.constant 0 : i32
    %dma_wait3A_1297 = arith.constant 0 : i32
    %dma_wait3A_1298 = tpu.memref_slice %arg15[%dma_wait3A_1295, %dma_wait3A_1296, %dma_wait3A_1297] : memref<8x128x32xf32, #tpu.memory_space<vmem>> -> memref<1x128x32xf32, #tpu.memory_space<vmem>>
    %dma_wait3A_1299 = tpu.memref_squeeze %dma_wait3A_1298 : memref<1x128x32xf32, #tpu.memory_space<vmem>> -> memref<128x32xf32, #tpu.memory_space<vmem>>
    %dma_wait3A_1300 = arith.constant 0 : i32
    %dma_wait3A_1301 = tpu.memref_slice %arg14[%dma_wait3A_1293, %dma_wait3A_1294, %dma_wait3A_1300] : memref<10x4x128xi32, #tpu.memory_space<vmem>> -> memref<1x1x128xi32, #tpu.memory_space<vmem>>
    %dma_wait3A_1302 = tpu.memref_squeeze %dma_wait3A_1301 : memref<1x1x128xi32, #tpu.memory_space<vmem>> -> memref<128xi32, #tpu.memory_space<vmem>>
    %dma_wait3A_1303 = arith.constant 0 : i32
    %dma_wait3A_1304 = arith.constant 0 : i32
    %dma_wait3A_1305 = tpu.memref_slice %arg8[%dma_wait3A_1303, %dma_wait3A_1304] : memref<100000x32xf32, #tpu.memory_space<hbm>> -> memref<100000x32xf32, #tpu.memory_space<hbm>>
    tpu.wait_indirect_dma semaphore(%arg22 : memref<!tpu.dma_semaphore, #tpu.memory_space<semaphore_mem>>) src(%dma_wait3A_1305 : memref<100000x32xf32, #tpu.memory_space<hbm>>) dst(%dma_wait3A_1299 : memref<128x32xf32, #tpu.memory_space<vmem>>)
    %add3A_1306 = arith.constant 256 : i32
    %add3A_1307 = arith.addi %mul3A_2, %add3A_1306 : i32
    %dma_start3A_1308 = arith.constant 6 : i32
    %dma_start3A_1309 = arith.constant 0 : i32
    %dma_start3A_1310 = arith.constant 0 : i32
    %dma_start3A_1311 = tpu.memref_slice %arg15[%dma_start3A_1308, %dma_start3A_1309, %dma_start3A_1310] : memref<8x128x32xf32, #tpu.memory_space<vmem>> -> memref<1x128x32xf32, #tpu.memory_space<vmem>>
    %dma_start3A_1312 = tpu.memref_squeeze %dma_start3A_1311 : memref<1x128x32xf32, #tpu.memory_space<vmem>> -> memref<128x32xf32, #tpu.memory_space<vmem>>
    %dma_start3A_1313 = arith.constant 160 : i32
    %dma_start3A_1314 = tpu.memref_slice %arg13[%add3A_1307, %dma_start3A_1313] : memref<16384x320xf32, #tpu.memory_space<hbm>> -> memref<128x32xf32, #tpu.memory_space<hbm>>
    %dma_start3A_1315 = arith.constant 160 : i32
    %dma_start3A_1316 = tpu.memref_slice %arg13[%add3A_1307, %dma_start3A_1315] : memref<16384x320xf32, #tpu.memory_space<hbm>> -> memref<128x32xf32, #tpu.memory_space<hbm>>
    %dma_start3A_1317 = arith.constant 0 : i32
    %dma_start3A_1318 = arith.constant 0 : i32
    %dma_start3A_1319 = tpu.memref_slice %arg15[%dma_start3A_1308, %dma_start3A_1317, %dma_start3A_1318] : memref<8x128x32xf32, #tpu.memory_space<vmem>> -> memref<1x128x32xf32, #tpu.memory_space<vmem>>
    %dma_start3A_1320 = tpu.memref_squeeze %dma_start3A_1319 : memref<1x128x32xf32, #tpu.memory_space<vmem>> -> memref<128x32xf32, #tpu.memory_space<vmem>>
    tpu.enqueue_dma source(%dma_start3A_1320 : memref<128x32xf32, #tpu.memory_space<vmem>>) target(%dma_start3A_1316 : memref<128x32xf32, #tpu.memory_space<hbm>>) target_semaphore(%arg30 : memref<!tpu.dma_semaphore, #tpu.memory_space<semaphore_mem>>)
    %dma_wait3A_1321 = arith.constant 6 : i32
    %dma_wait3A_1322 = arith.constant 0 : i32
    %dma_wait3A_1323 = arith.constant 0 : i32
    %dma_wait3A_1324 = tpu.memref_slice %arg15[%dma_wait3A_1321, %dma_wait3A_1322, %dma_wait3A_1323] : memref<8x128x32xf32, #tpu.memory_space<vmem>> -> memref<1x128x32xf32, #tpu.memory_space<vmem>>
    %dma_wait3A_1325 = tpu.memref_squeeze %dma_wait3A_1324 : memref<1x128x32xf32, #tpu.memory_space<vmem>> -> memref<128x32xf32, #tpu.memory_space<vmem>>
    %dma_wait3A_1326 = arith.constant 160 : i32
    %dma_wait3A_1327 = tpu.memref_slice %arg13[%add3A_1307, %dma_wait3A_1326] : memref<16384x320xf32, #tpu.memory_space<hbm>> -> memref<128x32xf32, #tpu.memory_space<hbm>>
    %dma_wait3A_1328 = arith.constant 160 : i32
    %dma_wait3A_1329 = tpu.memref_slice %arg13[%add3A_1307, %dma_wait3A_1328] : memref<16384x320xf32, #tpu.memory_space<hbm>> -> memref<128x32xf32, #tpu.memory_space<hbm>>
    %dma_wait3A_1330 = arith.constant 0 : i32
    %dma_wait3A_1331 = arith.constant 0 : i32
    %dma_wait3A_1332 = tpu.memref_slice %arg15[%dma_wait3A_1321, %dma_wait3A_1330, %dma_wait3A_1331] : memref<8x128x32xf32, #tpu.memory_space<vmem>> -> memref<1x128x32xf32, #tpu.memory_space<vmem>>
    %dma_wait3A_1333 = tpu.memref_squeeze %dma_wait3A_1332 : memref<1x128x32xf32, #tpu.memory_space<vmem>> -> memref<128x32xf32, #tpu.memory_space<vmem>>
    tpu.wait_dma2 semaphore(%arg30 : memref<!tpu.dma_semaphore, #tpu.memory_space<semaphore_mem>>) src(%dma_wait3A_1333 : memref<128x32xf32, #tpu.memory_space<vmem>>) dst(%dma_wait3A_1329 : memref<128x32xf32, #tpu.memory_space<hbm>>)
    %dma_start3A_1334 = arith.constant 7 : i32
    %dma_start3A_1335 = arith.constant 2 : i32
    %dma_start3A_1336 = arith.constant 6 : i32
    %dma_start3A_1337 = arith.constant 0 : i32
    %dma_start3A_1338 = arith.constant 0 : i32
    %dma_start3A_1339 = tpu.memref_slice %arg15[%dma_start3A_1336, %dma_start3A_1337, %dma_start3A_1338] : memref<8x128x32xf32, #tpu.memory_space<vmem>> -> memref<1x128x32xf32, #tpu.memory_space<vmem>>
    %dma_start3A_1340 = tpu.memref_squeeze %dma_start3A_1339 : memref<1x128x32xf32, #tpu.memory_space<vmem>> -> memref<128x32xf32, #tpu.memory_space<vmem>>
    %dma_start3A_1341 = arith.constant 0 : i32
    %dma_start3A_1342 = tpu.memref_slice %arg14[%dma_start3A_1334, %dma_start3A_1335, %dma_start3A_1341] : memref<10x4x128xi32, #tpu.memory_space<vmem>> -> memref<1x1x128xi32, #tpu.memory_space<vmem>>
    %dma_start3A_1343 = tpu.memref_squeeze %dma_start3A_1342 : memref<1x1x128xi32, #tpu.memory_space<vmem>> -> memref<128xi32, #tpu.memory_space<vmem>>
    %dma_start3A_1344 = arith.constant 0 : i32
    %dma_start3A_1345 = arith.constant 0 : i32
    %dma_start3A_1346 = tpu.memref_slice %arg10[%dma_start3A_1344, %dma_start3A_1345] : memref<100000x32xf32, #tpu.memory_space<hbm>> -> memref<100000x32xf32, #tpu.memory_space<hbm>>
    tpu.enqueue_indirect_dma source(%dma_start3A_1346 : memref<100000x32xf32, #tpu.memory_space<hbm>>) target(%dma_start3A_1340 : memref<128x32xf32, #tpu.memory_space<vmem>>) offsets(%dma_start3A_1343 : memref<128xi32, #tpu.memory_space<vmem>>) semaphore(%arg22 : memref<!tpu.dma_semaphore, #tpu.memory_space<semaphore_mem>>)
    %dma_wait3A_1347 = arith.constant 5 : i32
    %dma_wait3A_1348 = arith.constant 3 : i32
    %dma_wait3A_1349 = arith.constant 7 : i32
    %dma_wait3A_1350 = arith.constant 0 : i32
    %dma_wait3A_1351 = arith.constant 0 : i32
    %dma_wait3A_1352 = tpu.memref_slice %arg15[%dma_wait3A_1349, %dma_wait3A_1350, %dma_wait3A_1351] : memref<8x128x32xf32, #tpu.memory_space<vmem>> -> memref<1x128x32xf32, #tpu.memory_space<vmem>>
    %dma_wait3A_1353 = tpu.memref_squeeze %dma_wait3A_1352 : memref<1x128x32xf32, #tpu.memory_space<vmem>> -> memref<128x32xf32, #tpu.memory_space<vmem>>
    %dma_wait3A_1354 = arith.constant 0 : i32
    %dma_wait3A_1355 = tpu.memref_slice %arg14[%dma_wait3A_1347, %dma_wait3A_1348, %dma_wait3A_1354] : memref<10x4x128xi32, #tpu.memory_space<vmem>> -> memref<1x1x128xi32, #tpu.memory_space<vmem>>
    %dma_wait3A_1356 = tpu.memref_squeeze %dma_wait3A_1355 : memref<1x1x128xi32, #tpu.memory_space<vmem>> -> memref<128xi32, #tpu.memory_space<vmem>>
    %dma_wait3A_1357 = arith.constant 0 : i32
    %dma_wait3A_1358 = arith.constant 0 : i32
    %dma_wait3A_1359 = tpu.memref_slice %arg8[%dma_wait3A_1357, %dma_wait3A_1358] : memref<100000x32xf32, #tpu.memory_space<hbm>> -> memref<100000x32xf32, #tpu.memory_space<hbm>>
    tpu.wait_indirect_dma semaphore(%arg23 : memref<!tpu.dma_semaphore, #tpu.memory_space<semaphore_mem>>) src(%dma_wait3A_1359 : memref<100000x32xf32, #tpu.memory_space<hbm>>) dst(%dma_wait3A_1353 : memref<128x32xf32, #tpu.memory_space<vmem>>)
    %add3A_1360 = arith.constant 384 : i32
    %add3A_1361 = arith.addi %mul3A_2, %add3A_1360 : i32
    %dma_start3A_1362 = arith.constant 7 : i32
    %dma_start3A_1363 = arith.constant 0 : i32
    %dma_start3A_1364 = arith.constant 0 : i32
    %dma_start3A_1365 = tpu.memref_slice %arg15[%dma_start3A_1362, %dma_start3A_1363, %dma_start3A_1364] : memref<8x128x32xf32, #tpu.memory_space<vmem>> -> memref<1x128x32xf32, #tpu.memory_space<vmem>>
    %dma_start3A_1366 = tpu.memref_squeeze %dma_start3A_1365 : memref<1x128x32xf32, #tpu.memory_space<vmem>> -> memref<128x32xf32, #tpu.memory_space<vmem>>
    %dma_start3A_1367 = arith.constant 160 : i32
    %dma_start3A_1368 = tpu.memref_slice %arg13[%add3A_1361, %dma_start3A_1367] : memref<16384x320xf32, #tpu.memory_space<hbm>> -> memref<128x32xf32, #tpu.memory_space<hbm>>
    %dma_start3A_1369 = arith.constant 160 : i32
    %dma_start3A_1370 = tpu.memref_slice %arg13[%add3A_1361, %dma_start3A_1369] : memref<16384x320xf32, #tpu.memory_space<hbm>> -> memref<128x32xf32, #tpu.memory_space<hbm>>
    %dma_start3A_1371 = arith.constant 0 : i32
    %dma_start3A_1372 = arith.constant 0 : i32
    %dma_start3A_1373 = tpu.memref_slice %arg15[%dma_start3A_1362, %dma_start3A_1371, %dma_start3A_1372] : memref<8x128x32xf32, #tpu.memory_space<vmem>> -> memref<1x128x32xf32, #tpu.memory_space<vmem>>
    %dma_start3A_1374 = tpu.memref_squeeze %dma_start3A_1373 : memref<1x128x32xf32, #tpu.memory_space<vmem>> -> memref<128x32xf32, #tpu.memory_space<vmem>>
    tpu.enqueue_dma source(%dma_start3A_1374 : memref<128x32xf32, #tpu.memory_space<vmem>>) target(%dma_start3A_1370 : memref<128x32xf32, #tpu.memory_space<hbm>>) target_semaphore(%arg31 : memref<!tpu.dma_semaphore, #tpu.memory_space<semaphore_mem>>)
    %dma_wait3A_1375 = arith.constant 7 : i32
    %dma_wait3A_1376 = arith.constant 0 : i32
    %dma_wait3A_1377 = arith.constant 0 : i32
    %dma_wait3A_1378 = tpu.memref_slice %arg15[%dma_wait3A_1375, %dma_wait3A_1376, %dma_wait3A_1377] : memref<8x128x32xf32, #tpu.memory_space<vmem>> -> memref<1x128x32xf32, #tpu.memory_space<vmem>>
    %dma_wait3A_1379 = tpu.memref_squeeze %dma_wait3A_1378 : memref<1x128x32xf32, #tpu.memory_space<vmem>> -> memref<128x32xf32, #tpu.memory_space<vmem>>
    %dma_wait3A_1380 = arith.constant 160 : i32
    %dma_wait3A_1381 = tpu.memref_slice %arg13[%add3A_1361, %dma_wait3A_1380] : memref<16384x320xf32, #tpu.memory_space<hbm>> -> memref<128x32xf32, #tpu.memory_space<hbm>>
    %dma_wait3A_1382 = arith.constant 160 : i32
    %dma_wait3A_1383 = tpu.memref_slice %arg13[%add3A_1361, %dma_wait3A_1382] : memref<16384x320xf32, #tpu.memory_space<hbm>> -> memref<128x32xf32, #tpu.memory_space<hbm>>
    %dma_wait3A_1384 = arith.constant 0 : i32
    %dma_wait3A_1385 = arith.constant 0 : i32
    %dma_wait3A_1386 = tpu.memref_slice %arg15[%dma_wait3A_1375, %dma_wait3A_1384, %dma_wait3A_1385] : memref<8x128x32xf32, #tpu.memory_space<vmem>> -> memref<1x128x32xf32, #tpu.memory_space<vmem>>
    %dma_wait3A_1387 = tpu.memref_squeeze %dma_wait3A_1386 : memref<1x128x32xf32, #tpu.memory_space<vmem>> -> memref<128x32xf32, #tpu.memory_space<vmem>>
    tpu.wait_dma2 semaphore(%arg31 : memref<!tpu.dma_semaphore, #tpu.memory_space<semaphore_mem>>) src(%dma_wait3A_1387 : memref<128x32xf32, #tpu.memory_space<vmem>>) dst(%dma_wait3A_1383 : memref<128x32xf32, #tpu.memory_space<hbm>>)
    %dma_start3A_1388 = arith.constant 7 : i32
    %dma_start3A_1389 = arith.constant 3 : i32
    %dma_start3A_1390 = arith.constant 7 : i32
    %dma_start3A_1391 = arith.constant 0 : i32
    %dma_start3A_1392 = arith.constant 0 : i32
    %dma_start3A_1393 = tpu.memref_slice %arg15[%dma_start3A_1390, %dma_start3A_1391, %dma_start3A_1392] : memref<8x128x32xf32, #tpu.memory_space<vmem>> -> memref<1x128x32xf32, #tpu.memory_space<vmem>>
    %dma_start3A_1394 = tpu.memref_squeeze %dma_start3A_1393 : memref<1x128x32xf32, #tpu.memory_space<vmem>> -> memref<128x32xf32, #tpu.memory_space<vmem>>
    %dma_start3A_1395 = arith.constant 0 : i32
    %dma_start3A_1396 = tpu.memref_slice %arg14[%dma_start3A_1388, %dma_start3A_1389, %dma_start3A_1395] : memref<10x4x128xi32, #tpu.memory_space<vmem>> -> memref<1x1x128xi32, #tpu.memory_space<vmem>>
    %dma_start3A_1397 = tpu.memref_squeeze %dma_start3A_1396 : memref<1x1x128xi32, #tpu.memory_space<vmem>> -> memref<128xi32, #tpu.memory_space<vmem>>
    %dma_start3A_1398 = arith.constant 0 : i32
    %dma_start3A_1399 = arith.constant 0 : i32
    %dma_start3A_1400 = tpu.memref_slice %arg10[%dma_start3A_1398, %dma_start3A_1399] : memref<100000x32xf32, #tpu.memory_space<hbm>> -> memref<100000x32xf32, #tpu.memory_space<hbm>>
    tpu.enqueue_indirect_dma source(%dma_start3A_1400 : memref<100000x32xf32, #tpu.memory_space<hbm>>) target(%dma_start3A_1394 : memref<128x32xf32, #tpu.memory_space<vmem>>) offsets(%dma_start3A_1397 : memref<128xi32, #tpu.memory_space<vmem>>) semaphore(%arg23 : memref<!tpu.dma_semaphore, #tpu.memory_space<semaphore_mem>>)
    %dma_wait3A_1401 = arith.constant 6 : i32
    %dma_wait3A_1402 = arith.constant 0 : i32
    %dma_wait3A_1403 = arith.constant 0 : i32
    %dma_wait3A_1404 = arith.constant 0 : i32
    %dma_wait3A_1405 = arith.constant 0 : i32
    %dma_wait3A_1406 = tpu.memref_slice %arg15[%dma_wait3A_1403, %dma_wait3A_1404, %dma_wait3A_1405] : memref<8x128x32xf32, #tpu.memory_space<vmem>> -> memref<1x128x32xf32, #tpu.memory_space<vmem>>
    %dma_wait3A_1407 = tpu.memref_squeeze %dma_wait3A_1406 : memref<1x128x32xf32, #tpu.memory_space<vmem>> -> memref<128x32xf32, #tpu.memory_space<vmem>>
    %dma_wait3A_1408 = arith.constant 0 : i32
    %dma_wait3A_1409 = tpu.memref_slice %arg14[%dma_wait3A_1401, %dma_wait3A_1402, %dma_wait3A_1408] : memref<10x4x128xi32, #tpu.memory_space<vmem>> -> memref<1x1x128xi32, #tpu.memory_space<vmem>>
    %dma_wait3A_1410 = tpu.memref_squeeze %dma_wait3A_1409 : memref<1x1x128xi32, #tpu.memory_space<vmem>> -> memref<128xi32, #tpu.memory_space<vmem>>
    %dma_wait3A_1411 = arith.constant 0 : i32
    %dma_wait3A_1412 = arith.constant 0 : i32
    %dma_wait3A_1413 = tpu.memref_slice %arg9[%dma_wait3A_1411, %dma_wait3A_1412] : memref<100000x32xf32, #tpu.memory_space<hbm>> -> memref<100000x32xf32, #tpu.memory_space<hbm>>
    tpu.wait_indirect_dma semaphore(%arg16 : memref<!tpu.dma_semaphore, #tpu.memory_space<semaphore_mem>>) src(%dma_wait3A_1413 : memref<100000x32xf32, #tpu.memory_space<hbm>>) dst(%dma_wait3A_1407 : memref<128x32xf32, #tpu.memory_space<vmem>>)
    %add3A_1414 = arith.constant 0 : i32
    %add3A_1415 = arith.addi %mul3A_2, %add3A_1414 : i32
    %dma_start3A_1416 = arith.constant 0 : i32
    %dma_start3A_1417 = arith.constant 0 : i32
    %dma_start3A_1418 = arith.constant 0 : i32
    %dma_start3A_1419 = tpu.memref_slice %arg15[%dma_start3A_1416, %dma_start3A_1417, %dma_start3A_1418] : memref<8x128x32xf32, #tpu.memory_space<vmem>> -> memref<1x128x32xf32, #tpu.memory_space<vmem>>
    %dma_start3A_1420 = tpu.memref_squeeze %dma_start3A_1419 : memref<1x128x32xf32, #tpu.memory_space<vmem>> -> memref<128x32xf32, #tpu.memory_space<vmem>>
    %dma_start3A_1421 = arith.constant 192 : i32
    %dma_start3A_1422 = tpu.memref_slice %arg13[%add3A_1415, %dma_start3A_1421] : memref<16384x320xf32, #tpu.memory_space<hbm>> -> memref<128x32xf32, #tpu.memory_space<hbm>>
    %dma_start3A_1423 = arith.constant 192 : i32
    %dma_start3A_1424 = tpu.memref_slice %arg13[%add3A_1415, %dma_start3A_1423] : memref<16384x320xf32, #tpu.memory_space<hbm>> -> memref<128x32xf32, #tpu.memory_space<hbm>>
    %dma_start3A_1425 = arith.constant 0 : i32
    %dma_start3A_1426 = arith.constant 0 : i32
    %dma_start3A_1427 = tpu.memref_slice %arg15[%dma_start3A_1416, %dma_start3A_1425, %dma_start3A_1426] : memref<8x128x32xf32, #tpu.memory_space<vmem>> -> memref<1x128x32xf32, #tpu.memory_space<vmem>>
    %dma_start3A_1428 = tpu.memref_squeeze %dma_start3A_1427 : memref<1x128x32xf32, #tpu.memory_space<vmem>> -> memref<128x32xf32, #tpu.memory_space<vmem>>
    tpu.enqueue_dma source(%dma_start3A_1428 : memref<128x32xf32, #tpu.memory_space<vmem>>) target(%dma_start3A_1424 : memref<128x32xf32, #tpu.memory_space<hbm>>) target_semaphore(%arg24 : memref<!tpu.dma_semaphore, #tpu.memory_space<semaphore_mem>>)
    %dma_wait3A_1429 = arith.constant 0 : i32
    %dma_wait3A_1430 = arith.constant 0 : i32
    %dma_wait3A_1431 = arith.constant 0 : i32
    %dma_wait3A_1432 = tpu.memref_slice %arg15[%dma_wait3A_1429, %dma_wait3A_1430, %dma_wait3A_1431] : memref<8x128x32xf32, #tpu.memory_space<vmem>> -> memref<1x128x32xf32, #tpu.memory_space<vmem>>
    %dma_wait3A_1433 = tpu.memref_squeeze %dma_wait3A_1432 : memref<1x128x32xf32, #tpu.memory_space<vmem>> -> memref<128x32xf32, #tpu.memory_space<vmem>>
    %dma_wait3A_1434 = arith.constant 192 : i32
    %dma_wait3A_1435 = tpu.memref_slice %arg13[%add3A_1415, %dma_wait3A_1434] : memref<16384x320xf32, #tpu.memory_space<hbm>> -> memref<128x32xf32, #tpu.memory_space<hbm>>
    %dma_wait3A_1436 = arith.constant 192 : i32
    %dma_wait3A_1437 = tpu.memref_slice %arg13[%add3A_1415, %dma_wait3A_1436] : memref<16384x320xf32, #tpu.memory_space<hbm>> -> memref<128x32xf32, #tpu.memory_space<hbm>>
    %dma_wait3A_1438 = arith.constant 0 : i32
    %dma_wait3A_1439 = arith.constant 0 : i32
    %dma_wait3A_1440 = tpu.memref_slice %arg15[%dma_wait3A_1429, %dma_wait3A_1438, %dma_wait3A_1439] : memref<8x128x32xf32, #tpu.memory_space<vmem>> -> memref<1x128x32xf32, #tpu.memory_space<vmem>>
    %dma_wait3A_1441 = tpu.memref_squeeze %dma_wait3A_1440 : memref<1x128x32xf32, #tpu.memory_space<vmem>> -> memref<128x32xf32, #tpu.memory_space<vmem>>
    tpu.wait_dma2 semaphore(%arg24 : memref<!tpu.dma_semaphore, #tpu.memory_space<semaphore_mem>>) src(%dma_wait3A_1441 : memref<128x32xf32, #tpu.memory_space<vmem>>) dst(%dma_wait3A_1437 : memref<128x32xf32, #tpu.memory_space<hbm>>)
    %dma_start3A_1442 = arith.constant 8 : i32
    %dma_start3A_1443 = arith.constant 0 : i32
    %dma_start3A_1444 = arith.constant 0 : i32
    %dma_start3A_1445 = arith.constant 0 : i32
    %dma_start3A_1446 = arith.constant 0 : i32
    %dma_start3A_1447 = tpu.memref_slice %arg15[%dma_start3A_1444, %dma_start3A_1445, %dma_start3A_1446] : memref<8x128x32xf32, #tpu.memory_space<vmem>> -> memref<1x128x32xf32, #tpu.memory_space<vmem>>
    %dma_start3A_1448 = tpu.memref_squeeze %dma_start3A_1447 : memref<1x128x32xf32, #tpu.memory_space<vmem>> -> memref<128x32xf32, #tpu.memory_space<vmem>>
    %dma_start3A_1449 = arith.constant 0 : i32
    %dma_start3A_1450 = tpu.memref_slice %arg14[%dma_start3A_1442, %dma_start3A_1443, %dma_start3A_1449] : memref<10x4x128xi32, #tpu.memory_space<vmem>> -> memref<1x1x128xi32, #tpu.memory_space<vmem>>
    %dma_start3A_1451 = tpu.memref_squeeze %dma_start3A_1450 : memref<1x1x128xi32, #tpu.memory_space<vmem>> -> memref<128xi32, #tpu.memory_space<vmem>>
    %dma_start3A_1452 = arith.constant 0 : i32
    %dma_start3A_1453 = arith.constant 0 : i32
    %dma_start3A_1454 = tpu.memref_slice %arg11[%dma_start3A_1452, %dma_start3A_1453] : memref<100000x32xf32, #tpu.memory_space<hbm>> -> memref<100000x32xf32, #tpu.memory_space<hbm>>
    tpu.enqueue_indirect_dma source(%dma_start3A_1454 : memref<100000x32xf32, #tpu.memory_space<hbm>>) target(%dma_start3A_1448 : memref<128x32xf32, #tpu.memory_space<vmem>>) offsets(%dma_start3A_1451 : memref<128xi32, #tpu.memory_space<vmem>>) semaphore(%arg16 : memref<!tpu.dma_semaphore, #tpu.memory_space<semaphore_mem>>)
    %dma_wait3A_1455 = arith.constant 6 : i32
    %dma_wait3A_1456 = arith.constant 1 : i32
    %dma_wait3A_1457 = arith.constant 1 : i32
    %dma_wait3A_1458 = arith.constant 0 : i32
    %dma_wait3A_1459 = arith.constant 0 : i32
    %dma_wait3A_1460 = tpu.memref_slice %arg15[%dma_wait3A_1457, %dma_wait3A_1458, %dma_wait3A_1459] : memref<8x128x32xf32, #tpu.memory_space<vmem>> -> memref<1x128x32xf32, #tpu.memory_space<vmem>>
    %dma_wait3A_1461 = tpu.memref_squeeze %dma_wait3A_1460 : memref<1x128x32xf32, #tpu.memory_space<vmem>> -> memref<128x32xf32, #tpu.memory_space<vmem>>
    %dma_wait3A_1462 = arith.constant 0 : i32
    %dma_wait3A_1463 = tpu.memref_slice %arg14[%dma_wait3A_1455, %dma_wait3A_1456, %dma_wait3A_1462] : memref<10x4x128xi32, #tpu.memory_space<vmem>> -> memref<1x1x128xi32, #tpu.memory_space<vmem>>
    %dma_wait3A_1464 = tpu.memref_squeeze %dma_wait3A_1463 : memref<1x1x128xi32, #tpu.memory_space<vmem>> -> memref<128xi32, #tpu.memory_space<vmem>>
    %dma_wait3A_1465 = arith.constant 0 : i32
    %dma_wait3A_1466 = arith.constant 0 : i32
    %dma_wait3A_1467 = tpu.memref_slice %arg9[%dma_wait3A_1465, %dma_wait3A_1466] : memref<100000x32xf32, #tpu.memory_space<hbm>> -> memref<100000x32xf32, #tpu.memory_space<hbm>>
    tpu.wait_indirect_dma semaphore(%arg17 : memref<!tpu.dma_semaphore, #tpu.memory_space<semaphore_mem>>) src(%dma_wait3A_1467 : memref<100000x32xf32, #tpu.memory_space<hbm>>) dst(%dma_wait3A_1461 : memref<128x32xf32, #tpu.memory_space<vmem>>)
    %add3A_1468 = arith.constant 128 : i32
    %add3A_1469 = arith.addi %mul3A_2, %add3A_1468 : i32
    %dma_start3A_1470 = arith.constant 1 : i32
    %dma_start3A_1471 = arith.constant 0 : i32
    %dma_start3A_1472 = arith.constant 0 : i32
    %dma_start3A_1473 = tpu.memref_slice %arg15[%dma_start3A_1470, %dma_start3A_1471, %dma_start3A_1472] : memref<8x128x32xf32, #tpu.memory_space<vmem>> -> memref<1x128x32xf32, #tpu.memory_space<vmem>>
    %dma_start3A_1474 = tpu.memref_squeeze %dma_start3A_1473 : memref<1x128x32xf32, #tpu.memory_space<vmem>> -> memref<128x32xf32, #tpu.memory_space<vmem>>
    %dma_start3A_1475 = arith.constant 192 : i32
    %dma_start3A_1476 = tpu.memref_slice %arg13[%add3A_1469, %dma_start3A_1475] : memref<16384x320xf32, #tpu.memory_space<hbm>> -> memref<128x32xf32, #tpu.memory_space<hbm>>
    %dma_start3A_1477 = arith.constant 192 : i32
    %dma_start3A_1478 = tpu.memref_slice %arg13[%add3A_1469, %dma_start3A_1477] : memref<16384x320xf32, #tpu.memory_space<hbm>> -> memref<128x32xf32, #tpu.memory_space<hbm>>
    %dma_start3A_1479 = arith.constant 0 : i32
    %dma_start3A_1480 = arith.constant 0 : i32
    %dma_start3A_1481 = tpu.memref_slice %arg15[%dma_start3A_1470, %dma_start3A_1479, %dma_start3A_1480] : memref<8x128x32xf32, #tpu.memory_space<vmem>> -> memref<1x128x32xf32, #tpu.memory_space<vmem>>
    %dma_start3A_1482 = tpu.memref_squeeze %dma_start3A_1481 : memref<1x128x32xf32, #tpu.memory_space<vmem>> -> memref<128x32xf32, #tpu.memory_space<vmem>>
    tpu.enqueue_dma source(%dma_start3A_1482 : memref<128x32xf32, #tpu.memory_space<vmem>>) target(%dma_start3A_1478 : memref<128x32xf32, #tpu.memory_space<hbm>>) target_semaphore(%arg25 : memref<!tpu.dma_semaphore, #tpu.memory_space<semaphore_mem>>)
    %dma_wait3A_1483 = arith.constant 1 : i32
    %dma_wait3A_1484 = arith.constant 0 : i32
    %dma_wait3A_1485 = arith.constant 0 : i32
    %dma_wait3A_1486 = tpu.memref_slice %arg15[%dma_wait3A_1483, %dma_wait3A_1484, %dma_wait3A_1485] : memref<8x128x32xf32, #tpu.memory_space<vmem>> -> memref<1x128x32xf32, #tpu.memory_space<vmem>>
    %dma_wait3A_1487 = tpu.memref_squeeze %dma_wait3A_1486 : memref<1x128x32xf32, #tpu.memory_space<vmem>> -> memref<128x32xf32, #tpu.memory_space<vmem>>
    %dma_wait3A_1488 = arith.constant 192 : i32
    %dma_wait3A_1489 = tpu.memref_slice %arg13[%add3A_1469, %dma_wait3A_1488] : memref<16384x320xf32, #tpu.memory_space<hbm>> -> memref<128x32xf32, #tpu.memory_space<hbm>>
    %dma_wait3A_1490 = arith.constant 192 : i32
    %dma_wait3A_1491 = tpu.memref_slice %arg13[%add3A_1469, %dma_wait3A_1490] : memref<16384x320xf32, #tpu.memory_space<hbm>> -> memref<128x32xf32, #tpu.memory_space<hbm>>
    %dma_wait3A_1492 = arith.constant 0 : i32
    %dma_wait3A_1493 = arith.constant 0 : i32
    %dma_wait3A_1494 = tpu.memref_slice %arg15[%dma_wait3A_1483, %dma_wait3A_1492, %dma_wait3A_1493] : memref<8x128x32xf32, #tpu.memory_space<vmem>> -> memref<1x128x32xf32, #tpu.memory_space<vmem>>
    %dma_wait3A_1495 = tpu.memref_squeeze %dma_wait3A_1494 : memref<1x128x32xf32, #tpu.memory_space<vmem>> -> memref<128x32xf32, #tpu.memory_space<vmem>>
    tpu.wait_dma2 semaphore(%arg25 : memref<!tpu.dma_semaphore, #tpu.memory_space<semaphore_mem>>) src(%dma_wait3A_1495 : memref<128x32xf32, #tpu.memory_space<vmem>>) dst(%dma_wait3A_1491 : memref<128x32xf32, #tpu.memory_space<hbm>>)
    %dma_start3A_1496 = arith.constant 8 : i32
    %dma_start3A_1497 = arith.constant 1 : i32
    %dma_start3A_1498 = arith.constant 1 : i32
    %dma_start3A_1499 = arith.constant 0 : i32
    %dma_start3A_1500 = arith.constant 0 : i32
    %dma_start3A_1501 = tpu.memref_slice %arg15[%dma_start3A_1498, %dma_start3A_1499, %dma_start3A_1500] : memref<8x128x32xf32, #tpu.memory_space<vmem>> -> memref<1x128x32xf32, #tpu.memory_space<vmem>>
    %dma_start3A_1502 = tpu.memref_squeeze %dma_start3A_1501 : memref<1x128x32xf32, #tpu.memory_space<vmem>> -> memref<128x32xf32, #tpu.memory_space<vmem>>
    %dma_start3A_1503 = arith.constant 0 : i32
    %dma_start3A_1504 = tpu.memref_slice %arg14[%dma_start3A_1496, %dma_start3A_1497, %dma_start3A_1503] : memref<10x4x128xi32, #tpu.memory_space<vmem>> -> memref<1x1x128xi32, #tpu.memory_space<vmem>>
    %dma_start3A_1505 = tpu.memref_squeeze %dma_start3A_1504 : memref<1x1x128xi32, #tpu.memory_space<vmem>> -> memref<128xi32, #tpu.memory_space<vmem>>
    %dma_start3A_1506 = arith.constant 0 : i32
    %dma_start3A_1507 = arith.constant 0 : i32
    %dma_start3A_1508 = tpu.memref_slice %arg11[%dma_start3A_1506, %dma_start3A_1507] : memref<100000x32xf32, #tpu.memory_space<hbm>> -> memref<100000x32xf32, #tpu.memory_space<hbm>>
    tpu.enqueue_indirect_dma source(%dma_start3A_1508 : memref<100000x32xf32, #tpu.memory_space<hbm>>) target(%dma_start3A_1502 : memref<128x32xf32, #tpu.memory_space<vmem>>) offsets(%dma_start3A_1505 : memref<128xi32, #tpu.memory_space<vmem>>) semaphore(%arg17 : memref<!tpu.dma_semaphore, #tpu.memory_space<semaphore_mem>>)
    %dma_wait3A_1509 = arith.constant 6 : i32
    %dma_wait3A_1510 = arith.constant 2 : i32
    %dma_wait3A_1511 = arith.constant 2 : i32
    %dma_wait3A_1512 = arith.constant 0 : i32
    %dma_wait3A_1513 = arith.constant 0 : i32
    %dma_wait3A_1514 = tpu.memref_slice %arg15[%dma_wait3A_1511, %dma_wait3A_1512, %dma_wait3A_1513] : memref<8x128x32xf32, #tpu.memory_space<vmem>> -> memref<1x128x32xf32, #tpu.memory_space<vmem>>
    %dma_wait3A_1515 = tpu.memref_squeeze %dma_wait3A_1514 : memref<1x128x32xf32, #tpu.memory_space<vmem>> -> memref<128x32xf32, #tpu.memory_space<vmem>>
    %dma_wait3A_1516 = arith.constant 0 : i32
    %dma_wait3A_1517 = tpu.memref_slice %arg14[%dma_wait3A_1509, %dma_wait3A_1510, %dma_wait3A_1516] : memref<10x4x128xi32, #tpu.memory_space<vmem>> -> memref<1x1x128xi32, #tpu.memory_space<vmem>>
    %dma_wait3A_1518 = tpu.memref_squeeze %dma_wait3A_1517 : memref<1x1x128xi32, #tpu.memory_space<vmem>> -> memref<128xi32, #tpu.memory_space<vmem>>
    %dma_wait3A_1519 = arith.constant 0 : i32
    %dma_wait3A_1520 = arith.constant 0 : i32
    %dma_wait3A_1521 = tpu.memref_slice %arg9[%dma_wait3A_1519, %dma_wait3A_1520] : memref<100000x32xf32, #tpu.memory_space<hbm>> -> memref<100000x32xf32, #tpu.memory_space<hbm>>
    tpu.wait_indirect_dma semaphore(%arg18 : memref<!tpu.dma_semaphore, #tpu.memory_space<semaphore_mem>>) src(%dma_wait3A_1521 : memref<100000x32xf32, #tpu.memory_space<hbm>>) dst(%dma_wait3A_1515 : memref<128x32xf32, #tpu.memory_space<vmem>>)
    %add3A_1522 = arith.constant 256 : i32
    %add3A_1523 = arith.addi %mul3A_2, %add3A_1522 : i32
    %dma_start3A_1524 = arith.constant 2 : i32
    %dma_start3A_1525 = arith.constant 0 : i32
    %dma_start3A_1526 = arith.constant 0 : i32
    %dma_start3A_1527 = tpu.memref_slice %arg15[%dma_start3A_1524, %dma_start3A_1525, %dma_start3A_1526] : memref<8x128x32xf32, #tpu.memory_space<vmem>> -> memref<1x128x32xf32, #tpu.memory_space<vmem>>
    %dma_start3A_1528 = tpu.memref_squeeze %dma_start3A_1527 : memref<1x128x32xf32, #tpu.memory_space<vmem>> -> memref<128x32xf32, #tpu.memory_space<vmem>>
    %dma_start3A_1529 = arith.constant 192 : i32
    %dma_start3A_1530 = tpu.memref_slice %arg13[%add3A_1523, %dma_start3A_1529] : memref<16384x320xf32, #tpu.memory_space<hbm>> -> memref<128x32xf32, #tpu.memory_space<hbm>>
    %dma_start3A_1531 = arith.constant 192 : i32
    %dma_start3A_1532 = tpu.memref_slice %arg13[%add3A_1523, %dma_start3A_1531] : memref<16384x320xf32, #tpu.memory_space<hbm>> -> memref<128x32xf32, #tpu.memory_space<hbm>>
    %dma_start3A_1533 = arith.constant 0 : i32
    %dma_start3A_1534 = arith.constant 0 : i32
    %dma_start3A_1535 = tpu.memref_slice %arg15[%dma_start3A_1524, %dma_start3A_1533, %dma_start3A_1534] : memref<8x128x32xf32, #tpu.memory_space<vmem>> -> memref<1x128x32xf32, #tpu.memory_space<vmem>>
    %dma_start3A_1536 = tpu.memref_squeeze %dma_start3A_1535 : memref<1x128x32xf32, #tpu.memory_space<vmem>> -> memref<128x32xf32, #tpu.memory_space<vmem>>
    tpu.enqueue_dma source(%dma_start3A_1536 : memref<128x32xf32, #tpu.memory_space<vmem>>) target(%dma_start3A_1532 : memref<128x32xf32, #tpu.memory_space<hbm>>) target_semaphore(%arg26 : memref<!tpu.dma_semaphore, #tpu.memory_space<semaphore_mem>>)
    %dma_wait3A_1537 = arith.constant 2 : i32
    %dma_wait3A_1538 = arith.constant 0 : i32
    %dma_wait3A_1539 = arith.constant 0 : i32
    %dma_wait3A_1540 = tpu.memref_slice %arg15[%dma_wait3A_1537, %dma_wait3A_1538, %dma_wait3A_1539] : memref<8x128x32xf32, #tpu.memory_space<vmem>> -> memref<1x128x32xf32, #tpu.memory_space<vmem>>
    %dma_wait3A_1541 = tpu.memref_squeeze %dma_wait3A_1540 : memref<1x128x32xf32, #tpu.memory_space<vmem>> -> memref<128x32xf32, #tpu.memory_space<vmem>>
    %dma_wait3A_1542 = arith.constant 192 : i32
    %dma_wait3A_1543 = tpu.memref_slice %arg13[%add3A_1523, %dma_wait3A_1542] : memref<16384x320xf32, #tpu.memory_space<hbm>> -> memref<128x32xf32, #tpu.memory_space<hbm>>
    %dma_wait3A_1544 = arith.constant 192 : i32
    %dma_wait3A_1545 = tpu.memref_slice %arg13[%add3A_1523, %dma_wait3A_1544] : memref<16384x320xf32, #tpu.memory_space<hbm>> -> memref<128x32xf32, #tpu.memory_space<hbm>>
    %dma_wait3A_1546 = arith.constant 0 : i32
    %dma_wait3A_1547 = arith.constant 0 : i32
    %dma_wait3A_1548 = tpu.memref_slice %arg15[%dma_wait3A_1537, %dma_wait3A_1546, %dma_wait3A_1547] : memref<8x128x32xf32, #tpu.memory_space<vmem>> -> memref<1x128x32xf32, #tpu.memory_space<vmem>>
    %dma_wait3A_1549 = tpu.memref_squeeze %dma_wait3A_1548 : memref<1x128x32xf32, #tpu.memory_space<vmem>> -> memref<128x32xf32, #tpu.memory_space<vmem>>
    tpu.wait_dma2 semaphore(%arg26 : memref<!tpu.dma_semaphore, #tpu.memory_space<semaphore_mem>>) src(%dma_wait3A_1549 : memref<128x32xf32, #tpu.memory_space<vmem>>) dst(%dma_wait3A_1545 : memref<128x32xf32, #tpu.memory_space<hbm>>)
    %dma_start3A_1550 = arith.constant 8 : i32
    %dma_start3A_1551 = arith.constant 2 : i32
    %dma_start3A_1552 = arith.constant 2 : i32
    %dma_start3A_1553 = arith.constant 0 : i32
    %dma_start3A_1554 = arith.constant 0 : i32
    %dma_start3A_1555 = tpu.memref_slice %arg15[%dma_start3A_1552, %dma_start3A_1553, %dma_start3A_1554] : memref<8x128x32xf32, #tpu.memory_space<vmem>> -> memref<1x128x32xf32, #tpu.memory_space<vmem>>
    %dma_start3A_1556 = tpu.memref_squeeze %dma_start3A_1555 : memref<1x128x32xf32, #tpu.memory_space<vmem>> -> memref<128x32xf32, #tpu.memory_space<vmem>>
    %dma_start3A_1557 = arith.constant 0 : i32
    %dma_start3A_1558 = tpu.memref_slice %arg14[%dma_start3A_1550, %dma_start3A_1551, %dma_start3A_1557] : memref<10x4x128xi32, #tpu.memory_space<vmem>> -> memref<1x1x128xi32, #tpu.memory_space<vmem>>
    %dma_start3A_1559 = tpu.memref_squeeze %dma_start3A_1558 : memref<1x1x128xi32, #tpu.memory_space<vmem>> -> memref<128xi32, #tpu.memory_space<vmem>>
    %dma_start3A_1560 = arith.constant 0 : i32
    %dma_start3A_1561 = arith.constant 0 : i32
    %dma_start3A_1562 = tpu.memref_slice %arg11[%dma_start3A_1560, %dma_start3A_1561] : memref<100000x32xf32, #tpu.memory_space<hbm>> -> memref<100000x32xf32, #tpu.memory_space<hbm>>
    tpu.enqueue_indirect_dma source(%dma_start3A_1562 : memref<100000x32xf32, #tpu.memory_space<hbm>>) target(%dma_start3A_1556 : memref<128x32xf32, #tpu.memory_space<vmem>>) offsets(%dma_start3A_1559 : memref<128xi32, #tpu.memory_space<vmem>>) semaphore(%arg18 : memref<!tpu.dma_semaphore, #tpu.memory_space<semaphore_mem>>)
    %dma_wait3A_1563 = arith.constant 6 : i32
    %dma_wait3A_1564 = arith.constant 3 : i32
    %dma_wait3A_1565 = arith.constant 3 : i32
    %dma_wait3A_1566 = arith.constant 0 : i32
    %dma_wait3A_1567 = arith.constant 0 : i32
    %dma_wait3A_1568 = tpu.memref_slice %arg15[%dma_wait3A_1565, %dma_wait3A_1566, %dma_wait3A_1567] : memref<8x128x32xf32, #tpu.memory_space<vmem>> -> memref<1x128x32xf32, #tpu.memory_space<vmem>>
    %dma_wait3A_1569 = tpu.memref_squeeze %dma_wait3A_1568 : memref<1x128x32xf32, #tpu.memory_space<vmem>> -> memref<128x32xf32, #tpu.memory_space<vmem>>
    %dma_wait3A_1570 = arith.constant 0 : i32
    %dma_wait3A_1571 = tpu.memref_slice %arg14[%dma_wait3A_1563, %dma_wait3A_1564, %dma_wait3A_1570] : memref<10x4x128xi32, #tpu.memory_space<vmem>> -> memref<1x1x128xi32, #tpu.memory_space<vmem>>
    %dma_wait3A_1572 = tpu.memref_squeeze %dma_wait3A_1571 : memref<1x1x128xi32, #tpu.memory_space<vmem>> -> memref<128xi32, #tpu.memory_space<vmem>>
    %dma_wait3A_1573 = arith.constant 0 : i32
    %dma_wait3A_1574 = arith.constant 0 : i32
    %dma_wait3A_1575 = tpu.memref_slice %arg9[%dma_wait3A_1573, %dma_wait3A_1574] : memref<100000x32xf32, #tpu.memory_space<hbm>> -> memref<100000x32xf32, #tpu.memory_space<hbm>>
    tpu.wait_indirect_dma semaphore(%arg19 : memref<!tpu.dma_semaphore, #tpu.memory_space<semaphore_mem>>) src(%dma_wait3A_1575 : memref<100000x32xf32, #tpu.memory_space<hbm>>) dst(%dma_wait3A_1569 : memref<128x32xf32, #tpu.memory_space<vmem>>)
    %add3A_1576 = arith.constant 384 : i32
    %add3A_1577 = arith.addi %mul3A_2, %add3A_1576 : i32
    %dma_start3A_1578 = arith.constant 3 : i32
    %dma_start3A_1579 = arith.constant 0 : i32
    %dma_start3A_1580 = arith.constant 0 : i32
    %dma_start3A_1581 = tpu.memref_slice %arg15[%dma_start3A_1578, %dma_start3A_1579, %dma_start3A_1580] : memref<8x128x32xf32, #tpu.memory_space<vmem>> -> memref<1x128x32xf32, #tpu.memory_space<vmem>>
    %dma_start3A_1582 = tpu.memref_squeeze %dma_start3A_1581 : memref<1x128x32xf32, #tpu.memory_space<vmem>> -> memref<128x32xf32, #tpu.memory_space<vmem>>
    %dma_start3A_1583 = arith.constant 192 : i32
    %dma_start3A_1584 = tpu.memref_slice %arg13[%add3A_1577, %dma_start3A_1583] : memref<16384x320xf32, #tpu.memory_space<hbm>> -> memref<128x32xf32, #tpu.memory_space<hbm>>
    %dma_start3A_1585 = arith.constant 192 : i32
    %dma_start3A_1586 = tpu.memref_slice %arg13[%add3A_1577, %dma_start3A_1585] : memref<16384x320xf32, #tpu.memory_space<hbm>> -> memref<128x32xf32, #tpu.memory_space<hbm>>
    %dma_start3A_1587 = arith.constant 0 : i32
    %dma_start3A_1588 = arith.constant 0 : i32
    %dma_start3A_1589 = tpu.memref_slice %arg15[%dma_start3A_1578, %dma_start3A_1587, %dma_start3A_1588] : memref<8x128x32xf32, #tpu.memory_space<vmem>> -> memref<1x128x32xf32, #tpu.memory_space<vmem>>
    %dma_start3A_1590 = tpu.memref_squeeze %dma_start3A_1589 : memref<1x128x32xf32, #tpu.memory_space<vmem>> -> memref<128x32xf32, #tpu.memory_space<vmem>>
    tpu.enqueue_dma source(%dma_start3A_1590 : memref<128x32xf32, #tpu.memory_space<vmem>>) target(%dma_start3A_1586 : memref<128x32xf32, #tpu.memory_space<hbm>>) target_semaphore(%arg27 : memref<!tpu.dma_semaphore, #tpu.memory_space<semaphore_mem>>)
    %dma_wait3A_1591 = arith.constant 3 : i32
    %dma_wait3A_1592 = arith.constant 0 : i32
    %dma_wait3A_1593 = arith.constant 0 : i32
    %dma_wait3A_1594 = tpu.memref_slice %arg15[%dma_wait3A_1591, %dma_wait3A_1592, %dma_wait3A_1593] : memref<8x128x32xf32, #tpu.memory_space<vmem>> -> memref<1x128x32xf32, #tpu.memory_space<vmem>>
    %dma_wait3A_1595 = tpu.memref_squeeze %dma_wait3A_1594 : memref<1x128x32xf32, #tpu.memory_space<vmem>> -> memref<128x32xf32, #tpu.memory_space<vmem>>
    %dma_wait3A_1596 = arith.constant 192 : i32
    %dma_wait3A_1597 = tpu.memref_slice %arg13[%add3A_1577, %dma_wait3A_1596] : memref<16384x320xf32, #tpu.memory_space<hbm>> -> memref<128x32xf32, #tpu.memory_space<hbm>>
    %dma_wait3A_1598 = arith.constant 192 : i32
    %dma_wait3A_1599 = tpu.memref_slice %arg13[%add3A_1577, %dma_wait3A_1598] : memref<16384x320xf32, #tpu.memory_space<hbm>> -> memref<128x32xf32, #tpu.memory_space<hbm>>
    %dma_wait3A_1600 = arith.constant 0 : i32
    %dma_wait3A_1601 = arith.constant 0 : i32
    %dma_wait3A_1602 = tpu.memref_slice %arg15[%dma_wait3A_1591, %dma_wait3A_1600, %dma_wait3A_1601] : memref<8x128x32xf32, #tpu.memory_space<vmem>> -> memref<1x128x32xf32, #tpu.memory_space<vmem>>
    %dma_wait3A_1603 = tpu.memref_squeeze %dma_wait3A_1602 : memref<1x128x32xf32, #tpu.memory_space<vmem>> -> memref<128x32xf32, #tpu.memory_space<vmem>>
    tpu.wait_dma2 semaphore(%arg27 : memref<!tpu.dma_semaphore, #tpu.memory_space<semaphore_mem>>) src(%dma_wait3A_1603 : memref<128x32xf32, #tpu.memory_space<vmem>>) dst(%dma_wait3A_1599 : memref<128x32xf32, #tpu.memory_space<hbm>>)
    %dma_start3A_1604 = arith.constant 8 : i32
    %dma_start3A_1605 = arith.constant 3 : i32
    %dma_start3A_1606 = arith.constant 3 : i32
    %dma_start3A_1607 = arith.constant 0 : i32
    %dma_start3A_1608 = arith.constant 0 : i32
    %dma_start3A_1609 = tpu.memref_slice %arg15[%dma_start3A_1606, %dma_start3A_1607, %dma_start3A_1608] : memref<8x128x32xf32, #tpu.memory_space<vmem>> -> memref<1x128x32xf32, #tpu.memory_space<vmem>>
    %dma_start3A_1610 = tpu.memref_squeeze %dma_start3A_1609 : memref<1x128x32xf32, #tpu.memory_space<vmem>> -> memref<128x32xf32, #tpu.memory_space<vmem>>
    %dma_start3A_1611 = arith.constant 0 : i32
    %dma_start3A_1612 = tpu.memref_slice %arg14[%dma_start3A_1604, %dma_start3A_1605, %dma_start3A_1611] : memref<10x4x128xi32, #tpu.memory_space<vmem>> -> memref<1x1x128xi32, #tpu.memory_space<vmem>>
    %dma_start3A_1613 = tpu.memref_squeeze %dma_start3A_1612 : memref<1x1x128xi32, #tpu.memory_space<vmem>> -> memref<128xi32, #tpu.memory_space<vmem>>
    %dma_start3A_1614 = arith.constant 0 : i32
    %dma_start3A_1615 = arith.constant 0 : i32
    %dma_start3A_1616 = tpu.memref_slice %arg11[%dma_start3A_1614, %dma_start3A_1615] : memref<100000x32xf32, #tpu.memory_space<hbm>> -> memref<100000x32xf32, #tpu.memory_space<hbm>>
    tpu.enqueue_indirect_dma source(%dma_start3A_1616 : memref<100000x32xf32, #tpu.memory_space<hbm>>) target(%dma_start3A_1610 : memref<128x32xf32, #tpu.memory_space<vmem>>) offsets(%dma_start3A_1613 : memref<128xi32, #tpu.memory_space<vmem>>) semaphore(%arg19 : memref<!tpu.dma_semaphore, #tpu.memory_space<semaphore_mem>>)
    %dma_wait3A_1617 = arith.constant 7 : i32
    %dma_wait3A_1618 = arith.constant 0 : i32
    %dma_wait3A_1619 = arith.constant 4 : i32
    %dma_wait3A_1620 = arith.constant 0 : i32
    %dma_wait3A_1621 = arith.constant 0 : i32
    %dma_wait3A_1622 = tpu.memref_slice %arg15[%dma_wait3A_1619, %dma_wait3A_1620, %dma_wait3A_1621] : memref<8x128x32xf32, #tpu.memory_space<vmem>> -> memref<1x128x32xf32, #tpu.memory_space<vmem>>
    %dma_wait3A_1623 = tpu.memref_squeeze %dma_wait3A_1622 : memref<1x128x32xf32, #tpu.memory_space<vmem>> -> memref<128x32xf32, #tpu.memory_space<vmem>>
    %dma_wait3A_1624 = arith.constant 0 : i32
    %dma_wait3A_1625 = tpu.memref_slice %arg14[%dma_wait3A_1617, %dma_wait3A_1618, %dma_wait3A_1624] : memref<10x4x128xi32, #tpu.memory_space<vmem>> -> memref<1x1x128xi32, #tpu.memory_space<vmem>>
    %dma_wait3A_1626 = tpu.memref_squeeze %dma_wait3A_1625 : memref<1x1x128xi32, #tpu.memory_space<vmem>> -> memref<128xi32, #tpu.memory_space<vmem>>
    %dma_wait3A_1627 = arith.constant 0 : i32
    %dma_wait3A_1628 = arith.constant 0 : i32
    %dma_wait3A_1629 = tpu.memref_slice %arg10[%dma_wait3A_1627, %dma_wait3A_1628] : memref<100000x32xf32, #tpu.memory_space<hbm>> -> memref<100000x32xf32, #tpu.memory_space<hbm>>
    tpu.wait_indirect_dma semaphore(%arg20 : memref<!tpu.dma_semaphore, #tpu.memory_space<semaphore_mem>>) src(%dma_wait3A_1629 : memref<100000x32xf32, #tpu.memory_space<hbm>>) dst(%dma_wait3A_1623 : memref<128x32xf32, #tpu.memory_space<vmem>>)
    %add3A_1630 = arith.constant 0 : i32
    %add3A_1631 = arith.addi %mul3A_2, %add3A_1630 : i32
    %dma_start3A_1632 = arith.constant 4 : i32
    %dma_start3A_1633 = arith.constant 0 : i32
    %dma_start3A_1634 = arith.constant 0 : i32
    %dma_start3A_1635 = tpu.memref_slice %arg15[%dma_start3A_1632, %dma_start3A_1633, %dma_start3A_1634] : memref<8x128x32xf32, #tpu.memory_space<vmem>> -> memref<1x128x32xf32, #tpu.memory_space<vmem>>
    %dma_start3A_1636 = tpu.memref_squeeze %dma_start3A_1635 : memref<1x128x32xf32, #tpu.memory_space<vmem>> -> memref<128x32xf32, #tpu.memory_space<vmem>>
    %dma_start3A_1637 = arith.constant 224 : i32
    %dma_start3A_1638 = tpu.memref_slice %arg13[%add3A_1631, %dma_start3A_1637] : memref<16384x320xf32, #tpu.memory_space<hbm>> -> memref<128x32xf32, #tpu.memory_space<hbm>>
    %dma_start3A_1639 = arith.constant 224 : i32
    %dma_start3A_1640 = tpu.memref_slice %arg13[%add3A_1631, %dma_start3A_1639] : memref<16384x320xf32, #tpu.memory_space<hbm>> -> memref<128x32xf32, #tpu.memory_space<hbm>>
    %dma_start3A_1641 = arith.constant 0 : i32
    %dma_start3A_1642 = arith.constant 0 : i32
    %dma_start3A_1643 = tpu.memref_slice %arg15[%dma_start3A_1632, %dma_start3A_1641, %dma_start3A_1642] : memref<8x128x32xf32, #tpu.memory_space<vmem>> -> memref<1x128x32xf32, #tpu.memory_space<vmem>>
    %dma_start3A_1644 = tpu.memref_squeeze %dma_start3A_1643 : memref<1x128x32xf32, #tpu.memory_space<vmem>> -> memref<128x32xf32, #tpu.memory_space<vmem>>
    tpu.enqueue_dma source(%dma_start3A_1644 : memref<128x32xf32, #tpu.memory_space<vmem>>) target(%dma_start3A_1640 : memref<128x32xf32, #tpu.memory_space<hbm>>) target_semaphore(%arg28 : memref<!tpu.dma_semaphore, #tpu.memory_space<semaphore_mem>>)
    %dma_wait3A_1645 = arith.constant 4 : i32
    %dma_wait3A_1646 = arith.constant 0 : i32
    %dma_wait3A_1647 = arith.constant 0 : i32
    %dma_wait3A_1648 = tpu.memref_slice %arg15[%dma_wait3A_1645, %dma_wait3A_1646, %dma_wait3A_1647] : memref<8x128x32xf32, #tpu.memory_space<vmem>> -> memref<1x128x32xf32, #tpu.memory_space<vmem>>
    %dma_wait3A_1649 = tpu.memref_squeeze %dma_wait3A_1648 : memref<1x128x32xf32, #tpu.memory_space<vmem>> -> memref<128x32xf32, #tpu.memory_space<vmem>>
    %dma_wait3A_1650 = arith.constant 224 : i32
    %dma_wait3A_1651 = tpu.memref_slice %arg13[%add3A_1631, %dma_wait3A_1650] : memref<16384x320xf32, #tpu.memory_space<hbm>> -> memref<128x32xf32, #tpu.memory_space<hbm>>
    %dma_wait3A_1652 = arith.constant 224 : i32
    %dma_wait3A_1653 = tpu.memref_slice %arg13[%add3A_1631, %dma_wait3A_1652] : memref<16384x320xf32, #tpu.memory_space<hbm>> -> memref<128x32xf32, #tpu.memory_space<hbm>>
    %dma_wait3A_1654 = arith.constant 0 : i32
    %dma_wait3A_1655 = arith.constant 0 : i32
    %dma_wait3A_1656 = tpu.memref_slice %arg15[%dma_wait3A_1645, %dma_wait3A_1654, %dma_wait3A_1655] : memref<8x128x32xf32, #tpu.memory_space<vmem>> -> memref<1x128x32xf32, #tpu.memory_space<vmem>>
    %dma_wait3A_1657 = tpu.memref_squeeze %dma_wait3A_1656 : memref<1x128x32xf32, #tpu.memory_space<vmem>> -> memref<128x32xf32, #tpu.memory_space<vmem>>
    tpu.wait_dma2 semaphore(%arg28 : memref<!tpu.dma_semaphore, #tpu.memory_space<semaphore_mem>>) src(%dma_wait3A_1657 : memref<128x32xf32, #tpu.memory_space<vmem>>) dst(%dma_wait3A_1653 : memref<128x32xf32, #tpu.memory_space<hbm>>)
    %dma_start3A_1658 = arith.constant 9 : i32
    %dma_start3A_1659 = arith.constant 0 : i32
    %dma_start3A_1660 = arith.constant 4 : i32
    %dma_start3A_1661 = arith.constant 0 : i32
    %dma_start3A_1662 = arith.constant 0 : i32
    %dma_start3A_1663 = tpu.memref_slice %arg15[%dma_start3A_1660, %dma_start3A_1661, %dma_start3A_1662] : memref<8x128x32xf32, #tpu.memory_space<vmem>> -> memref<1x128x32xf32, #tpu.memory_space<vmem>>
    %dma_start3A_1664 = tpu.memref_squeeze %dma_start3A_1663 : memref<1x128x32xf32, #tpu.memory_space<vmem>> -> memref<128x32xf32, #tpu.memory_space<vmem>>
    %dma_start3A_1665 = arith.constant 0 : i32
    %dma_start3A_1666 = tpu.memref_slice %arg14[%dma_start3A_1658, %dma_start3A_1659, %dma_start3A_1665] : memref<10x4x128xi32, #tpu.memory_space<vmem>> -> memref<1x1x128xi32, #tpu.memory_space<vmem>>
    %dma_start3A_1667 = tpu.memref_squeeze %dma_start3A_1666 : memref<1x1x128xi32, #tpu.memory_space<vmem>> -> memref<128xi32, #tpu.memory_space<vmem>>
    %dma_start3A_1668 = arith.constant 0 : i32
    %dma_start3A_1669 = arith.constant 0 : i32
    %dma_start3A_1670 = tpu.memref_slice %arg12[%dma_start3A_1668, %dma_start3A_1669] : memref<100000x32xf32, #tpu.memory_space<hbm>> -> memref<100000x32xf32, #tpu.memory_space<hbm>>
    tpu.enqueue_indirect_dma source(%dma_start3A_1670 : memref<100000x32xf32, #tpu.memory_space<hbm>>) target(%dma_start3A_1664 : memref<128x32xf32, #tpu.memory_space<vmem>>) offsets(%dma_start3A_1667 : memref<128xi32, #tpu.memory_space<vmem>>) semaphore(%arg20 : memref<!tpu.dma_semaphore, #tpu.memory_space<semaphore_mem>>)
    %dma_wait3A_1671 = arith.constant 7 : i32
    %dma_wait3A_1672 = arith.constant 1 : i32
    %dma_wait3A_1673 = arith.constant 5 : i32
    %dma_wait3A_1674 = arith.constant 0 : i32
    %dma_wait3A_1675 = arith.constant 0 : i32
    %dma_wait3A_1676 = tpu.memref_slice %arg15[%dma_wait3A_1673, %dma_wait3A_1674, %dma_wait3A_1675] : memref<8x128x32xf32, #tpu.memory_space<vmem>> -> memref<1x128x32xf32, #tpu.memory_space<vmem>>
    %dma_wait3A_1677 = tpu.memref_squeeze %dma_wait3A_1676 : memref<1x128x32xf32, #tpu.memory_space<vmem>> -> memref<128x32xf32, #tpu.memory_space<vmem>>
    %dma_wait3A_1678 = arith.constant 0 : i32
    %dma_wait3A_1679 = tpu.memref_slice %arg14[%dma_wait3A_1671, %dma_wait3A_1672, %dma_wait3A_1678] : memref<10x4x128xi32, #tpu.memory_space<vmem>> -> memref<1x1x128xi32, #tpu.memory_space<vmem>>
    %dma_wait3A_1680 = tpu.memref_squeeze %dma_wait3A_1679 : memref<1x1x128xi32, #tpu.memory_space<vmem>> -> memref<128xi32, #tpu.memory_space<vmem>>
    %dma_wait3A_1681 = arith.constant 0 : i32
    %dma_wait3A_1682 = arith.constant 0 : i32
    %dma_wait3A_1683 = tpu.memref_slice %arg10[%dma_wait3A_1681, %dma_wait3A_1682] : memref<100000x32xf32, #tpu.memory_space<hbm>> -> memref<100000x32xf32, #tpu.memory_space<hbm>>
    tpu.wait_indirect_dma semaphore(%arg21 : memref<!tpu.dma_semaphore, #tpu.memory_space<semaphore_mem>>) src(%dma_wait3A_1683 : memref<100000x32xf32, #tpu.memory_space<hbm>>) dst(%dma_wait3A_1677 : memref<128x32xf32, #tpu.memory_space<vmem>>)
    %add3A_1684 = arith.constant 128 : i32
    %add3A_1685 = arith.addi %mul3A_2, %add3A_1684 : i32
    %dma_start3A_1686 = arith.constant 5 : i32
    %dma_start3A_1687 = arith.constant 0 : i32
    %dma_start3A_1688 = arith.constant 0 : i32
    %dma_start3A_1689 = tpu.memref_slice %arg15[%dma_start3A_1686, %dma_start3A_1687, %dma_start3A_1688] : memref<8x128x32xf32, #tpu.memory_space<vmem>> -> memref<1x128x32xf32, #tpu.memory_space<vmem>>
    %dma_start3A_1690 = tpu.memref_squeeze %dma_start3A_1689 : memref<1x128x32xf32, #tpu.memory_space<vmem>> -> memref<128x32xf32, #tpu.memory_space<vmem>>
    %dma_start3A_1691 = arith.constant 224 : i32
    %dma_start3A_1692 = tpu.memref_slice %arg13[%add3A_1685, %dma_start3A_1691] : memref<16384x320xf32, #tpu.memory_space<hbm>> -> memref<128x32xf32, #tpu.memory_space<hbm>>
    %dma_start3A_1693 = arith.constant 224 : i32
    %dma_start3A_1694 = tpu.memref_slice %arg13[%add3A_1685, %dma_start3A_1693] : memref<16384x320xf32, #tpu.memory_space<hbm>> -> memref<128x32xf32, #tpu.memory_space<hbm>>
    %dma_start3A_1695 = arith.constant 0 : i32
    %dma_start3A_1696 = arith.constant 0 : i32
    %dma_start3A_1697 = tpu.memref_slice %arg15[%dma_start3A_1686, %dma_start3A_1695, %dma_start3A_1696] : memref<8x128x32xf32, #tpu.memory_space<vmem>> -> memref<1x128x32xf32, #tpu.memory_space<vmem>>
    %dma_start3A_1698 = tpu.memref_squeeze %dma_start3A_1697 : memref<1x128x32xf32, #tpu.memory_space<vmem>> -> memref<128x32xf32, #tpu.memory_space<vmem>>
    tpu.enqueue_dma source(%dma_start3A_1698 : memref<128x32xf32, #tpu.memory_space<vmem>>) target(%dma_start3A_1694 : memref<128x32xf32, #tpu.memory_space<hbm>>) target_semaphore(%arg29 : memref<!tpu.dma_semaphore, #tpu.memory_space<semaphore_mem>>)
    %dma_wait3A_1699 = arith.constant 5 : i32
    %dma_wait3A_1700 = arith.constant 0 : i32
    %dma_wait3A_1701 = arith.constant 0 : i32
    %dma_wait3A_1702 = tpu.memref_slice %arg15[%dma_wait3A_1699, %dma_wait3A_1700, %dma_wait3A_1701] : memref<8x128x32xf32, #tpu.memory_space<vmem>> -> memref<1x128x32xf32, #tpu.memory_space<vmem>>
    %dma_wait3A_1703 = tpu.memref_squeeze %dma_wait3A_1702 : memref<1x128x32xf32, #tpu.memory_space<vmem>> -> memref<128x32xf32, #tpu.memory_space<vmem>>
    %dma_wait3A_1704 = arith.constant 224 : i32
    %dma_wait3A_1705 = tpu.memref_slice %arg13[%add3A_1685, %dma_wait3A_1704] : memref<16384x320xf32, #tpu.memory_space<hbm>> -> memref<128x32xf32, #tpu.memory_space<hbm>>
    %dma_wait3A_1706 = arith.constant 224 : i32
    %dma_wait3A_1707 = tpu.memref_slice %arg13[%add3A_1685, %dma_wait3A_1706] : memref<16384x320xf32, #tpu.memory_space<hbm>> -> memref<128x32xf32, #tpu.memory_space<hbm>>
    %dma_wait3A_1708 = arith.constant 0 : i32
    %dma_wait3A_1709 = arith.constant 0 : i32
    %dma_wait3A_1710 = tpu.memref_slice %arg15[%dma_wait3A_1699, %dma_wait3A_1708, %dma_wait3A_1709] : memref<8x128x32xf32, #tpu.memory_space<vmem>> -> memref<1x128x32xf32, #tpu.memory_space<vmem>>
    %dma_wait3A_1711 = tpu.memref_squeeze %dma_wait3A_1710 : memref<1x128x32xf32, #tpu.memory_space<vmem>> -> memref<128x32xf32, #tpu.memory_space<vmem>>
    tpu.wait_dma2 semaphore(%arg29 : memref<!tpu.dma_semaphore, #tpu.memory_space<semaphore_mem>>) src(%dma_wait3A_1711 : memref<128x32xf32, #tpu.memory_space<vmem>>) dst(%dma_wait3A_1707 : memref<128x32xf32, #tpu.memory_space<hbm>>)
    %dma_start3A_1712 = arith.constant 9 : i32
    %dma_start3A_1713 = arith.constant 1 : i32
    %dma_start3A_1714 = arith.constant 5 : i32
    %dma_start3A_1715 = arith.constant 0 : i32
    %dma_start3A_1716 = arith.constant 0 : i32
    %dma_start3A_1717 = tpu.memref_slice %arg15[%dma_start3A_1714, %dma_start3A_1715, %dma_start3A_1716] : memref<8x128x32xf32, #tpu.memory_space<vmem>> -> memref<1x128x32xf32, #tpu.memory_space<vmem>>
    %dma_start3A_1718 = tpu.memref_squeeze %dma_start3A_1717 : memref<1x128x32xf32, #tpu.memory_space<vmem>> -> memref<128x32xf32, #tpu.memory_space<vmem>>
    %dma_start3A_1719 = arith.constant 0 : i32
    %dma_start3A_1720 = tpu.memref_slice %arg14[%dma_start3A_1712, %dma_start3A_1713, %dma_start3A_1719] : memref<10x4x128xi32, #tpu.memory_space<vmem>> -> memref<1x1x128xi32, #tpu.memory_space<vmem>>
    %dma_start3A_1721 = tpu.memref_squeeze %dma_start3A_1720 : memref<1x1x128xi32, #tpu.memory_space<vmem>> -> memref<128xi32, #tpu.memory_space<vmem>>
    %dma_start3A_1722 = arith.constant 0 : i32
    %dma_start3A_1723 = arith.constant 0 : i32
    %dma_start3A_1724 = tpu.memref_slice %arg12[%dma_start3A_1722, %dma_start3A_1723] : memref<100000x32xf32, #tpu.memory_space<hbm>> -> memref<100000x32xf32, #tpu.memory_space<hbm>>
    tpu.enqueue_indirect_dma source(%dma_start3A_1724 : memref<100000x32xf32, #tpu.memory_space<hbm>>) target(%dma_start3A_1718 : memref<128x32xf32, #tpu.memory_space<vmem>>) offsets(%dma_start3A_1721 : memref<128xi32, #tpu.memory_space<vmem>>) semaphore(%arg21 : memref<!tpu.dma_semaphore, #tpu.memory_space<semaphore_mem>>)
    %dma_wait3A_1725 = arith.constant 7 : i32
    %dma_wait3A_1726 = arith.constant 2 : i32
    %dma_wait3A_1727 = arith.constant 6 : i32
    %dma_wait3A_1728 = arith.constant 0 : i32
    %dma_wait3A_1729 = arith.constant 0 : i32
    %dma_wait3A_1730 = tpu.memref_slice %arg15[%dma_wait3A_1727, %dma_wait3A_1728, %dma_wait3A_1729] : memref<8x128x32xf32, #tpu.memory_space<vmem>> -> memref<1x128x32xf32, #tpu.memory_space<vmem>>
    %dma_wait3A_1731 = tpu.memref_squeeze %dma_wait3A_1730 : memref<1x128x32xf32, #tpu.memory_space<vmem>> -> memref<128x32xf32, #tpu.memory_space<vmem>>
    %dma_wait3A_1732 = arith.constant 0 : i32
    %dma_wait3A_1733 = tpu.memref_slice %arg14[%dma_wait3A_1725, %dma_wait3A_1726, %dma_wait3A_1732] : memref<10x4x128xi32, #tpu.memory_space<vmem>> -> memref<1x1x128xi32, #tpu.memory_space<vmem>>
    %dma_wait3A_1734 = tpu.memref_squeeze %dma_wait3A_1733 : memref<1x1x128xi32, #tpu.memory_space<vmem>> -> memref<128xi32, #tpu.memory_space<vmem>>
    %dma_wait3A_1735 = arith.constant 0 : i32
    %dma_wait3A_1736 = arith.constant 0 : i32
    %dma_wait3A_1737 = tpu.memref_slice %arg10[%dma_wait3A_1735, %dma_wait3A_1736] : memref<100000x32xf32, #tpu.memory_space<hbm>> -> memref<100000x32xf32, #tpu.memory_space<hbm>>
    tpu.wait_indirect_dma semaphore(%arg22 : memref<!tpu.dma_semaphore, #tpu.memory_space<semaphore_mem>>) src(%dma_wait3A_1737 : memref<100000x32xf32, #tpu.memory_space<hbm>>) dst(%dma_wait3A_1731 : memref<128x32xf32, #tpu.memory_space<vmem>>)
    %add3A_1738 = arith.constant 256 : i32
    %add3A_1739 = arith.addi %mul3A_2, %add3A_1738 : i32
    %dma_start3A_1740 = arith.constant 6 : i32
    %dma_start3A_1741 = arith.constant 0 : i32
    %dma_start3A_1742 = arith.constant 0 : i32
    %dma_start3A_1743 = tpu.memref_slice %arg15[%dma_start3A_1740, %dma_start3A_1741, %dma_start3A_1742] : memref<8x128x32xf32, #tpu.memory_space<vmem>> -> memref<1x128x32xf32, #tpu.memory_space<vmem>>
    %dma_start3A_1744 = tpu.memref_squeeze %dma_start3A_1743 : memref<1x128x32xf32, #tpu.memory_space<vmem>> -> memref<128x32xf32, #tpu.memory_space<vmem>>
    %dma_start3A_1745 = arith.constant 224 : i32
    %dma_start3A_1746 = tpu.memref_slice %arg13[%add3A_1739, %dma_start3A_1745] : memref<16384x320xf32, #tpu.memory_space<hbm>> -> memref<128x32xf32, #tpu.memory_space<hbm>>
    %dma_start3A_1747 = arith.constant 224 : i32
    %dma_start3A_1748 = tpu.memref_slice %arg13[%add3A_1739, %dma_start3A_1747] : memref<16384x320xf32, #tpu.memory_space<hbm>> -> memref<128x32xf32, #tpu.memory_space<hbm>>
    %dma_start3A_1749 = arith.constant 0 : i32
    %dma_start3A_1750 = arith.constant 0 : i32
    %dma_start3A_1751 = tpu.memref_slice %arg15[%dma_start3A_1740, %dma_start3A_1749, %dma_start3A_1750] : memref<8x128x32xf32, #tpu.memory_space<vmem>> -> memref<1x128x32xf32, #tpu.memory_space<vmem>>
    %dma_start3A_1752 = tpu.memref_squeeze %dma_start3A_1751 : memref<1x128x32xf32, #tpu.memory_space<vmem>> -> memref<128x32xf32, #tpu.memory_space<vmem>>
    tpu.enqueue_dma source(%dma_start3A_1752 : memref<128x32xf32, #tpu.memory_space<vmem>>) target(%dma_start3A_1748 : memref<128x32xf32, #tpu.memory_space<hbm>>) target_semaphore(%arg30 : memref<!tpu.dma_semaphore, #tpu.memory_space<semaphore_mem>>)
    %dma_wait3A_1753 = arith.constant 6 : i32
    %dma_wait3A_1754 = arith.constant 0 : i32
    %dma_wait3A_1755 = arith.constant 0 : i32
    %dma_wait3A_1756 = tpu.memref_slice %arg15[%dma_wait3A_1753, %dma_wait3A_1754, %dma_wait3A_1755] : memref<8x128x32xf32, #tpu.memory_space<vmem>> -> memref<1x128x32xf32, #tpu.memory_space<vmem>>
    %dma_wait3A_1757 = tpu.memref_squeeze %dma_wait3A_1756 : memref<1x128x32xf32, #tpu.memory_space<vmem>> -> memref<128x32xf32, #tpu.memory_space<vmem>>
    %dma_wait3A_1758 = arith.constant 224 : i32
    %dma_wait3A_1759 = tpu.memref_slice %arg13[%add3A_1739, %dma_wait3A_1758] : memref<16384x320xf32, #tpu.memory_space<hbm>> -> memref<128x32xf32, #tpu.memory_space<hbm>>
    %dma_wait3A_1760 = arith.constant 224 : i32
    %dma_wait3A_1761 = tpu.memref_slice %arg13[%add3A_1739, %dma_wait3A_1760] : memref<16384x320xf32, #tpu.memory_space<hbm>> -> memref<128x32xf32, #tpu.memory_space<hbm>>
    %dma_wait3A_1762 = arith.constant 0 : i32
    %dma_wait3A_1763 = arith.constant 0 : i32
    %dma_wait3A_1764 = tpu.memref_slice %arg15[%dma_wait3A_1753, %dma_wait3A_1762, %dma_wait3A_1763] : memref<8x128x32xf32, #tpu.memory_space<vmem>> -> memref<1x128x32xf32, #tpu.memory_space<vmem>>
    %dma_wait3A_1765 = tpu.memref_squeeze %dma_wait3A_1764 : memref<1x128x32xf32, #tpu.memory_space<vmem>> -> memref<128x32xf32, #tpu.memory_space<vmem>>
    tpu.wait_dma2 semaphore(%arg30 : memref<!tpu.dma_semaphore, #tpu.memory_space<semaphore_mem>>) src(%dma_wait3A_1765 : memref<128x32xf32, #tpu.memory_space<vmem>>) dst(%dma_wait3A_1761 : memref<128x32xf32, #tpu.memory_space<hbm>>)
    %dma_start3A_1766 = arith.constant 9 : i32
    %dma_start3A_1767 = arith.constant 2 : i32
    %dma_start3A_1768 = arith.constant 6 : i32
    %dma_start3A_1769 = arith.constant 0 : i32
    %dma_start3A_1770 = arith.constant 0 : i32
    %dma_start3A_1771 = tpu.memref_slice %arg15[%dma_start3A_1768, %dma_start3A_1769, %dma_start3A_1770] : memref<8x128x32xf32, #tpu.memory_space<vmem>> -> memref<1x128x32xf32, #tpu.memory_space<vmem>>
    %dma_start3A_1772 = tpu.memref_squeeze %dma_start3A_1771 : memref<1x128x32xf32, #tpu.memory_space<vmem>> -> memref<128x32xf32, #tpu.memory_space<vmem>>
    %dma_start3A_1773 = arith.constant 0 : i32
    %dma_start3A_1774 = tpu.memref_slice %arg14[%dma_start3A_1766, %dma_start3A_1767, %dma_start3A_1773] : memref<10x4x128xi32, #tpu.memory_space<vmem>> -> memref<1x1x128xi32, #tpu.memory_space<vmem>>
    %dma_start3A_1775 = tpu.memref_squeeze %dma_start3A_1774 : memref<1x1x128xi32, #tpu.memory_space<vmem>> -> memref<128xi32, #tpu.memory_space<vmem>>
    %dma_start3A_1776 = arith.constant 0 : i32
    %dma_start3A_1777 = arith.constant 0 : i32
    %dma_start3A_1778 = tpu.memref_slice %arg12[%dma_start3A_1776, %dma_start3A_1777] : memref<100000x32xf32, #tpu.memory_space<hbm>> -> memref<100000x32xf32, #tpu.memory_space<hbm>>
    tpu.enqueue_indirect_dma source(%dma_start3A_1778 : memref<100000x32xf32, #tpu.memory_space<hbm>>) target(%dma_start3A_1772 : memref<128x32xf32, #tpu.memory_space<vmem>>) offsets(%dma_start3A_1775 : memref<128xi32, #tpu.memory_space<vmem>>) semaphore(%arg22 : memref<!tpu.dma_semaphore, #tpu.memory_space<semaphore_mem>>)
    %dma_wait3A_1779 = arith.constant 7 : i32
    %dma_wait3A_1780 = arith.constant 3 : i32
    %dma_wait3A_1781 = arith.constant 7 : i32
    %dma_wait3A_1782 = arith.constant 0 : i32
    %dma_wait3A_1783 = arith.constant 0 : i32
    %dma_wait3A_1784 = tpu.memref_slice %arg15[%dma_wait3A_1781, %dma_wait3A_1782, %dma_wait3A_1783] : memref<8x128x32xf32, #tpu.memory_space<vmem>> -> memref<1x128x32xf32, #tpu.memory_space<vmem>>
    %dma_wait3A_1785 = tpu.memref_squeeze %dma_wait3A_1784 : memref<1x128x32xf32, #tpu.memory_space<vmem>> -> memref<128x32xf32, #tpu.memory_space<vmem>>
    %dma_wait3A_1786 = arith.constant 0 : i32
    %dma_wait3A_1787 = tpu.memref_slice %arg14[%dma_wait3A_1779, %dma_wait3A_1780, %dma_wait3A_1786] : memref<10x4x128xi32, #tpu.memory_space<vmem>> -> memref<1x1x128xi32, #tpu.memory_space<vmem>>
    %dma_wait3A_1788 = tpu.memref_squeeze %dma_wait3A_1787 : memref<1x1x128xi32, #tpu.memory_space<vmem>> -> memref<128xi32, #tpu.memory_space<vmem>>
    %dma_wait3A_1789 = arith.constant 0 : i32
    %dma_wait3A_1790 = arith.constant 0 : i32
    %dma_wait3A_1791 = tpu.memref_slice %arg10[%dma_wait3A_1789, %dma_wait3A_1790] : memref<100000x32xf32, #tpu.memory_space<hbm>> -> memref<100000x32xf32, #tpu.memory_space<hbm>>
    tpu.wait_indirect_dma semaphore(%arg23 : memref<!tpu.dma_semaphore, #tpu.memory_space<semaphore_mem>>) src(%dma_wait3A_1791 : memref<100000x32xf32, #tpu.memory_space<hbm>>) dst(%dma_wait3A_1785 : memref<128x32xf32, #tpu.memory_space<vmem>>)
    %add3A_1792 = arith.constant 384 : i32
    %add3A_1793 = arith.addi %mul3A_2, %add3A_1792 : i32
    %dma_start3A_1794 = arith.constant 7 : i32
    %dma_start3A_1795 = arith.constant 0 : i32
    %dma_start3A_1796 = arith.constant 0 : i32
    %dma_start3A_1797 = tpu.memref_slice %arg15[%dma_start3A_1794, %dma_start3A_1795, %dma_start3A_1796] : memref<8x128x32xf32, #tpu.memory_space<vmem>> -> memref<1x128x32xf32, #tpu.memory_space<vmem>>
    %dma_start3A_1798 = tpu.memref_squeeze %dma_start3A_1797 : memref<1x128x32xf32, #tpu.memory_space<vmem>> -> memref<128x32xf32, #tpu.memory_space<vmem>>
    %dma_start3A_1799 = arith.constant 224 : i32
    %dma_start3A_1800 = tpu.memref_slice %arg13[%add3A_1793, %dma_start3A_1799] : memref<16384x320xf32, #tpu.memory_space<hbm>> -> memref<128x32xf32, #tpu.memory_space<hbm>>
    %dma_start3A_1801 = arith.constant 224 : i32
    %dma_start3A_1802 = tpu.memref_slice %arg13[%add3A_1793, %dma_start3A_1801] : memref<16384x320xf32, #tpu.memory_space<hbm>> -> memref<128x32xf32, #tpu.memory_space<hbm>>
    %dma_start3A_1803 = arith.constant 0 : i32
    %dma_start3A_1804 = arith.constant 0 : i32
    %dma_start3A_1805 = tpu.memref_slice %arg15[%dma_start3A_1794, %dma_start3A_1803, %dma_start3A_1804] : memref<8x128x32xf32, #tpu.memory_space<vmem>> -> memref<1x128x32xf32, #tpu.memory_space<vmem>>
    %dma_start3A_1806 = tpu.memref_squeeze %dma_start3A_1805 : memref<1x128x32xf32, #tpu.memory_space<vmem>> -> memref<128x32xf32, #tpu.memory_space<vmem>>
    tpu.enqueue_dma source(%dma_start3A_1806 : memref<128x32xf32, #tpu.memory_space<vmem>>) target(%dma_start3A_1802 : memref<128x32xf32, #tpu.memory_space<hbm>>) target_semaphore(%arg31 : memref<!tpu.dma_semaphore, #tpu.memory_space<semaphore_mem>>)
    %dma_wait3A_1807 = arith.constant 7 : i32
    %dma_wait3A_1808 = arith.constant 0 : i32
    %dma_wait3A_1809 = arith.constant 0 : i32
    %dma_wait3A_1810 = tpu.memref_slice %arg15[%dma_wait3A_1807, %dma_wait3A_1808, %dma_wait3A_1809] : memref<8x128x32xf32, #tpu.memory_space<vmem>> -> memref<1x128x32xf32, #tpu.memory_space<vmem>>
    %dma_wait3A_1811 = tpu.memref_squeeze %dma_wait3A_1810 : memref<1x128x32xf32, #tpu.memory_space<vmem>> -> memref<128x32xf32, #tpu.memory_space<vmem>>
    %dma_wait3A_1812 = arith.constant 224 : i32
    %dma_wait3A_1813 = tpu.memref_slice %arg13[%add3A_1793, %dma_wait3A_1812] : memref<16384x320xf32, #tpu.memory_space<hbm>> -> memref<128x32xf32, #tpu.memory_space<hbm>>
    %dma_wait3A_1814 = arith.constant 224 : i32
    %dma_wait3A_1815 = tpu.memref_slice %arg13[%add3A_1793, %dma_wait3A_1814] : memref<16384x320xf32, #tpu.memory_space<hbm>> -> memref<128x32xf32, #tpu.memory_space<hbm>>
    %dma_wait3A_1816 = arith.constant 0 : i32
    %dma_wait3A_1817 = arith.constant 0 : i32
    %dma_wait3A_1818 = tpu.memref_slice %arg15[%dma_wait3A_1807, %dma_wait3A_1816, %dma_wait3A_1817] : memref<8x128x32xf32, #tpu.memory_space<vmem>> -> memref<1x128x32xf32, #tpu.memory_space<vmem>>
    %dma_wait3A_1819 = tpu.memref_squeeze %dma_wait3A_1818 : memref<1x128x32xf32, #tpu.memory_space<vmem>> -> memref<128x32xf32, #tpu.memory_space<vmem>>
    tpu.wait_dma2 semaphore(%arg31 : memref<!tpu.dma_semaphore, #tpu.memory_space<semaphore_mem>>) src(%dma_wait3A_1819 : memref<128x32xf32, #tpu.memory_space<vmem>>) dst(%dma_wait3A_1815 : memref<128x32xf32, #tpu.memory_space<hbm>>)
    %dma_start3A_1820 = arith.constant 9 : i32
    %dma_start3A_1821 = arith.constant 3 : i32
    %dma_start3A_1822 = arith.constant 7 : i32
    %dma_start3A_1823 = arith.constant 0 : i32
    %dma_start3A_1824 = arith.constant 0 : i32
    %dma_start3A_1825 = tpu.memref_slice %arg15[%dma_start3A_1822, %dma_start3A_1823, %dma_start3A_1824] : memref<8x128x32xf32, #tpu.memory_space<vmem>> -> memref<1x128x32xf32, #tpu.memory_space<vmem>>
    %dma_start3A_1826 = tpu.memref_squeeze %dma_start3A_1825 : memref<1x128x32xf32, #tpu.memory_space<vmem>> -> memref<128x32xf32, #tpu.memory_space<vmem>>
    %dma_start3A_1827 = arith.constant 0 : i32
    %dma_start3A_1828 = tpu.memref_slice %arg14[%dma_start3A_1820, %dma_start3A_1821, %dma_start3A_1827] : memref<10x4x128xi32, #tpu.memory_space<vmem>> -> memref<1x1x128xi32, #tpu.memory_space<vmem>>
    %dma_start3A_1829 = tpu.memref_squeeze %dma_start3A_1828 : memref<1x1x128xi32, #tpu.memory_space<vmem>> -> memref<128xi32, #tpu.memory_space<vmem>>
    %dma_start3A_1830 = arith.constant 0 : i32
    %dma_start3A_1831 = arith.constant 0 : i32
    %dma_start3A_1832 = tpu.memref_slice %arg12[%dma_start3A_1830, %dma_start3A_1831] : memref<100000x32xf32, #tpu.memory_space<hbm>> -> memref<100000x32xf32, #tpu.memory_space<hbm>>
    tpu.enqueue_indirect_dma source(%dma_start3A_1832 : memref<100000x32xf32, #tpu.memory_space<hbm>>) target(%dma_start3A_1826 : memref<128x32xf32, #tpu.memory_space<vmem>>) offsets(%dma_start3A_1829 : memref<128xi32, #tpu.memory_space<vmem>>) semaphore(%arg23 : memref<!tpu.dma_semaphore, #tpu.memory_space<semaphore_mem>>)
    %dma_wait3A_1833 = arith.constant 8 : i32
    %dma_wait3A_1834 = arith.constant 0 : i32
    %dma_wait3A_1835 = arith.constant 0 : i32
    %dma_wait3A_1836 = arith.constant 0 : i32
    %dma_wait3A_1837 = arith.constant 0 : i32
    %dma_wait3A_1838 = tpu.memref_slice %arg15[%dma_wait3A_1835, %dma_wait3A_1836, %dma_wait3A_1837] : memref<8x128x32xf32, #tpu.memory_space<vmem>> -> memref<1x128x32xf32, #tpu.memory_space<vmem>>
    %dma_wait3A_1839 = tpu.memref_squeeze %dma_wait3A_1838 : memref<1x128x32xf32, #tpu.memory_space<vmem>> -> memref<128x32xf32, #tpu.memory_space<vmem>>
    %dma_wait3A_1840 = arith.constant 0 : i32
    %dma_wait3A_1841 = tpu.memref_slice %arg14[%dma_wait3A_1833, %dma_wait3A_1834, %dma_wait3A_1840] : memref<10x4x128xi32, #tpu.memory_space<vmem>> -> memref<1x1x128xi32, #tpu.memory_space<vmem>>
    %dma_wait3A_1842 = tpu.memref_squeeze %dma_wait3A_1841 : memref<1x1x128xi32, #tpu.memory_space<vmem>> -> memref<128xi32, #tpu.memory_space<vmem>>
    %dma_wait3A_1843 = arith.constant 0 : i32
    %dma_wait3A_1844 = arith.constant 0 : i32
    %dma_wait3A_1845 = tpu.memref_slice %arg11[%dma_wait3A_1843, %dma_wait3A_1844] : memref<100000x32xf32, #tpu.memory_space<hbm>> -> memref<100000x32xf32, #tpu.memory_space<hbm>>
    tpu.wait_indirect_dma semaphore(%arg16 : memref<!tpu.dma_semaphore, #tpu.memory_space<semaphore_mem>>) src(%dma_wait3A_1845 : memref<100000x32xf32, #tpu.memory_space<hbm>>) dst(%dma_wait3A_1839 : memref<128x32xf32, #tpu.memory_space<vmem>>)
    %add3A_1846 = arith.constant 0 : i32
    %add3A_1847 = arith.addi %mul3A_2, %add3A_1846 : i32
    %dma_start3A_1848 = arith.constant 0 : i32
    %dma_start3A_1849 = arith.constant 0 : i32
    %dma_start3A_1850 = arith.constant 0 : i32
    %dma_start3A_1851 = tpu.memref_slice %arg15[%dma_start3A_1848, %dma_start3A_1849, %dma_start3A_1850] : memref<8x128x32xf32, #tpu.memory_space<vmem>> -> memref<1x128x32xf32, #tpu.memory_space<vmem>>
    %dma_start3A_1852 = tpu.memref_squeeze %dma_start3A_1851 : memref<1x128x32xf32, #tpu.memory_space<vmem>> -> memref<128x32xf32, #tpu.memory_space<vmem>>
    %dma_start3A_1853 = arith.constant 256 : i32
    %dma_start3A_1854 = tpu.memref_slice %arg13[%add3A_1847, %dma_start3A_1853] : memref<16384x320xf32, #tpu.memory_space<hbm>> -> memref<128x32xf32, #tpu.memory_space<hbm>>
    %dma_start3A_1855 = arith.constant 256 : i32
    %dma_start3A_1856 = tpu.memref_slice %arg13[%add3A_1847, %dma_start3A_1855] : memref<16384x320xf32, #tpu.memory_space<hbm>> -> memref<128x32xf32, #tpu.memory_space<hbm>>
    %dma_start3A_1857 = arith.constant 0 : i32
    %dma_start3A_1858 = arith.constant 0 : i32
    %dma_start3A_1859 = tpu.memref_slice %arg15[%dma_start3A_1848, %dma_start3A_1857, %dma_start3A_1858] : memref<8x128x32xf32, #tpu.memory_space<vmem>> -> memref<1x128x32xf32, #tpu.memory_space<vmem>>
    %dma_start3A_1860 = tpu.memref_squeeze %dma_start3A_1859 : memref<1x128x32xf32, #tpu.memory_space<vmem>> -> memref<128x32xf32, #tpu.memory_space<vmem>>
    tpu.enqueue_dma source(%dma_start3A_1860 : memref<128x32xf32, #tpu.memory_space<vmem>>) target(%dma_start3A_1856 : memref<128x32xf32, #tpu.memory_space<hbm>>) target_semaphore(%arg24 : memref<!tpu.dma_semaphore, #tpu.memory_space<semaphore_mem>>)
    %dma_wait3A_1861 = arith.constant 8 : i32
    %dma_wait3A_1862 = arith.constant 1 : i32
    %dma_wait3A_1863 = arith.constant 1 : i32
    %dma_wait3A_1864 = arith.constant 0 : i32
    %dma_wait3A_1865 = arith.constant 0 : i32
    %dma_wait3A_1866 = tpu.memref_slice %arg15[%dma_wait3A_1863, %dma_wait3A_1864, %dma_wait3A_1865] : memref<8x128x32xf32, #tpu.memory_space<vmem>> -> memref<1x128x32xf32, #tpu.memory_space<vmem>>
    %dma_wait3A_1867 = tpu.memref_squeeze %dma_wait3A_1866 : memref<1x128x32xf32, #tpu.memory_space<vmem>> -> memref<128x32xf32, #tpu.memory_space<vmem>>
    %dma_wait3A_1868 = arith.constant 0 : i32
    %dma_wait3A_1869 = tpu.memref_slice %arg14[%dma_wait3A_1861, %dma_wait3A_1862, %dma_wait3A_1868] : memref<10x4x128xi32, #tpu.memory_space<vmem>> -> memref<1x1x128xi32, #tpu.memory_space<vmem>>
    %dma_wait3A_1870 = tpu.memref_squeeze %dma_wait3A_1869 : memref<1x1x128xi32, #tpu.memory_space<vmem>> -> memref<128xi32, #tpu.memory_space<vmem>>
    %dma_wait3A_1871 = arith.constant 0 : i32
    %dma_wait3A_1872 = arith.constant 0 : i32
    %dma_wait3A_1873 = tpu.memref_slice %arg11[%dma_wait3A_1871, %dma_wait3A_1872] : memref<100000x32xf32, #tpu.memory_space<hbm>> -> memref<100000x32xf32, #tpu.memory_space<hbm>>
    tpu.wait_indirect_dma semaphore(%arg17 : memref<!tpu.dma_semaphore, #tpu.memory_space<semaphore_mem>>) src(%dma_wait3A_1873 : memref<100000x32xf32, #tpu.memory_space<hbm>>) dst(%dma_wait3A_1867 : memref<128x32xf32, #tpu.memory_space<vmem>>)
    %add3A_1874 = arith.constant 128 : i32
    %add3A_1875 = arith.addi %mul3A_2, %add3A_1874 : i32
    %dma_start3A_1876 = arith.constant 1 : i32
    %dma_start3A_1877 = arith.constant 0 : i32
    %dma_start3A_1878 = arith.constant 0 : i32
    %dma_start3A_1879 = tpu.memref_slice %arg15[%dma_start3A_1876, %dma_start3A_1877, %dma_start3A_1878] : memref<8x128x32xf32, #tpu.memory_space<vmem>> -> memref<1x128x32xf32, #tpu.memory_space<vmem>>
    %dma_start3A_1880 = tpu.memref_squeeze %dma_start3A_1879 : memref<1x128x32xf32, #tpu.memory_space<vmem>> -> memref<128x32xf32, #tpu.memory_space<vmem>>
    %dma_start3A_1881 = arith.constant 256 : i32
    %dma_start3A_1882 = tpu.memref_slice %arg13[%add3A_1875, %dma_start3A_1881] : memref<16384x320xf32, #tpu.memory_space<hbm>> -> memref<128x32xf32, #tpu.memory_space<hbm>>
    %dma_start3A_1883 = arith.constant 256 : i32
    %dma_start3A_1884 = tpu.memref_slice %arg13[%add3A_1875, %dma_start3A_1883] : memref<16384x320xf32, #tpu.memory_space<hbm>> -> memref<128x32xf32, #tpu.memory_space<hbm>>
    %dma_start3A_1885 = arith.constant 0 : i32
    %dma_start3A_1886 = arith.constant 0 : i32
    %dma_start3A_1887 = tpu.memref_slice %arg15[%dma_start3A_1876, %dma_start3A_1885, %dma_start3A_1886] : memref<8x128x32xf32, #tpu.memory_space<vmem>> -> memref<1x128x32xf32, #tpu.memory_space<vmem>>
    %dma_start3A_1888 = tpu.memref_squeeze %dma_start3A_1887 : memref<1x128x32xf32, #tpu.memory_space<vmem>> -> memref<128x32xf32, #tpu.memory_space<vmem>>
    tpu.enqueue_dma source(%dma_start3A_1888 : memref<128x32xf32, #tpu.memory_space<vmem>>) target(%dma_start3A_1884 : memref<128x32xf32, #tpu.memory_space<hbm>>) target_semaphore(%arg25 : memref<!tpu.dma_semaphore, #tpu.memory_space<semaphore_mem>>)
    %dma_wait3A_1889 = arith.constant 8 : i32
    %dma_wait3A_1890 = arith.constant 2 : i32
    %dma_wait3A_1891 = arith.constant 2 : i32
    %dma_wait3A_1892 = arith.constant 0 : i32
    %dma_wait3A_1893 = arith.constant 0 : i32
    %dma_wait3A_1894 = tpu.memref_slice %arg15[%dma_wait3A_1891, %dma_wait3A_1892, %dma_wait3A_1893] : memref<8x128x32xf32, #tpu.memory_space<vmem>> -> memref<1x128x32xf32, #tpu.memory_space<vmem>>
    %dma_wait3A_1895 = tpu.memref_squeeze %dma_wait3A_1894 : memref<1x128x32xf32, #tpu.memory_space<vmem>> -> memref<128x32xf32, #tpu.memory_space<vmem>>
    %dma_wait3A_1896 = arith.constant 0 : i32
    %dma_wait3A_1897 = tpu.memref_slice %arg14[%dma_wait3A_1889, %dma_wait3A_1890, %dma_wait3A_1896] : memref<10x4x128xi32, #tpu.memory_space<vmem>> -> memref<1x1x128xi32, #tpu.memory_space<vmem>>
    %dma_wait3A_1898 = tpu.memref_squeeze %dma_wait3A_1897 : memref<1x1x128xi32, #tpu.memory_space<vmem>> -> memref<128xi32, #tpu.memory_space<vmem>>
    %dma_wait3A_1899 = arith.constant 0 : i32
    %dma_wait3A_1900 = arith.constant 0 : i32
    %dma_wait3A_1901 = tpu.memref_slice %arg11[%dma_wait3A_1899, %dma_wait3A_1900] : memref<100000x32xf32, #tpu.memory_space<hbm>> -> memref<100000x32xf32, #tpu.memory_space<hbm>>
    tpu.wait_indirect_dma semaphore(%arg18 : memref<!tpu.dma_semaphore, #tpu.memory_space<semaphore_mem>>) src(%dma_wait3A_1901 : memref<100000x32xf32, #tpu.memory_space<hbm>>) dst(%dma_wait3A_1895 : memref<128x32xf32, #tpu.memory_space<vmem>>)
    %add3A_1902 = arith.constant 256 : i32
    %add3A_1903 = arith.addi %mul3A_2, %add3A_1902 : i32
    %dma_start3A_1904 = arith.constant 2 : i32
    %dma_start3A_1905 = arith.constant 0 : i32
    %dma_start3A_1906 = arith.constant 0 : i32
    %dma_start3A_1907 = tpu.memref_slice %arg15[%dma_start3A_1904, %dma_start3A_1905, %dma_start3A_1906] : memref<8x128x32xf32, #tpu.memory_space<vmem>> -> memref<1x128x32xf32, #tpu.memory_space<vmem>>
    %dma_start3A_1908 = tpu.memref_squeeze %dma_start3A_1907 : memref<1x128x32xf32, #tpu.memory_space<vmem>> -> memref<128x32xf32, #tpu.memory_space<vmem>>
    %dma_start3A_1909 = arith.constant 256 : i32
    %dma_start3A_1910 = tpu.memref_slice %arg13[%add3A_1903, %dma_start3A_1909] : memref<16384x320xf32, #tpu.memory_space<hbm>> -> memref<128x32xf32, #tpu.memory_space<hbm>>
    %dma_start3A_1911 = arith.constant 256 : i32
    %dma_start3A_1912 = tpu.memref_slice %arg13[%add3A_1903, %dma_start3A_1911] : memref<16384x320xf32, #tpu.memory_space<hbm>> -> memref<128x32xf32, #tpu.memory_space<hbm>>
    %dma_start3A_1913 = arith.constant 0 : i32
    %dma_start3A_1914 = arith.constant 0 : i32
    %dma_start3A_1915 = tpu.memref_slice %arg15[%dma_start3A_1904, %dma_start3A_1913, %dma_start3A_1914] : memref<8x128x32xf32, #tpu.memory_space<vmem>> -> memref<1x128x32xf32, #tpu.memory_space<vmem>>
    %dma_start3A_1916 = tpu.memref_squeeze %dma_start3A_1915 : memref<1x128x32xf32, #tpu.memory_space<vmem>> -> memref<128x32xf32, #tpu.memory_space<vmem>>
    tpu.enqueue_dma source(%dma_start3A_1916 : memref<128x32xf32, #tpu.memory_space<vmem>>) target(%dma_start3A_1912 : memref<128x32xf32, #tpu.memory_space<hbm>>) target_semaphore(%arg26 : memref<!tpu.dma_semaphore, #tpu.memory_space<semaphore_mem>>)
    %dma_wait3A_1917 = arith.constant 8 : i32
    %dma_wait3A_1918 = arith.constant 3 : i32
    %dma_wait3A_1919 = arith.constant 3 : i32
    %dma_wait3A_1920 = arith.constant 0 : i32
    %dma_wait3A_1921 = arith.constant 0 : i32
    %dma_wait3A_1922 = tpu.memref_slice %arg15[%dma_wait3A_1919, %dma_wait3A_1920, %dma_wait3A_1921] : memref<8x128x32xf32, #tpu.memory_space<vmem>> -> memref<1x128x32xf32, #tpu.memory_space<vmem>>
    %dma_wait3A_1923 = tpu.memref_squeeze %dma_wait3A_1922 : memref<1x128x32xf32, #tpu.memory_space<vmem>> -> memref<128x32xf32, #tpu.memory_space<vmem>>
    %dma_wait3A_1924 = arith.constant 0 : i32
    %dma_wait3A_1925 = tpu.memref_slice %arg14[%dma_wait3A_1917, %dma_wait3A_1918, %dma_wait3A_1924] : memref<10x4x128xi32, #tpu.memory_space<vmem>> -> memref<1x1x128xi32, #tpu.memory_space<vmem>>
    %dma_wait3A_1926 = tpu.memref_squeeze %dma_wait3A_1925 : memref<1x1x128xi32, #tpu.memory_space<vmem>> -> memref<128xi32, #tpu.memory_space<vmem>>
    %dma_wait3A_1927 = arith.constant 0 : i32
    %dma_wait3A_1928 = arith.constant 0 : i32
    %dma_wait3A_1929 = tpu.memref_slice %arg11[%dma_wait3A_1927, %dma_wait3A_1928] : memref<100000x32xf32, #tpu.memory_space<hbm>> -> memref<100000x32xf32, #tpu.memory_space<hbm>>
    tpu.wait_indirect_dma semaphore(%arg19 : memref<!tpu.dma_semaphore, #tpu.memory_space<semaphore_mem>>) src(%dma_wait3A_1929 : memref<100000x32xf32, #tpu.memory_space<hbm>>) dst(%dma_wait3A_1923 : memref<128x32xf32, #tpu.memory_space<vmem>>)
    %add3A_1930 = arith.constant 384 : i32
    %add3A_1931 = arith.addi %mul3A_2, %add3A_1930 : i32
    %dma_start3A_1932 = arith.constant 3 : i32
    %dma_start3A_1933 = arith.constant 0 : i32
    %dma_start3A_1934 = arith.constant 0 : i32
    %dma_start3A_1935 = tpu.memref_slice %arg15[%dma_start3A_1932, %dma_start3A_1933, %dma_start3A_1934] : memref<8x128x32xf32, #tpu.memory_space<vmem>> -> memref<1x128x32xf32, #tpu.memory_space<vmem>>
    %dma_start3A_1936 = tpu.memref_squeeze %dma_start3A_1935 : memref<1x128x32xf32, #tpu.memory_space<vmem>> -> memref<128x32xf32, #tpu.memory_space<vmem>>
    %dma_start3A_1937 = arith.constant 256 : i32
    %dma_start3A_1938 = tpu.memref_slice %arg13[%add3A_1931, %dma_start3A_1937] : memref<16384x320xf32, #tpu.memory_space<hbm>> -> memref<128x32xf32, #tpu.memory_space<hbm>>
    %dma_start3A_1939 = arith.constant 256 : i32
    %dma_start3A_1940 = tpu.memref_slice %arg13[%add3A_1931, %dma_start3A_1939] : memref<16384x320xf32, #tpu.memory_space<hbm>> -> memref<128x32xf32, #tpu.memory_space<hbm>>
    %dma_start3A_1941 = arith.constant 0 : i32
    %dma_start3A_1942 = arith.constant 0 : i32
    %dma_start3A_1943 = tpu.memref_slice %arg15[%dma_start3A_1932, %dma_start3A_1941, %dma_start3A_1942] : memref<8x128x32xf32, #tpu.memory_space<vmem>> -> memref<1x128x32xf32, #tpu.memory_space<vmem>>
    %dma_start3A_1944 = tpu.memref_squeeze %dma_start3A_1943 : memref<1x128x32xf32, #tpu.memory_space<vmem>> -> memref<128x32xf32, #tpu.memory_space<vmem>>
    tpu.enqueue_dma source(%dma_start3A_1944 : memref<128x32xf32, #tpu.memory_space<vmem>>) target(%dma_start3A_1940 : memref<128x32xf32, #tpu.memory_space<hbm>>) target_semaphore(%arg27 : memref<!tpu.dma_semaphore, #tpu.memory_space<semaphore_mem>>)
    %dma_wait3A_1945 = arith.constant 9 : i32
    %dma_wait3A_1946 = arith.constant 0 : i32
    %dma_wait3A_1947 = arith.constant 4 : i32
    %dma_wait3A_1948 = arith.constant 0 : i32
    %dma_wait3A_1949 = arith.constant 0 : i32
    %dma_wait3A_1950 = tpu.memref_slice %arg15[%dma_wait3A_1947, %dma_wait3A_1948, %dma_wait3A_1949] : memref<8x128x32xf32, #tpu.memory_space<vmem>> -> memref<1x128x32xf32, #tpu.memory_space<vmem>>
    %dma_wait3A_1951 = tpu.memref_squeeze %dma_wait3A_1950 : memref<1x128x32xf32, #tpu.memory_space<vmem>> -> memref<128x32xf32, #tpu.memory_space<vmem>>
    %dma_wait3A_1952 = arith.constant 0 : i32
    %dma_wait3A_1953 = tpu.memref_slice %arg14[%dma_wait3A_1945, %dma_wait3A_1946, %dma_wait3A_1952] : memref<10x4x128xi32, #tpu.memory_space<vmem>> -> memref<1x1x128xi32, #tpu.memory_space<vmem>>
    %dma_wait3A_1954 = tpu.memref_squeeze %dma_wait3A_1953 : memref<1x1x128xi32, #tpu.memory_space<vmem>> -> memref<128xi32, #tpu.memory_space<vmem>>
    %dma_wait3A_1955 = arith.constant 0 : i32
    %dma_wait3A_1956 = arith.constant 0 : i32
    %dma_wait3A_1957 = tpu.memref_slice %arg12[%dma_wait3A_1955, %dma_wait3A_1956] : memref<100000x32xf32, #tpu.memory_space<hbm>> -> memref<100000x32xf32, #tpu.memory_space<hbm>>
    tpu.wait_indirect_dma semaphore(%arg20 : memref<!tpu.dma_semaphore, #tpu.memory_space<semaphore_mem>>) src(%dma_wait3A_1957 : memref<100000x32xf32, #tpu.memory_space<hbm>>) dst(%dma_wait3A_1951 : memref<128x32xf32, #tpu.memory_space<vmem>>)
    %add3A_1958 = arith.constant 0 : i32
    %add3A_1959 = arith.addi %mul3A_2, %add3A_1958 : i32
    %dma_start3A_1960 = arith.constant 4 : i32
    %dma_start3A_1961 = arith.constant 0 : i32
    %dma_start3A_1962 = arith.constant 0 : i32
    %dma_start3A_1963 = tpu.memref_slice %arg15[%dma_start3A_1960, %dma_start3A_1961, %dma_start3A_1962] : memref<8x128x32xf32, #tpu.memory_space<vmem>> -> memref<1x128x32xf32, #tpu.memory_space<vmem>>
    %dma_start3A_1964 = tpu.memref_squeeze %dma_start3A_1963 : memref<1x128x32xf32, #tpu.memory_space<vmem>> -> memref<128x32xf32, #tpu.memory_space<vmem>>
    %dma_start3A_1965 = arith.constant 288 : i32
    %dma_start3A_1966 = tpu.memref_slice %arg13[%add3A_1959, %dma_start3A_1965] : memref<16384x320xf32, #tpu.memory_space<hbm>> -> memref<128x32xf32, #tpu.memory_space<hbm>>
    %dma_start3A_1967 = arith.constant 288 : i32
    %dma_start3A_1968 = tpu.memref_slice %arg13[%add3A_1959, %dma_start3A_1967] : memref<16384x320xf32, #tpu.memory_space<hbm>> -> memref<128x32xf32, #tpu.memory_space<hbm>>
    %dma_start3A_1969 = arith.constant 0 : i32
    %dma_start3A_1970 = arith.constant 0 : i32
    %dma_start3A_1971 = tpu.memref_slice %arg15[%dma_start3A_1960, %dma_start3A_1969, %dma_start3A_1970] : memref<8x128x32xf32, #tpu.memory_space<vmem>> -> memref<1x128x32xf32, #tpu.memory_space<vmem>>
    %dma_start3A_1972 = tpu.memref_squeeze %dma_start3A_1971 : memref<1x128x32xf32, #tpu.memory_space<vmem>> -> memref<128x32xf32, #tpu.memory_space<vmem>>
    tpu.enqueue_dma source(%dma_start3A_1972 : memref<128x32xf32, #tpu.memory_space<vmem>>) target(%dma_start3A_1968 : memref<128x32xf32, #tpu.memory_space<hbm>>) target_semaphore(%arg28 : memref<!tpu.dma_semaphore, #tpu.memory_space<semaphore_mem>>)
    %dma_wait3A_1973 = arith.constant 9 : i32
    %dma_wait3A_1974 = arith.constant 1 : i32
    %dma_wait3A_1975 = arith.constant 5 : i32
    %dma_wait3A_1976 = arith.constant 0 : i32
    %dma_wait3A_1977 = arith.constant 0 : i32
    %dma_wait3A_1978 = tpu.memref_slice %arg15[%dma_wait3A_1975, %dma_wait3A_1976, %dma_wait3A_1977] : memref<8x128x32xf32, #tpu.memory_space<vmem>> -> memref<1x128x32xf32, #tpu.memory_space<vmem>>
    %dma_wait3A_1979 = tpu.memref_squeeze %dma_wait3A_1978 : memref<1x128x32xf32, #tpu.memory_space<vmem>> -> memref<128x32xf32, #tpu.memory_space<vmem>>
    %dma_wait3A_1980 = arith.constant 0 : i32
    %dma_wait3A_1981 = tpu.memref_slice %arg14[%dma_wait3A_1973, %dma_wait3A_1974, %dma_wait3A_1980] : memref<10x4x128xi32, #tpu.memory_space<vmem>> -> memref<1x1x128xi32, #tpu.memory_space<vmem>>
    %dma_wait3A_1982 = tpu.memref_squeeze %dma_wait3A_1981 : memref<1x1x128xi32, #tpu.memory_space<vmem>> -> memref<128xi32, #tpu.memory_space<vmem>>
    %dma_wait3A_1983 = arith.constant 0 : i32
    %dma_wait3A_1984 = arith.constant 0 : i32
    %dma_wait3A_1985 = tpu.memref_slice %arg12[%dma_wait3A_1983, %dma_wait3A_1984] : memref<100000x32xf32, #tpu.memory_space<hbm>> -> memref<100000x32xf32, #tpu.memory_space<hbm>>
    tpu.wait_indirect_dma semaphore(%arg21 : memref<!tpu.dma_semaphore, #tpu.memory_space<semaphore_mem>>) src(%dma_wait3A_1985 : memref<100000x32xf32, #tpu.memory_space<hbm>>) dst(%dma_wait3A_1979 : memref<128x32xf32, #tpu.memory_space<vmem>>)
    %add3A_1986 = arith.constant 128 : i32
    %add3A_1987 = arith.addi %mul3A_2, %add3A_1986 : i32
    %dma_start3A_1988 = arith.constant 5 : i32
    %dma_start3A_1989 = arith.constant 0 : i32
    %dma_start3A_1990 = arith.constant 0 : i32
    %dma_start3A_1991 = tpu.memref_slice %arg15[%dma_start3A_1988, %dma_start3A_1989, %dma_start3A_1990] : memref<8x128x32xf32, #tpu.memory_space<vmem>> -> memref<1x128x32xf32, #tpu.memory_space<vmem>>
    %dma_start3A_1992 = tpu.memref_squeeze %dma_start3A_1991 : memref<1x128x32xf32, #tpu.memory_space<vmem>> -> memref<128x32xf32, #tpu.memory_space<vmem>>
    %dma_start3A_1993 = arith.constant 288 : i32
    %dma_start3A_1994 = tpu.memref_slice %arg13[%add3A_1987, %dma_start3A_1993] : memref<16384x320xf32, #tpu.memory_space<hbm>> -> memref<128x32xf32, #tpu.memory_space<hbm>>
    %dma_start3A_1995 = arith.constant 288 : i32
    %dma_start3A_1996 = tpu.memref_slice %arg13[%add3A_1987, %dma_start3A_1995] : memref<16384x320xf32, #tpu.memory_space<hbm>> -> memref<128x32xf32, #tpu.memory_space<hbm>>
    %dma_start3A_1997 = arith.constant 0 : i32
    %dma_start3A_1998 = arith.constant 0 : i32
    %dma_start3A_1999 = tpu.memref_slice %arg15[%dma_start3A_1988, %dma_start3A_1997, %dma_start3A_1998] : memref<8x128x32xf32, #tpu.memory_space<vmem>> -> memref<1x128x32xf32, #tpu.memory_space<vmem>>
    %dma_start3A_2000 = tpu.memref_squeeze %dma_start3A_1999 : memref<1x128x32xf32, #tpu.memory_space<vmem>> -> memref<128x32xf32, #tpu.memory_space<vmem>>
    tpu.enqueue_dma source(%dma_start3A_2000 : memref<128x32xf32, #tpu.memory_space<vmem>>) target(%dma_start3A_1996 : memref<128x32xf32, #tpu.memory_space<hbm>>) target_semaphore(%arg29 : memref<!tpu.dma_semaphore, #tpu.memory_space<semaphore_mem>>)
    %dma_wait3A_2001 = arith.constant 9 : i32
    %dma_wait3A_2002 = arith.constant 2 : i32
    %dma_wait3A_2003 = arith.constant 6 : i32
    %dma_wait3A_2004 = arith.constant 0 : i32
    %dma_wait3A_2005 = arith.constant 0 : i32
    %dma_wait3A_2006 = tpu.memref_slice %arg15[%dma_wait3A_2003, %dma_wait3A_2004, %dma_wait3A_2005] : memref<8x128x32xf32, #tpu.memory_space<vmem>> -> memref<1x128x32xf32, #tpu.memory_space<vmem>>
    %dma_wait3A_2007 = tpu.memref_squeeze %dma_wait3A_2006 : memref<1x128x32xf32, #tpu.memory_space<vmem>> -> memref<128x32xf32, #tpu.memory_space<vmem>>
    %dma_wait3A_2008 = arith.constant 0 : i32
    %dma_wait3A_2009 = tpu.memref_slice %arg14[%dma_wait3A_2001, %dma_wait3A_2002, %dma_wait3A_2008] : memref<10x4x128xi32, #tpu.memory_space<vmem>> -> memref<1x1x128xi32, #tpu.memory_space<vmem>>
    %dma_wait3A_2010 = tpu.memref_squeeze %dma_wait3A_2009 : memref<1x1x128xi32, #tpu.memory_space<vmem>> -> memref<128xi32, #tpu.memory_space<vmem>>
    %dma_wait3A_2011 = arith.constant 0 : i32
    %dma_wait3A_2012 = arith.constant 0 : i32
    %dma_wait3A_2013 = tpu.memref_slice %arg12[%dma_wait3A_2011, %dma_wait3A_2012] : memref<100000x32xf32, #tpu.memory_space<hbm>> -> memref<100000x32xf32, #tpu.memory_space<hbm>>
    tpu.wait_indirect_dma semaphore(%arg22 : memref<!tpu.dma_semaphore, #tpu.memory_space<semaphore_mem>>) src(%dma_wait3A_2013 : memref<100000x32xf32, #tpu.memory_space<hbm>>) dst(%dma_wait3A_2007 : memref<128x32xf32, #tpu.memory_space<vmem>>)
    %add3A_2014 = arith.constant 256 : i32
    %add3A_2015 = arith.addi %mul3A_2, %add3A_2014 : i32
    %dma_start3A_2016 = arith.constant 6 : i32
    %dma_start3A_2017 = arith.constant 0 : i32
    %dma_start3A_2018 = arith.constant 0 : i32
    %dma_start3A_2019 = tpu.memref_slice %arg15[%dma_start3A_2016, %dma_start3A_2017, %dma_start3A_2018] : memref<8x128x32xf32, #tpu.memory_space<vmem>> -> memref<1x128x32xf32, #tpu.memory_space<vmem>>
    %dma_start3A_2020 = tpu.memref_squeeze %dma_start3A_2019 : memref<1x128x32xf32, #tpu.memory_space<vmem>> -> memref<128x32xf32, #tpu.memory_space<vmem>>
    %dma_start3A_2021 = arith.constant 288 : i32
    %dma_start3A_2022 = tpu.memref_slice %arg13[%add3A_2015, %dma_start3A_2021] : memref<16384x320xf32, #tpu.memory_space<hbm>> -> memref<128x32xf32, #tpu.memory_space<hbm>>
    %dma_start3A_2023 = arith.constant 288 : i32
    %dma_start3A_2024 = tpu.memref_slice %arg13[%add3A_2015, %dma_start3A_2023] : memref<16384x320xf32, #tpu.memory_space<hbm>> -> memref<128x32xf32, #tpu.memory_space<hbm>>
    %dma_start3A_2025 = arith.constant 0 : i32
    %dma_start3A_2026 = arith.constant 0 : i32
    %dma_start3A_2027 = tpu.memref_slice %arg15[%dma_start3A_2016, %dma_start3A_2025, %dma_start3A_2026] : memref<8x128x32xf32, #tpu.memory_space<vmem>> -> memref<1x128x32xf32, #tpu.memory_space<vmem>>
    %dma_start3A_2028 = tpu.memref_squeeze %dma_start3A_2027 : memref<1x128x32xf32, #tpu.memory_space<vmem>> -> memref<128x32xf32, #tpu.memory_space<vmem>>
    tpu.enqueue_dma source(%dma_start3A_2028 : memref<128x32xf32, #tpu.memory_space<vmem>>) target(%dma_start3A_2024 : memref<128x32xf32, #tpu.memory_space<hbm>>) target_semaphore(%arg30 : memref<!tpu.dma_semaphore, #tpu.memory_space<semaphore_mem>>)
    %dma_wait3A_2029 = arith.constant 9 : i32
    %dma_wait3A_2030 = arith.constant 3 : i32
    %dma_wait3A_2031 = arith.constant 7 : i32
    %dma_wait3A_2032 = arith.constant 0 : i32
    %dma_wait3A_2033 = arith.constant 0 : i32
    %dma_wait3A_2034 = tpu.memref_slice %arg15[%dma_wait3A_2031, %dma_wait3A_2032, %dma_wait3A_2033] : memref<8x128x32xf32, #tpu.memory_space<vmem>> -> memref<1x128x32xf32, #tpu.memory_space<vmem>>
    %dma_wait3A_2035 = tpu.memref_squeeze %dma_wait3A_2034 : memref<1x128x32xf32, #tpu.memory_space<vmem>> -> memref<128x32xf32, #tpu.memory_space<vmem>>
    %dma_wait3A_2036 = arith.constant 0 : i32
    %dma_wait3A_2037 = tpu.memref_slice %arg14[%dma_wait3A_2029, %dma_wait3A_2030, %dma_wait3A_2036] : memref<10x4x128xi32, #tpu.memory_space<vmem>> -> memref<1x1x128xi32, #tpu.memory_space<vmem>>
    %dma_wait3A_2038 = tpu.memref_squeeze %dma_wait3A_2037 : memref<1x1x128xi32, #tpu.memory_space<vmem>> -> memref<128xi32, #tpu.memory_space<vmem>>
    %dma_wait3A_2039 = arith.constant 0 : i32
    %dma_wait3A_2040 = arith.constant 0 : i32
    %dma_wait3A_2041 = tpu.memref_slice %arg12[%dma_wait3A_2039, %dma_wait3A_2040] : memref<100000x32xf32, #tpu.memory_space<hbm>> -> memref<100000x32xf32, #tpu.memory_space<hbm>>
    tpu.wait_indirect_dma semaphore(%arg23 : memref<!tpu.dma_semaphore, #tpu.memory_space<semaphore_mem>>) src(%dma_wait3A_2041 : memref<100000x32xf32, #tpu.memory_space<hbm>>) dst(%dma_wait3A_2035 : memref<128x32xf32, #tpu.memory_space<vmem>>)
    %add3A_2042 = arith.constant 384 : i32
    %add3A_2043 = arith.addi %mul3A_2, %add3A_2042 : i32
    %dma_start3A_2044 = arith.constant 7 : i32
    %dma_start3A_2045 = arith.constant 0 : i32
    %dma_start3A_2046 = arith.constant 0 : i32
    %dma_start3A_2047 = tpu.memref_slice %arg15[%dma_start3A_2044, %dma_start3A_2045, %dma_start3A_2046] : memref<8x128x32xf32, #tpu.memory_space<vmem>> -> memref<1x128x32xf32, #tpu.memory_space<vmem>>
    %dma_start3A_2048 = tpu.memref_squeeze %dma_start3A_2047 : memref<1x128x32xf32, #tpu.memory_space<vmem>> -> memref<128x32xf32, #tpu.memory_space<vmem>>
    %dma_start3A_2049 = arith.constant 288 : i32
    %dma_start3A_2050 = tpu.memref_slice %arg13[%add3A_2043, %dma_start3A_2049] : memref<16384x320xf32, #tpu.memory_space<hbm>> -> memref<128x32xf32, #tpu.memory_space<hbm>>
    %dma_start3A_2051 = arith.constant 288 : i32
    %dma_start3A_2052 = tpu.memref_slice %arg13[%add3A_2043, %dma_start3A_2051] : memref<16384x320xf32, #tpu.memory_space<hbm>> -> memref<128x32xf32, #tpu.memory_space<hbm>>
    %dma_start3A_2053 = arith.constant 0 : i32
    %dma_start3A_2054 = arith.constant 0 : i32
    %dma_start3A_2055 = tpu.memref_slice %arg15[%dma_start3A_2044, %dma_start3A_2053, %dma_start3A_2054] : memref<8x128x32xf32, #tpu.memory_space<vmem>> -> memref<1x128x32xf32, #tpu.memory_space<vmem>>
    %dma_start3A_2056 = tpu.memref_squeeze %dma_start3A_2055 : memref<1x128x32xf32, #tpu.memory_space<vmem>> -> memref<128x32xf32, #tpu.memory_space<vmem>>
    tpu.enqueue_dma source(%dma_start3A_2056 : memref<128x32xf32, #tpu.memory_space<vmem>>) target(%dma_start3A_2052 : memref<128x32xf32, #tpu.memory_space<hbm>>) target_semaphore(%arg31 : memref<!tpu.dma_semaphore, #tpu.memory_space<semaphore_mem>>)
    %dma_wait3A_2057 = arith.constant 0 : i32
    %dma_wait3A_2058 = arith.constant 0 : i32
    %dma_wait3A_2059 = arith.constant 0 : i32
    %dma_wait3A_2060 = tpu.memref_slice %arg15[%dma_wait3A_2057, %dma_wait3A_2058, %dma_wait3A_2059] : memref<8x128x32xf32, #tpu.memory_space<vmem>> -> memref<1x128x32xf32, #tpu.memory_space<vmem>>
    %dma_wait3A_2061 = tpu.memref_squeeze %dma_wait3A_2060 : memref<1x128x32xf32, #tpu.memory_space<vmem>> -> memref<128x32xf32, #tpu.memory_space<vmem>>
    %dma_wait3A_2062 = arith.constant 256 : i32
    %dma_wait3A_2063 = tpu.memref_slice %arg13[%add3A_1847, %dma_wait3A_2062] : memref<16384x320xf32, #tpu.memory_space<hbm>> -> memref<128x32xf32, #tpu.memory_space<hbm>>
    %dma_wait3A_2064 = arith.constant 256 : i32
    %dma_wait3A_2065 = tpu.memref_slice %arg13[%add3A_1847, %dma_wait3A_2064] : memref<16384x320xf32, #tpu.memory_space<hbm>> -> memref<128x32xf32, #tpu.memory_space<hbm>>
    %dma_wait3A_2066 = arith.constant 0 : i32
    %dma_wait3A_2067 = arith.constant 0 : i32
    %dma_wait3A_2068 = tpu.memref_slice %arg15[%dma_wait3A_2057, %dma_wait3A_2066, %dma_wait3A_2067] : memref<8x128x32xf32, #tpu.memory_space<vmem>> -> memref<1x128x32xf32, #tpu.memory_space<vmem>>
    %dma_wait3A_2069 = tpu.memref_squeeze %dma_wait3A_2068 : memref<1x128x32xf32, #tpu.memory_space<vmem>> -> memref<128x32xf32, #tpu.memory_space<vmem>>
    tpu.wait_dma2 semaphore(%arg24 : memref<!tpu.dma_semaphore, #tpu.memory_space<semaphore_mem>>) src(%dma_wait3A_2069 : memref<128x32xf32, #tpu.memory_space<vmem>>) dst(%dma_wait3A_2065 : memref<128x32xf32, #tpu.memory_space<hbm>>)
    %dma_wait3A_2070 = arith.constant 1 : i32
    %dma_wait3A_2071 = arith.constant 0 : i32
    %dma_wait3A_2072 = arith.constant 0 : i32
    %dma_wait3A_2073 = tpu.memref_slice %arg15[%dma_wait3A_2070, %dma_wait3A_2071, %dma_wait3A_2072] : memref<8x128x32xf32, #tpu.memory_space<vmem>> -> memref<1x128x32xf32, #tpu.memory_space<vmem>>
    %dma_wait3A_2074 = tpu.memref_squeeze %dma_wait3A_2073 : memref<1x128x32xf32, #tpu.memory_space<vmem>> -> memref<128x32xf32, #tpu.memory_space<vmem>>
    %dma_wait3A_2075 = arith.constant 256 : i32
    %dma_wait3A_2076 = tpu.memref_slice %arg13[%add3A_1875, %dma_wait3A_2075] : memref<16384x320xf32, #tpu.memory_space<hbm>> -> memref<128x32xf32, #tpu.memory_space<hbm>>
    %dma_wait3A_2077 = arith.constant 256 : i32
    %dma_wait3A_2078 = tpu.memref_slice %arg13[%add3A_1875, %dma_wait3A_2077] : memref<16384x320xf32, #tpu.memory_space<hbm>> -> memref<128x32xf32, #tpu.memory_space<hbm>>
    %dma_wait3A_2079 = arith.constant 0 : i32
    %dma_wait3A_2080 = arith.constant 0 : i32
    %dma_wait3A_2081 = tpu.memref_slice %arg15[%dma_wait3A_2070, %dma_wait3A_2079, %dma_wait3A_2080] : memref<8x128x32xf32, #tpu.memory_space<vmem>> -> memref<1x128x32xf32, #tpu.memory_space<vmem>>
    %dma_wait3A_2082 = tpu.memref_squeeze %dma_wait3A_2081 : memref<1x128x32xf32, #tpu.memory_space<vmem>> -> memref<128x32xf32, #tpu.memory_space<vmem>>
    tpu.wait_dma2 semaphore(%arg25 : memref<!tpu.dma_semaphore, #tpu.memory_space<semaphore_mem>>) src(%dma_wait3A_2082 : memref<128x32xf32, #tpu.memory_space<vmem>>) dst(%dma_wait3A_2078 : memref<128x32xf32, #tpu.memory_space<hbm>>)
    %dma_wait3A_2083 = arith.constant 2 : i32
    %dma_wait3A_2084 = arith.constant 0 : i32
    %dma_wait3A_2085 = arith.constant 0 : i32
    %dma_wait3A_2086 = tpu.memref_slice %arg15[%dma_wait3A_2083, %dma_wait3A_2084, %dma_wait3A_2085] : memref<8x128x32xf32, #tpu.memory_space<vmem>> -> memref<1x128x32xf32, #tpu.memory_space<vmem>>
    %dma_wait3A_2087 = tpu.memref_squeeze %dma_wait3A_2086 : memref<1x128x32xf32, #tpu.memory_space<vmem>> -> memref<128x32xf32, #tpu.memory_space<vmem>>
    %dma_wait3A_2088 = arith.constant 256 : i32
    %dma_wait3A_2089 = tpu.memref_slice %arg13[%add3A_1903, %dma_wait3A_2088] : memref<16384x320xf32, #tpu.memory_space<hbm>> -> memref<128x32xf32, #tpu.memory_space<hbm>>
    %dma_wait3A_2090 = arith.constant 256 : i32
    %dma_wait3A_2091 = tpu.memref_slice %arg13[%add3A_1903, %dma_wait3A_2090] : memref<16384x320xf32, #tpu.memory_space<hbm>> -> memref<128x32xf32, #tpu.memory_space<hbm>>
    %dma_wait3A_2092 = arith.constant 0 : i32
    %dma_wait3A_2093 = arith.constant 0 : i32
    %dma_wait3A_2094 = tpu.memref_slice %arg15[%dma_wait3A_2083, %dma_wait3A_2092, %dma_wait3A_2093] : memref<8x128x32xf32, #tpu.memory_space<vmem>> -> memref<1x128x32xf32, #tpu.memory_space<vmem>>
    %dma_wait3A_2095 = tpu.memref_squeeze %dma_wait3A_2094 : memref<1x128x32xf32, #tpu.memory_space<vmem>> -> memref<128x32xf32, #tpu.memory_space<vmem>>
    tpu.wait_dma2 semaphore(%arg26 : memref<!tpu.dma_semaphore, #tpu.memory_space<semaphore_mem>>) src(%dma_wait3A_2095 : memref<128x32xf32, #tpu.memory_space<vmem>>) dst(%dma_wait3A_2091 : memref<128x32xf32, #tpu.memory_space<hbm>>)
    %dma_wait3A_2096 = arith.constant 3 : i32
    %dma_wait3A_2097 = arith.constant 0 : i32
    %dma_wait3A_2098 = arith.constant 0 : i32
    %dma_wait3A_2099 = tpu.memref_slice %arg15[%dma_wait3A_2096, %dma_wait3A_2097, %dma_wait3A_2098] : memref<8x128x32xf32, #tpu.memory_space<vmem>> -> memref<1x128x32xf32, #tpu.memory_space<vmem>>
    %dma_wait3A_2100 = tpu.memref_squeeze %dma_wait3A_2099 : memref<1x128x32xf32, #tpu.memory_space<vmem>> -> memref<128x32xf32, #tpu.memory_space<vmem>>
    %dma_wait3A_2101 = arith.constant 256 : i32
    %dma_wait3A_2102 = tpu.memref_slice %arg13[%add3A_1931, %dma_wait3A_2101] : memref<16384x320xf32, #tpu.memory_space<hbm>> -> memref<128x32xf32, #tpu.memory_space<hbm>>
    %dma_wait3A_2103 = arith.constant 256 : i32
    %dma_wait3A_2104 = tpu.memref_slice %arg13[%add3A_1931, %dma_wait3A_2103] : memref<16384x320xf32, #tpu.memory_space<hbm>> -> memref<128x32xf32, #tpu.memory_space<hbm>>
    %dma_wait3A_2105 = arith.constant 0 : i32
    %dma_wait3A_2106 = arith.constant 0 : i32
    %dma_wait3A_2107 = tpu.memref_slice %arg15[%dma_wait3A_2096, %dma_wait3A_2105, %dma_wait3A_2106] : memref<8x128x32xf32, #tpu.memory_space<vmem>> -> memref<1x128x32xf32, #tpu.memory_space<vmem>>
    %dma_wait3A_2108 = tpu.memref_squeeze %dma_wait3A_2107 : memref<1x128x32xf32, #tpu.memory_space<vmem>> -> memref<128x32xf32, #tpu.memory_space<vmem>>
    tpu.wait_dma2 semaphore(%arg27 : memref<!tpu.dma_semaphore, #tpu.memory_space<semaphore_mem>>) src(%dma_wait3A_2108 : memref<128x32xf32, #tpu.memory_space<vmem>>) dst(%dma_wait3A_2104 : memref<128x32xf32, #tpu.memory_space<hbm>>)
    %dma_wait3A_2109 = arith.constant 4 : i32
    %dma_wait3A_2110 = arith.constant 0 : i32
    %dma_wait3A_2111 = arith.constant 0 : i32
    %dma_wait3A_2112 = tpu.memref_slice %arg15[%dma_wait3A_2109, %dma_wait3A_2110, %dma_wait3A_2111] : memref<8x128x32xf32, #tpu.memory_space<vmem>> -> memref<1x128x32xf32, #tpu.memory_space<vmem>>
    %dma_wait3A_2113 = tpu.memref_squeeze %dma_wait3A_2112 : memref<1x128x32xf32, #tpu.memory_space<vmem>> -> memref<128x32xf32, #tpu.memory_space<vmem>>
    %dma_wait3A_2114 = arith.constant 288 : i32
    %dma_wait3A_2115 = tpu.memref_slice %arg13[%add3A_1959, %dma_wait3A_2114] : memref<16384x320xf32, #tpu.memory_space<hbm>> -> memref<128x32xf32, #tpu.memory_space<hbm>>
    %dma_wait3A_2116 = arith.constant 288 : i32
    %dma_wait3A_2117 = tpu.memref_slice %arg13[%add3A_1959, %dma_wait3A_2116] : memref<16384x320xf32, #tpu.memory_space<hbm>> -> memref<128x32xf32, #tpu.memory_space<hbm>>
    %dma_wait3A_2118 = arith.constant 0 : i32
    %dma_wait3A_2119 = arith.constant 0 : i32
    %dma_wait3A_2120 = tpu.memref_slice %arg15[%dma_wait3A_2109, %dma_wait3A_2118, %dma_wait3A_2119] : memref<8x128x32xf32, #tpu.memory_space<vmem>> -> memref<1x128x32xf32, #tpu.memory_space<vmem>>
    %dma_wait3A_2121 = tpu.memref_squeeze %dma_wait3A_2120 : memref<1x128x32xf32, #tpu.memory_space<vmem>> -> memref<128x32xf32, #tpu.memory_space<vmem>>
    tpu.wait_dma2 semaphore(%arg28 : memref<!tpu.dma_semaphore, #tpu.memory_space<semaphore_mem>>) src(%dma_wait3A_2121 : memref<128x32xf32, #tpu.memory_space<vmem>>) dst(%dma_wait3A_2117 : memref<128x32xf32, #tpu.memory_space<hbm>>)
    %dma_wait3A_2122 = arith.constant 5 : i32
    %dma_wait3A_2123 = arith.constant 0 : i32
    %dma_wait3A_2124 = arith.constant 0 : i32
    %dma_wait3A_2125 = tpu.memref_slice %arg15[%dma_wait3A_2122, %dma_wait3A_2123, %dma_wait3A_2124] : memref<8x128x32xf32, #tpu.memory_space<vmem>> -> memref<1x128x32xf32, #tpu.memory_space<vmem>>
    %dma_wait3A_2126 = tpu.memref_squeeze %dma_wait3A_2125 : memref<1x128x32xf32, #tpu.memory_space<vmem>> -> memref<128x32xf32, #tpu.memory_space<vmem>>
    %dma_wait3A_2127 = arith.constant 288 : i32
    %dma_wait3A_2128 = tpu.memref_slice %arg13[%add3A_1987, %dma_wait3A_2127] : memref<16384x320xf32, #tpu.memory_space<hbm>> -> memref<128x32xf32, #tpu.memory_space<hbm>>
    %dma_wait3A_2129 = arith.constant 288 : i32
    %dma_wait3A_2130 = tpu.memref_slice %arg13[%add3A_1987, %dma_wait3A_2129] : memref<16384x320xf32, #tpu.memory_space<hbm>> -> memref<128x32xf32, #tpu.memory_space<hbm>>
    %dma_wait3A_2131 = arith.constant 0 : i32
    %dma_wait3A_2132 = arith.constant 0 : i32
    %dma_wait3A_2133 = tpu.memref_slice %arg15[%dma_wait3A_2122, %dma_wait3A_2131, %dma_wait3A_2132] : memref<8x128x32xf32, #tpu.memory_space<vmem>> -> memref<1x128x32xf32, #tpu.memory_space<vmem>>
    %dma_wait3A_2134 = tpu.memref_squeeze %dma_wait3A_2133 : memref<1x128x32xf32, #tpu.memory_space<vmem>> -> memref<128x32xf32, #tpu.memory_space<vmem>>
    tpu.wait_dma2 semaphore(%arg29 : memref<!tpu.dma_semaphore, #tpu.memory_space<semaphore_mem>>) src(%dma_wait3A_2134 : memref<128x32xf32, #tpu.memory_space<vmem>>) dst(%dma_wait3A_2130 : memref<128x32xf32, #tpu.memory_space<hbm>>)
    %dma_wait3A_2135 = arith.constant 6 : i32
    %dma_wait3A_2136 = arith.constant 0 : i32
    %dma_wait3A_2137 = arith.constant 0 : i32
    %dma_wait3A_2138 = tpu.memref_slice %arg15[%dma_wait3A_2135, %dma_wait3A_2136, %dma_wait3A_2137] : memref<8x128x32xf32, #tpu.memory_space<vmem>> -> memref<1x128x32xf32, #tpu.memory_space<vmem>>
    %dma_wait3A_2139 = tpu.memref_squeeze %dma_wait3A_2138 : memref<1x128x32xf32, #tpu.memory_space<vmem>> -> memref<128x32xf32, #tpu.memory_space<vmem>>
    %dma_wait3A_2140 = arith.constant 288 : i32
    %dma_wait3A_2141 = tpu.memref_slice %arg13[%add3A_2015, %dma_wait3A_2140] : memref<16384x320xf32, #tpu.memory_space<hbm>> -> memref<128x32xf32, #tpu.memory_space<hbm>>
    %dma_wait3A_2142 = arith.constant 288 : i32
    %dma_wait3A_2143 = tpu.memref_slice %arg13[%add3A_2015, %dma_wait3A_2142] : memref<16384x320xf32, #tpu.memory_space<hbm>> -> memref<128x32xf32, #tpu.memory_space<hbm>>
    %dma_wait3A_2144 = arith.constant 0 : i32
    %dma_wait3A_2145 = arith.constant 0 : i32
    %dma_wait3A_2146 = tpu.memref_slice %arg15[%dma_wait3A_2135, %dma_wait3A_2144, %dma_wait3A_2145] : memref<8x128x32xf32, #tpu.memory_space<vmem>> -> memref<1x128x32xf32, #tpu.memory_space<vmem>>
    %dma_wait3A_2147 = tpu.memref_squeeze %dma_wait3A_2146 : memref<1x128x32xf32, #tpu.memory_space<vmem>> -> memref<128x32xf32, #tpu.memory_space<vmem>>
    tpu.wait_dma2 semaphore(%arg30 : memref<!tpu.dma_semaphore, #tpu.memory_space<semaphore_mem>>) src(%dma_wait3A_2147 : memref<128x32xf32, #tpu.memory_space<vmem>>) dst(%dma_wait3A_2143 : memref<128x32xf32, #tpu.memory_space<hbm>>)
    %dma_wait3A_2148 = arith.constant 7 : i32
    %dma_wait3A_2149 = arith.constant 0 : i32
    %dma_wait3A_2150 = arith.constant 0 : i32
    %dma_wait3A_2151 = tpu.memref_slice %arg15[%dma_wait3A_2148, %dma_wait3A_2149, %dma_wait3A_2150] : memref<8x128x32xf32, #tpu.memory_space<vmem>> -> memref<1x128x32xf32, #tpu.memory_space<vmem>>
    %dma_wait3A_2152 = tpu.memref_squeeze %dma_wait3A_2151 : memref<1x128x32xf32, #tpu.memory_space<vmem>> -> memref<128x32xf32, #tpu.memory_space<vmem>>
    %dma_wait3A_2153 = arith.constant 288 : i32
    %dma_wait3A_2154 = tpu.memref_slice %arg13[%add3A_2043, %dma_wait3A_2153] : memref<16384x320xf32, #tpu.memory_space<hbm>> -> memref<128x32xf32, #tpu.memory_space<hbm>>
    %dma_wait3A_2155 = arith.constant 288 : i32
    %dma_wait3A_2156 = tpu.memref_slice %arg13[%add3A_2043, %dma_wait3A_2155] : memref<16384x320xf32, #tpu.memory_space<hbm>> -> memref<128x32xf32, #tpu.memory_space<hbm>>
    %dma_wait3A_2157 = arith.constant 0 : i32
    %dma_wait3A_2158 = arith.constant 0 : i32
    %dma_wait3A_2159 = tpu.memref_slice %arg15[%dma_wait3A_2148, %dma_wait3A_2157, %dma_wait3A_2158] : memref<8x128x32xf32, #tpu.memory_space<vmem>> -> memref<1x128x32xf32, #tpu.memory_space<vmem>>
    %dma_wait3A_2160 = tpu.memref_squeeze %dma_wait3A_2159 : memref<1x128x32xf32, #tpu.memory_space<vmem>> -> memref<128x32xf32, #tpu.memory_space<vmem>>
    tpu.wait_dma2 semaphore(%arg31 : memref<!tpu.dma_semaphore, #tpu.memory_space<semaphore_mem>>) src(%dma_wait3A_2160 : memref<128x32xf32, #tpu.memory_space<vmem>>) dst(%dma_wait3A_2156 : memref<128x32xf32, #tpu.memory_space<hbm>>)
    return
  }
}

</mosaic_0001>

<sc_bundles>
// kernel: kernel.3.cloned.1.call-start
scs
__scs_entry_jumppad:
0x0: {  	(pc) =	sbr.rel $0x88, $3  }
0x1: {  	(tag) =	ssettag $0x0;
	lr =	simm.s32 $0x1  }
0x2: {  	[smem:$0x3F96] =	sst lr;
	_ =	strace $0xD0000000  }
0x3: {  	_ = 	snop  }
0x4: {  	_ = 	snop  }
0x5: {  	_ = 	snop  }
0x6: {  	_ = 	snop  }
0x7: {  	_ = 	snop  }
__scs_overlays_trampoline_lowered:
0x8: {  	[smem:$0x3FA5] =	sst s0  }
0x9: {  	[smem:$0x3FA6] =	sst s1  }
0xa: {  	[smem:$0x3FA7] =	sst s2  }
0xb: {  	[smem:$0x3FA8] =	sst s3  }
0xc: {  	[smem:$0x3FA9] =	sst s4  }
0xd: {  	[smem:$0x3FAA] =	sst s5  }
0xe: {  	[smem:$0x3FAB] =	sst s6  }
0xf: {  	[smem:$0x3FAC] =	sst s7  }
0x10: {  	[smem:$0x3FAD] =	sst s8  }
0x11: {  	[smem:$0x3FAE] =	sst s9;
	s0 =	simm.s32 @!p0 $0x0  }
0x12: {  	s1 =	sld [smem:$0x3F94];
	s0 =	simm.s32 @p0 $0x1  }
0x13: {  	[smem:$0x3FAF] =	sst s0;
	s0 =	simm.s32 @!p1 $0x0  }
0x14: {  	s2 =	sld [smem:$0x3F93];
	s0 =	simm.s32 @p1 $0x1  }
0x15: {  	[smem:$0x3FB0] =	sst s0;
	s0 =	simm.s32 @!p2 $0x0  }
0x16: {  	s3 =	sld [smem:$0x3FDB];
	s0 =	simm.s32 @p2 $0x1  }
0x17: {  	s4 =	simm.s32 $0x1BF5;
	[smem:$0x3FB2] =	sst s0  }
0x18: {  	s0 =	sld [smem:$0x3F95];
	_ =	swait.ge [sflag:s4], $0x0  }
0x19: {  	s7 =	sld [smem:$0x3F96]  }
0x1a: {  	s8 =	sadd.s32 $0xFFFFE003, lr  }
0x1b: {  	s9 =	sadd.s32 $0xFFFFFEF7, lr;
	s5 =	simm.s32 $0xFFFFFFFF;
	p2 =	slt.u32 s8, $0xFFFFF086  }
0x1c: {  	p1 =	slt.u32 s9, $0xF7A;
	s5 =	simm.s32 @!p2 $0x0  }
0x1d: {  	s5 =	simm.s32 @p1 $0x1;
	p0 =	seq.s32 s7, s2  }
0x1e: {  	s7 =	smul.u32 @!p0 $0xF7A, s2;
	p2 =	seq.s32 @!p0 s5, $0x0  }
0x1f: {  	s9 =	smul.u32 $0xF7A, s1;
	s8 =	simm.s32 @!p0 $0x1BF5;
	p2 =	por !p2, p0  }
0x20: {  	[sflag:s8] =	ssyncset.s32 @!p0 $0xFFFFF086;
	s6 =	sadd.s32 @!p0 s3, s7;
	s7 =	simm.s32 @!p0 $0x108  }
0x21: {  	s3 =	sadd.s32 s3, s9;
	s6 =	sadd.s32 @!p0 $0x88, s6;
	s7 =	simm.s32 @p2 $0x1082  }
0x22: {  	[simem:s7], [sflag:s8] =	dma.local @!p0 [hbm:s6], $0xF7A  }
0x23: {  	s9 =	sor.u32 $0xD0000000, s2;
	s6 =	simm.s32 $0x108;
	_ =	swait.ge @!p0 [sflag:s8], $0x0  }
0x24: {  	s3 =	sadd.s32 $0x88, s3;
	s6 =	simm.s32 @!p1 $0x1082;
	[sflag:s4] =	ssyncset.s32 $0xFFFFF086  }
0x25: {  	[simem:s6], [sflag:s4] =	dma.local [hbm:s3], $0xF7A  }
0x26: {  	[smem:$0x3F96] =	sst s1;
	(tag) =	ssettag s2;
	_ =	strace s9  }
0x27: {  	s1 =	sld [smem:$0x3FA6]  }
0x28: {  	s2 =	sld [smem:$0x3FA7]  }
0x29: {  	s4 =	sld [smem:$0x3FA9]  }
0x2a: {  	p0 =	seq.s32 s5, $0x0;
	s5 =	sld [smem:$0x3FAA]  }
0x2b: {  	s6 =	sld [smem:$0x3FAB]  }
0x2c: {  	s7 =	sld [smem:$0x3FAC]  }
0x2d: {  	s3 =	simm.s32 $0x108;
	s8 =	sld [smem:$0x3FAD]  }
0x2e: {  	s3 =	simm.s32 @!p0 $0x1082;
	s9 =	sld [smem:$0x3FAE]  }
0x2f: {  	lr =	sadd.s32 s0, s3;
	s0 =	sld [smem:$0x3FA5]  }
0x30: {  	s3 =	sld [smem:$0x3FA8]  }
0x31: {  	[smem:$0x3FB1] =	sst s10  }
0x32: {  	s10 =	sld [smem:$0x3FAF];
	_ =	sdelay $0x3  }
0x33: {  	p0 =	seq.s32 s10, $0x1;
	s10 =	sld [smem:$0x3FB1];
	_ =	sdelay $0x3  }
0x34: {  	[smem:$0x3FB1] =	sst s10  }
0x35: {  	s10 =	sld [smem:$0x3FB0];
	_ =	sdelay $0x3  }
0x36: {  	p1 =	seq.s32 s10, $0x1;
	s10 =	sld [smem:$0x3FB1];
	_ =	sdelay $0x3  }
0x37: {  	[smem:$0x3FB1] =	sst s10  }
0x38: {  	s10 =	sld [smem:$0x3FB2]  }
0x39: {  	_ = 	snop;
	(pc) =	sbr.ind lr, $3  }
0x3a: {  	_ = 	snop  }
0x3b: {  	_ = 	snop  }
0x3c: {  	p2 =	seq.s32 s10, $0x1;
	s10 =	sld [smem:$0x3FB1]  }
0x3d: {  	_ =	shalt  }
0x3e: {  	_ =	shalt  }
0x3f: {  	_ =	shalt  }
0x40: {  	_ =	shalt  }
0x41: {  	_ =	shalt  }
0x42: {  	_ =	shalt  }
0x43: {  	_ =	shalt  }
0x44: {  	_ =	shalt  }
0x45: {  	_ =	shalt  }
0x46: {  	_ =	shalt  }
0x47: {  	_ =	shalt  }
0x48: {  	_ =	shalt  }
0x49: {  	_ =	shalt  }
0x4a: {  	_ =	shalt  }
0x4b: {  	_ =	shalt  }
0x4c: {  	_ =	shalt  }
0x4d: {  	_ =	shalt  }
0x4e: {  	_ =	shalt  }
0x4f: {  	_ =	shalt  }
0x50: {  	_ =	shalt  }
0x51: {  	_ =	shalt  }
0x52: {  	_ =	shalt  }
0x53: {  	_ =	shalt  }
0x54: {  	_ =	shalt  }
0x55: {  	_ =	shalt  }
0x56: {  	_ =	shalt  }
0x57: {  	_ =	shalt  }
0x58: {  	_ =	shalt  }
0x59: {  	_ =	shalt  }
0x5a: {  	_ =	shalt  }
0x5b: {  	_ =	shalt  }
0x5c: {  	_ =	shalt  }
0x5d: {  	_ =	shalt  }
0x5e: {  	_ =	shalt  }
0x5f: {  	_ =	shalt  }
0x60: {  	_ =	shalt  }
0x61: {  	_ =	shalt  }
0x62: {  	_ =	shalt  }
0x63: {  	_ =	shalt  }
0x64: {  	_ =	shalt  }
0x65: {  	_ =	shalt  }
0x66: {  	_ =	shalt  }
0x67: {  	_ =	shalt  }
0x68: {  	_ =	shalt  }
0x69: {  	_ =	shalt  }
0x6a: {  	_ =	shalt  }
0x6b: {  	_ =	shalt  }
0x6c: {  	_ =	shalt  }
0x6d: {  	_ =	shalt  }
0x6e: {  	_ =	shalt  }
0x6f: {  	_ =	shalt  }
0x70: {  	_ =	shalt  }
0x71: {  	_ =	shalt  }
0x72: {  	_ =	shalt  }
0x73: {  	_ =	shalt  }
0x74: {  	_ =	shalt  }
0x75: {  	_ =	shalt  }
0x76: {  	_ =	shalt  }
0x77: {  	_ =	shalt  }
0x78: {  	_ =	shalt  }
0x79: {  	_ =	shalt  }
0x7a: {  	_ =	shalt  }
0x7b: {  	_ =	shalt  }
0x7c: {  	_ =	shalt  }
0x7d: {  	_ =	shalt  }
0x7e: {  	_ =	shalt  }
0x7f: {  	_ =	shalt  }
0x80: {  	_ =	shalt  }
0x81: {  	_ =	shalt  }
0x82: {  	_ =	shalt  }
0x83: {  	_ =	shalt  }
0x84: {  	_ =	shalt  }
0x85: {  	_ =	shalt  }
0x86: {  	_ =	shalt  }
0x87: {  	_ =	shalt  }
.Lfunc_end0:
.L_simem_size_0:
called_computation_lowered:
.L_overlay_start_0:
0x88: {  	s2 =	sld [smem:$0x3FD9]  }
0x89: {  	s3 =	sld [smem:$0x3FFE];
	_ =	sdelay $0x1  }
0x8a: {  	s1 =	srdreg.scid  }
0x8b: {  	s0 =	sand.u32 $0x1, s1  }
0x8c: {  	s17 =	sshll.u32 s0, $0xA;
	s2 =	sadd.s32 s3, s2  }
0x8d: {  	s2 =	sadd.s32 s2, s17  }
0x8e: {  	[smem:$0x3FBD] =	sst s2  }
0x8f: {  	_ = 	snop  }
0x90: {  	s2 =	sld [smem:$0x3FD0];
	(tm) =	ssettm $0x1  }
0x91: {  	s18 =	sld [smem:$0x3FFB];
	_ =	sdelay $0x3  }
0x92: {  	_ =	strace s18  }
0x93: {  	s3 =	sld [smem:$0x3FFC];
	_ =	sdelay $0x3  }
0x94: {  	_ =	strace s3  }
0x95: {  	s3 =	sld [smem:$0x3FFD];
	_ =	sdelay $0x3  }
0x96: {  	_ =	strace s3  }
0x97: {  	_ =	strace $0x8FFFFFFF  }
0x98: {  	s19 =	sld [smem:$0x3FDB];
	_ =	sdelay $0x1  }
0x99: {  	s4 =	simm.s32 $_scs_section_size  }
0x9a: {  	s5 =	simm.s32 $_size__tile_overlayer_lowered;
	s6 =	simm.s32 $_tile_overlayer_lowered  }
0x9b: {  	s22 =	simm.s32 $0x1BFF;
	s21 =	sshll.u32 s6, $0x1;
	s3 =	sadd.s32 s4, s19  }
0x9c: {  	s7 =	simm.s32 $0x0;
	s20 =	sshll.u32 s5, $0x1;
	s5 =	sadd.s32 s21, s3  }
0x9d: {  	[timem:s7], [sflag:s22] =	dma.local [hbm:s5], s20  }
0x9e: {  	_ =	swait.ge [sflag:s22], s20  }
0x9f: {  	s4 =	ssub.s32 $0x0, s20;
	[sflag:s22] =	ssyncset.done $0x0  }
0xa0: {  	[sflag:s22] =	ssyncadd.s32 s4;
	_ =	sdelay $0x1  }
0xa1: {  	s23 =	simm.s32 $0x1B8B  }
0xa2: {  	_ =	swait.ge [sflag:s23], $0x1  }
0xa3: {  	[sflag:s23] =	ssyncset.done $0x0  }
0xa4: {  	s25 =	simm.s32 $0x1B8E;
	s24 =	sld [smem:$0x3FFE];
	[sflag:s23] =	ssyncadd.s32 $0xFFFFFFFF  }
0xa5: {  	s26 =	simm.s32 $execute0_lowered;
	[smem:$0x3FD2] =	sst s25  }
0xa6: {  	s5 =	sshll.u32 s26, $0x1;
	_ =	strace $0x80000046;
	[dreg:$0x1] =	wrdreg $0xFFFFFFFF  }
0xa7: {  	s28 =	simm.s32 $_size_execute0_lowered;
	s3 =	sadd.s32 s3, s5;
	[dreg:$0x0] =	wrdreg $0x0  }
0xa8: {  	s5 =	sshll.u32 s28, $0x1;
	[dreg:$0x2] =	wrdreg s3  }
0xa9: {  	[dreg:$0x3] =	wrdreg s5  }
0xaa: {  	[dreg:$0x4] =	wrdreg $0xC0  }
0xab: {  	_ =	task [dreg:s7], $0x5FFFF  }
0xac: {  	[dreg:$0x1] =	wrdreg $0xFFFFFFFF  }
0xad: {  	[dreg:$0x0] =	wrdreg $0x60  }
0xae: {  	[dreg:$0x2] =	wrdreg s24  }
0xaf: {  	[dreg:$0x3] =	wrdreg s2  }
0xb0: {  	[dreg:$0x4] =	wrdreg $0x9  }
0xb1: {  	_ =	task.clear_ibuf [dreg:s7], $0x5FFFF;
	_ =	strace $0x90000046  }
0xb2: {  	s29 =	simm.s32 $0x9;
	_ =	strace $0x80000048  }
0xb3: {  	_ =	swait.ge [sflag:s29], $0x1  }
0xb4: {  	[sflag:s29] =	ssyncadd.s32 $0xFFFFFFFF  }
0xb5: {  	_ =	strace $0x90000048  }
0xb6: {  	_ =	sfence  }
0xb7: {  	s30 =	sld [smem:$0x0];
	_ =	sdelay $0x2  }
0xb8: {  	s31 =	sshll.u32 s1, $0xD;
	s1 =	sshrl.u32 s1, $0x2  }
0xb9: {  	s3 =	sand.u32 $0x4000, s31;
	s1 =	sadd.s32 s1, s30  }
0xba: {  	s0 =	sor.u32 s3, s0;
	s1 =	sshll.u32 s1, $0x11  }
0xbb: {  	s0 =	sor.u32 s1, s0  }
0xbc: {  	s0 =	sadd.s32 $0x8F2B, s0  }
0xbd: {  	[sflag:s0] =	ssyncadd.remote.s32 $0x1  }
0xbe: {  	_ =	sfence.sel $0xFFFF  }
0xbf: {  	[dreg:$0x0] =	wrdreg $0xFFFFFFFF;
	(pc) =	sbr.abs _section_cstart, $3  }
0xc0: {  	[dreg:$0x1] =	wrdreg $0xFFFFFFFF  }
0xc1: {  	_ =	task.clear_ibuf [dreg:s7], $0x2FFFF;
	_ =	strace $0x9FFFFFFF  }
0xc2: {  	(tm) =	ssettm $0x7FFFFFFF  }
0xc3: {  	_ =	shalt  }
tec
execute0_lowered:
.L_overlay_start_1:
0x0: {  	(tag) =	ssettag $0x1  }
0x1: {  	s0 =	srdreg.scid;
	s2 =	stileid.u32  }
0x2: {  	s1 =	sand.u32 $0x1, s0;
	s6 =	sshll.u32 s2, $0x1  }
0x3: {  	s0 =	sor.u32 s1, s6  }
0x4: {  	s7 =	smul.u32 $0x280, s0  }
0x5: {  	s3 =	rddreg [dreg:$0x0];
	s0 =	smul.u32 $0x28000, s0  }
0x6: {  	s4 =	rddreg [dreg:$0x1];
	s5 =	simm.s32 $0x0;
	s2 =	sadd.s32 s7, s3  }
0x7: {  	[smem:$0x7FF] =	sst s5;
	s0 =	sshrl.u32 s0, $0x3;
	s2 =	sadd.s32 $0x9600, s2  }
0x8: {  	_ =	strace $0x80000047;
	s4 =	sadd.s32 s4, s0;
	[dreg:$0x3] =	wrdreg s2  }
0x9: {  	s0 =	sadd.s32 $0x1400, s4;
	[smem:$0x7CE] =	sst s4  }
0xa: {  	s8 =	sadd.s32 $0x2800, s4;
	[dreg:$0x4] =	wrdreg s0  }
0xb: {  	s9 =	sadd.s32 $0x3C00, s4;
	[dreg:$0x5] =	wrdreg s8  }
0xc: {  	s10 =	sadd.s32 $0x4, s4;
	[dreg:$0x6] =	wrdreg s9  }
0xd: {  	s11 =	sadd.s32 $0x1404, s4;
	[dreg:$0x7] =	wrdreg s10  }
0xe: {  	s12 =	sadd.s32 $0x2804, s4;
	[dreg:$0x8] =	wrdreg s11  }
0xf: {  	s13 =	sadd.s32 $0x3C04, s4;
	[dreg:$0x9] =	wrdreg s12  }
0x10: {  	s14 =	sadd.s32 $0x8, s4;
	[dreg:$0xa] =	wrdreg s13  }
0x11: {  	s15 =	sadd.s32 $0x1408, s4;
	[dreg:$0xb] =	wrdreg s14  }
0x12: {  	s16 =	sadd.s32 $0x2808, s4;
	[dreg:$0xc] =	wrdreg s15  }
0x13: {  	s17 =	sadd.s32 $0x3C08, s4;
	[dreg:$0xd] =	wrdreg s16  }
0x14: {  	s18 =	sadd.s32 $0xC, s4;
	[dreg:$0xe] =	wrdreg s17  }
0x15: {  	s19 =	sadd.s32 $0x140C, s4;
	[dreg:$0xf] =	wrdreg s18  }
0x16: {  	s20 =	sadd.s32 $0x280C, s4;
	[dreg:$0x10] =	wrdreg s19  }
0x17: {  	s21 =	sadd.s32 $0x3C0C, s4;
	[dreg:$0x11] =	wrdreg s20  }
0x18: {  	s22 =	sadd.s32 $0x10, s4;
	[dreg:$0x12] =	wrdreg s21  }
0x19: {  	s23 =	sadd.s32 $0x1410, s4;
	[dreg:$0x13] =	wrdreg s22  }
0x1a: {  	s24 =	sadd.s32 $0x2810, s4;
	[dreg:$0x14] =	wrdreg s23  }
0x1b: {  	s25 =	sadd.s32 $0x3C10, s4;
	[dreg:$0x15] =	wrdreg s24  }
0x1c: {  	s26 =	sadd.s32 $0x14, s4;
	[dreg:$0x16] =	wrdreg s25  }
0x1d: {  	s2 =	sadd.s32 $0x1414, s4;
	[dreg:$0x17] =	wrdreg s26  }
0x1e: {  	s5 =	sadd.s32 $0x2814, s4;
	[dreg:$0x18] =	wrdreg s2  }
0x1f: {  	s6 =	sadd.s32 $0x3C14, s4;
	[dreg:$0x19] =	wrdreg s5  }
0x20: {  	s7 =	sadd.s32 $0x18, s4;
	[dreg:$0x1a] =	wrdreg s6  }
0x21: {  	[dreg:$0x1b] =	wrdreg s7  }
0x22: {  	s8 =	sadd.s32 $0x1418, s4;
	s0 =	rddreg [dreg:$0x3]  }
0x23: {  	s9 =	sadd.s32 $0x2818, s4;
	[dreg:$0x1c] =	wrdreg s8  }
0x24: {  	s10 =	sadd.s32 $0x3C18, s4;
	[dreg:$0x1d] =	wrdreg s9  }
0x25: {  	s11 =	sadd.s32 $0x1C, s4;
	[dreg:$0x1e] =	wrdreg s10  }
0x26: {  	s12 =	sadd.s32 $0x141C, s4;
	[dreg:$0x1f] =	wrdreg s11  }
0x27: {  	s13 =	sadd.s32 $0x281C, s4;
	[smem:$0x7C4] =	sst s12  }
0x28: {  	s14 =	sadd.s32 $0x3C1C, s4;
	[smem:$0x7C5] =	sst s13  }
0x29: {  	s15 =	sadd.s32 $0x20, s4;
	[smem:$0x7C6] =	sst s14  }
0x2a: {  	s16 =	sadd.s32 $0x1420, s4;
	[smem:$0x7C7] =	sst s15  }
0x2b: {  	s17 =	sadd.s32 $0x2820, s4;
	[smem:$0x7C8] =	sst s16  }
0x2c: {  	s18 =	sadd.s32 $0x3C20, s4;
	[smem:$0x7C9] =	sst s17  }
0x2d: {  	s19 =	sadd.s32 $0x24, s4;
	[smem:$0x7CA] =	sst s18  }
0x2e: {  	s20 =	sadd.s32 $0x1424, s4;
	[smem:$0x7CB] =	sst s19  }
0x2f: {  	s21 =	sadd.s32 $0x2824, s4;
	[smem:$0x7CC] =	sst s20  }
0x30: {  	s22 =	sadd.s32 $0x3C24, s4;
	[smem:$0x7CD] =	sst s21  }
0x31: {  	s23 =	simm.s32 $0x100;
	[smem:$0x7CF] =	sst s22  }
0x32: {  	s24 =	simm.s32 $0x180;
	[smem:$0x7D0] =	sst s23  }
0x33: {  	s25 =	simm.s32 $0x200;
	[smem:$0x7D1] =	sst s24  }
0x34: {  	s26 =	simm.s32 $0x280;
	[smem:$0x7D2] =	sst s25  }
0x35: {  	s2 =	simm.s32 $0x300;
	[smem:$0x7D3] =	sst s26  }
0x36: {  	s4 =	simm.s32 $0x380;
	[smem:$0x7D4] =	sst s2  }
0x37: {  	s5 =	simm.s32 $0x400;
	[smem:$0x7D5] =	sst s4  }
0x38: {  	s6 =	simm.s32 $0x480;
	[smem:$0x7D6] =	sst s5  }
0x39: {  	s7 =	simm.s32 $0x500;
	[smem:$0x7D7] =	sst s6  }
0x3a: {  	[smem:$0x7D8] =	sst s7;
	s8 =	simm.s32 $0x580  }
0x3b: {  	s9 =	simm.s32 $0x600;
	[smem:$0x7D9] =	sst s8  }
0x3c: {  	s10 =	simm.s32 $0x680;
	[smem:$0x7DA] =	sst s9  }
0x3d: {  	s11 =	simm.s32 $0x700;
	[smem:$0x7DB] =	sst s10  }
0x3e: {  	s12 =	simm.s32 $0x780;
	[smem:$0x7DC] =	sst s11  }
0x3f: {  	s14 =	sadd.s32 $0x1F1C00, s3;
	[smem:$0x7DD] =	sst s12  }
0x40: {  	s13 =	simm.s32 $0x800;
	[smem:$0x7DE] =	sst s14  }
0x41: {  	s16 =	sadd.s32 $0x4FFC00, s3;
	[smem:$0x7DF] =	sst s13  }
0x42: {  	s15 =	simm.s32 $0x880;
	[smem:$0x7E0] =	sst s16  }
0x43: {  	s18 =	sadd.s32 $0x49E000, s3;
	[smem:$0x7E1] =	sst s15  }
0x44: {  	s17 =	simm.s32 $0x900;
	[smem:$0x7E2] =	sst s18  }
0x45: {  	s20 =	sadd.s32 $0x43C400, s3;
	[smem:$0x7E3] =	sst s17  }
0x46: {  	s19 =	simm.s32 $0x980;
	[smem:$0x7E4] =	sst s20  }
0x47: {  	s22 =	sadd.s32 $0x3DA800, s3;
	[smem:$0x7E5] =	sst s19  }
0x48: {  	s21 =	simm.s32 $0xA00;
	[smem:$0x7E6] =	sst s22  }
0x49: {  	s24 =	sadd.s32 $0x378C00, s3;
	[smem:$0x7E7] =	sst s21  }
0x4a: {  	s23 =	simm.s32 $0xA80;
	[smem:$0x7E8] =	sst s24  }
0x4b: {  	s30 =	simm.s32 $0x1;
	s26 =	sadd.s32 $0x317000, s3;
	[smem:$0x7E9] =	sst s23  }
0x4c: {  	p0 =	por $0x0, $0x0;
	s25 =	simm.s32 $0xB00;
	[smem:$0x7EA] =	sst s26  }
0x4d: {  	s31 =	simm.s32 $0x2;
	s5 =	sadd.s32 $0x2B5400, s3;
	[smem:$0x7EB] =	sst s25  }
0x4e: {  	s29 =	simm.s32 $0x3;
	s4 =	simm.s32 $0xB80;
	[smem:$0x7EC] =	sst s5  }
0x4f: {  	s28 =	sadd.s32 $0x253800, s3;
	s6 =	simm.s32 $0xC00;
	[smem:$0x7ED] =	sst s4  }
0x50: {  	s1 =	ssub.s32 $0x2, s1;
	s7 =	simm.s32 $0xC80;
	[smem:$0x7EE] =	sst s6  }
0x51: {  	s2 =	sadd.s32 $0x190000, s3;
	s3 =	simm.s32 $0x10;
	[smem:$0x7EF] =	sst s7  }
0x52: {  	s8 =	simm.s32 $0xD00;
	s9 =	simm.s32 $0xD80;
	s10 =	sshrl.u32 s1, $0x1  }
0x53: {  	s11 =	simm.s32 $0xE00;
	s12 =	simm.s32 $0xE80;
	[smem:$0x7F0] =	sst s8  }
0x54: {  	s13 =	simm.s32 $0xF00;
	s20 =	simm.s32 $0x11;
	[smem:$0x7F1] =	sst s9  }
0x55: {  	s14 =	simm.s32 $0xF80;
	s21 =	simm.s32 $0x80;
	[smem:$0x7F2] =	sst s11  }
0x56: {  	s15 =	simm.s32 $0x1000;
	s16 =	simm.s32 $0x1080;
	[smem:$0x7F3] =	sst s12  }
0x57: {  	s19 =	simm.s32 $0x2400;
	s17 =	simm.s32 $0x1100;
	[smem:$0x7F4] =	sst s13  }
0x58: {  	s18 =	simm.s32 $0x3400;
	s22 =	simm.s32 $0x1180;
	[smem:$0x7F5] =	sst s14  }
0x59: {  	s23 =	simm.s32 $0x1200;
	s24 =	simm.s32 $0x1280;
	[smem:$0x7F6] =	sst s15  }
0x5a: {  	s25 =	simm.s32 $0x1300;
	s26 =	simm.s32 $0x1380;
	[smem:$0x7F7] =	sst s16  }
0x5b: {  	s5 =	simm.s32 $0x8400;
	s7 =	simm.s32 $0xD;
	[smem:$0x7F8] =	sst s17  }
0x5c: {  	s6 =	simm.s32 $0xE;
	s4 =	simm.s32 $0xF;
	[smem:$0x7F9] =	sst s22  }
0x5d: {  	s1 =	ssub.s32 s1, s10;
	s17 =	simm.s32 $0x4400;
	[smem:$0x7FA] =	sst s23  }
0x5e: {  	s14 =	simm.s32 $0x5400;
	[smem:$0x7FB] =	sst s24;
	s1 =	smax.u32 s1, $0x1  }
0x5f: {  	s11 =	simm.s32 $0x6400;
	[smem:$0x7FC] =	sst s25;
	p1 =	sne.s32 s1, $0x1  }
.Ltmp0:
0x60: {  	s8 =	simm.s32 $0x7400;
	[smem:$0x7FD] =	sst s26;
	(pc) =	sbr.rel @!p1 .LBB2_1-.Ltmp0, $4  }
0x61: {  	s15 =	simm.s32 $0x20;
	s16 =	simm.s32 $0x140;
	s13 =	simm.s32 $0x9  }
0x62: {  	s12 =	simm.s32 $0xA;
	s10 =	simm.s32 $0xB;
	s26 =	simm.s32 $0x4  }
0x63: {  	s9 =	simm.s32 $0xC;
	s25 =	simm.s32 $0x5;
	s24 =	simm.s32 $0x6  }
0x64: {  	s23 =	simm.s32 $0x7;
	s22 =	simm.s32 $0x8;
	s1 =	sadd.s32 $0xFFFFFFFF, s1  }
0x65: {  	[smem:$0x7C3] =	sst s1;
	s1 =	simm.s32 $0x0  }
0x66: {  	[tilespmem:s1], [sflag:$0x11] =	stream.linear.gather [hbm4b:s0+s1], $0x1400, $0x38;
	[tilespmem:$0x9400] =	vst v63  }
0x67: {  	_ =	swait.ge [sflag:s20], $0x1400  }
0x68: {  	s0 =	sld [smem:$0x7DE]  }
0x69: {  	[sflag:s20] =	ssyncset.done $0x0  }
0x6a: {  	[sflag:s20] =	ssyncadd.s32 $0xFFFFEC00;
	s20 =	simm.s32 $0x1400  }
0x6b: {  	[tilespmem:s20], [sflag:$0x1] =	stream.indirect.gather [hbm4b:s0+s21], $0x20, s1, s21, $0xb8;
	[tilespmem:$0x9400] =	vst v63  }
0x6c: {  	s20 =	sld [smem:$0x7D0]  }
0x6d: {  	[tilespmem:s19], [sflag:$0x2] =	stream.indirect.gather [hbm4b:s0+s21], $0x20, s21, s21, $0xb8;
	[tilespmem:$0x9400] =	vst v63  }
0x6e: {  	s1 =	sld [smem:$0x7D1]  }
0x6f: {  	[tilespmem:s18], [sflag:$0x3] =	stream.indirect.gather [hbm4b:s0+s21], $0x20, s20, s21, $0xb8;
	[tilespmem:$0x9400] =	vst v63  }
0x70: {  	s20 =	sld [smem:$0x7D2];
	_ =	sdelay $0x1  }
0x71: {  	[tilespmem:s17], [sflag:$0x4] =	stream.indirect.gather [hbm4b:s0+s21], $0x20, s1, s21, $0xb8;
	[tilespmem:$0x9400] =	vst v63  }
0x72: {  	[smem:$0x7C2] =	sst s20  }
0x73: {  	s20 =	sld [smem:$0x7E0]  }
0x74: {  	s0 =	sld [smem:$0x7C2];
	_ =	sdelay $0x1  }
0x75: {  	s1 =	sld [smem:$0x7D3]  }
0x76: {  	[tilespmem:s14], [sflag:$0x5] =	stream.indirect.gather [hbm4b:s20+s21], $0x20, s0, s21, $0xb8;
	[tilespmem:$0x9400] =	vst v63  }
0x77: {  	s0 =	sld [smem:$0x7D4]  }
0x78: {  	[tilespmem:s11], [sflag:$0x6] =	stream.indirect.gather [hbm4b:s20+s21], $0x20, s1, s21, $0xb8;
	[tilespmem:$0x9400] =	vst v63  }
0x79: {  	s1 =	sld [smem:$0x7D5]  }
0x7a: {  	[tilespmem:s8], [sflag:$0x7] =	stream.indirect.gather [hbm4b:s20+s21], $0x20, s0, s21, $0xb8;
	[tilespmem:$0x9400] =	vst v63  }
0x7b: {  	s31 =	simm.s32 $0x1  }
0x7c: {  	[tilespmem:s5], [sflag:$0x8] =	stream.indirect.gather [hbm4b:s20+s21], $0x20, s1, s21, $0xb8;
	[tilespmem:$0x9400] =	vst v63  }
0x7d: {  	_ =	swait.ge [sflag:s31], $0x1000  }
0x7e: {  	s1 =	sld [smem:$0x7CE]  }
0x7f: {  	[sflag:s31] =	ssyncset.done $0x0  }
0x80: {  	s22 =	simm.s32 $0x9;
	s20 =	simm.s32 $0x1400;
	[sflag:s31] =	ssyncadd.s32 $0xFFFFF000  }
0x81: {  	[hbm4b:s1+s15] =	stream.strided.scatter [tilespmem:s20], [sflag:$0x9], $0x1000, s16, s15, $0x38;
	[tilespmem:$0x9400] =	vst v63  }
0x82: {  	_ =	swait.ge [sflag:s22], $0x1000  }
0x83: {  	s0 =	sld [smem:$0x7D6]  }
0x84: {  	s1 =	sld [smem:$0x7E2]  }
0x85: {  	[sflag:s22] =	ssyncset.done $0x0  }
0x86: {  	s3 =	simm.s32 $0x2;
	[sflag:s22] =	ssyncadd.s32 $0xFFFFF000  }
0x87: {  	[tilespmem:s20], [sflag:$0x1] =	stream.indirect.gather [hbm4b:s1+s21], $0x20, s0, s21, $0xb8;
	[tilespmem:$0x9400] =	vst v63  }
0x88: {  	_ =	swait.ge [sflag:s3], $0x1000  }
0x89: {  	[sflag:s3] =	ssyncset.done $0x0  }
0x8a: {  	s13 =	simm.s32 $0xA;
	s0 =	rddreg [dreg:$0x4];
	[sflag:s3] =	ssyncadd.s32 $0xFFFFF000  }
0x8b: {  	[hbm4b:s0+s15] =	stream.strided.scatter [tilespmem:s19], [sflag:$0xA], $0x1000, s16, s15, $0x38;
	[tilespmem:$0x9400] =	vst v63  }
0x8c: {  	_ =	swait.ge [sflag:s13], $0x1000  }
0x8d: {  	s0 =	sld [smem:$0x7D7]  }
0x8e: {  	[sflag:s13] =	ssyncset.done $0x0  }
0x8f: {  	s30 =	simm.s32 $0x3;
	[sflag:s13] =	ssyncadd.s32 $0xFFFFF000  }
0x90: {  	[tilespmem:s19], [sflag:$0x2] =	stream.indirect.gather [hbm4b:s1+s21], $0x20, s0, s21, $0xb8;
	[tilespmem:$0x9400] =	vst v63  }
0x91: {  	_ =	swait.ge [sflag:s30], $0x1000  }
0x92: {  	[sflag:s30] =	ssyncset.done $0x0  }
0x93: {  	s12 =	simm.s32 $0xB;
	s0 =	rddreg [dreg:$0x5];
	[sflag:s30] =	ssyncadd.s32 $0xFFFFF000  }
0x94: {  	[hbm4b:s0+s15] =	stream.strided.scatter [tilespmem:s18], [sflag:$0xB], $0x1000, s16, s15, $0x38;
	[tilespmem:$0x9400] =	vst v63  }
0x95: {  	_ =	swait.ge [sflag:s12], $0x1000  }
0x96: {  	s0 =	sld [smem:$0x7D8]  }
0x97: {  	[sflag:s12] =	ssyncset.done $0x0  }
0x98: {  	s29 =	simm.s32 $0x4;
	[sflag:s12] =	ssyncadd.s32 $0xFFFFF000  }
0x99: {  	[tilespmem:s18], [sflag:$0x3] =	stream.indirect.gather [hbm4b:s1+s21], $0x20, s0, s21, $0xb8;
	[tilespmem:$0x9400] =	vst v63  }
0x9a: {  	_ =	swait.ge [sflag:s29], $0x1000  }
0x9b: {  	[sflag:s29] =	ssyncset.done $0x0  }
0x9c: {  	s10 =	simm.s32 $0xC;
	s0 =	rddreg [dreg:$0x6];
	[sflag:s29] =	ssyncadd.s32 $0xFFFFF000  }
0x9d: {  	[hbm4b:s0+s15] =	stream.strided.scatter [tilespmem:s17], [sflag:$0xC], $0x1000, s16, s15, $0x38;
	[tilespmem:$0x9400] =	vst v63  }
0x9e: {  	_ =	swait.ge [sflag:s10], $0x1000  }
0x9f: {  	s0 =	sld [smem:$0x7D9]  }
0xa0: {  	[sflag:s10] =	ssyncset.done $0x0  }
0xa1: {  	s26 =	simm.s32 $0x5;
	[sflag:s10] =	ssyncadd.s32 $0xFFFFF000  }
0xa2: {  	[tilespmem:s17], [sflag:$0x4] =	stream.indirect.gather [hbm4b:s1+s21], $0x20, s0, s21, $0xb8;
	[tilespmem:$0x9400] =	vst v63  }
0xa3: {  	_ =	swait.ge [sflag:s26], $0x1000  }
0xa4: {  	[sflag:s26] =	ssyncset.done $0x0  }
0xa5: {  	s9 =	simm.s32 $0xD;
	s1 =	rddreg [dreg:$0x7];
	[sflag:s26] =	ssyncadd.s32 $0xFFFFF000  }
0xa6: {  	[hbm4b:s1+s15] =	stream.strided.scatter [tilespmem:s14], [sflag:$0xD], $0x1000, s16, s15, $0x38;
	[tilespmem:$0x9400] =	vst v63  }
0xa7: {  	_ =	swait.ge [sflag:s9], $0x1000  }
0xa8: {  	s0 =	sld [smem:$0x7DA]  }
0xa9: {  	s1 =	sld [smem:$0x7E4]  }
0xaa: {  	[sflag:s9] =	ssyncset.done $0x0  }
0xab: {  	s25 =	simm.s32 $0x6;
	[sflag:s9] =	ssyncadd.s32 $0xFFFFF000  }
0xac: {  	[tilespmem:s14], [sflag:$0x5] =	stream.indirect.gather [hbm4b:s1+s21], $0x20, s0, s21, $0xb8;
	[tilespmem:$0x9400] =	vst v63  }
0xad: {  	_ =	swait.ge [sflag:s25], $0x1000  }
0xae: {  	[sflag:s25] =	ssyncset.done $0x0  }
0xaf: {  	s7 =	simm.s32 $0xE;
	s0 =	rddreg [dreg:$0x8];
	[sflag:s25] =	ssyncadd.s32 $0xFFFFF000  }
0xb0: {  	[hbm4b:s0+s15] =	stream.strided.scatter [tilespmem:s11], [sflag:$0xE], $0x1000, s16, s15, $0x38;
	[tilespmem:$0x9400] =	vst v63  }
0xb1: {  	_ =	swait.ge [sflag:s7], $0x1000  }
0xb2: {  	s0 =	sld [smem:$0x7DB]  }
0xb3: {  	[sflag:s7] =	ssyncset.done $0x0  }
0xb4: {  	s24 =	simm.s32 $0x7;
	[sflag:s7] =	ssyncadd.s32 $0xFFFFF000  }
0xb5: {  	[tilespmem:s11], [sflag:$0x6] =	stream.indirect.gather [hbm4b:s1+s21], $0x20, s0, s21, $0xb8;
	[tilespmem:$0x9400] =	vst v63  }
0xb6: {  	_ =	swait.ge [sflag:s24], $0x1000  }
0xb7: {  	[sflag:s24] =	ssyncset.done $0x0  }
0xb8: {  	s6 =	simm.s32 $0xF;
	s0 =	rddreg [dreg:$0x9];
	[sflag:s24] =	ssyncadd.s32 $0xFFFFF000  }
0xb9: {  	[hbm4b:s0+s15] =	stream.strided.scatter [tilespmem:s8], [sflag:$0xF], $0x1000, s16, s15, $0x38;
	[tilespmem:$0x9400] =	vst v63  }
0xba: {  	_ =	swait.ge [sflag:s6], $0x1000  }
0xbb: {  	s0 =	sld [smem:$0x7DC]  }
0xbc: {  	[sflag:s6] =	ssyncset.done $0x0  }
0xbd: {  	s23 =	simm.s32 $0x8;
	[sflag:s6] =	ssyncadd.s32 $0xFFFFF000  }
0xbe: {  	[tilespmem:s8], [sflag:$0x7] =	stream.indirect.gather [hbm4b:s1+s21], $0x20, s0, s21, $0xb8;
	[tilespmem:$0x9400] =	vst v63  }
0xbf: {  	_ =	swait.ge [sflag:s23], $0x1000  }
0xc0: {  	[sflag:s23] =	ssyncset.done $0x0  }
0xc1: {  	s4 =	simm.s32 $0x10;
	s0 =	rddreg [dreg:$0xa];
	[sflag:s23] =	ssyncadd.s32 $0xFFFFF000  }
0xc2: {  	[hbm4b:s0+s15] =	stream.strided.scatter [tilespmem:s5], [sflag:$0x10], $0x1000, s16, s15, $0x38;
	[tilespmem:$0x9400] =	vst v63  }
0xc3: {  	_ =	swait.ge [sflag:s4], $0x1000  }
0xc4: {  	s0 =	sld [smem:$0x7DD]  }
0xc5: {  	[sflag:s4] =	ssyncset.done $0x0  }
0xc6: {  	[sflag:s4] =	ssyncadd.s32 $0xFFFFF000  }
0xc7: {  	[tilespmem:s5], [sflag:$0x8] =	stream.indirect.gather [hbm4b:s1+s21], $0x20, s0, s21, $0xb8;
	[tilespmem:$0x9400] =	vst v63  }
0xc8: {  	_ =	swait.ge [sflag:s31], $0x1000  }
0xc9: {  	[sflag:s31] =	ssyncset.done $0x0  }
0xca: {  	s20 =	simm.s32 $0x1400;
	s1 =	rddreg [dreg:$0xb];
	[sflag:s31] =	ssyncadd.s32 $0xFFFFF000  }
0xcb: {  	[hbm4b:s1+s15] =	stream.strided.scatter [tilespmem:s20], [sflag:$0x9], $0x1000, s16, s15, $0x38;
	[tilespmem:$0x9400] =	vst v63  }
0xcc: {  	_ =	swait.ge [sflag:s22], $0x1000  }
0xcd: {  	s0 =	sld [smem:$0x7DF]  }
0xce: {  	s1 =	sld [smem:$0x7E6]  }
0xcf: {  	[sflag:s22] =	ssyncset.done $0x0  }
0xd0: {  	[sflag:s22] =	ssyncadd.s32 $0xFFFFF000  }
0xd1: {  	[tilespmem:s20], [sflag:$0x1] =	stream.indirect.gather [hbm4b:s1+s21], $0x20, s0, s21, $0xb8;
	[tilespmem:$0x9400] =	vst v63  }
0xd2: {  	_ =	swait.ge [sflag:s3], $0x1000  }
0xd3: {  	[sflag:s3] =	ssyncset.done $0x0  }
0xd4: {  	s0 =	rddreg [dreg:$0xc];
	[sflag:s3] =	ssyncadd.s32 $0xFFFFF000  }
0xd5: {  	[hbm4b:s0+s15] =	stream.strided.scatter [tilespmem:s19], [sflag:$0xA], $0x1000, s16, s15, $0x38;
	[tilespmem:$0x9400] =	vst v63  }
0xd6: {  	_ =	swait.ge [sflag:s13], $0x1000  }
0xd7: {  	s3 =	sld [smem:$0x7E1]  }
0xd8: {  	[sflag:s13] =	ssyncset.done $0x0  }
0xd9: {  	[sflag:s13] =	ssyncadd.s32 $0xFFFFF000  }
0xda: {  	[tilespmem:s19], [sflag:$0x2] =	stream.indirect.gather [hbm4b:s1+s21], $0x20, s3, s21, $0xb8;
	[tilespmem:$0x9400] =	vst v63  }
0xdb: {  	_ =	swait.ge [sflag:s30], $0x1000  }
0xdc: {  	[sflag:s30] =	ssyncset.done $0x0  }
0xdd: {  	s3 =	rddreg [dreg:$0xd];
	[sflag:s30] =	ssyncadd.s32 $0xFFFFF000  }
0xde: {  	[hbm4b:s3+s15] =	stream.strided.scatter [tilespmem:s18], [sflag:$0xB], $0x1000, s16, s15, $0x38;
	[tilespmem:$0x9400] =	vst v63  }
0xdf: {  	_ =	swait.ge [sflag:s12], $0x1000  }
0xe0: {  	s3 =	sld [smem:$0x7E3]  }
0xe1: {  	[sflag:s12] =	ssyncset.done $0x0  }
0xe2: {  	[sflag:s12] =	ssyncadd.s32 $0xFFFFF000  }
0xe3: {  	[tilespmem:s18], [sflag:$0x3] =	stream.indirect.gather [hbm4b:s1+s21], $0x20, s3, s21, $0xb8;
	[tilespmem:$0x9400] =	vst v63  }
0xe4: {  	_ =	swait.ge [sflag:s29], $0x1000  }
0xe5: {  	[sflag:s29] =	ssyncset.done $0x0  }
0xe6: {  	s3 =	rddreg [dreg:$0xe];
	[sflag:s29] =	ssyncadd.s32 $0xFFFFF000  }
0xe7: {  	[hbm4b:s3+s15] =	stream.strided.scatter [tilespmem:s17], [sflag:$0xC], $0x1000, s16, s15, $0x38;
	[tilespmem:$0x9400] =	vst v63  }
0xe8: {  	_ =	swait.ge [sflag:s10], $0x1000  }
0xe9: {  	s3 =	sld [smem:$0x7E5]  }
0xea: {  	[sflag:s10] =	ssyncset.done $0x0  }
0xeb: {  	[sflag:s10] =	ssyncadd.s32 $0xFFFFF000  }
0xec: {  	[tilespmem:s17], [sflag:$0x4] =	stream.indirect.gather [hbm4b:s1+s21], $0x20, s3, s21, $0xb8;
	[tilespmem:$0x9400] =	vst v63  }
0xed: {  	_ =	swait.ge [sflag:s26], $0x1000  }
0xee: {  	[sflag:s26] =	ssyncset.done $0x0  }
0xef: {  	s1 =	rddreg [dreg:$0xf];
	[sflag:s26] =	ssyncadd.s32 $0xFFFFF000  }
0xf0: {  	[hbm4b:s1+s15] =	stream.strided.scatter [tilespmem:s14], [sflag:$0xD], $0x1000, s16, s15, $0x38;
	[tilespmem:$0x9400] =	vst v63  }
0xf1: {  	_ =	swait.ge [sflag:s9], $0x1000  }
0xf2: {  	s3 =	sld [smem:$0x7E7]  }
0xf3: {  	s1 =	sld [smem:$0x7E8]  }
0xf4: {  	[sflag:s9] =	ssyncset.done $0x0  }
0xf5: {  	[sflag:s9] =	ssyncadd.s32 $0xFFFFF000  }
0xf6: {  	[tilespmem:s14], [sflag:$0x5] =	stream.indirect.gather [hbm4b:s1+s21], $0x20, s3, s21, $0xb8;
	[tilespmem:$0x9400] =	vst v63  }
0xf7: {  	_ =	swait.ge [sflag:s25], $0x1000  }
0xf8: {  	[sflag:s25] =	ssyncset.done $0x0  }
0xf9: {  	s3 =	rddreg [dreg:$0x10];
	[sflag:s25] =	ssyncadd.s32 $0xFFFFF000  }
0xfa: {  	[hbm4b:s3+s15] =	stream.strided.scatter [tilespmem:s11], [sflag:$0xE], $0x1000, s16, s15, $0x38;
	[tilespmem:$0x9400] =	vst v63  }
0xfb: {  	_ =	swait.ge [sflag:s7], $0x1000  }
0xfc: {  	s3 =	sld [smem:$0x7E9]  }
0xfd: {  	[sflag:s7] =	ssyncset.done $0x0  }
0xfe: {  	[sflag:s7] =	ssyncadd.s32 $0xFFFFF000  }
0xff: {  	[tilespmem:s11], [sflag:$0x6] =	stream.indirect.gather [hbm4b:s1+s21], $0x20, s3, s21, $0xb8;
	[tilespmem:$0x9400] =	vst v63  }
0x100: {  	_ =	swait.ge [sflag:s24], $0x1000  }
0x101: {  	[sflag:s24] =	ssyncset.done $0x0  }
0x102: {  	s3 =	rddreg [dreg:$0x11];
	[sflag:s24] =	ssyncadd.s32 $0xFFFFF000  }
0x103: {  	[hbm4b:s3+s15] =	stream.strided.scatter [tilespmem:s8], [sflag:$0xF], $0x1000, s16, s15, $0x38;
	[tilespmem:$0x9400] =	vst v63  }
0x104: {  	_ =	swait.ge [sflag:s6], $0x1000  }
0x105: {  	s3 =	sld [smem:$0x7EB]  }
0x106: {  	[sflag:s6] =	ssyncset.done $0x0  }
0x107: {  	[sflag:s6] =	ssyncadd.s32 $0xFFFFF000  }
0x108: {  	[tilespmem:s8], [sflag:$0x7] =	stream.indirect.gather [hbm4b:s1+s21], $0x20, s3, s21, $0xb8;
	[tilespmem:$0x9400] =	vst v63  }
0x109: {  	_ =	swait.ge [sflag:s23], $0x1000  }
0x10a: {  	[sflag:s23] =	ssyncset.done $0x0  }
0x10b: {  	s3 =	rddreg [dreg:$0x12];
	[sflag:s23] =	ssyncadd.s32 $0xFFFFF000  }
0x10c: {  	[hbm4b:s3+s15] =	stream.strided.scatter [tilespmem:s5], [sflag:$0x10], $0x1000, s16, s15, $0x38;
	[tilespmem:$0x9400] =	vst v63  }
0x10d: {  	_ =	swait.ge [sflag:s4], $0x1000  }
0x10e: {  	s3 =	sld [smem:$0x7ED]  }
0x10f: {  	[sflag:s4] =	ssyncset.done $0x0  }
0x110: {  	[sflag:s4] =	ssyncadd.s32 $0xFFFFF000  }
0x111: {  	[tilespmem:s5], [sflag:$0x8] =	stream.indirect.gather [hbm4b:s1+s21], $0x20, s3, s21, $0xb8;
	[tilespmem:$0x9400] =	vst v63  }
0x112: {  	_ =	swait.ge [sflag:s31], $0x1000  }
0x113: {  	[sflag:s31] =	ssyncset.done $0x0  }
0x114: {  	s1 =	rddreg [dreg:$0x13];
	[sflag:s31] =	ssyncadd.s32 $0xFFFFF000  }
0x115: {  	[hbm4b:s1+s15] =	stream.strided.scatter [tilespmem:s20], [sflag:$0x9], $0x1000, s16, s15, $0x38;
	[tilespmem:$0x9400] =	vst v63  }
0x116: {  	_ =	swait.ge [sflag:s22], $0x1000  }
0x117: {  	s3 =	sld [smem:$0x7EE]  }
0x118: {  	s1 =	sld [smem:$0x7EA]  }
0x119: {  	[sflag:s22] =	ssyncset.done $0x0  }
0x11a: {  	s31 =	simm.s32 $0x2;
	[sflag:s22] =	ssyncadd.s32 $0xFFFFF000  }
0x11b: {  	[tilespmem:s20], [sflag:$0x1] =	stream.indirect.gather [hbm4b:s1+s21], $0x20, s3, s21, $0xb8;
	[tilespmem:$0x9400] =	vst v63  }
0x11c: {  	_ =	swait.ge [sflag:s31], $0x1000  }
0x11d: {  	[sflag:s31] =	ssyncset.done $0x0  }
0x11e: {  	s3 =	rddreg [dreg:$0x14];
	[sflag:s31] =	ssyncadd.s32 $0xFFFFF000  }
0x11f: {  	[hbm4b:s3+s15] =	stream.strided.scatter [tilespmem:s19], [sflag:$0xA], $0x1000, s16, s15, $0x38;
	[tilespmem:$0x9400] =	vst v63  }
0x120: {  	_ =	swait.ge [sflag:s13], $0x1000  }
0x121: {  	s3 =	sld [smem:$0x7EF]  }
0x122: {  	[sflag:s13] =	ssyncset.done $0x0  }
0x123: {  	[sflag:s13] =	ssyncadd.s32 $0xFFFFF000  }
0x124: {  	[tilespmem:s19], [sflag:$0x2] =	stream.indirect.gather [hbm4b:s1+s21], $0x20, s3, s21, $0xb8;
	[tilespmem:$0x9400] =	vst v63  }
0x125: {  	_ =	swait.ge [sflag:s30], $0x1000  }
0x126: {  	[sflag:s30] =	ssyncset.done $0x0  }
0x127: {  	s3 =	rddreg [dreg:$0x15];
	[sflag:s30] =	ssyncadd.s32 $0xFFFFF000  }
0x128: {  	[hbm4b:s3+s15] =	stream.strided.scatter [tilespmem:s18], [sflag:$0xB], $0x1000, s16, s15, $0x38;
	[tilespmem:$0x9400] =	vst v63  }
0x129: {  	_ =	swait.ge [sflag:s12], $0x1000  }
0x12a: {  	s3 =	sld [smem:$0x7F0]  }
0x12b: {  	[sflag:s12] =	ssyncset.done $0x0  }
0x12c: {  	[sflag:s12] =	ssyncadd.s32 $0xFFFFF000  }
0x12d: {  	[tilespmem:s18], [sflag:$0x3] =	stream.indirect.gather [hbm4b:s1+s21], $0x20, s3, s21, $0xb8;
	[tilespmem:$0x9400] =	vst v63  }
0x12e: {  	_ =	swait.ge [sflag:s29], $0x1000  }
0x12f: {  	[sflag:s29] =	ssyncset.done $0x0  }
0x130: {  	s3 =	rddreg [dreg:$0x16];
	[sflag:s29] =	ssyncadd.s32 $0xFFFFF000  }
0x131: {  	[hbm4b:s3+s15] =	stream.strided.scatter [tilespmem:s17], [sflag:$0xC], $0x1000, s16, s15, $0x38;
	[tilespmem:$0x9400] =	vst v63  }
0x132: {  	_ =	swait.ge [sflag:s10], $0x1000  }
0x133: {  	s3 =	sld [smem:$0x7F1]  }
0x134: {  	[sflag:s10] =	ssyncset.done $0x0  }
0x135: {  	[sflag:s10] =	ssyncadd.s32 $0xFFFFF000  }
0x136: {  	[tilespmem:s17], [sflag:$0x4] =	stream.indirect.gather [hbm4b:s1+s21], $0x20, s3, s21, $0xb8;
	[tilespmem:$0x9400] =	vst v63  }
0x137: {  	_ =	swait.ge [sflag:s26], $0x1000  }
0x138: {  	[sflag:s26] =	ssyncset.done $0x0  }
0x139: {  	s1 =	rddreg [dreg:$0x17];
	[sflag:s26] =	ssyncadd.s32 $0xFFFFF000  }
0x13a: {  	[hbm4b:s1+s15] =	stream.strided.scatter [tilespmem:s14], [sflag:$0xD], $0x1000, s16, s15, $0x38;
	[tilespmem:$0x9400] =	vst v63  }
0x13b: {  	_ =	swait.ge [sflag:s9], $0x1000  }
0x13c: {  	s3 =	sld [smem:$0x7F2]  }
0x13d: {  	s1 =	sld [smem:$0x7EC]  }
0x13e: {  	[sflag:s9] =	ssyncset.done $0x0  }
0x13f: {  	[sflag:s9] =	ssyncadd.s32 $0xFFFFF000  }
0x140: {  	[tilespmem:s14], [sflag:$0x5] =	stream.indirect.gather [hbm4b:s1+s21], $0x20, s3, s21, $0xb8;
	[tilespmem:$0x9400] =	vst v63  }
0x141: {  	_ =	swait.ge [sflag:s25], $0x1000  }
0x142: {  	[sflag:s25] =	ssyncset.done $0x0  }
0x143: {  	s3 =	rddreg [dreg:$0x18];
	[sflag:s25] =	ssyncadd.s32 $0xFFFFF000  }
0x144: {  	[hbm4b:s3+s15] =	stream.strided.scatter [tilespmem:s11], [sflag:$0xE], $0x1000, s16, s15, $0x38;
	[tilespmem:$0x9400] =	vst v63  }
0x145: {  	_ =	swait.ge [sflag:s7], $0x1000  }
0x146: {  	s3 =	sld [smem:$0x7F3]  }
0x147: {  	[sflag:s7] =	ssyncset.done $0x0  }
0x148: {  	[sflag:s7] =	ssyncadd.s32 $0xFFFFF000  }
0x149: {  	[tilespmem:s11], [sflag:$0x6] =	stream.indirect.gather [hbm4b:s1+s21], $0x20, s3, s21, $0xb8;
	[tilespmem:$0x9400] =	vst v63  }
0x14a: {  	_ =	swait.ge [sflag:s24], $0x1000  }
0x14b: {  	[sflag:s24] =	ssyncset.done $0x0  }
0x14c: {  	s3 =	rddreg [dreg:$0x19];
	[sflag:s24] =	ssyncadd.s32 $0xFFFFF000  }
0x14d: {  	[hbm4b:s3+s15] =	stream.strided.scatter [tilespmem:s8], [sflag:$0xF], $0x1000, s16, s15, $0x38;
	[tilespmem:$0x9400] =	vst v63  }
0x14e: {  	_ =	swait.ge [sflag:s6], $0x1000  }
0x14f: {  	s3 =	sld [smem:$0x7F4]  }
0x150: {  	[sflag:s6] =	ssyncset.done $0x0  }
0x151: {  	[sflag:s6] =	ssyncadd.s32 $0xFFFFF000  }
0x152: {  	[tilespmem:s8], [sflag:$0x7] =	stream.indirect.gather [hbm4b:s1+s21], $0x20, s3, s21, $0xb8;
	[tilespmem:$0x9400] =	vst v63  }
0x153: {  	_ =	swait.ge [sflag:s23], $0x1000  }
0x154: {  	[sflag:s23] =	ssyncset.done $0x0  }
0x155: {  	s3 =	rddreg [dreg:$0x1a];
	[sflag:s23] =	ssyncadd.s32 $0xFFFFF000  }
0x156: {  	[hbm4b:s3+s15] =	stream.strided.scatter [tilespmem:s5], [sflag:$0x10], $0x1000, s16, s15, $0x38;
	[tilespmem:$0x9400] =	vst v63  }
0x157: {  	_ =	swait.ge [sflag:s4], $0x1000  }
0x158: {  	s3 =	sld [smem:$0x7F5]  }
0x159: {  	[sflag:s4] =	ssyncset.done $0x0  }
0x15a: {  	s30 =	simm.s32 $0x1;
	[sflag:s4] =	ssyncadd.s32 $0xFFFFF000  }
0x15b: {  	[tilespmem:s5], [sflag:$0x8] =	stream.indirect.gather [hbm4b:s1+s21], $0x20, s3, s21, $0xb8;
	[tilespmem:$0x9400] =	vst v63  }
0x15c: {  	_ =	swait.ge [sflag:s30], $0x1000  }
0x15d: {  	[sflag:s30] =	ssyncset.done $0x0  }
0x15e: {  	s3 =	rddreg [dreg:$0x1b];
	[sflag:s30] =	ssyncadd.s32 $0xFFFFF000  }
0x15f: {  	[hbm4b:s3+s15] =	stream.strided.scatter [tilespmem:s20], [sflag:$0x9], $0x1000, s16, s15, $0x38;
	[tilespmem:$0x9400] =	vst v63  }
0x160: {  	_ =	swait.ge [sflag:s22], $0x1000  }
0x161: {  	s1 =	sld [smem:$0x7F6]  }
0x162: {  	[sflag:s22] =	ssyncset.done $0x0  }
0x163: {  	[sflag:s22] =	ssyncadd.s32 $0xFFFFF000  }
0x164: {  	[tilespmem:s20], [sflag:$0x1] =	stream.indirect.gather [hbm4b:s28+s21], $0x20, s1, s21, $0xb8;
	[tilespmem:$0x9400] =	vst v63  }
0x165: {  	_ =	swait.ge [sflag:s31], $0x1000  }
0x166: {  	[sflag:s31] =	ssyncset.done $0x0  }
0x167: {  	s3 =	rddreg [dreg:$0x1c];
	[sflag:s31] =	ssyncadd.s32 $0xFFFFF000  }
0x168: {  	[hbm4b:s3+s15] =	stream.strided.scatter [tilespmem:s19], [sflag:$0xA], $0x1000, s16, s15, $0x38;
	[tilespmem:$0x9400] =	vst v63  }
0x169: {  	_ =	swait.ge [sflag:s13], $0x1000  }
0x16a: {  	s1 =	sld [smem:$0x7F7]  }
0x16b: {  	[sflag:s13] =	ssyncset.done $0x0  }
0x16c: {  	s29 =	simm.s32 $0x3;
	[sflag:s13] =	ssyncadd.s32 $0xFFFFF000  }
0x16d: {  	[tilespmem:s19], [sflag:$0x2] =	stream.indirect.gather [hbm4b:s28+s21], $0x20, s1, s21, $0xb8;
	[tilespmem:$0x9400] =	vst v63  }
0x16e: {  	_ =	swait.ge [sflag:s29], $0x1000  }
0x16f: {  	[sflag:s29] =	ssyncset.done $0x0  }
0x170: {  	s3 =	rddreg [dreg:$0x1d];
	[sflag:s29] =	ssyncadd.s32 $0xFFFFF000  }
0x171: {  	[hbm4b:s3+s15] =	stream.strided.scatter [tilespmem:s18], [sflag:$0xB], $0x1000, s16, s15, $0x38;
	[tilespmem:$0x9400] =	vst v63  }
0x172: {  	_ =	swait.ge [sflag:s12], $0x1000  }
0x173: {  	s1 =	sld [smem:$0x7F8]  }
0x174: {  	[sflag:s12] =	ssyncset.done $0x0  }
0x175: {  	s26 =	simm.s32 $0x4;
	[sflag:s12] =	ssyncadd.s32 $0xFFFFF000  }
0x176: {  	[tilespmem:s18], [sflag:$0x3] =	stream.indirect.gather [hbm4b:s28+s21], $0x20, s1, s21, $0xb8;
	[tilespmem:$0x9400] =	vst v63  }
0x177: {  	_ =	swait.ge [sflag:s26], $0x1000  }
0x178: {  	[sflag:s26] =	ssyncset.done $0x0  }
0x179: {  	s3 =	rddreg [dreg:$0x1e];
	[sflag:s26] =	ssyncadd.s32 $0xFFFFF000  }
0x17a: {  	[hbm4b:s3+s15] =	stream.strided.scatter [tilespmem:s17], [sflag:$0xC], $0x1000, s16, s15, $0x38;
	[tilespmem:$0x9400] =	vst v63  }
0x17b: {  	_ =	swait.ge [sflag:s10], $0x1000  }
0x17c: {  	s1 =	sld [smem:$0x7F9]  }
0x17d: {  	[sflag:s10] =	ssyncset.done $0x0  }
0x17e: {  	s25 =	simm.s32 $0x5;
	[sflag:s10] =	ssyncadd.s32 $0xFFFFF000  }
0x17f: {  	[tilespmem:s17], [sflag:$0x4] =	stream.indirect.gather [hbm4b:s28+s21], $0x20, s1, s21, $0xb8;
	[tilespmem:$0x9400] =	vst v63  }
0x180: {  	_ =	swait.ge [sflag:s25], $0x1000  }
0x181: {  	[sflag:s25] =	ssyncset.done $0x0  }
0x182: {  	s3 =	rddreg [dreg:$0x1f];
	[sflag:s25] =	ssyncadd.s32 $0xFFFFF000  }
0x183: {  	[hbm4b:s3+s15] =	stream.strided.scatter [tilespmem:s14], [sflag:$0xD], $0x1000, s16, s15, $0x38;
	[tilespmem:$0x9400] =	vst v63  }
0x184: {  	_ =	swait.ge [sflag:s9], $0x1000  }
0x185: {  	s1 =	sld [smem:$0x7FA]  }
0x186: {  	[sflag:s9] =	ssyncset.done $0x0  }
0x187: {  	s24 =	simm.s32 $0x6;
	[sflag:s9] =	ssyncadd.s32 $0xFFFFF000  }
0x188: {  	[tilespmem:s14], [sflag:$0x5] =	stream.indirect.gather [hbm4b:s2+s21], $0x20, s1, s21, $0xb8;
	[tilespmem:$0x9400] =	vst v63  }
0x189: {  	_ =	swait.ge [sflag:s24], $0x1000  }
0x18a: {  	s3 =	sld [smem:$0x7C4]  }
0x18b: {  	[sflag:s24] =	ssyncset.done $0x0  }
0x18c: {  	[sflag:s24] =	ssyncadd.s32 $0xFFFFF000  }
0x18d: {  	[hbm4b:s3+s15] =	stream.strided.scatter [tilespmem:s11], [sflag:$0xE], $0x1000, s16, s15, $0x38;
	[tilespmem:$0x9400] =	vst v63  }
0x18e: {  	_ =	swait.ge [sflag:s7], $0x1000  }
0x18f: {  	s1 =	sld [smem:$0x7FB]  }
0x190: {  	[sflag:s7] =	ssyncset.done $0x0  }
0x191: {  	s23 =	simm.s32 $0x7;
	[sflag:s7] =	ssyncadd.s32 $0xFFFFF000  }
0x192: {  	[tilespmem:s11], [sflag:$0x6] =	stream.indirect.gather [hbm4b:s2+s21], $0x20, s1, s21, $0xb8;
	[tilespmem:$0x9400] =	vst v63  }
0x193: {  	_ =	swait.ge [sflag:s23], $0x1000  }
0x194: {  	s3 =	sld [smem:$0x7C5]  }
0x195: {  	[sflag:s23] =	ssyncset.done $0x0  }
0x196: {  	[sflag:s23] =	ssyncadd.s32 $0xFFFFF000  }
0x197: {  	[hbm4b:s3+s15] =	stream.strided.scatter [tilespmem:s8], [sflag:$0xF], $0x1000, s16, s15, $0x38;
	[tilespmem:$0x9400] =	vst v63  }
0x198: {  	_ =	swait.ge [sflag:s6], $0x1000  }
0x199: {  	s1 =	sld [smem:$0x7FC]  }
0x19a: {  	[sflag:s6] =	ssyncset.done $0x0  }
0x19b: {  	s22 =	simm.s32 $0x8;
	[sflag:s6] =	ssyncadd.s32 $0xFFFFF000  }
0x19c: {  	[tilespmem:s8], [sflag:$0x7] =	stream.indirect.gather [hbm4b:s2+s21], $0x20, s1, s21, $0xb8;
	[tilespmem:$0x9400] =	vst v63  }
0x19d: {  	_ =	swait.ge [sflag:s22], $0x1000  }
0x19e: {  	s3 =	sld [smem:$0x7C6]  }
0x19f: {  	[sflag:s22] =	ssyncset.done $0x0  }
0x1a0: {  	[sflag:s22] =	ssyncadd.s32 $0xFFFFF000  }
0x1a1: {  	[hbm4b:s3+s15] =	stream.strided.scatter [tilespmem:s5], [sflag:$0x10], $0x1000, s16, s15, $0x38;
	[tilespmem:$0x9400] =	vst v63  }
0x1a2: {  	_ =	swait.ge [sflag:s4], $0x1000  }
0x1a3: {  	s1 =	sld [smem:$0x7FD]  }
0x1a4: {  	[sflag:s4] =	ssyncset.done $0x0  }
0x1a5: {  	[sflag:s4] =	ssyncadd.s32 $0xFFFFF000  }
0x1a6: {  	[tilespmem:s5], [sflag:$0x8] =	stream.indirect.gather [hbm4b:s2+s21], $0x20, s1, s21, $0xb8;
	[tilespmem:$0x9400] =	vst v63  }
0x1a7: {  	_ =	swait.ge [sflag:s30], $0x1000  }
0x1a8: {  	s3 =	sld [smem:$0x7C7]  }
0x1a9: {  	[sflag:s30] =	ssyncset.done $0x0  }
0x1aa: {  	[sflag:s30] =	ssyncadd.s32 $0xFFFFF000  }
0x1ab: {  	[hbm4b:s3+s15] =	stream.strided.scatter [tilespmem:s20], [sflag:$0x9], $0x1000, s16, s15, $0x38;
	[tilespmem:$0x9400] =	vst v63  }
0x1ac: {  	_ =	swait.ge [sflag:s31], $0x1000  }
0x1ad: {  	s1 =	sld [smem:$0x7C8]  }
0x1ae: {  	[sflag:s31] =	ssyncset.done $0x0  }
0x1af: {  	[sflag:s31] =	ssyncadd.s32 $0xFFFFF000  }
0x1b0: {  	[hbm4b:s1+s15] =	stream.strided.scatter [tilespmem:s19], [sflag:$0xA], $0x1000, s16, s15, $0x38;
	[tilespmem:$0x9400] =	vst v63  }
0x1b1: {  	_ =	swait.ge [sflag:s29], $0x1000  }
0x1b2: {  	s20 =	sld [smem:$0x7C9]  }
0x1b3: {  	[sflag:s29] =	ssyncset.done $0x0  }
0x1b4: {  	[sflag:s29] =	ssyncadd.s32 $0xFFFFF000  }
0x1b5: {  	[hbm4b:s20+s15] =	stream.strided.scatter [tilespmem:s18], [sflag:$0xB], $0x1000, s16, s15, $0x38;
	[tilespmem:$0x9400] =	vst v63  }
0x1b6: {  	_ =	swait.ge [sflag:s26], $0x1000  }
0x1b7: {  	s1 =	sld [smem:$0x7CA]  }
0x1b8: {  	[sflag:s26] =	ssyncset.done $0x0  }
0x1b9: {  	[sflag:s26] =	ssyncadd.s32 $0xFFFFF000  }
0x1ba: {  	[hbm4b:s1+s15] =	stream.strided.scatter [tilespmem:s17], [sflag:$0xC], $0x1000, s16, s15, $0x38;
	[tilespmem:$0x9400] =	vst v63  }
0x1bb: {  	_ =	swait.ge [sflag:s25], $0x1000  }
0x1bc: {  	s20 =	sld [smem:$0x7CB]  }
0x1bd: {  	[sflag:s25] =	ssyncset.done $0x0  }
0x1be: {  	[sflag:s25] =	ssyncadd.s32 $0xFFFFF000  }
0x1bf: {  	[hbm4b:s20+s15] =	stream.strided.scatter [tilespmem:s14], [sflag:$0xD], $0x1000, s16, s15, $0x38;
	[tilespmem:$0x9400] =	vst v63  }
0x1c0: {  	_ =	swait.ge [sflag:s24], $0x1000  }
0x1c1: {  	s1 =	sld [smem:$0x7CC]  }
0x1c2: {  	[sflag:s24] =	ssyncset.done $0x0  }
0x1c3: {  	[sflag:s24] =	ssyncadd.s32 $0xFFFFF000  }
0x1c4: {  	[hbm4b:s1+s15] =	stream.strided.scatter [tilespmem:s11], [sflag:$0xE], $0x1000, s16, s15, $0x38;
	[tilespmem:$0x9400] =	vst v63  }
0x1c5: {  	_ =	swait.ge [sflag:s23], $0x1000  }
0x1c6: {  	s20 =	sld [smem:$0x7CD]  }
0x1c7: {  	[sflag:s23] =	ssyncset.done $0x0  }
0x1c8: {  	[sflag:s23] =	ssyncadd.s32 $0xFFFFF000  }
0x1c9: {  	[hbm4b:s20+s15] =	stream.strided.scatter [tilespmem:s8], [sflag:$0xF], $0x1000, s16, s15, $0x38;
	[tilespmem:$0x9400] =	vst v63  }
0x1ca: {  	_ =	swait.ge [sflag:s22], $0x1000  }
0x1cb: {  	s1 =	sld [smem:$0x7CF]  }
0x1cc: {  	[sflag:s22] =	ssyncset.done $0x0  }
0x1cd: {  	s13 =	simm.s32 $0x9;
	[sflag:s22] =	ssyncadd.s32 $0xFFFFF000  }
0x1ce: {  	[hbm4b:s1+s15] =	stream.strided.scatter [tilespmem:s5], [sflag:$0x10], $0x1000, s16, s15, $0x38;
	[tilespmem:$0x9400] =	vst v63  }
0x1cf: {  	_ =	swait.ge [sflag:s13], $0x1000  }
0x1d0: {  	[sflag:s13] =	ssyncset.done $0x0  }
0x1d1: {  	s12 =	simm.s32 $0xA;
	[sflag:s13] =	ssyncadd.s32 $0xFFFFF000  }
0x1d2: {  	_ =	swait.ge [sflag:s12], $0x1000  }
0x1d3: {  	[sflag:s12] =	ssyncset.done $0x0  }
0x1d4: {  	s10 =	simm.s32 $0xB;
	[sflag:s12] =	ssyncadd.s32 $0xFFFFF000  }
0x1d5: {  	_ =	swait.ge [sflag:s10], $0x1000  }
0x1d6: {  	[sflag:s10] =	ssyncset.done $0x0  }
0x1d7: {  	s9 =	simm.s32 $0xC;
	[sflag:s10] =	ssyncadd.s32 $0xFFFFF000  }
0x1d8: {  	_ =	swait.ge [sflag:s9], $0x1000  }
0x1d9: {  	[sflag:s9] =	ssyncset.done $0x0  }
0x1da: {  	s7 =	simm.s32 $0xD;
	[sflag:s9] =	ssyncadd.s32 $0xFFFFF000  }
0x1db: {  	_ =	swait.ge [sflag:s7], $0x1000  }
0x1dc: {  	[sflag:s7] =	ssyncset.done $0x0  }
0x1dd: {  	s6 =	simm.s32 $0xE;
	[sflag:s7] =	ssyncadd.s32 $0xFFFFF000  }
0x1de: {  	_ =	swait.ge [sflag:s6], $0x1000  }
0x1df: {  	[sflag:s6] =	ssyncset.done $0x0  }
0x1e0: {  	s4 =	simm.s32 $0xF;
	[sflag:s6] =	ssyncadd.s32 $0xFFFFF000  }
0x1e1: {  	_ =	swait.ge [sflag:s4], $0x1000  }
0x1e2: {  	s20 =	sld [smem:$0x7C3];
	_ =	sdelay $0x2  }
0x1e3: {  	p1 =	sne.s32 s20, $0x1  }
.Ltmp1:
0x1e4: {  	_ = 	snop;
	(pc) =	sbr.rel @!p1 .LBB2_3-.Ltmp1, $4  }
0x1e5: {  	[sflag:s4] =	ssyncset.done $0x0  }
0x1e6: {  	s3 =	simm.s32 $0x10;
	[sflag:s4] =	ssyncadd.s32 $0xFFFFF000  }
0x1e7: {  	p0 =	por $0x1, $0x1;
	_ =	swait.ge [sflag:s3], $0x1000  }
0x1e8: {  	s1 =	sadd.s32 $0xFFFFFFFF, s20;
	s0 =	rddreg [dreg:$0x3];
	[sflag:s3] =	ssyncset.done $0x0  }
.LBB2_4:
0x1e9: {  	s14 =	sadd.s32 $0xFFFFFFFF, s1;
	[sflag:s3] =	ssyncadd.s32 $0xFFFFF000  }
0x1ea: {  	s5 =	simm.s32 $0x0;
	s17 =	simm.s32 $0x11;
	[smem:$0x7C1] =	sst s14  }
0x1eb: {  	[tilespmem:s5], [sflag:$0x11] =	stream.linear.gather [hbm4b:s0+s5], $0x1400, $0x38;
	[tilespmem:$0x9400] =	vst v63  }
0x1ec: {  	_ =	swait.ge [sflag:s17], $0x1400  }
0x1ed: {  	s20 =	sld [smem:$0x7DE]  }
0x1ee: {  	[sflag:s17] =	ssyncset.done $0x0  }
0x1ef: {  	s18 =	simm.s32 $0x1400;
	[sflag:s17] =	ssyncadd.s32 $0xFFFFEC00  }
0x1f0: {  	[tilespmem:s18], [sflag:$0x1] =	stream.indirect.gather [hbm4b:s20+s21], $0x20, s5, s21, $0xb8;
	[tilespmem:$0x9400] =	vst v63  }
0x1f1: {  	s0 =	sld [smem:$0x7D0];
	s5 =	smov.u32 s28  }
0x1f2: {  	[tilespmem:s19], [sflag:$0x2] =	stream.indirect.gather [hbm4b:s20+s21], $0x20, s21, s21, $0xb8;
	[tilespmem:$0x9400] =	vst v63  }
0x1f3: {  	s28 =	smov.u32 s2;
	s2 =	sld [smem:$0x7D1];
	s19 =	simm.s32 $0x3400  }
0x1f4: {  	[tilespmem:s19], [sflag:$0x3] =	stream.indirect.gather [hbm4b:s20+s21], $0x20, s0, s21, $0xb8;
	[tilespmem:$0x9400] =	vst v63  }
0x1f5: {  	s18 =	simm.s32 $0x4400;
	s0 =	sld [smem:$0x7D2]  }
0x1f6: {  	[tilespmem:s18], [sflag:$0x4] =	stream.indirect.gather [hbm4b:s20+s21], $0x20, s2, s21, $0xb8;
	[tilespmem:$0x9400] =	vst v63  }
0x1f7: {  	s20 =	sld [smem:$0x7E0];
	_ =	sdelay $0x1  }
0x1f8: {  	s17 =	simm.s32 $0x5400;
	s2 =	sld [smem:$0x7D3]  }
0x1f9: {  	[tilespmem:s17], [sflag:$0x5] =	stream.indirect.gather [hbm4b:s20+s21], $0x20, s0, s21, $0xb8;
	[tilespmem:$0x9400] =	vst v63  }
0x1fa: {  	s14 =	simm.s32 $0x6400;
	s0 =	sld [smem:$0x7D4]  }
0x1fb: {  	[tilespmem:s14], [sflag:$0x6] =	stream.indirect.gather [hbm4b:s20+s21], $0x20, s2, s21, $0xb8;
	[tilespmem:$0x9400] =	vst v63  }
0x1fc: {  	s11 =	simm.s32 $0x7400;
	s2 =	sld [smem:$0x7D5]  }
0x1fd: {  	[tilespmem:s11], [sflag:$0x7] =	stream.indirect.gather [hbm4b:s20+s21], $0x20, s0, s21, $0xb8;
	[tilespmem:$0x9400] =	vst v63  }
0x1fe: {  	s31 =	simm.s32 $0x1;
	s8 =	simm.s32 $0x8400  }
0x1ff: {  	[tilespmem:s8], [sflag:$0x8] =	stream.indirect.gather [hbm4b:s20+s21], $0x20, s2, s21, $0xb8;
	[tilespmem:$0x9400] =	vst v63  }
0x200: {  	_ =	swait.ge [sflag:s31], $0x1000  }
0x201: {  	s20 =	sld [smem:$0x7CE]  }
0x202: {  	[sflag:s31] =	ssyncset.done $0x0  }
0x203: {  	s22 =	simm.s32 $0x9;
	s3 =	simm.s32 $0x1400;
	[sflag:s31] =	ssyncadd.s32 $0xFFFFF000  }
0x204: {  	[hbm4b:s20+s15] =	stream.strided.scatter [tilespmem:s3], [sflag:$0x9], $0x1000, s16, s15, $0x38;
	[tilespmem:$0x9400] =	vst v63  }
0x205: {  	_ =	swait.ge [sflag:s22], $0x1000  }
0x206: {  	s0 =	sld [smem:$0x7D6]  }
0x207: {  	s20 =	sld [smem:$0x7E2]  }
0x208: {  	[sflag:s22] =	ssyncset.done $0x0  }
0x209: {  	p1 =	sne.s32 s1, $0x1;
	s1 =	simm.s32 $0x2;
	[sflag:s22] =	ssyncadd.s32 $0xFFFFF000  }
0x20a: {  	[tilespmem:s3], [sflag:$0x1] =	stream.indirect.gather [hbm4b:s20+s21], $0x20, s0, s21, $0xb8;
	[tilespmem:$0x9400] =	vst v63  }
0x20b: {  	_ =	swait.ge [sflag:s1], $0x1000  }
0x20c: {  	s13 =	simm.s32 $0xA;
	[sflag:s1] =	ssyncset.done $0x0  }
0x20d: {  	s19 =	simm.s32 $0x2400;
	s0 =	rddreg [dreg:$0x4];
	[sflag:s1] =	ssyncadd.s32 $0xFFFFF000  }
0x20e: {  	[hbm4b:s0+s15] =	stream.strided.scatter [tilespmem:s19], [sflag:$0xA], $0x1000, s16, s15, $0x38;
	[tilespmem:$0x9400] =	vst v63  }
0x20f: {  	_ =	swait.ge [sflag:s13], $0x1000  }
0x210: {  	s0 =	sld [smem:$0x7D7]  }
0x211: {  	[sflag:s13] =	ssyncset.done $0x0  }
0x212: {  	s30 =	simm.s32 $0x3;
	[sflag:s13] =	ssyncadd.s32 $0xFFFFF000  }
0x213: {  	[tilespmem:s19], [sflag:$0x2] =	stream.indirect.gather [hbm4b:s20+s21], $0x20, s0, s21, $0xb8;
	[tilespmem:$0x9400] =	vst v63  }
0x214: {  	_ =	swait.ge [sflag:s30], $0x1000  }
0x215: {  	s12 =	simm.s32 $0xB;
	[sflag:s30] =	ssyncset.done $0x0  }
0x216: {  	s18 =	simm.s32 $0x3400;
	s0 =	rddreg [dreg:$0x5];
	[sflag:s30] =	ssyncadd.s32 $0xFFFFF000  }
0x217: {  	[hbm4b:s0+s15] =	stream.strided.scatter [tilespmem:s18], [sflag:$0xB], $0x1000, s16, s15, $0x38;
	[tilespmem:$0x9400] =	vst v63  }
0x218: {  	_ =	swait.ge [sflag:s12], $0x1000  }
0x219: {  	s0 =	sld [smem:$0x7D8]  }
0x21a: {  	[sflag:s12] =	ssyncset.done $0x0  }
0x21b: {  	s29 =	simm.s32 $0x4;
	[sflag:s12] =	ssyncadd.s32 $0xFFFFF000  }
0x21c: {  	[tilespmem:s18], [sflag:$0x3] =	stream.indirect.gather [hbm4b:s20+s21], $0x20, s0, s21, $0xb8;
	[tilespmem:$0x9400] =	vst v63  }
0x21d: {  	_ =	swait.ge [sflag:s29], $0x1000  }
0x21e: {  	s10 =	simm.s32 $0xC;
	[sflag:s29] =	ssyncset.done $0x0  }
0x21f: {  	s17 =	simm.s32 $0x4400;
	s0 =	rddreg [dreg:$0x6];
	[sflag:s29] =	ssyncadd.s32 $0xFFFFF000  }
0x220: {  	[hbm4b:s0+s15] =	stream.strided.scatter [tilespmem:s17], [sflag:$0xC], $0x1000, s16, s15, $0x38;
	[tilespmem:$0x9400] =	vst v63  }
0x221: {  	_ =	swait.ge [sflag:s10], $0x1000  }
0x222: {  	s0 =	sld [smem:$0x7D9]  }
0x223: {  	[sflag:s10] =	ssyncset.done $0x0  }
0x224: {  	s26 =	simm.s32 $0x5;
	[sflag:s10] =	ssyncadd.s32 $0xFFFFF000  }
0x225: {  	[tilespmem:s17], [sflag:$0x4] =	stream.indirect.gather [hbm4b:s20+s21], $0x20, s0, s21, $0xb8;
	[tilespmem:$0x9400] =	vst v63  }
0x226: {  	_ =	swait.ge [sflag:s26], $0x1000  }
0x227: {  	s9 =	simm.s32 $0xD;
	[sflag:s26] =	ssyncset.done $0x0  }
0x228: {  	s14 =	simm.s32 $0x5400;
	s20 =	rddreg [dreg:$0x7];
	[sflag:s26] =	ssyncadd.s32 $0xFFFFF000  }
0x229: {  	[hbm4b:s20+s15] =	stream.strided.scatter [tilespmem:s14], [sflag:$0xD], $0x1000, s16, s15, $0x38;
	[tilespmem:$0x9400] =	vst v63  }
0x22a: {  	_ =	swait.ge [sflag:s9], $0x1000  }
0x22b: {  	s0 =	sld [smem:$0x7DA]  }
0x22c: {  	s20 =	sld [smem:$0x7E4]  }
0x22d: {  	[sflag:s9] =	ssyncset.done $0x0  }
0x22e: {  	s25 =	simm.s32 $0x6;
	[sflag:s9] =	ssyncadd.s32 $0xFFFFF000  }
0x22f: {  	[tilespmem:s14], [sflag:$0x5] =	stream.indirect.gather [hbm4b:s20+s21], $0x20, s0, s21, $0xb8;
	[tilespmem:$0x9400] =	vst v63  }
0x230: {  	_ =	swait.ge [sflag:s25], $0x1000  }
0x231: {  	s7 =	simm.s32 $0xE;
	[sflag:s25] =	ssyncset.done $0x0  }
0x232: {  	s11 =	simm.s32 $0x6400;
	s0 =	rddreg [dreg:$0x8];
	[sflag:s25] =	ssyncadd.s32 $0xFFFFF000  }
0x233: {  	[hbm4b:s0+s15] =	stream.strided.scatter [tilespmem:s11], [sflag:$0xE], $0x1000, s16, s15, $0x38;
	[tilespmem:$0x9400] =	vst v63  }
0x234: {  	_ =	swait.ge [sflag:s7], $0x1000  }
0x235: {  	s0 =	sld [smem:$0x7DB]  }
0x236: {  	[sflag:s7] =	ssyncset.done $0x0  }
0x237: {  	s24 =	simm.s32 $0x7;
	[sflag:s7] =	ssyncadd.s32 $0xFFFFF000  }
0x238: {  	[tilespmem:s11], [sflag:$0x6] =	stream.indirect.gather [hbm4b:s20+s21], $0x20, s0, s21, $0xb8;
	[tilespmem:$0x9400] =	vst v63  }
0x239: {  	_ =	swait.ge [sflag:s24], $0x1000  }
0x23a: {  	s6 =	simm.s32 $0xF;
	[sflag:s24] =	ssyncset.done $0x0  }
0x23b: {  	s8 =	simm.s32 $0x7400;
	s0 =	rddreg [dreg:$0x9];
	[sflag:s24] =	ssyncadd.s32 $0xFFFFF000  }
0x23c: {  	[hbm4b:s0+s15] =	stream.strided.scatter [tilespmem:s8], [sflag:$0xF], $0x1000, s16, s15, $0x38;
	[tilespmem:$0x9400] =	vst v63  }
0x23d: {  	_ =	swait.ge [sflag:s6], $0x1000  }
0x23e: {  	s0 =	sld [smem:$0x7DC]  }
0x23f: {  	[sflag:s6] =	ssyncset.done $0x0  }
0x240: {  	s23 =	simm.s32 $0x8;
	[sflag:s6] =	ssyncadd.s32 $0xFFFFF000  }
0x241: {  	[tilespmem:s8], [sflag:$0x7] =	stream.indirect.gather [hbm4b:s20+s21], $0x20, s0, s21, $0xb8;
	[tilespmem:$0x9400] =	vst v63  }
0x242: {  	s4 =	simm.s32 $0x10;
	_ =	swait.ge [sflag:s23], $0x1000  }
0x243: {  	s2 =	smov.u32 s28;
	s28 =	smov.u32 s5;
	[sflag:s23] =	ssyncset.done $0x0  }
0x244: {  	s5 =	simm.s32 $0x8400;
	s0 =	rddreg [dreg:$0xa];
	[sflag:s23] =	ssyncadd.s32 $0xFFFFF000  }
0x245: {  	[hbm4b:s0+s15] =	stream.strided.scatter [tilespmem:s5], [sflag:$0x10], $0x1000, s16, s15, $0x38;
	[tilespmem:$0x9400] =	vst v63  }
0x246: {  	_ =	swait.ge [sflag:s4], $0x1000  }
0x247: {  	s0 =	sld [smem:$0x7DD]  }
0x248: {  	[sflag:s4] =	ssyncset.done $0x0  }
0x249: {  	[sflag:s4] =	ssyncadd.s32 $0xFFFFF000  }
0x24a: {  	[tilespmem:s5], [sflag:$0x8] =	stream.indirect.gather [hbm4b:s20+s21], $0x20, s0, s21, $0xb8;
	[tilespmem:$0x9400] =	vst v63  }
0x24b: {  	_ =	swait.ge [sflag:s31], $0x1000  }
0x24c: {  	[sflag:s31] =	ssyncset.done $0x0  }
0x24d: {  	s20 =	rddreg [dreg:$0xb];
	[sflag:s31] =	ssyncadd.s32 $0xFFFFF000  }
0x24e: {  	[hbm4b:s20+s15] =	stream.strided.scatter [tilespmem:s3], [sflag:$0x9], $0x1000, s16, s15, $0x38;
	[tilespmem:$0x9400] =	vst v63  }
0x24f: {  	_ =	swait.ge [sflag:s22], $0x1000  }
0x250: {  	s0 =	sld [smem:$0x7DF]  }
0x251: {  	s20 =	sld [smem:$0x7E6]  }
0x252: {  	[sflag:s22] =	ssyncset.done $0x0  }
0x253: {  	[sflag:s22] =	ssyncadd.s32 $0xFFFFF000  }
0x254: {  	[tilespmem:s3], [sflag:$0x1] =	stream.indirect.gather [hbm4b:s20+s21], $0x20, s0, s21, $0xb8;
	[tilespmem:$0x9400] =	vst v63  }
0x255: {  	_ =	swait.ge [sflag:s1], $0x1000  }
0x256: {  	[sflag:s1] =	ssyncset.done $0x0  }
0x257: {  	s0 =	rddreg [dreg:$0xc];
	[sflag:s1] =	ssyncadd.s32 $0xFFFFF000  }
0x258: {  	[hbm4b:s0+s15] =	stream.strided.scatter [tilespmem:s19], [sflag:$0xA], $0x1000, s16, s15, $0x38;
	[tilespmem:$0x9400] =	vst v63  }
0x259: {  	s1 =	sld [smem:$0x7C1];
	_ =	swait.ge [sflag:s13], $0x1000  }
0x25a: {  	s0 =	sld [smem:$0x7E1]  }
0x25b: {  	[sflag:s13] =	ssyncset.done $0x0  }
0x25c: {  	[sflag:s13] =	ssyncadd.s32 $0xFFFFF000  }
0x25d: {  	[tilespmem:s19], [sflag:$0x2] =	stream.indirect.gather [hbm4b:s20+s21], $0x20, s0, s21, $0xb8;
	[tilespmem:$0x9400] =	vst v63  }
0x25e: {  	_ =	swait.ge [sflag:s30], $0x1000  }
0x25f: {  	[sflag:s30] =	ssyncset.done $0x0  }
0x260: {  	s0 =	rddreg [dreg:$0xd];
	[sflag:s30] =	ssyncadd.s32 $0xFFFFF000  }
0x261: {  	[hbm4b:s0+s15] =	stream.strided.scatter [tilespmem:s18], [sflag:$0xB], $0x1000, s16, s15, $0x38;
	[tilespmem:$0x9400] =	vst v63  }
0x262: {  	_ =	swait.ge [sflag:s12], $0x1000  }
0x263: {  	s0 =	sld [smem:$0x7E3]  }
0x264: {  	[sflag:s12] =	ssyncset.done $0x0  }
0x265: {  	[sflag:s12] =	ssyncadd.s32 $0xFFFFF000  }
0x266: {  	[tilespmem:s18], [sflag:$0x3] =	stream.indirect.gather [hbm4b:s20+s21], $0x20, s0, s21, $0xb8;
	[tilespmem:$0x9400] =	vst v63  }
0x267: {  	_ =	swait.ge [sflag:s29], $0x1000  }
0x268: {  	[sflag:s29] =	ssyncset.done $0x0  }
0x269: {  	s0 =	rddreg [dreg:$0xe];
	[sflag:s29] =	ssyncadd.s32 $0xFFFFF000  }
0x26a: {  	[hbm4b:s0+s15] =	stream.strided.scatter [tilespmem:s17], [sflag:$0xC], $0x1000, s16, s15, $0x38;
	[tilespmem:$0x9400] =	vst v63  }
0x26b: {  	_ =	swait.ge [sflag:s10], $0x1000  }
0x26c: {  	s0 =	sld [smem:$0x7E5]  }
0x26d: {  	[sflag:s10] =	ssyncset.done $0x0  }
0x26e: {  	[sflag:s10] =	ssyncadd.s32 $0xFFFFF000  }
0x26f: {  	[tilespmem:s17], [sflag:$0x4] =	stream.indirect.gather [hbm4b:s20+s21], $0x20, s0, s21, $0xb8;
	[tilespmem:$0x9400] =	vst v63  }
0x270: {  	_ =	swait.ge [sflag:s26], $0x1000  }
0x271: {  	[sflag:s26] =	ssyncset.done $0x0  }
0x272: {  	s20 =	rddreg [dreg:$0xf];
	[sflag:s26] =	ssyncadd.s32 $0xFFFFF000  }
0x273: {  	[hbm4b:s20+s15] =	stream.strided.scatter [tilespmem:s14], [sflag:$0xD], $0x1000, s16, s15, $0x38;
	[tilespmem:$0x9400] =	vst v63  }
0x274: {  	_ =	swait.ge [sflag:s9], $0x1000  }
0x275: {  	s0 =	sld [smem:$0x7E7]  }
0x276: {  	s20 =	sld [smem:$0x7E8]  }
0x277: {  	[sflag:s9] =	ssyncset.done $0x0  }
0x278: {  	[sflag:s9] =	ssyncadd.s32 $0xFFFFF000  }
0x279: {  	[tilespmem:s14], [sflag:$0x5] =	stream.indirect.gather [hbm4b:s20+s21], $0x20, s0, s21, $0xb8;
	[tilespmem:$0x9400] =	vst v63  }
0x27a: {  	_ =	swait.ge [sflag:s25], $0x1000  }
0x27b: {  	[sflag:s25] =	ssyncset.done $0x0  }
0x27c: {  	s0 =	rddreg [dreg:$0x10];
	[sflag:s25] =	ssyncadd.s32 $0xFFFFF000  }
0x27d: {  	[hbm4b:s0+s15] =	stream.strided.scatter [tilespmem:s11], [sflag:$0xE], $0x1000, s16, s15, $0x38;
	[tilespmem:$0x9400] =	vst v63  }
0x27e: {  	_ =	swait.ge [sflag:s7], $0x1000  }
0x27f: {  	s0 =	sld [smem:$0x7E9]  }
0x280: {  	[sflag:s7] =	ssyncset.done $0x0  }
0x281: {  	[sflag:s7] =	ssyncadd.s32 $0xFFFFF000  }
0x282: {  	[tilespmem:s11], [sflag:$0x6] =	stream.indirect.gather [hbm4b:s20+s21], $0x20, s0, s21, $0xb8;
	[tilespmem:$0x9400] =	vst v63  }
0x283: {  	_ =	swait.ge [sflag:s24], $0x1000  }
0x284: {  	[sflag:s24] =	ssyncset.done $0x0  }
0x285: {  	s0 =	rddreg [dreg:$0x11];
	[sflag:s24] =	ssyncadd.s32 $0xFFFFF000  }
0x286: {  	[hbm4b:s0+s15] =	stream.strided.scatter [tilespmem:s8], [sflag:$0xF], $0x1000, s16, s15, $0x38;
	[tilespmem:$0x9400] =	vst v63  }
0x287: {  	_ =	swait.ge [sflag:s6], $0x1000  }
0x288: {  	s0 =	sld [smem:$0x7EB]  }
0x289: {  	[sflag:s6] =	ssyncset.done $0x0  }
0x28a: {  	[sflag:s6] =	ssyncadd.s32 $0xFFFFF000  }
0x28b: {  	[tilespmem:s8], [sflag:$0x7] =	stream.indirect.gather [hbm4b:s20+s21], $0x20, s0, s21, $0xb8;
	[tilespmem:$0x9400] =	vst v63  }
0x28c: {  	_ =	swait.ge [sflag:s23], $0x1000  }
0x28d: {  	[sflag:s23] =	ssyncset.done $0x0  }
0x28e: {  	s0 =	rddreg [dreg:$0x12];
	[sflag:s23] =	ssyncadd.s32 $0xFFFFF000  }
0x28f: {  	[hbm4b:s0+s15] =	stream.strided.scatter [tilespmem:s5], [sflag:$0x10], $0x1000, s16, s15, $0x38;
	[tilespmem:$0x9400] =	vst v63  }
0x290: {  	_ =	swait.ge [sflag:s4], $0x1000  }
0x291: {  	s0 =	sld [smem:$0x7ED]  }
0x292: {  	[sflag:s4] =	ssyncset.done $0x0  }
0x293: {  	[sflag:s4] =	ssyncadd.s32 $0xFFFFF000  }
0x294: {  	[tilespmem:s5], [sflag:$0x8] =	stream.indirect.gather [hbm4b:s20+s21], $0x20, s0, s21, $0xb8;
	[tilespmem:$0x9400] =	vst v63  }
0x295: {  	_ =	swait.ge [sflag:s31], $0x1000  }
0x296: {  	[sflag:s31] =	ssyncset.done $0x0  }
0x297: {  	s20 =	rddreg [dreg:$0x13];
	[sflag:s31] =	ssyncadd.s32 $0xFFFFF000  }
0x298: {  	[hbm4b:s20+s15] =	stream.strided.scatter [tilespmem:s3], [sflag:$0x9], $0x1000, s16, s15, $0x38;
	[tilespmem:$0x9400] =	vst v63  }
0x299: {  	_ =	swait.ge [sflag:s22], $0x1000  }
0x29a: {  	s0 =	sld [smem:$0x7EE]  }
0x29b: {  	s20 =	sld [smem:$0x7EA]  }
0x29c: {  	[sflag:s22] =	ssyncset.done $0x0  }
0x29d: {  	s31 =	simm.s32 $0x2;
	[sflag:s22] =	ssyncadd.s32 $0xFFFFF000  }
0x29e: {  	[tilespmem:s3], [sflag:$0x1] =	stream.indirect.gather [hbm4b:s20+s21], $0x20, s0, s21, $0xb8;
	[tilespmem:$0x9400] =	vst v63  }
0x29f: {  	_ =	swait.ge [sflag:s31], $0x1000  }
0x2a0: {  	[sflag:s31] =	ssyncset.done $0x0  }
0x2a1: {  	s3 =	rddreg [dreg:$0x14];
	[sflag:s31] =	ssyncadd.s32 $0xFFFFF000  }
0x2a2: {  	[hbm4b:s3+s15] =	stream.strided.scatter [tilespmem:s19], [sflag:$0xA], $0x1000, s16, s15, $0x38;
	[tilespmem:$0x9400] =	vst v63  }
0x2a3: {  	_ =	swait.ge [sflag:s13], $0x1000  }
0x2a4: {  	s3 =	sld [smem:$0x7EF]  }
0x2a5: {  	[sflag:s13] =	ssyncset.done $0x0  }
0x2a6: {  	[sflag:s13] =	ssyncadd.s32 $0xFFFFF000  }
0x2a7: {  	[tilespmem:s19], [sflag:$0x2] =	stream.indirect.gather [hbm4b:s20+s21], $0x20, s3, s21, $0xb8;
	[tilespmem:$0x9400] =	vst v63  }
0x2a8: {  	_ =	swait.ge [sflag:s30], $0x1000  }
0x2a9: {  	[sflag:s30] =	ssyncset.done $0x0  }
0x2aa: {  	s3 =	rddreg [dreg:$0x15];
	[sflag:s30] =	ssyncadd.s32 $0xFFFFF000  }
0x2ab: {  	[hbm4b:s3+s15] =	stream.strided.scatter [tilespmem:s18], [sflag:$0xB], $0x1000, s16, s15, $0x38;
	[tilespmem:$0x9400] =	vst v63  }
0x2ac: {  	_ =	swait.ge [sflag:s12], $0x1000  }
0x2ad: {  	s3 =	sld [smem:$0x7F0]  }
0x2ae: {  	[sflag:s12] =	ssyncset.done $0x0  }
0x2af: {  	[sflag:s12] =	ssyncadd.s32 $0xFFFFF000  }
0x2b0: {  	[tilespmem:s18], [sflag:$0x3] =	stream.indirect.gather [hbm4b:s20+s21], $0x20, s3, s21, $0xb8;
	[tilespmem:$0x9400] =	vst v63  }
0x2b1: {  	_ =	swait.ge [sflag:s29], $0x1000  }
0x2b2: {  	[sflag:s29] =	ssyncset.done $0x0  }
0x2b3: {  	s3 =	rddreg [dreg:$0x16];
	[sflag:s29] =	ssyncadd.s32 $0xFFFFF000  }
0x2b4: {  	[hbm4b:s3+s15] =	stream.strided.scatter [tilespmem:s17], [sflag:$0xC], $0x1000, s16, s15, $0x38;
	[tilespmem:$0x9400] =	vst v63  }
0x2b5: {  	_ =	swait.ge [sflag:s10], $0x1000  }
0x2b6: {  	s3 =	sld [smem:$0x7F1]  }
0x2b7: {  	[sflag:s10] =	ssyncset.done $0x0  }
0x2b8: {  	[sflag:s10] =	ssyncadd.s32 $0xFFFFF000  }
0x2b9: {  	[tilespmem:s17], [sflag:$0x4] =	stream.indirect.gather [hbm4b:s20+s21], $0x20, s3, s21, $0xb8;
	[tilespmem:$0x9400] =	vst v63  }
0x2ba: {  	_ =	swait.ge [sflag:s26], $0x1000  }
0x2bb: {  	[sflag:s26] =	ssyncset.done $0x0  }
0x2bc: {  	s20 =	rddreg [dreg:$0x17];
	[sflag:s26] =	ssyncadd.s32 $0xFFFFF000  }
0x2bd: {  	[hbm4b:s20+s15] =	stream.strided.scatter [tilespmem:s14], [sflag:$0xD], $0x1000, s16, s15, $0x38;
	[tilespmem:$0x9400] =	vst v63  }
0x2be: {  	_ =	swait.ge [sflag:s9], $0x1000  }
0x2bf: {  	s3 =	sld [smem:$0x7F2]  }
0x2c0: {  	s20 =	sld [smem:$0x7EC]  }
0x2c1: {  	[sflag:s9] =	ssyncset.done $0x0  }
0x2c2: {  	[sflag:s9] =	ssyncadd.s32 $0xFFFFF000  }
0x2c3: {  	[tilespmem:s14], [sflag:$0x5] =	stream.indirect.gather [hbm4b:s20+s21], $0x20, s3, s21, $0xb8;
	[tilespmem:$0x9400] =	vst v63  }
0x2c4: {  	_ =	swait.ge [sflag:s25], $0x1000  }
0x2c5: {  	[sflag:s25] =	ssyncset.done $0x0  }
0x2c6: {  	s3 =	rddreg [dreg:$0x18];
	[sflag:s25] =	ssyncadd.s32 $0xFFFFF000  }
0x2c7: {  	[hbm4b:s3+s15] =	stream.strided.scatter [tilespmem:s11], [sflag:$0xE], $0x1000, s16, s15, $0x38;
	[tilespmem:$0x9400] =	vst v63  }
0x2c8: {  	_ =	swait.ge [sflag:s7], $0x1000  }
0x2c9: {  	s3 =	sld [smem:$0x7F3]  }
0x2ca: {  	[sflag:s7] =	ssyncset.done $0x0  }
0x2cb: {  	[sflag:s7] =	ssyncadd.s32 $0xFFFFF000  }
0x2cc: {  	[tilespmem:s11], [sflag:$0x6] =	stream.indirect.gather [hbm4b:s20+s21], $0x20, s3, s21, $0xb8;
	[tilespmem:$0x9400] =	vst v63  }
0x2cd: {  	_ =	swait.ge [sflag:s24], $0x1000  }
0x2ce: {  	[sflag:s24] =	ssyncset.done $0x0  }
0x2cf: {  	s3 =	rddreg [dreg:$0x19];
	[sflag:s24] =	ssyncadd.s32 $0xFFFFF000  }
0x2d0: {  	[hbm4b:s3+s15] =	stream.strided.scatter [tilespmem:s8], [sflag:$0xF], $0x1000, s16, s15, $0x38;
	[tilespmem:$0x9400] =	vst v63  }
0x2d1: {  	_ =	swait.ge [sflag:s6], $0x1000  }
0x2d2: {  	s3 =	sld [smem:$0x7F4]  }
0x2d3: {  	[sflag:s6] =	ssyncset.done $0x0  }
0x2d4: {  	[sflag:s6] =	ssyncadd.s32 $0xFFFFF000  }
0x2d5: {  	[tilespmem:s8], [sflag:$0x7] =	stream.indirect.gather [hbm4b:s20+s21], $0x20, s3, s21, $0xb8;
	[tilespmem:$0x9400] =	vst v63  }
0x2d6: {  	_ =	swait.ge [sflag:s23], $0x1000  }
0x2d7: {  	[sflag:s23] =	ssyncset.done $0x0  }
0x2d8: {  	s3 =	rddreg [dreg:$0x1a];
	[sflag:s23] =	ssyncadd.s32 $0xFFFFF000  }
0x2d9: {  	[hbm4b:s3+s15] =	stream.strided.scatter [tilespmem:s5], [sflag:$0x10], $0x1000, s16, s15, $0x38;
	[tilespmem:$0x9400] =	vst v63  }
0x2da: {  	_ =	swait.ge [sflag:s4], $0x1000  }
0x2db: {  	s3 =	sld [smem:$0x7F5]  }
0x2dc: {  	[sflag:s4] =	ssyncset.done $0x0  }
0x2dd: {  	s30 =	simm.s32 $0x1;
	[sflag:s4] =	ssyncadd.s32 $0xFFFFF000  }
0x2de: {  	[tilespmem:s5], [sflag:$0x8] =	stream.indirect.gather [hbm4b:s20+s21], $0x20, s3, s21, $0xb8;
	[tilespmem:$0x9400] =	vst v63  }
0x2df: {  	_ =	swait.ge [sflag:s30], $0x1000  }
0x2e0: {  	[sflag:s30] =	ssyncset.done $0x0  }
0x2e1: {  	s3 =	simm.s32 $0x1400;
	s20 =	rddreg [dreg:$0x1b];
	[sflag:s30] =	ssyncadd.s32 $0xFFFFF000  }
0x2e2: {  	[hbm4b:s20+s15] =	stream.strided.scatter [tilespmem:s3], [sflag:$0x9], $0x1000, s16, s15, $0x38;
	[tilespmem:$0x9400] =	vst v63  }
0x2e3: {  	_ =	swait.ge [sflag:s22], $0x1000  }
0x2e4: {  	s20 =	sld [smem:$0x7F6]  }
0x2e5: {  	[sflag:s22] =	ssyncset.done $0x0  }
0x2e6: {  	[sflag:s22] =	ssyncadd.s32 $0xFFFFF000  }
0x2e7: {  	[tilespmem:s3], [sflag:$0x1] =	stream.indirect.gather [hbm4b:s28+s21], $0x20, s20, s21, $0xb8;
	[tilespmem:$0x9400] =	vst v63  }
0x2e8: {  	_ =	swait.ge [sflag:s31], $0x1000  }
0x2e9: {  	[sflag:s31] =	ssyncset.done $0x0  }
0x2ea: {  	s20 =	rddreg [dreg:$0x1c];
	[sflag:s31] =	ssyncadd.s32 $0xFFFFF000  }
0x2eb: {  	[hbm4b:s20+s15] =	stream.strided.scatter [tilespmem:s19], [sflag:$0xA], $0x1000, s16, s15, $0x38;
	[tilespmem:$0x9400] =	vst v63  }
0x2ec: {  	_ =	swait.ge [sflag:s13], $0x1000  }
0x2ed: {  	s20 =	sld [smem:$0x7F7]  }
0x2ee: {  	[sflag:s13] =	ssyncset.done $0x0  }
0x2ef: {  	s29 =	simm.s32 $0x3;
	[sflag:s13] =	ssyncadd.s32 $0xFFFFF000  }
0x2f0: {  	[tilespmem:s19], [sflag:$0x2] =	stream.indirect.gather [hbm4b:s28+s21], $0x20, s20, s21, $0xb8;
	[tilespmem:$0x9400] =	vst v63  }
0x2f1: {  	_ =	swait.ge [sflag:s29], $0x1000  }
0x2f2: {  	[sflag:s29] =	ssyncset.done $0x0  }
0x2f3: {  	s20 =	rddreg [dreg:$0x1d];
	[sflag:s29] =	ssyncadd.s32 $0xFFFFF000  }
0x2f4: {  	[hbm4b:s20+s15] =	stream.strided.scatter [tilespmem:s18], [sflag:$0xB], $0x1000, s16, s15, $0x38;
	[tilespmem:$0x9400] =	vst v63  }
0x2f5: {  	_ =	swait.ge [sflag:s12], $0x1000  }
0x2f6: {  	s20 =	sld [smem:$0x7F8]  }
0x2f7: {  	[sflag:s12] =	ssyncset.done $0x0  }
0x2f8: {  	s26 =	simm.s32 $0x4;
	[sflag:s12] =	ssyncadd.s32 $0xFFFFF000  }
0x2f9: {  	[tilespmem:s18], [sflag:$0x3] =	stream.indirect.gather [hbm4b:s28+s21], $0x20, s20, s21, $0xb8;
	[tilespmem:$0x9400] =	vst v63  }
0x2fa: {  	_ =	swait.ge [sflag:s26], $0x1000  }
0x2fb: {  	[sflag:s26] =	ssyncset.done $0x0  }
0x2fc: {  	s20 =	rddreg [dreg:$0x1e];
	[sflag:s26] =	ssyncadd.s32 $0xFFFFF000  }
0x2fd: {  	[hbm4b:s20+s15] =	stream.strided.scatter [tilespmem:s17], [sflag:$0xC], $0x1000, s16, s15, $0x38;
	[tilespmem:$0x9400] =	vst v63  }
0x2fe: {  	_ =	swait.ge [sflag:s10], $0x1000  }
0x2ff: {  	s20 =	sld [smem:$0x7F9]  }
0x300: {  	[sflag:s10] =	ssyncset.done $0x0  }
0x301: {  	s25 =	simm.s32 $0x5;
	[sflag:s10] =	ssyncadd.s32 $0xFFFFF000  }
0x302: {  	[tilespmem:s17], [sflag:$0x4] =	stream.indirect.gather [hbm4b:s28+s21], $0x20, s20, s21, $0xb8;
	[tilespmem:$0x9400] =	vst v63  }
0x303: {  	_ =	swait.ge [sflag:s25], $0x1000  }
0x304: {  	[sflag:s25] =	ssyncset.done $0x0  }
0x305: {  	s20 =	rddreg [dreg:$0x1f];
	[sflag:s25] =	ssyncadd.s32 $0xFFFFF000  }
0x306: {  	[hbm4b:s20+s15] =	stream.strided.scatter [tilespmem:s14], [sflag:$0xD], $0x1000, s16, s15, $0x38;
	[tilespmem:$0x9400] =	vst v63  }
0x307: {  	_ =	swait.ge [sflag:s9], $0x1000  }
0x308: {  	s20 =	sld [smem:$0x7FA]  }
0x309: {  	[sflag:s9] =	ssyncset.done $0x0  }
0x30a: {  	s24 =	simm.s32 $0x6;
	[sflag:s9] =	ssyncadd.s32 $0xFFFFF000  }
0x30b: {  	[tilespmem:s14], [sflag:$0x5] =	stream.indirect.gather [hbm4b:s2+s21], $0x20, s20, s21, $0xb8;
	[tilespmem:$0x9400] =	vst v63  }
0x30c: {  	_ =	swait.ge [sflag:s24], $0x1000  }
0x30d: {  	s20 =	sld [smem:$0x7C4]  }
0x30e: {  	[sflag:s24] =	ssyncset.done $0x0  }
0x30f: {  	[sflag:s24] =	ssyncadd.s32 $0xFFFFF000  }
0x310: {  	[hbm4b:s20+s15] =	stream.strided.scatter [tilespmem:s11], [sflag:$0xE], $0x1000, s16, s15, $0x38;
	[tilespmem:$0x9400] =	vst v63  }
0x311: {  	_ =	swait.ge [sflag:s7], $0x1000  }
0x312: {  	s20 =	sld [smem:$0x7FB]  }
0x313: {  	[sflag:s7] =	ssyncset.done $0x0  }
0x314: {  	s23 =	simm.s32 $0x7;
	[sflag:s7] =	ssyncadd.s32 $0xFFFFF000  }
0x315: {  	[tilespmem:s11], [sflag:$0x6] =	stream.indirect.gather [hbm4b:s2+s21], $0x20, s20, s21, $0xb8;
	[tilespmem:$0x9400] =	vst v63  }
0x316: {  	_ =	swait.ge [sflag:s23], $0x1000  }
0x317: {  	s20 =	sld [smem:$0x7C5]  }
0x318: {  	[sflag:s23] =	ssyncset.done $0x0  }
0x319: {  	[sflag:s23] =	ssyncadd.s32 $0xFFFFF000  }
0x31a: {  	[hbm4b:s20+s15] =	stream.strided.scatter [tilespmem:s8], [sflag:$0xF], $0x1000, s16, s15, $0x38;
	[tilespmem:$0x9400] =	vst v63  }
0x31b: {  	_ =	swait.ge [sflag:s6], $0x1000  }
0x31c: {  	s20 =	sld [smem:$0x7FC]  }
0x31d: {  	[sflag:s6] =	ssyncset.done $0x0  }
0x31e: {  	s22 =	simm.s32 $0x8;
	[sflag:s6] =	ssyncadd.s32 $0xFFFFF000  }
0x31f: {  	[tilespmem:s8], [sflag:$0x7] =	stream.indirect.gather [hbm4b:s2+s21], $0x20, s20, s21, $0xb8;
	[tilespmem:$0x9400] =	vst v63  }
0x320: {  	_ =	swait.ge [sflag:s22], $0x1000  }
0x321: {  	s20 =	sld [smem:$0x7C6]  }
0x322: {  	[sflag:s22] =	ssyncset.done $0x0  }
0x323: {  	[sflag:s22] =	ssyncadd.s32 $0xFFFFF000  }
0x324: {  	[hbm4b:s20+s15] =	stream.strided.scatter [tilespmem:s5], [sflag:$0x10], $0x1000, s16, s15, $0x38;
	[tilespmem:$0x9400] =	vst v63  }
0x325: {  	_ =	swait.ge [sflag:s4], $0x1000  }
0x326: {  	s20 =	sld [smem:$0x7FD]  }
0x327: {  	[sflag:s4] =	ssyncset.done $0x0  }
0x328: {  	[sflag:s4] =	ssyncadd.s32 $0xFFFFF000  }
0x329: {  	[tilespmem:s5], [sflag:$0x8] =	stream.indirect.gather [hbm4b:s2+s21], $0x20, s20, s21, $0xb8;
	[tilespmem:$0x9400] =	vst v63  }
0x32a: {  	_ =	swait.ge [sflag:s30], $0x1000  }
0x32b: {  	s20 =	sld [smem:$0x7C7]  }
0x32c: {  	[sflag:s30] =	ssyncset.done $0x0  }
0x32d: {  	s3 =	simm.s32 $0x1400;
	[sflag:s30] =	ssyncadd.s32 $0xFFFFF000  }
0x32e: {  	[hbm4b:s20+s15] =	stream.strided.scatter [tilespmem:s3], [sflag:$0x9], $0x1000, s16, s15, $0x38;
	[tilespmem:$0x9400] =	vst v63  }
0x32f: {  	_ =	swait.ge [sflag:s31], $0x1000  }
0x330: {  	s20 =	sld [smem:$0x7C8]  }
0x331: {  	[sflag:s31] =	ssyncset.done $0x0  }
0x332: {  	[sflag:s31] =	ssyncadd.s32 $0xFFFFF000  }
0x333: {  	[hbm4b:s20+s15] =	stream.strided.scatter [tilespmem:s19], [sflag:$0xA], $0x1000, s16, s15, $0x38;
	[tilespmem:$0x9400] =	vst v63  }
0x334: {  	_ =	swait.ge [sflag:s29], $0x1000  }
0x335: {  	s20 =	sld [smem:$0x7C9]  }
0x336: {  	[sflag:s29] =	ssyncset.done $0x0  }
0x337: {  	[sflag:s29] =	ssyncadd.s32 $0xFFFFF000  }
0x338: {  	[hbm4b:s20+s15] =	stream.strided.scatter [tilespmem:s18], [sflag:$0xB], $0x1000, s16, s15, $0x38;
	[tilespmem:$0x9400] =	vst v63  }
0x339: {  	_ =	swait.ge [sflag:s26], $0x1000  }
0x33a: {  	s20 =	sld [smem:$0x7CA]  }
0x33b: {  	[sflag:s26] =	ssyncset.done $0x0  }
0x33c: {  	[sflag:s26] =	ssyncadd.s32 $0xFFFFF000  }
0x33d: {  	[hbm4b:s20+s15] =	stream.strided.scatter [tilespmem:s17], [sflag:$0xC], $0x1000, s16, s15, $0x38;
	[tilespmem:$0x9400] =	vst v63  }
0x33e: {  	_ =	swait.ge [sflag:s25], $0x1000  }
0x33f: {  	s20 =	sld [smem:$0x7CB]  }
0x340: {  	[sflag:s25] =	ssyncset.done $0x0  }
0x341: {  	[sflag:s25] =	ssyncadd.s32 $0xFFFFF000  }
0x342: {  	[hbm4b:s20+s15] =	stream.strided.scatter [tilespmem:s14], [sflag:$0xD], $0x1000, s16, s15, $0x38;
	[tilespmem:$0x9400] =	vst v63  }
0x343: {  	_ =	swait.ge [sflag:s24], $0x1000  }
0x344: {  	s20 =	sld [smem:$0x7CC]  }
0x345: {  	[sflag:s24] =	ssyncset.done $0x0  }
0x346: {  	[sflag:s24] =	ssyncadd.s32 $0xFFFFF000  }
0x347: {  	[hbm4b:s20+s15] =	stream.strided.scatter [tilespmem:s11], [sflag:$0xE], $0x1000, s16, s15, $0x38;
	[tilespmem:$0x9400] =	vst v63  }
0x348: {  	_ =	swait.ge [sflag:s23], $0x1000  }
0x349: {  	s20 =	sld [smem:$0x7CD]  }
0x34a: {  	[sflag:s23] =	ssyncset.done $0x0  }
0x34b: {  	[sflag:s23] =	ssyncadd.s32 $0xFFFFF000  }
0x34c: {  	[hbm4b:s20+s15] =	stream.strided.scatter [tilespmem:s8], [sflag:$0xF], $0x1000, s16, s15, $0x38;
	[tilespmem:$0x9400] =	vst v63  }
0x34d: {  	_ =	swait.ge [sflag:s22], $0x1000  }
0x34e: {  	s20 =	sld [smem:$0x7CF]  }
0x34f: {  	[sflag:s22] =	ssyncset.done $0x0  }
0x350: {  	s13 =	simm.s32 $0x9;
	[sflag:s22] =	ssyncadd.s32 $0xFFFFF000  }
0x351: {  	[hbm4b:s20+s15] =	stream.strided.scatter [tilespmem:s5], [sflag:$0x10], $0x1000, s16, s15, $0x38;
	[tilespmem:$0x9400] =	vst v63  }
0x352: {  	_ =	swait.ge [sflag:s13], $0x1000  }
0x353: {  	[sflag:s13] =	ssyncset.done $0x0  }
0x354: {  	s12 =	simm.s32 $0xA;
	[sflag:s13] =	ssyncadd.s32 $0xFFFFF000  }
0x355: {  	_ =	swait.ge [sflag:s12], $0x1000  }
0x356: {  	[sflag:s12] =	ssyncset.done $0x0  }
0x357: {  	s10 =	simm.s32 $0xB;
	[sflag:s12] =	ssyncadd.s32 $0xFFFFF000  }
0x358: {  	_ =	swait.ge [sflag:s10], $0x1000  }
0x359: {  	[sflag:s10] =	ssyncset.done $0x0  }
0x35a: {  	s9 =	simm.s32 $0xC;
	[sflag:s10] =	ssyncadd.s32 $0xFFFFF000  }
0x35b: {  	_ =	swait.ge [sflag:s9], $0x1000  }
0x35c: {  	[sflag:s9] =	ssyncset.done $0x0  }
0x35d: {  	s7 =	simm.s32 $0xD;
	[sflag:s9] =	ssyncadd.s32 $0xFFFFF000  }
0x35e: {  	_ =	swait.ge [sflag:s7], $0x1000  }
0x35f: {  	[sflag:s7] =	ssyncset.done $0x0  }
0x360: {  	s6 =	simm.s32 $0xE;
	[sflag:s7] =	ssyncadd.s32 $0xFFFFF000  }
0x361: {  	_ =	swait.ge [sflag:s6], $0x1000  }
0x362: {  	[sflag:s6] =	ssyncset.done $0x0  }
0x363: {  	s4 =	simm.s32 $0xF;
	[sflag:s6] =	ssyncadd.s32 $0xFFFFF000  }
.Ltmp2:
0x364: {  	_ =	swait.ge [sflag:s4], $0x1000;
	(pc) =	sbr.rel @p1 .LBB2_4-.Ltmp2, $4  }
0x365: {  	[sflag:s4] =	ssyncset.done $0x0  }
0x366: {  	s3 =	simm.s32 $0x10;
	[sflag:s4] =	ssyncadd.s32 $0xFFFFF000  }
0x367: {  	_ =	swait.ge [sflag:s3], $0x1000  }
0x368: {  	s0 =	rddreg [dreg:$0x3];
	[sflag:s3] =	ssyncset.done $0x0  }
0x369: {  	s20 =	sld [smem:$0x7DE]  }
.LBB2_6:
0x36a: {  	[sflag:s3] =	ssyncadd.s32 @p0 $0xFFFFF000;
	s1 =	simm.s32 $0x0  }
0x36b: {  	[tilespmem:s1], [sflag:$0x11] =	stream.linear.gather [hbm4b:s0+s1], $0x1400, $0x38;
	[tilespmem:$0x9400] =	vst v63  }
0x36c: {  	s0 =	simm.s32 $0x11  }
0x36d: {  	_ =	swait.ge [sflag:s0], $0x1400  }
0x36e: {  	[sflag:s0] =	ssyncset.done $0x0  }
0x36f: {  	[sflag:s0] =	ssyncadd.s32 $0xFFFFEC00;
	s0 =	simm.s32 $0x1400  }
0x370: {  	[tilespmem:s0], [sflag:$0x1] =	stream.indirect.gather [hbm4b:s20+s21], $0x20, s1, s21, $0xb8;
	[tilespmem:$0x9400] =	vst v63  }
0x371: {  	s0 =	sld [smem:$0x7D0]  }
0x372: {  	[tilespmem:s19], [sflag:$0x2] =	stream.indirect.gather [hbm4b:s20+s21], $0x20, s21, s21, $0xb8;
	[tilespmem:$0x9400] =	vst v63  }
0x373: {  	s1 =	sld [smem:$0x7D1]  }
0x374: {  	[tilespmem:s18], [sflag:$0x3] =	stream.indirect.gather [hbm4b:s20+s21], $0x20, s0, s21, $0xb8;
	[tilespmem:$0x9400] =	vst v63  }
0x375: {  	s0 =	sld [smem:$0x7D2]  }
0x376: {  	[tilespmem:s17], [sflag:$0x4] =	stream.indirect.gather [hbm4b:s20+s21], $0x20, s1, s21, $0xb8;
	[tilespmem:$0x9400] =	vst v63  }
0x377: {  	s20 =	sld [smem:$0x7E0];
	_ =	sdelay $0x1  }
0x378: {  	s1 =	sld [smem:$0x7D3]  }
0x379: {  	[tilespmem:s14], [sflag:$0x5] =	stream.indirect.gather [hbm4b:s20+s21], $0x20, s0, s21, $0xb8;
	[tilespmem:$0x9400] =	vst v63  }
0x37a: {  	s0 =	sld [smem:$0x7D4]  }
0x37b: {  	[tilespmem:s11], [sflag:$0x6] =	stream.indirect.gather [hbm4b:s20+s21], $0x20, s1, s21, $0xb8;
	[tilespmem:$0x9400] =	vst v63  }
0x37c: {  	s1 =	sld [smem:$0x7D5]  }
0x37d: {  	[tilespmem:s8], [sflag:$0x7] =	stream.indirect.gather [hbm4b:s20+s21], $0x20, s0, s21, $0xb8;
	[tilespmem:$0x9400] =	vst v63  }
0x37e: {  	_ = 	snop  }
0x37f: {  	[tilespmem:s5], [sflag:$0x8] =	stream.indirect.gather [hbm4b:s20+s21], $0x20, s1, s21, $0xb8;
	[tilespmem:$0x9400] =	vst v63  }
0x380: {  	_ =	swait.ge [sflag:s30], $0x1000  }
0x381: {  	s1 =	sld [smem:$0x7CE]  }
0x382: {  	[sflag:s30] =	ssyncset.done $0x0  }
0x383: {  	s20 =	simm.s32 $0x1400;
	[sflag:s30] =	ssyncadd.s32 $0xFFFFF000  }
0x384: {  	[hbm4b:s1+s15] =	stream.strided.scatter [tilespmem:s20], [sflag:$0x9], $0x1000, s16, s15, $0x38;
	[tilespmem:$0x9400] =	vst v63  }
0x385: {  	_ =	swait.ge [sflag:s13], $0x1000  }
0x386: {  	s0 =	sld [smem:$0x7D6]  }
0x387: {  	s1 =	sld [smem:$0x7E2]  }
0x388: {  	[sflag:s13] =	ssyncset.done $0x0  }
0x389: {  	[sflag:s13] =	ssyncadd.s32 $0xFFFFF000  }
0x38a: {  	[tilespmem:s20], [sflag:$0x1] =	stream.indirect.gather [hbm4b:s1+s21], $0x20, s0, s21, $0xb8;
	[tilespmem:$0x9400] =	vst v63  }
0x38b: {  	_ =	swait.ge [sflag:s31], $0x1000  }
0x38c: {  	[sflag:s31] =	ssyncset.done $0x0  }
0x38d: {  	s0 =	rddreg [dreg:$0x4];
	[sflag:s31] =	ssyncadd.s32 $0xFFFFF000  }
0x38e: {  	[hbm4b:s0+s15] =	stream.strided.scatter [tilespmem:s19], [sflag:$0xA], $0x1000, s16, s15, $0x38;
	[tilespmem:$0x9400] =	vst v63  }
0x38f: {  	_ =	swait.ge [sflag:s12], $0x1000  }
0x390: {  	s0 =	sld [smem:$0x7D7]  }
0x391: {  	[sflag:s12] =	ssyncset.done $0x0  }
0x392: {  	[sflag:s12] =	ssyncadd.s32 $0xFFFFF000  }
0x393: {  	[tilespmem:s19], [sflag:$0x2] =	stream.indirect.gather [hbm4b:s1+s21], $0x20, s0, s21, $0xb8;
	[tilespmem:$0x9400] =	vst v63  }
0x394: {  	_ =	swait.ge [sflag:s29], $0x1000  }
0x395: {  	[sflag:s29] =	ssyncset.done $0x0  }
0x396: {  	s0 =	rddreg [dreg:$0x5];
	[sflag:s29] =	ssyncadd.s32 $0xFFFFF000  }
0x397: {  	[hbm4b:s0+s15] =	stream.strided.scatter [tilespmem:s18], [sflag:$0xB], $0x1000, s16, s15, $0x38;
	[tilespmem:$0x9400] =	vst v63  }
0x398: {  	_ =	swait.ge [sflag:s10], $0x1000  }
0x399: {  	s0 =	sld [smem:$0x7D8]  }
0x39a: {  	[sflag:s10] =	ssyncset.done $0x0  }
0x39b: {  	[sflag:s10] =	ssyncadd.s32 $0xFFFFF000  }
0x39c: {  	[tilespmem:s18], [sflag:$0x3] =	stream.indirect.gather [hbm4b:s1+s21], $0x20, s0, s21, $0xb8;
	[tilespmem:$0x9400] =	vst v63  }
0x39d: {  	_ =	swait.ge [sflag:s26], $0x1000  }
0x39e: {  	[sflag:s26] =	ssyncset.done $0x0  }
0x39f: {  	s0 =	rddreg [dreg:$0x6];
	[sflag:s26] =	ssyncadd.s32 $0xFFFFF000  }
0x3a0: {  	[hbm4b:s0+s15] =	stream.strided.scatter [tilespmem:s17], [sflag:$0xC], $0x1000, s16, s15, $0x38;
	[tilespmem:$0x9400] =	vst v63  }
0x3a1: {  	_ =	swait.ge [sflag:s9], $0x1000  }
0x3a2: {  	s0 =	sld [smem:$0x7D9]  }
0x3a3: {  	[sflag:s9] =	ssyncset.done $0x0  }
0x3a4: {  	[sflag:s9] =	ssyncadd.s32 $0xFFFFF000  }
0x3a5: {  	[tilespmem:s17], [sflag:$0x4] =	stream.indirect.gather [hbm4b:s1+s21], $0x20, s0, s21, $0xb8;
	[tilespmem:$0x9400] =	vst v63  }
0x3a6: {  	_ =	swait.ge [sflag:s25], $0x1000  }
0x3a7: {  	[sflag:s25] =	ssyncset.done $0x0  }
0x3a8: {  	s1 =	rddreg [dreg:$0x7];
	[sflag:s25] =	ssyncadd.s32 $0xFFFFF000  }
0x3a9: {  	[hbm4b:s1+s15] =	stream.strided.scatter [tilespmem:s14], [sflag:$0xD], $0x1000, s16, s15, $0x38;
	[tilespmem:$0x9400] =	vst v63  }
0x3aa: {  	_ =	swait.ge [sflag:s7], $0x1000  }
0x3ab: {  	s0 =	sld [smem:$0x7DA]  }
0x3ac: {  	s1 =	sld [smem:$0x7E4]  }
0x3ad: {  	[sflag:s7] =	ssyncset.done $0x0  }
0x3ae: {  	[sflag:s7] =	ssyncadd.s32 $0xFFFFF000  }
0x3af: {  	[tilespmem:s14], [sflag:$0x5] =	stream.indirect.gather [hbm4b:s1+s21], $0x20, s0, s21, $0xb8;
	[tilespmem:$0x9400] =	vst v63  }
0x3b0: {  	_ =	swait.ge [sflag:s24], $0x1000  }
0x3b1: {  	[sflag:s24] =	ssyncset.done $0x0  }
0x3b2: {  	s0 =	rddreg [dreg:$0x8];
	[sflag:s24] =	ssyncadd.s32 $0xFFFFF000  }
0x3b3: {  	[hbm4b:s0+s15] =	stream.strided.scatter [tilespmem:s11], [sflag:$0xE], $0x1000, s16, s15, $0x38;
	[tilespmem:$0x9400] =	vst v63  }
0x3b4: {  	_ =	swait.ge [sflag:s6], $0x1000  }
0x3b5: {  	s0 =	sld [smem:$0x7DB]  }
0x3b6: {  	[sflag:s6] =	ssyncset.done $0x0  }
0x3b7: {  	[sflag:s6] =	ssyncadd.s32 $0xFFFFF000  }
0x3b8: {  	[tilespmem:s11], [sflag:$0x6] =	stream.indirect.gather [hbm4b:s1+s21], $0x20, s0, s21, $0xb8;
	[tilespmem:$0x9400] =	vst v63  }
0x3b9: {  	_ =	swait.ge [sflag:s23], $0x1000  }
0x3ba: {  	[sflag:s23] =	ssyncset.done $0x0  }
0x3bb: {  	s0 =	rddreg [dreg:$0x9];
	[sflag:s23] =	ssyncadd.s32 $0xFFFFF000  }
0x3bc: {  	[hbm4b:s0+s15] =	stream.strided.scatter [tilespmem:s8], [sflag:$0xF], $0x1000, s16, s15, $0x38;
	[tilespmem:$0x9400] =	vst v63  }
0x3bd: {  	_ =	swait.ge [sflag:s4], $0x1000  }
0x3be: {  	s0 =	sld [smem:$0x7DC]  }
0x3bf: {  	[sflag:s4] =	ssyncset.done $0x0  }
0x3c0: {  	[sflag:s4] =	ssyncadd.s32 $0xFFFFF000  }
0x3c1: {  	[tilespmem:s8], [sflag:$0x7] =	stream.indirect.gather [hbm4b:s1+s21], $0x20, s0, s21, $0xb8;
	[tilespmem:$0x9400] =	vst v63  }
0x3c2: {  	_ =	swait.ge [sflag:s22], $0x1000  }
0x3c3: {  	[sflag:s22] =	ssyncset.done $0x0  }
0x3c4: {  	s0 =	rddreg [dreg:$0xa];
	[sflag:s22] =	ssyncadd.s32 $0xFFFFF000  }
0x3c5: {  	[hbm4b:s0+s15] =	stream.strided.scatter [tilespmem:s5], [sflag:$0x10], $0x1000, s16, s15, $0x38;
	[tilespmem:$0x9400] =	vst v63  }
0x3c6: {  	_ =	swait.ge [sflag:s3], $0x1000  }
0x3c7: {  	s0 =	sld [smem:$0x7DD]  }
0x3c8: {  	[sflag:s3] =	ssyncset.done $0x0  }
0x3c9: {  	[sflag:s3] =	ssyncadd.s32 $0xFFFFF000  }
0x3ca: {  	[tilespmem:s5], [sflag:$0x8] =	stream.indirect.gather [hbm4b:s1+s21], $0x20, s0, s21, $0xb8;
	[tilespmem:$0x9400] =	vst v63  }
0x3cb: {  	_ =	swait.ge [sflag:s30], $0x1000  }
0x3cc: {  	[sflag:s30] =	ssyncset.done $0x0  }
0x3cd: {  	s20 =	simm.s32 $0x1400;
	s1 =	rddreg [dreg:$0xb];
	[sflag:s30] =	ssyncadd.s32 $0xFFFFF000  }
0x3ce: {  	[hbm4b:s1+s15] =	stream.strided.scatter [tilespmem:s20], [sflag:$0x9], $0x1000, s16, s15, $0x38;
	[tilespmem:$0x9400] =	vst v63  }
0x3cf: {  	_ =	swait.ge [sflag:s13], $0x1000  }
0x3d0: {  	s0 =	sld [smem:$0x7DF]  }
0x3d1: {  	s1 =	sld [smem:$0x7E6]  }
0x3d2: {  	[sflag:s13] =	ssyncset.done $0x0  }
0x3d3: {  	[sflag:s13] =	ssyncadd.s32 $0xFFFFF000  }
0x3d4: {  	[tilespmem:s20], [sflag:$0x1] =	stream.indirect.gather [hbm4b:s1+s21], $0x20, s0, s21, $0xb8;
	[tilespmem:$0x9400] =	vst v63  }
0x3d5: {  	_ =	swait.ge [sflag:s31], $0x1000  }
0x3d6: {  	[sflag:s31] =	ssyncset.done $0x0  }
0x3d7: {  	s20 =	rddreg [dreg:$0xc];
	[sflag:s31] =	ssyncadd.s32 $0xFFFFF000  }
0x3d8: {  	[hbm4b:s20+s15] =	stream.strided.scatter [tilespmem:s19], [sflag:$0xA], $0x1000, s16, s15, $0x38;
	[tilespmem:$0x9400] =	vst v63  }
0x3d9: {  	_ =	swait.ge [sflag:s12], $0x1000  }
0x3da: {  	s20 =	sld [smem:$0x7E1]  }
0x3db: {  	[sflag:s12] =	ssyncset.done $0x0  }
0x3dc: {  	[sflag:s12] =	ssyncadd.s32 $0xFFFFF000  }
0x3dd: {  	[tilespmem:s19], [sflag:$0x2] =	stream.indirect.gather [hbm4b:s1+s21], $0x20, s20, s21, $0xb8;
	[tilespmem:$0x9400] =	vst v63  }
0x3de: {  	_ =	swait.ge [sflag:s29], $0x1000  }
0x3df: {  	[sflag:s29] =	ssyncset.done $0x0  }
0x3e0: {  	s20 =	rddreg [dreg:$0xd];
	[sflag:s29] =	ssyncadd.s32 $0xFFFFF000  }
0x3e1: {  	[hbm4b:s20+s15] =	stream.strided.scatter [tilespmem:s18], [sflag:$0xB], $0x1000, s16, s15, $0x38;
	[tilespmem:$0x9400] =	vst v63  }
0x3e2: {  	_ =	swait.ge [sflag:s10], $0x1000  }
0x3e3: {  	s20 =	sld [smem:$0x7E3]  }
0x3e4: {  	[sflag:s10] =	ssyncset.done $0x0  }
0x3e5: {  	[sflag:s10] =	ssyncadd.s32 $0xFFFFF000  }
0x3e6: {  	[tilespmem:s18], [sflag:$0x3] =	stream.indirect.gather [hbm4b:s1+s21], $0x20, s20, s21, $0xb8;
	[tilespmem:$0x9400] =	vst v63  }
0x3e7: {  	_ =	swait.ge [sflag:s26], $0x1000  }
0x3e8: {  	[sflag:s26] =	ssyncset.done $0x0  }
0x3e9: {  	s20 =	rddreg [dreg:$0xe];
	[sflag:s26] =	ssyncadd.s32 $0xFFFFF000  }
0x3ea: {  	[hbm4b:s20+s15] =	stream.strided.scatter [tilespmem:s17], [sflag:$0xC], $0x1000, s16, s15, $0x38;
	[tilespmem:$0x9400] =	vst v63  }
0x3eb: {  	_ =	swait.ge [sflag:s9], $0x1000  }
0x3ec: {  	s20 =	sld [smem:$0x7E5]  }
0x3ed: {  	[sflag:s9] =	ssyncset.done $0x0  }
0x3ee: {  	[sflag:s9] =	ssyncadd.s32 $0xFFFFF000  }
0x3ef: {  	[tilespmem:s17], [sflag:$0x4] =	stream.indirect.gather [hbm4b:s1+s21], $0x20, s20, s21, $0xb8;
	[tilespmem:$0x9400] =	vst v63  }
0x3f0: {  	_ =	swait.ge [sflag:s25], $0x1000  }
0x3f1: {  	[sflag:s25] =	ssyncset.done $0x0  }
0x3f2: {  	s20 =	rddreg [dreg:$0xf];
	[sflag:s25] =	ssyncadd.s32 $0xFFFFF000  }
0x3f3: {  	[hbm4b:s20+s15] =	stream.strided.scatter [tilespmem:s14], [sflag:$0xD], $0x1000, s16, s15, $0x38;
	[tilespmem:$0x9400] =	vst v63  }
0x3f4: {  	_ =	swait.ge [sflag:s7], $0x1000  }
0x3f5: {  	s1 =	sld [smem:$0x7E7]  }
0x3f6: {  	s20 =	sld [smem:$0x7E8]  }
0x3f7: {  	[sflag:s7] =	ssyncset.done $0x0  }
0x3f8: {  	[sflag:s7] =	ssyncadd.s32 $0xFFFFF000  }
0x3f9: {  	[tilespmem:s14], [sflag:$0x5] =	stream.indirect.gather [hbm4b:s20+s21], $0x20, s1, s21, $0xb8;
	[tilespmem:$0x9400] =	vst v63  }
0x3fa: {  	_ =	swait.ge [sflag:s24], $0x1000  }
0x3fb: {  	[sflag:s24] =	ssyncset.done $0x0  }
0x3fc: {  	s1 =	rddreg [dreg:$0x10];
	[sflag:s24] =	ssyncadd.s32 $0xFFFFF000  }
0x3fd: {  	[hbm4b:s1+s15] =	stream.strided.scatter [tilespmem:s11], [sflag:$0xE], $0x1000, s16, s15, $0x38;
	[tilespmem:$0x9400] =	vst v63  }
0x3fe: {  	_ =	swait.ge [sflag:s6], $0x1000  }
0x3ff: {  	s1 =	sld [smem:$0x7E9]  }
0x400: {  	[sflag:s6] =	ssyncset.done $0x0  }
0x401: {  	[sflag:s6] =	ssyncadd.s32 $0xFFFFF000  }
0x402: {  	[tilespmem:s11], [sflag:$0x6] =	stream.indirect.gather [hbm4b:s20+s21], $0x20, s1, s21, $0xb8;
	[tilespmem:$0x9400] =	vst v63  }
0x403: {  	_ =	swait.ge [sflag:s23], $0x1000  }
0x404: {  	[sflag:s23] =	ssyncset.done $0x0  }
0x405: {  	s1 =	rddreg [dreg:$0x11];
	[sflag:s23] =	ssyncadd.s32 $0xFFFFF000  }
0x406: {  	[hbm4b:s1+s15] =	stream.strided.scatter [tilespmem:s8], [sflag:$0xF], $0x1000, s16, s15, $0x38;
	[tilespmem:$0x9400] =	vst v63  }
0x407: {  	_ =	swait.ge [sflag:s4], $0x1000  }
0x408: {  	s1 =	sld [smem:$0x7EB]  }
0x409: {  	[sflag:s4] =	ssyncset.done $0x0  }
0x40a: {  	[sflag:s4] =	ssyncadd.s32 $0xFFFFF000  }
0x40b: {  	[tilespmem:s8], [sflag:$0x7] =	stream.indirect.gather [hbm4b:s20+s21], $0x20, s1, s21, $0xb8;
	[tilespmem:$0x9400] =	vst v63  }
0x40c: {  	_ =	swait.ge [sflag:s22], $0x1000  }
0x40d: {  	[sflag:s22] =	ssyncset.done $0x0  }
0x40e: {  	s1 =	rddreg [dreg:$0x12];
	[sflag:s22] =	ssyncadd.s32 $0xFFFFF000  }
0x40f: {  	[hbm4b:s1+s15] =	stream.strided.scatter [tilespmem:s5], [sflag:$0x10], $0x1000, s16, s15, $0x38;
	[tilespmem:$0x9400] =	vst v63  }
0x410: {  	_ =	swait.ge [sflag:s3], $0x1000  }
0x411: {  	s1 =	sld [smem:$0x7ED]  }
0x412: {  	[sflag:s3] =	ssyncset.done $0x0  }
0x413: {  	[sflag:s3] =	ssyncadd.s32 $0xFFFFF000  }
0x414: {  	[tilespmem:s5], [sflag:$0x8] =	stream.indirect.gather [hbm4b:s20+s21], $0x20, s1, s21, $0xb8;
	[tilespmem:$0x9400] =	vst v63  }
0x415: {  	_ =	swait.ge [sflag:s30], $0x1000  }
0x416: {  	[sflag:s30] =	ssyncset.done $0x0  }
0x417: {  	s1 =	simm.s32 $0x1400;
	s20 =	rddreg [dreg:$0x13];
	[sflag:s30] =	ssyncadd.s32 $0xFFFFF000  }
0x418: {  	[hbm4b:s20+s15] =	stream.strided.scatter [tilespmem:s1], [sflag:$0x9], $0x1000, s16, s15, $0x38;
	[tilespmem:$0x9400] =	vst v63  }
0x419: {  	_ =	swait.ge [sflag:s13], $0x1000  }
0x41a: {  	s0 =	sld [smem:$0x7EE]  }
0x41b: {  	s20 =	sld [smem:$0x7EA]  }
0x41c: {  	[sflag:s13] =	ssyncset.done $0x0  }
0x41d: {  	[sflag:s13] =	ssyncadd.s32 $0xFFFFF000  }
0x41e: {  	[tilespmem:s1], [sflag:$0x1] =	stream.indirect.gather [hbm4b:s20+s21], $0x20, s0, s21, $0xb8;
	[tilespmem:$0x9400] =	vst v63  }
0x41f: {  	_ =	swait.ge [sflag:s31], $0x1000  }
0x420: {  	[sflag:s31] =	ssyncset.done $0x0  }
0x421: {  	s1 =	rddreg [dreg:$0x14];
	[sflag:s31] =	ssyncadd.s32 $0xFFFFF000  }
0x422: {  	[hbm4b:s1+s15] =	stream.strided.scatter [tilespmem:s19], [sflag:$0xA], $0x1000, s16, s15, $0x38;
	[tilespmem:$0x9400] =	vst v63  }
0x423: {  	_ =	swait.ge [sflag:s12], $0x1000  }
0x424: {  	s1 =	sld [smem:$0x7EF]  }
0x425: {  	[sflag:s12] =	ssyncset.done $0x0  }
0x426: {  	[sflag:s12] =	ssyncadd.s32 $0xFFFFF000  }
0x427: {  	[tilespmem:s19], [sflag:$0x2] =	stream.indirect.gather [hbm4b:s20+s21], $0x20, s1, s21, $0xb8;
	[tilespmem:$0x9400] =	vst v63  }
0x428: {  	_ =	swait.ge [sflag:s29], $0x1000  }
0x429: {  	[sflag:s29] =	ssyncset.done $0x0  }
0x42a: {  	s1 =	rddreg [dreg:$0x15];
	[sflag:s29] =	ssyncadd.s32 $0xFFFFF000  }
0x42b: {  	[hbm4b:s1+s15] =	stream.strided.scatter [tilespmem:s18], [sflag:$0xB], $0x1000, s16, s15, $0x38;
	[tilespmem:$0x9400] =	vst v63  }
0x42c: {  	_ =	swait.ge [sflag:s10], $0x1000  }
0x42d: {  	s1 =	sld [smem:$0x7F0]  }
0x42e: {  	[sflag:s10] =	ssyncset.done $0x0  }
0x42f: {  	[sflag:s10] =	ssyncadd.s32 $0xFFFFF000  }
0x430: {  	[tilespmem:s18], [sflag:$0x3] =	stream.indirect.gather [hbm4b:s20+s21], $0x20, s1, s21, $0xb8;
	[tilespmem:$0x9400] =	vst v63  }
0x431: {  	_ =	swait.ge [sflag:s26], $0x1000  }
0x432: {  	[sflag:s26] =	ssyncset.done $0x0  }
0x433: {  	s1 =	rddreg [dreg:$0x16];
	[sflag:s26] =	ssyncadd.s32 $0xFFFFF000  }
0x434: {  	[hbm4b:s1+s15] =	stream.strided.scatter [tilespmem:s17], [sflag:$0xC], $0x1000, s16, s15, $0x38;
	[tilespmem:$0x9400] =	vst v63  }
0x435: {  	_ =	swait.ge [sflag:s9], $0x1000  }
0x436: {  	s1 =	sld [smem:$0x7F1]  }
0x437: {  	[sflag:s9] =	ssyncset.done $0x0  }
0x438: {  	[sflag:s9] =	ssyncadd.s32 $0xFFFFF000  }
0x439: {  	[tilespmem:s17], [sflag:$0x4] =	stream.indirect.gather [hbm4b:s20+s21], $0x20, s1, s21, $0xb8;
	[tilespmem:$0x9400] =	vst v63  }
0x43a: {  	_ =	swait.ge [sflag:s25], $0x1000  }
0x43b: {  	[sflag:s25] =	ssyncset.done $0x0  }
0x43c: {  	s20 =	rddreg [dreg:$0x17];
	[sflag:s25] =	ssyncadd.s32 $0xFFFFF000  }
0x43d: {  	[hbm4b:s20+s15] =	stream.strided.scatter [tilespmem:s14], [sflag:$0xD], $0x1000, s16, s15, $0x38;
	[tilespmem:$0x9400] =	vst v63  }
0x43e: {  	_ =	swait.ge [sflag:s7], $0x1000  }
0x43f: {  	s1 =	sld [smem:$0x7F2]  }
0x440: {  	s20 =	sld [smem:$0x7EC]  }
0x441: {  	[sflag:s7] =	ssyncset.done $0x0  }
0x442: {  	[sflag:s7] =	ssyncadd.s32 $0xFFFFF000  }
0x443: {  	[tilespmem:s14], [sflag:$0x5] =	stream.indirect.gather [hbm4b:s20+s21], $0x20, s1, s21, $0xb8;
	[tilespmem:$0x9400] =	vst v63  }
0x444: {  	_ =	swait.ge [sflag:s24], $0x1000  }
0x445: {  	[sflag:s24] =	ssyncset.done $0x0  }
0x446: {  	s1 =	rddreg [dreg:$0x18];
	[sflag:s24] =	ssyncadd.s32 $0xFFFFF000  }
0x447: {  	[hbm4b:s1+s15] =	stream.strided.scatter [tilespmem:s11], [sflag:$0xE], $0x1000, s16, s15, $0x38;
	[tilespmem:$0x9400] =	vst v63  }
0x448: {  	_ =	swait.ge [sflag:s6], $0x1000  }
0x449: {  	s1 =	sld [smem:$0x7F3]  }
0x44a: {  	[sflag:s6] =	ssyncset.done $0x0  }
0x44b: {  	[sflag:s6] =	ssyncadd.s32 $0xFFFFF000  }
0x44c: {  	[tilespmem:s11], [sflag:$0x6] =	stream.indirect.gather [hbm4b:s20+s21], $0x20, s1, s21, $0xb8;
	[tilespmem:$0x9400] =	vst v63  }
0x44d: {  	_ =	swait.ge [sflag:s23], $0x1000  }
0x44e: {  	[sflag:s23] =	ssyncset.done $0x0  }
0x44f: {  	s1 =	rddreg [dreg:$0x19];
	[sflag:s23] =	ssyncadd.s32 $0xFFFFF000  }
0x450: {  	[hbm4b:s1+s15] =	stream.strided.scatter [tilespmem:s8], [sflag:$0xF], $0x1000, s16, s15, $0x38;
	[tilespmem:$0x9400] =	vst v63  }
0x451: {  	_ =	swait.ge [sflag:s4], $0x1000  }
0x452: {  	s1 =	sld [smem:$0x7F4]  }
0x453: {  	[sflag:s4] =	ssyncset.done $0x0  }
0x454: {  	[sflag:s4] =	ssyncadd.s32 $0xFFFFF000  }
0x455: {  	[tilespmem:s8], [sflag:$0x7] =	stream.indirect.gather [hbm4b:s20+s21], $0x20, s1, s21, $0xb8;
	[tilespmem:$0x9400] =	vst v63  }
0x456: {  	_ =	swait.ge [sflag:s22], $0x1000  }
0x457: {  	[sflag:s22] =	ssyncset.done $0x0  }
0x458: {  	s1 =	rddreg [dreg:$0x1a];
	[sflag:s22] =	ssyncadd.s32 $0xFFFFF000  }
0x459: {  	[hbm4b:s1+s15] =	stream.strided.scatter [tilespmem:s5], [sflag:$0x10], $0x1000, s16, s15, $0x38;
	[tilespmem:$0x9400] =	vst v63  }
0x45a: {  	_ =	swait.ge [sflag:s3], $0x1000  }
0x45b: {  	s1 =	sld [smem:$0x7F5]  }
0x45c: {  	[sflag:s3] =	ssyncset.done $0x0  }
0x45d: {  	[sflag:s3] =	ssyncadd.s32 $0xFFFFF000  }
0x45e: {  	[tilespmem:s5], [sflag:$0x8] =	stream.indirect.gather [hbm4b:s20+s21], $0x20, s1, s21, $0xb8;
	[tilespmem:$0x9400] =	vst v63  }
0x45f: {  	_ =	swait.ge [sflag:s30], $0x1000  }
0x460: {  	[sflag:s30] =	ssyncset.done $0x0  }
0x461: {  	s1 =	simm.s32 $0x1400;
	s20 =	rddreg [dreg:$0x1b];
	[sflag:s30] =	ssyncadd.s32 $0xFFFFF000  }
0x462: {  	[hbm4b:s20+s15] =	stream.strided.scatter [tilespmem:s1], [sflag:$0x9], $0x1000, s16, s15, $0x38;
	[tilespmem:$0x9400] =	vst v63  }
0x463: {  	_ =	swait.ge [sflag:s13], $0x1000  }
0x464: {  	s20 =	sld [smem:$0x7F6]  }
0x465: {  	[sflag:s13] =	ssyncset.done $0x0  }
0x466: {  	[sflag:s13] =	ssyncadd.s32 $0xFFFFF000  }
0x467: {  	[tilespmem:s1], [sflag:$0x1] =	stream.indirect.gather [hbm4b:s28+s21], $0x20, s20, s21, $0xb8;
	[tilespmem:$0x9400] =	vst v63  }
0x468: {  	_ =	swait.ge [sflag:s31], $0x1000  }
0x469: {  	[sflag:s31] =	ssyncset.done $0x0  }
0x46a: {  	s20 =	rddreg [dreg:$0x1c];
	[sflag:s31] =	ssyncadd.s32 $0xFFFFF000  }
0x46b: {  	[hbm4b:s20+s15] =	stream.strided.scatter [tilespmem:s19], [sflag:$0xA], $0x1000, s16, s15, $0x38;
	[tilespmem:$0x9400] =	vst v63  }
0x46c: {  	_ =	swait.ge [sflag:s12], $0x1000  }
0x46d: {  	s20 =	sld [smem:$0x7F7]  }
0x46e: {  	[sflag:s12] =	ssyncset.done $0x0  }
0x46f: {  	[sflag:s12] =	ssyncadd.s32 $0xFFFFF000  }
0x470: {  	[tilespmem:s19], [sflag:$0x2] =	stream.indirect.gather [hbm4b:s28+s21], $0x20, s20, s21, $0xb8;
	[tilespmem:$0x9400] =	vst v63  }
0x471: {  	_ =	swait.ge [sflag:s29], $0x1000  }
0x472: {  	[sflag:s29] =	ssyncset.done $0x0  }
0x473: {  	s20 =	rddreg [dreg:$0x1d];
	[sflag:s29] =	ssyncadd.s32 $0xFFFFF000  }
0x474: {  	[hbm4b:s20+s15] =	stream.strided.scatter [tilespmem:s18], [sflag:$0xB], $0x1000, s16, s15, $0x38;
	[tilespmem:$0x9400] =	vst v63  }
0x475: {  	_ =	swait.ge [sflag:s10], $0x1000  }
0x476: {  	s20 =	sld [smem:$0x7F8]  }
0x477: {  	[sflag:s10] =	ssyncset.done $0x0  }
0x478: {  	[sflag:s10] =	ssyncadd.s32 $0xFFFFF000  }
0x479: {  	[tilespmem:s18], [sflag:$0x3] =	stream.indirect.gather [hbm4b:s28+s21], $0x20, s20, s21, $0xb8;
	[tilespmem:$0x9400] =	vst v63  }
0x47a: {  	_ =	swait.ge [sflag:s26], $0x1000  }
0x47b: {  	[sflag:s26] =	ssyncset.done $0x0  }
0x47c: {  	s20 =	rddreg [dreg:$0x1e];
	[sflag:s26] =	ssyncadd.s32 $0xFFFFF000  }
0x47d: {  	[hbm4b:s20+s15] =	stream.strided.scatter [tilespmem:s17], [sflag:$0xC], $0x1000, s16, s15, $0x38;
	[tilespmem:$0x9400] =	vst v63  }
0x47e: {  	_ =	swait.ge [sflag:s9], $0x1000  }
0x47f: {  	s20 =	sld [smem:$0x7F9]  }
0x480: {  	[sflag:s9] =	ssyncset.done $0x0  }
0x481: {  	[sflag:s9] =	ssyncadd.s32 $0xFFFFF000  }
0x482: {  	[tilespmem:s17], [sflag:$0x4] =	stream.indirect.gather [hbm4b:s28+s21], $0x20, s20, s21, $0xb8;
	[tilespmem:$0x9400] =	vst v63  }
0x483: {  	_ =	swait.ge [sflag:s25], $0x1000  }
0x484: {  	[sflag:s25] =	ssyncset.done $0x0  }
0x485: {  	s28 =	rddreg [dreg:$0x1f];
	[sflag:s25] =	ssyncadd.s32 $0xFFFFF000  }
0x486: {  	[hbm4b:s28+s15] =	stream.strided.scatter [tilespmem:s14], [sflag:$0xD], $0x1000, s16, s15, $0x38;
	[tilespmem:$0x9400] =	vst v63  }
0x487: {  	_ =	swait.ge [sflag:s7], $0x1000  }
0x488: {  	s20 =	sld [smem:$0x7FA]  }
0x489: {  	[sflag:s7] =	ssyncset.done $0x0  }
0x48a: {  	[sflag:s7] =	ssyncadd.s32 $0xFFFFF000  }
0x48b: {  	[tilespmem:s14], [sflag:$0x5] =	stream.indirect.gather [hbm4b:s2+s21], $0x20, s20, s21, $0xb8;
	[tilespmem:$0x9400] =	vst v63  }
0x48c: {  	_ =	swait.ge [sflag:s24], $0x1000  }
0x48d: {  	s28 =	sld [smem:$0x7C4]  }
0x48e: {  	[sflag:s24] =	ssyncset.done $0x0  }
0x48f: {  	[sflag:s24] =	ssyncadd.s32 $0xFFFFF000  }
0x490: {  	[hbm4b:s28+s15] =	stream.strided.scatter [tilespmem:s11], [sflag:$0xE], $0x1000, s16, s15, $0x38;
	[tilespmem:$0x9400] =	vst v63  }
0x491: {  	_ =	swait.ge [sflag:s6], $0x1000  }
0x492: {  	s20 =	sld [smem:$0x7FB]  }
0x493: {  	[sflag:s6] =	ssyncset.done $0x0  }
0x494: {  	[sflag:s6] =	ssyncadd.s32 $0xFFFFF000  }
0x495: {  	[tilespmem:s11], [sflag:$0x6] =	stream.indirect.gather [hbm4b:s2+s21], $0x20, s20, s21, $0xb8;
	[tilespmem:$0x9400] =	vst v63  }
0x496: {  	_ =	swait.ge [sflag:s23], $0x1000  }
0x497: {  	s28 =	sld [smem:$0x7C5]  }
0x498: {  	[sflag:s23] =	ssyncset.done $0x0  }
0x499: {  	[sflag:s23] =	ssyncadd.s32 $0xFFFFF000  }
0x49a: {  	[hbm4b:s28+s15] =	stream.strided.scatter [tilespmem:s8], [sflag:$0xF], $0x1000, s16, s15, $0x38;
	[tilespmem:$0x9400] =	vst v63  }
0x49b: {  	_ =	swait.ge [sflag:s4], $0x1000  }
0x49c: {  	s20 =	sld [smem:$0x7FC]  }
0x49d: {  	[sflag:s4] =	ssyncset.done $0x0  }
0x49e: {  	[sflag:s4] =	ssyncadd.s32 $0xFFFFF000  }
0x49f: {  	[tilespmem:s8], [sflag:$0x7] =	stream.indirect.gather [hbm4b:s2+s21], $0x20, s20, s21, $0xb8;
	[tilespmem:$0x9400] =	vst v63  }
0x4a0: {  	_ =	swait.ge [sflag:s22], $0x1000  }
0x4a1: {  	s28 =	sld [smem:$0x7C6]  }
0x4a2: {  	[sflag:s22] =	ssyncset.done $0x0  }
0x4a3: {  	[sflag:s22] =	ssyncadd.s32 $0xFFFFF000  }
0x4a4: {  	[hbm4b:s28+s15] =	stream.strided.scatter [tilespmem:s5], [sflag:$0x10], $0x1000, s16, s15, $0x38;
	[tilespmem:$0x9400] =	vst v63  }
0x4a5: {  	_ =	swait.ge [sflag:s3], $0x1000  }
0x4a6: {  	s20 =	sld [smem:$0x7FD]  }
0x4a7: {  	[sflag:s3] =	ssyncset.done $0x0  }
0x4a8: {  	[sflag:s3] =	ssyncadd.s32 $0xFFFFF000  }
0x4a9: {  	[tilespmem:s5], [sflag:$0x8] =	stream.indirect.gather [hbm4b:s2+s21], $0x20, s20, s21, $0xb8;
	[tilespmem:$0x9400] =	vst v63  }
0x4aa: {  	_ =	swait.ge [sflag:s30], $0x1000  }
0x4ab: {  	s28 =	sld [smem:$0x7C7]  }
0x4ac: {  	[sflag:s30] =	ssyncset.done $0x0  }
0x4ad: {  	s1 =	simm.s32 $0x1400;
	[sflag:s30] =	ssyncadd.s32 $0xFFFFF000  }
0x4ae: {  	[hbm4b:s28+s15] =	stream.strided.scatter [tilespmem:s1], [sflag:$0x9], $0x1000, s16, s15, $0x38;
	[tilespmem:$0x9400] =	vst v63  }
0x4af: {  	_ =	swait.ge [sflag:s31], $0x1000  }
0x4b0: {  	s2 =	sld [smem:$0x7C8]  }
0x4b1: {  	[sflag:s31] =	ssyncset.done $0x0  }
0x4b2: {  	[sflag:s31] =	ssyncadd.s32 $0xFFFFF000  }
0x4b3: {  	[hbm4b:s2+s15] =	stream.strided.scatter [tilespmem:s19], [sflag:$0xA], $0x1000, s16, s15, $0x38;
	[tilespmem:$0x9400] =	vst v63  }
0x4b4: {  	_ =	swait.ge [sflag:s29], $0x1000  }
0x4b5: {  	s20 =	sld [smem:$0x7C9]  }
0x4b6: {  	[sflag:s29] =	ssyncset.done $0x0  }
0x4b7: {  	[sflag:s29] =	ssyncadd.s32 $0xFFFFF000  }
0x4b8: {  	[hbm4b:s20+s15] =	stream.strided.scatter [tilespmem:s18], [sflag:$0xB], $0x1000, s16, s15, $0x38;
	[tilespmem:$0x9400] =	vst v63  }
0x4b9: {  	_ =	swait.ge [sflag:s26], $0x1000  }
0x4ba: {  	s21 =	sld [smem:$0x7CA]  }
0x4bb: {  	[sflag:s26] =	ssyncset.done $0x0  }
0x4bc: {  	[sflag:s26] =	ssyncadd.s32 $0xFFFFF000  }
0x4bd: {  	[hbm4b:s21+s15] =	stream.strided.scatter [tilespmem:s17], [sflag:$0xC], $0x1000, s16, s15, $0x38;
	[tilespmem:$0x9400] =	vst v63  }
0x4be: {  	_ =	swait.ge [sflag:s25], $0x1000  }
0x4bf: {  	s26 =	sld [smem:$0x7CB]  }
0x4c0: {  	[sflag:s25] =	ssyncset.done $0x0  }
0x4c1: {  	[sflag:s25] =	ssyncadd.s32 $0xFFFFF000  }
0x4c2: {  	[hbm4b:s26+s15] =	stream.strided.scatter [tilespmem:s14], [sflag:$0xD], $0x1000, s16, s15, $0x38;
	[tilespmem:$0x9400] =	vst v63  }
0x4c3: {  	_ =	swait.ge [sflag:s24], $0x1000  }
0x4c4: {  	s28 =	sld [smem:$0x7CC]  }
0x4c5: {  	[sflag:s24] =	ssyncset.done $0x0  }
0x4c6: {  	[sflag:s24] =	ssyncadd.s32 $0xFFFFF000  }
0x4c7: {  	[hbm4b:s28+s15] =	stream.strided.scatter [tilespmem:s11], [sflag:$0xE], $0x1000, s16, s15, $0x38;
	[tilespmem:$0x9400] =	vst v63  }
0x4c8: {  	_ =	swait.ge [sflag:s23], $0x1000  }
0x4c9: {  	s29 =	sld [smem:$0x7CD]  }
0x4ca: {  	[sflag:s23] =	ssyncset.done $0x0  }
0x4cb: {  	[sflag:s23] =	ssyncadd.s32 $0xFFFFF000  }
0x4cc: {  	[hbm4b:s29+s15] =	stream.strided.scatter [tilespmem:s8], [sflag:$0xF], $0x1000, s16, s15, $0x38;
	[tilespmem:$0x9400] =	vst v63  }
0x4cd: {  	_ =	swait.ge [sflag:s22], $0x1000  }
0x4ce: {  	s30 =	sld [smem:$0x7CF]  }
0x4cf: {  	[sflag:s22] =	ssyncset.done $0x0  }
0x4d0: {  	[sflag:s22] =	ssyncadd.s32 $0xFFFFF000  }
0x4d1: {  	[hbm4b:s30+s15] =	stream.strided.scatter [tilespmem:s5], [sflag:$0x10], $0x1000, s16, s15, $0x38;
	[tilespmem:$0x9400] =	vst v63  }
0x4d2: {  	_ =	swait.ge [sflag:s13], $0x1000  }
0x4d3: {  	[sflag:s13] =	ssyncset.done $0x0  }
0x4d4: {  	[sflag:s13] =	ssyncadd.s32 $0xFFFFF000  }
0x4d5: {  	_ =	swait.ge [sflag:s12], $0x1000  }
0x4d6: {  	[sflag:s12] =	ssyncset.done $0x0  }
0x4d7: {  	[sflag:s12] =	ssyncadd.s32 $0xFFFFF000  }
0x4d8: {  	_ =	swait.ge [sflag:s10], $0x1000  }
0x4d9: {  	[sflag:s10] =	ssyncset.done $0x0  }
0x4da: {  	[sflag:s10] =	ssyncadd.s32 $0xFFFFF000  }
0x4db: {  	_ =	swait.ge [sflag:s9], $0x1000  }
0x4dc: {  	[sflag:s9] =	ssyncset.done $0x0  }
0x4dd: {  	[sflag:s9] =	ssyncadd.s32 $0xFFFFF000  }
0x4de: {  	_ =	swait.ge [sflag:s7], $0x1000  }
0x4df: {  	[sflag:s7] =	ssyncset.done $0x0  }
0x4e0: {  	[sflag:s7] =	ssyncadd.s32 $0xFFFFF000  }
0x4e1: {  	_ =	swait.ge [sflag:s6], $0x1000  }
0x4e2: {  	[sflag:s6] =	ssyncset.done $0x0  }
0x4e3: {  	[sflag:s6] =	ssyncadd.s32 $0xFFFFF000  }
0x4e4: {  	_ =	swait.ge [sflag:s4], $0x1000  }
0x4e5: {  	[sflag:s4] =	ssyncset.done $0x0  }
0x4e6: {  	[sflag:s4] =	ssyncadd.s32 $0xFFFFF000  }
0x4e7: {  	_ =	swait.ge [sflag:s3], $0x1000  }
0x4e8: {  	[sflag:s3] =	ssyncset.done $0x0  }
0x4e9: {  	[sflag:s3] =	ssyncadd.s32 $0xFFFFF000  }
0x4ea: {  	_ =	sfence.sel $0x180000  }
0x4eb: {  	[bflag:$0x0] =	sbarrier.arrive $0xFFFF  }
0x4ec: {  	_ =	strace $0x90000047  }
0x4ed: {  	s31 =	stileid.u32;
	[bflag:$0x2] =	sbarrier.arrive $0xFFFF  }
0x4ee: {  	p0 =	sne.s32 s31, $0x0;
	s0 =	rddreg [dreg:$0x2]  }
0x4ef: {  	s0 =	sadd.s32 @!p0 $0x100000, s0  }
0x4f0: {  	[sflag:s0] =	ssyncadd.tile.s32 @!p0 $0x1;
	_ =	shalt  }
.LBB2_1:
.Ltmp3:
0x4f1: {  	(pc) =	sbr.rel .LBB2_6-.Ltmp3, $2  }
0x4f2: {  	_ =	sdelay $0x2  }
0x4f3: {  	s20 =	sld [smem:$0x7DE]  }
.LBB2_3:
.Ltmp4:
0x4f4: {  	(pc) =	sbr.rel .LBB2_6-.Ltmp4, $2  }
0x4f5: {  	_ =	sdelay $0x2  }
0x4f6: {  	s20 =	sld [smem:$0x7DE]  }
.Lfunc_end2:
_tile_overlayer_lowered:
.L_overlay_start_2:
0x4f7: {  	(tag) =	ssettag $0x2  }
0x4f8: {  	s0 =	rddreg [dreg:$0x0];
	s2 =	stileid.u32  }
0x4f9: {  	s1 =	rddreg [dreg:$0x1];
	p0 =	sne.s32 s2, $0x0  }
0x4fa: {  	s3 =	rddreg [dreg:$0x2];
	[bflag:$0x3] =	sbarrier.arrive $0xFFFF;
	s2 =	simm.s32 @!p0 $0x1C11  }
0x4fb: {  	[timem:s3], [sflag:s2] =	dma.local @!p0 [hbm:s0], s1  }
0x4fc: {  	s0 =	simm.s32 @!p0 $0x11  }
0x4fd: {  	_ =	swait.ge @!p0 [sflag:s0], s1  }
0x4fe: {  	s1 =	ssub.s32 @!p0 $0x0, s1;
	[sflag:s0] =	ssyncset.done @!p0 $0x0  }
0x4ff: {  	[sflag:s0] =	ssyncadd.s32 @!p0 s1  }
0x500: {  	[bflag:$0x3] =	sbarrier.arrive $0xFFFF  }
0x501: {  	_ =	shalt  }

</sc_bundles>
